<compile_context>
chip_gen: v7x
topology: tpu7x:2x2x1
jax: 0.10.2.dev20260603
libtpu: 0.0.44.dev20260713+nightly
codegen_flags: <defaults>
</compile_context>

<pallas_src>
import jax
import jax.numpy as jnp
from jax import lax
from jax.experimental import pallas as pl
from jax.experimental.pallas import tpu as pltpu
from jax.experimental.pallas import tpu_sc as plsc

_B = 16
_NPTS = 131072
_RES = 50
_NVOX = _RES * _RES * _RES
_NVOX_PAD = 125024
_HALF_VOX = _NVOX_PAD // 2
_OUT_W = _NVOX * 4

_CHUNK_PTS = 128
_PT_W = _CHUNK_PTS * 6
_NCH = (_NPTS // 2) // _CHUNK_PTS
_GRP = _CHUNK_PTS // 16

_SUP_VOX = 512
_NSUP = 62464 // _SUP_VOX
_NSUP_MAIN = 120
_EXP_VOX = 256
_EXP_W = _EXP_VOX * 4
_EGRP = _EXP_VOX // 16


def _body(pts_hbm, val_hbm, out_hbm,
          ptsb0, ptsb1, valb0, valb1, occ_v, exp0, exp1,
          imp0, imp1, imp2, imp3, xch,
          isem0, isem1, msem0, msem1, msem2, msem3, osem0, osem1):
    c = lax.axis_index("c")
    s = lax.axis_index("s")
    k = s // 2
    h = s % 2
    b = c * 8 + k

    ptsb = (ptsb0, ptsb1)
    valb = (valb0, valb1)
    expb = (exp0, exp1)
    impb = (imp0, imp1, imp2, imp3)
    isem = (isem0, isem1)
    msem = (msem0, msem1, msem2, msem3)
    osem = (osem0, osem1)

    iota = lax.iota(jnp.int32, 16)
    iota4 = iota * 4
    iota6 = iota * 6
    ones = jnp.full((16,), 1.0, jnp.float32)
    zeros = jnp.zeros((16,), jnp.float32)

    gid = c * 16 + s
    pgid = gid + 1 - 2 * h
    exp_slot = gid * _HALF_VOX
    imp_slot = pgid * _HALF_VOX

    pts_base = b * (_NPTS * 6) + h * (_NCH * _PT_W)
    val_base = b * _NPTS + h * (_NCH * _CHUNK_PTS)

    def start_in(ci, buf):
        pltpu.async_copy(
            pts_hbm.at[pl.ds(pts_base + ci * _PT_W, _PT_W)],
            ptsb[buf], isem[buf])
        pltpu.async_copy(
            val_hbm.at[pl.ds(val_base + ci * _CHUNK_PTS, _CHUNK_PTS)],
            valb[buf], isem[buf])

    def wait_in(buf):
        pltpu.make_async_copy(
            pts_hbm.at[pl.ds(0, _PT_W)], ptsb[buf], isem[buf]).wait()
        pltpu.make_async_copy(
            val_hbm.at[pl.ds(0, _CHUNK_PTS)], valb[buf], isem[buf]).wait()

    start_in(0, 0)
    start_in(1, 1)

    @pl.loop(0, _NVOX_PAD // 16, unroll=8)
    def _zero(i):
        occ_v[pl.ds(i * 16, 16)] = zeros

    def process_chunk(buf):
        pv = ptsb[buf]
        vv = valb[buf]
        for g in range(_GRP):
            gx = iota6 + (g * 96)
            x = plsc.load_gather(pv, [gx])
            y = plsc.load_gather(pv, [gx + 1])
            z = plsc.load_gather(pv, [gx + 2])
            vf = vv[pl.ds(g * 16, 16)]
            msk = vf > 0.0

            def vox(p):
                t = (p + 2.0) * 12.25
                t = jnp.minimum(jnp.maximum(t, 0.0), 49.0)
                return t.astype(jnp.int32)

            v = (vox(x) * 50 + vox(y)) * 50 + vox(z)
            plsc.store_scatter(occ_v, [v], ones, mask=msk)

    @pl.loop(0, _NCH, step=2)
    def _chunks(e):
        for bu in (0, 1):
            ci = e + bu
            wait_in(bu)
            process_chunk(bu)
            nxt = ci + 2

            @pl.when(nxt < _NCH)
            def _():
                start_in(nxt, bu)

    pltpu.sync_copy(occ_v.at[pl.ds((1 - h) * _HALF_VOX, _HALF_VOX)],
                    xch.at[pl.ds(exp_slot, _HALF_VOX)])
    plsc.subcore_barrier()

    vstart = h * _HALF_VOX
    out_base = b * _OUT_W + vstart * 4

    def start_imp(e, buf):
        pltpu.async_copy(xch.at[pl.ds(imp_slot + e * _SUP_VOX, _SUP_VOX)],
                         impb[buf], msem[buf])

    def wait_imp(buf):
        pltpu.make_async_copy(xch.at[pl.ds(0, _SUP_VOX)],
                              impb[buf], msem[buf]).wait()

    def start_out(eu, buf):
        pltpu.async_copy(expb[buf],
                         out_hbm.at[pl.ds(out_base + eu * _EXP_W, _EXP_W)],
                         osem[buf])

    def wait_out(buf):
        pltpu.make_async_copy(expb[buf],
                              out_hbm.at[pl.ds(0, _EXP_W)], osem[buf]).wait()

    @pl.loop(0, _EXP_W // 16, unroll=8)
    def _zexp(i):
        exp0[pl.ds(i * 16, 16)] = zeros
        exp1[pl.ds(i * 16, 16)] = zeros

    for i in range(4):
        start_imp(i, i)

    def do_sup(ei, bu, guard_out):
        wait_imp(bu)
        im = impb[bu]
        for sub in (0, 1):
            eu = ei * 2 + sub

            if guard_out:
                @pl.when(eu >= 2)
                def _():
                    wait_out(sub)
            else:
                wait_out(sub)

            ex = expb[sub]
            for g in range(_EGRP):
                off = sub * _EXP_VOX + g * 16
                own = occ_v[pl.ds(vstart + ei * _SUP_VOX + off, 16)]
                other = im[pl.ds(off, 16)]
                plsc.store_scatter(ex, [iota4 + g * 64],
                                   jnp.maximum(own, other))
            start_out(eu, sub)

    @pl.loop(0, _NSUP_MAIN, step=4)
    def _sup(e):
        for bu in range(4):
            ei = e + bu
            do_sup(ei, bu, guard_out=True)
            nxt = ei + 4

            @pl.when(nxt < _NSUP)
            def _():
                start_imp(nxt, bu)

    do_sup(_NSUP_MAIN, 0, guard_out=False)
    do_sup(_NSUP_MAIN + 1, 1, guard_out=False)
    wait_out(0)
    wait_out(1)

    tail_vbase = _NSUP * _SUP_VOX
    tgrps = jnp.where(h == 0, 3, 2)
    pltpu.sync_copy(xch.at[pl.ds(imp_slot + tail_vbase, 48)],
                    imp0.at[pl.ds(0, 48)])

    @pl.loop(0, tgrps)
    def _tgrp(g):
        own = occ_v[pl.ds(vstart + tail_vbase + g * 16, 16)]
        other = imp0[pl.ds(g * 16, 16)]
        plsc.store_scatter(exp0, [iota4 + g * 64], jnp.maximum(own, other))

    tout = out_base + tail_vbase * 4

    @pl.when(h == 0)
    def _():
        pltpu.sync_copy(exp0.at[pl.ds(0, 192)],
                        out_hbm.at[pl.ds(tout, 192)])

    @pl.when(h == 1)
    def _():
        pltpu.sync_copy(exp0.at[pl.ds(0, 96)],
                        out_hbm.at[pl.ds(tout, 96)])


@jax.jit
def _voxelize(pts_flat, val_flat):
    mesh = plsc.VectorSubcoreMesh(core_axis_name="c", subcore_axis_name="s")
    return pl.kernel(
        _body,
        out_type=jax.ShapeDtypeStruct((_B * _OUT_W,), jnp.float32),
        mesh=mesh,
        compiler_params=pltpu.CompilerParams(needs_layout_passes=False),
        scratch_types=[
            pltpu.VMEM((_PT_W,), jnp.float32),
            pltpu.VMEM((_PT_W,), jnp.float32),
            pltpu.VMEM((_CHUNK_PTS,), jnp.float32),
            pltpu.VMEM((_CHUNK_PTS,), jnp.float32),
            pltpu.VMEM((_NVOX_PAD,), jnp.float32),
            pltpu.VMEM((_EXP_W,), jnp.float32),
            pltpu.VMEM((_EXP_W,), jnp.float32),
            pltpu.VMEM((_SUP_VOX,), jnp.float32),
            pltpu.VMEM((_SUP_VOX,), jnp.float32),
            pltpu.VMEM((_SUP_VOX,), jnp.float32),
            pltpu.VMEM((_SUP_VOX,), jnp.float32),
            pltpu.HBM((32 * _HALF_VOX,), jnp.float32),
            pltpu.SemaphoreType.DMA,
            pltpu.SemaphoreType.DMA,
            pltpu.SemaphoreType.DMA,
            pltpu.SemaphoreType.DMA,
            pltpu.SemaphoreType.DMA,
            pltpu.SemaphoreType.DMA,
            pltpu.SemaphoreType.DMA,
            pltpu.SemaphoreType.DMA,
        ],
    )(pts_flat, val_flat)


def kernel(pointclouds, valid_points):
    pts_flat = pointclouds.reshape(-1)
    val_flat = valid_points.astype(jnp.float32).reshape(-1)
    out = _voxelize(pts_flat, val_flat)
    return out.reshape(_B, _RES, _RES, _RES, 4)

# --- scband reference (transcript-rebuilt; emitter-appended) ---
"""Pipeline reference for scband-cnnencoder-23983097381271 (READ-ONLY COPY).

The authoritative reference and input builder live on the scoring server;
editing this copy changes nothing except your own understanding.
"""

import jax, jax.numpy as jnp
import numpy as np

RADIUS = 2.0
RESOLUTION = 50
_MAX = RADIUS * np.ones(3)
_MIN = -_MAX


def setup_inputs(seed: int = 0) -> dict:
    key = jax.random.key(seed)
    k1, k2 = jax.random.split(key)
    pointclouds = jax.random.normal(k1, (16, 131072, 6), dtype=jnp.float32)
    valid_points = jax.random.randint(k2, (16, 131072), 0, 2).astype(bool)
    return {"pointclouds": pointclouds, "valid_points": valid_points}


def reference(pointclouds, valid_points):
    batch_size, num_points, _ = pointclouds.shape
    # grid index computation (floor/clamp -> integer voxel coords)
    grid_indices = jnp.floor((pointclouds[:, :, :3] - _MIN) / (_MAX - _MIN) * (RESOLUTION - 1))
    grid_indices = jnp.clip(grid_indices.astype(jnp.int32), 0, RESOLUTION - 1)
    batch_indices = jnp.broadcast_to(jnp.arange(batch_size)[:, None], (batch_size, num_points))
    voxel_grid = jnp.zeros((batch_size, RESOLUTION, RESOLUTION, RESOLUTION, 4), dtype=jnp.float32)
    # torch: voxel_grid[b, i, j, k, 0] = 1 for valid points only.
    # Equivalent trace-friendly form: scatter-max of the validity flag (invalid points write 0 = no-op on a zero-initialized grid).
    vals = valid_points.astype(jnp.float32)
    voxel_grid = voxel_grid.at[batch_indices, grid_indices[..., 0], grid_indices[..., 1], grid_indices[..., 2], 0].max(vals)
    return voxel_grid

if __name__ == "__main__":
    import jax
    _d = setup_inputs()
    print(jax.jit(kernel)(*tuple(_d.values())))

</pallas_src>

<mosaic_0001>
#map = affine_map<(d0, d1) -> (0)>
module attributes {stable_mosaic.version = 14 : i64} {
  func.func @_body(%arg0: i32, %arg1: i32, %arg2: memref<12582912xf32, #tpu.memory_space<hbm>>, %arg3: memref<2097152xf32, #tpu.memory_space<hbm>>, %arg4: memref<8000000xf32, #tpu.memory_space<hbm>>, %arg5: memref<768xf32, #tpu.memory_space<vmem>>, %arg6: memref<768xf32, #tpu.memory_space<vmem>>, %arg7: memref<128xf32, #tpu.memory_space<vmem>>, %arg8: memref<128xf32, #tpu.memory_space<vmem>>, %arg9: memref<125024xf32, #tpu.memory_space<vmem>>, %arg10: memref<1024xf32, #tpu.memory_space<vmem>>, %arg11: memref<1024xf32, #tpu.memory_space<vmem>>, %arg12: memref<512xf32, #tpu.memory_space<vmem>>, %arg13: memref<512xf32, #tpu.memory_space<vmem>>, %arg14: memref<512xf32, #tpu.memory_space<vmem>>, %arg15: memref<512xf32, #tpu.memory_space<vmem>>, %arg16: memref<2000384xf32, #tpu.memory_space<hbm>>, %arg17: memref<!tpu.dma_semaphore, #tpu.memory_space<semaphore_mem>>, %arg18: memref<!tpu.dma_semaphore, #tpu.memory_space<semaphore_mem>>, %arg19: memref<!tpu.dma_semaphore, #tpu.memory_space<semaphore_mem>>, %arg20: memref<!tpu.dma_semaphore, #tpu.memory_space<semaphore_mem>>, %arg21: memref<!tpu.dma_semaphore, #tpu.memory_space<semaphore_mem>>, %arg22: memref<!tpu.dma_semaphore, #tpu.memory_space<semaphore_mem>>, %arg23: memref<!tpu.dma_semaphore, #tpu.memory_space<semaphore_mem>>, %arg24: memref<!tpu.dma_semaphore, #tpu.memory_space<semaphore_mem>>) attributes {dimension_semantics = [#tpu.dimension_semantics<core_parallel>, #tpu.dimension_semantics<subcore_parallel>], iteration_bounds = array<i64: 2, 16>, scalar_prefetch = 0 : i64, scratch_operands = 20 : i64, tpu.core_type = #tpu.core_type<sc_vector_subcore>, window_params = [{transform_indices = #map}, {transform_indices = #map}, {transform_indices = #map}]} {
    %jit3A = arith.constant 2 : i32
    %div3A = arith.divsi %arg1, %jit3A : i32
    %sign3A = arith.constant 0 : i32
    %sign3A_0 = arith.cmpi sgt, %arg1, %sign3A : i32
    %sign3A_1 = arith.extui %sign3A_0 : i1 to i32
    %sign3A_2 = arith.constant 0 : i32
    %sign3A_3 = arith.cmpi slt, %arg1, %sign3A_2 : i32
    %sign3A_4 = arith.extui %sign3A_3 : i1 to i32
    %sign3A_5 = arith.subi %sign3A_1, %sign3A_4 : i32
    %sign3A_6 = arith.constant 0 : i32
    %sign3A_7 = arith.cmpi sgt, %jit3A, %sign3A_6 : i32
    %sign3A_8 = arith.extui %sign3A_7 : i1 to i32
    %sign3A_9 = arith.constant 0 : i32
    %sign3A_10 = arith.cmpi slt, %jit3A, %sign3A_9 : i32
    %sign3A_11 = arith.extui %sign3A_10 : i1 to i32
    %sign3A_12 = arith.subi %sign3A_8, %sign3A_11 : i32
    %ne3A = arith.cmpi ne, %sign3A_5, %sign3A_12 : i32
    %rem3A = arith.remsi %arg1, %jit3A : i32
    %ne3A_13 = arith.constant 0 : i32
    %ne3A_14 = arith.cmpi ne, %rem3A, %ne3A_13 : i32
    %and3A = arith.andi %ne3A, %ne3A_14 : i1
    %sub3A = arith.constant 1 : i32
    %sub3A_15 = arith.subi %div3A, %sub3A : i32
    %select_n3A = arith.select %and3A, %sub3A_15, %div3A : i32
    %jit3A_16 = arith.constant 2 : i32
    %eq3A = arith.constant 0 : i32
    %eq3A_17 = arith.cmpi eq, %jit3A_16, %eq3A : i32
    %jit3A_18 = arith.constant 1 : i32
    %select_n3A_19 = arith.select %eq3A_17, %jit3A_18, %jit3A_16 : i32
    %rem3A_20 = arith.remsi %arg1, %select_n3A_19 : i32
    %ne3A_21 = arith.constant 0 : i32
    %ne3A_22 = arith.cmpi ne, %rem3A_20, %ne3A_21 : i32
    %lt3A = arith.constant 0 : i32
    %lt3A_23 = arith.cmpi slt, %rem3A_20, %lt3A : i32
    %lt3A_24 = arith.constant 0 : i32
    %lt3A_25 = arith.cmpi slt, %select_n3A_19, %lt3A_24 : i32
    %ne3A_26 = arith.xori %lt3A_23, %lt3A_25 : i1
    %and3A_27 = arith.andi %ne3A_26, %ne3A_22 : i1
    %add3A = arith.addi %rem3A_20, %select_n3A_19 : i32
    %select_n3A_28 = arith.select %and3A_27, %add3A, %rem3A_20 : i32
    %mul3A = arith.constant 8 : i32
    %mul3A_29 = arith.muli %arg0, %mul3A : i32
    %add3A_30 = arith.addi %mul3A_29, %select_n3A : i32
    %iota3A = tpu.iota {dimensions = array<i32: 0>} : vector<16xi32>
    %mul3A_31 = arith.constant 4 : i32
    %mul3A_32 = vector.broadcast %mul3A_31 : i32 to vector<16xi32>
    %mul3A_33 = arith.muli %iota3A, %mul3A_32 : vector<16xi32>
    %mul3A_34 = arith.constant 6 : i32
    %mul3A_35 = vector.broadcast %mul3A_34 : i32 to vector<16xi32>
    %mul3A_36 = arith.muli %iota3A, %mul3A_35 : vector<16xi32>
    %broadcast_in_dim3A = arith.constant 1.000000e+00 : f32
    %broadcast_in_dim3A_37 = vector.broadcast %broadcast_in_dim3A : f32 to vector<16xf32>
    %broadcast_in_dim3A_38 = arith.constant 0.000000e+00 : f32
    %broadcast_in_dim3A_39 = vector.broadcast %broadcast_in_dim3A_38 : f32 to vector<16xf32>
    %mul3A_40 = arith.constant 16 : i32
    %mul3A_41 = arith.muli %arg0, %mul3A_40 : i32
    %add3A_42 = arith.addi %mul3A_41, %arg1 : i32
    %add3A_43 = arith.constant 1 : i32
    %add3A_44 = arith.addi %add3A_42, %add3A_43 : i32
    %mul3A_45 = arith.constant 2 : i32
    %mul3A_46 = arith.muli %mul3A_45, %select_n3A_28 : i32
    %sub3A_47 = arith.subi %add3A_44, %mul3A_46 : i32
    %mul3A_48 = arith.constant 62512 : i32
    %mul3A_49 = arith.muli %add3A_42, %mul3A_48 : i32
    %mul3A_50 = arith.constant 62512 : i32
    %mul3A_51 = arith.muli %sub3A_47, %mul3A_50 : i32
    %mul3A_52 = arith.constant 786432 : i32
    %mul3A_53 = arith.muli %add3A_30, %mul3A_52 : i32
    %mul3A_54 = arith.constant 393216 : i32
    %mul3A_55 = arith.muli %select_n3A_28, %mul3A_54 : i32
    %add3A_56 = arith.addi %mul3A_53, %mul3A_55 : i32
    %mul3A_57 = arith.constant 131072 : i32
    %mul3A_58 = arith.muli %add3A_30, %mul3A_57 : i32
    %mul3A_59 = arith.constant 65536 : i32
    %mul3A_60 = arith.muli %select_n3A_28, %mul3A_59 : i32
    %add3A_61 = arith.addi %mul3A_58, %mul3A_60 : i32
    %add3A_62 = arith.constant 0 : i32
    %add3A_63 = arith.addi %add3A_56, %add3A_62 : i32
    %dma_start3A = tpu.memref_slice %arg2[%add3A_63] : memref<12582912xf32, #tpu.memory_space<hbm>> -> memref<768xf32, #tpu.memory_space<hbm>>
    %dma_start3A_64 = tpu.memref_slice %arg2[%add3A_63] : memref<12582912xf32, #tpu.memory_space<hbm>> -> memref<768xf32, #tpu.memory_space<hbm>>
    tpu.enqueue_dma source(%dma_start3A_64 : memref<768xf32, #tpu.memory_space<hbm>>) target(%arg5 : memref<768xf32, #tpu.memory_space<vmem>>) target_semaphore(%arg17 : memref<!tpu.dma_semaphore, #tpu.memory_space<semaphore_mem>>)
    %add3A_65 = arith.constant 0 : i32
    %add3A_66 = arith.addi %add3A_61, %add3A_65 : i32
    %dma_start3A_67 = tpu.memref_slice %arg3[%add3A_66] : memref<2097152xf32, #tpu.memory_space<hbm>> -> memref<128xf32, #tpu.memory_space<hbm>>
    %dma_start3A_68 = tpu.memref_slice %arg3[%add3A_66] : memref<2097152xf32, #tpu.memory_space<hbm>> -> memref<128xf32, #tpu.memory_space<hbm>>
    tpu.enqueue_dma source(%dma_start3A_68 : memref<128xf32, #tpu.memory_space<hbm>>) target(%arg7 : memref<128xf32, #tpu.memory_space<vmem>>) target_semaphore(%arg17 : memref<!tpu.dma_semaphore, #tpu.memory_space<semaphore_mem>>)
    %add3A_69 = arith.constant 768 : i32
    %add3A_70 = arith.addi %add3A_56, %add3A_69 : i32
    %dma_start3A_71 = tpu.memref_slice %arg2[%add3A_70] : memref<12582912xf32, #tpu.memory_space<hbm>> -> memref<768xf32, #tpu.memory_space<hbm>>
    %dma_start3A_72 = tpu.memref_slice %arg2[%add3A_70] : memref<12582912xf32, #tpu.memory_space<hbm>> -> memref<768xf32, #tpu.memory_space<hbm>>
    tpu.enqueue_dma source(%dma_start3A_72 : memref<768xf32, #tpu.memory_space<hbm>>) target(%arg6 : memref<768xf32, #tpu.memory_space<vmem>>) target_semaphore(%arg18 : memref<!tpu.dma_semaphore, #tpu.memory_space<semaphore_mem>>)
    %add3A_73 = arith.constant 128 : i32
    %add3A_74 = arith.addi %add3A_61, %add3A_73 : i32
    %dma_start3A_75 = tpu.memref_slice %arg3[%add3A_74] : memref<2097152xf32, #tpu.memory_space<hbm>> -> memref<128xf32, #tpu.memory_space<hbm>>
    %dma_start3A_76 = tpu.memref_slice %arg3[%add3A_74] : memref<2097152xf32, #tpu.memory_space<hbm>> -> memref<128xf32, #tpu.memory_space<hbm>>
    tpu.enqueue_dma source(%dma_start3A_76 : memref<128xf32, #tpu.memory_space<hbm>>) target(%arg8 : memref<128xf32, #tpu.memory_space<vmem>>) target_semaphore(%arg18 : memref<!tpu.dma_semaphore, #tpu.memory_space<semaphore_mem>>)
    %scan3A = arith.constant 0 : i32
    %scan3A_77 = arith.constant 7808 : i32
    %scan3A_78 = arith.addi %scan3A, %scan3A_77 : i32
    %scan3A_79 = arith.constant 8 : i32
    scf.for %scan3A_1030 = %scan3A to %scan3A_78 step %scan3A_79  : i32 {
      %mul3A_1031 = arith.constant 1 : i32
      %mul3A_1032 = arith.muli %scan3A_1030, %mul3A_1031 : i32
      %add3A_1033 = arith.constant 0 : i32
      %add3A_1034 = arith.addi %add3A_1033, %mul3A_1032 : i32
      %mul3A_1035 = arith.constant 16 : i32
      %mul3A_1036 = arith.muli %add3A_1034, %mul3A_1035 : i32
      %swap3A_1037 = arith.index_cast %mul3A_1036 : i32 to index
      %swap3A_1038 = tpu.vector_load %arg9[%swap3A_1037] {strides = array<i32>} : memref<125024xf32, #tpu.memory_space<vmem>>, vector<16xf32>,
      tpu.vector_store %arg9[%swap3A_1037], %broadcast_in_dim3A_39 {strides = array<i32>} : memref<125024xf32, #tpu.memory_space<vmem>>, vector<16xf32>,
      %scan3A_1039 = arith.constant 1 : i32
      %scan3A_1040 = arith.addi %scan3A_1030, %scan3A_1039 : i32
      %mul3A_1041 = arith.constant 1 : i32
      %mul3A_1042 = arith.muli %scan3A_1040, %mul3A_1041 : i32
      %add3A_1043 = arith.constant 0 : i32
      %add3A_1044 = arith.addi %add3A_1043, %mul3A_1042 : i32
      %mul3A_1045 = arith.constant 16 : i32
      %mul3A_1046 = arith.muli %add3A_1044, %mul3A_1045 : i32
      %swap3A_1047 = arith.index_cast %mul3A_1046 : i32 to index
      %swap3A_1048 = tpu.vector_load %arg9[%swap3A_1047] {strides = array<i32>} : memref<125024xf32, #tpu.memory_space<vmem>>, vector<16xf32>,
      tpu.vector_store %arg9[%swap3A_1047], %broadcast_in_dim3A_39 {strides = array<i32>} : memref<125024xf32, #tpu.memory_space<vmem>>, vector<16xf32>,
      %scan3A_1049 = arith.constant 2 : i32
      %scan3A_1050 = arith.addi %scan3A_1030, %scan3A_1049 : i32
      %mul3A_1051 = arith.constant 1 : i32
      %mul3A_1052 = arith.muli %scan3A_1050, %mul3A_1051 : i32
      %add3A_1053 = arith.constant 0 : i32
      %add3A_1054 = arith.addi %add3A_1053, %mul3A_1052 : i32
      %mul3A_1055 = arith.constant 16 : i32
      %mul3A_1056 = arith.muli %add3A_1054, %mul3A_1055 : i32
      %swap3A_1057 = arith.index_cast %mul3A_1056 : i32 to index
      %swap3A_1058 = tpu.vector_load %arg9[%swap3A_1057] {strides = array<i32>} : memref<125024xf32, #tpu.memory_space<vmem>>, vector<16xf32>,
      tpu.vector_store %arg9[%swap3A_1057], %broadcast_in_dim3A_39 {strides = array<i32>} : memref<125024xf32, #tpu.memory_space<vmem>>, vector<16xf32>,
      %scan3A_1059 = arith.constant 3 : i32
      %scan3A_1060 = arith.addi %scan3A_1030, %scan3A_1059 : i32
      %mul3A_1061 = arith.constant 1 : i32
      %mul3A_1062 = arith.muli %scan3A_1060, %mul3A_1061 : i32
      %add3A_1063 = arith.constant 0 : i32
      %add3A_1064 = arith.addi %add3A_1063, %mul3A_1062 : i32
      %mul3A_1065 = arith.constant 16 : i32
      %mul3A_1066 = arith.muli %add3A_1064, %mul3A_1065 : i32
      %swap3A_1067 = arith.index_cast %mul3A_1066 : i32 to index
      %swap3A_1068 = tpu.vector_load %arg9[%swap3A_1067] {strides = array<i32>} : memref<125024xf32, #tpu.memory_space<vmem>>, vector<16xf32>,
      tpu.vector_store %arg9[%swap3A_1067], %broadcast_in_dim3A_39 {strides = array<i32>} : memref<125024xf32, #tpu.memory_space<vmem>>, vector<16xf32>,
      %scan3A_1069 = arith.constant 4 : i32
      %scan3A_1070 = arith.addi %scan3A_1030, %scan3A_1069 : i32
      %mul3A_1071 = arith.constant 1 : i32
      %mul3A_1072 = arith.muli %scan3A_1070, %mul3A_1071 : i32
      %add3A_1073 = arith.constant 0 : i32
      %add3A_1074 = arith.addi %add3A_1073, %mul3A_1072 : i32
      %mul3A_1075 = arith.constant 16 : i32
      %mul3A_1076 = arith.muli %add3A_1074, %mul3A_1075 : i32
      %swap3A_1077 = arith.index_cast %mul3A_1076 : i32 to index
      %swap3A_1078 = tpu.vector_load %arg9[%swap3A_1077] {strides = array<i32>} : memref<125024xf32, #tpu.memory_space<vmem>>, vector<16xf32>,
      tpu.vector_store %arg9[%swap3A_1077], %broadcast_in_dim3A_39 {strides = array<i32>} : memref<125024xf32, #tpu.memory_space<vmem>>, vector<16xf32>,
      %scan3A_1079 = arith.constant 5 : i32
      %scan3A_1080 = arith.addi %scan3A_1030, %scan3A_1079 : i32
      %mul3A_1081 = arith.constant 1 : i32
      %mul3A_1082 = arith.muli %scan3A_1080, %mul3A_1081 : i32
      %add3A_1083 = arith.constant 0 : i32
      %add3A_1084 = arith.addi %add3A_1083, %mul3A_1082 : i32
      %mul3A_1085 = arith.constant 16 : i32
      %mul3A_1086 = arith.muli %add3A_1084, %mul3A_1085 : i32
      %swap3A_1087 = arith.index_cast %mul3A_1086 : i32 to index
      %swap3A_1088 = tpu.vector_load %arg9[%swap3A_1087] {strides = array<i32>} : memref<125024xf32, #tpu.memory_space<vmem>>, vector<16xf32>,
      tpu.vector_store %arg9[%swap3A_1087], %broadcast_in_dim3A_39 {strides = array<i32>} : memref<125024xf32, #tpu.memory_space<vmem>>, vector<16xf32>,
      %scan3A_1089 = arith.constant 6 : i32
      %scan3A_1090 = arith.addi %scan3A_1030, %scan3A_1089 : i32
      %mul3A_1091 = arith.constant 1 : i32
      %mul3A_1092 = arith.muli %scan3A_1090, %mul3A_1091 : i32
      %add3A_1093 = arith.constant 0 : i32
      %add3A_1094 = arith.addi %add3A_1093, %mul3A_1092 : i32
      %mul3A_1095 = arith.constant 16 : i32
      %mul3A_1096 = arith.muli %add3A_1094, %mul3A_1095 : i32
      %swap3A_1097 = arith.index_cast %mul3A_1096 : i32 to index
      %swap3A_1098 = tpu.vector_load %arg9[%swap3A_1097] {strides = array<i32>} : memref<125024xf32, #tpu.memory_space<vmem>>, vector<16xf32>,
      tpu.vector_store %arg9[%swap3A_1097], %broadcast_in_dim3A_39 {strides = array<i32>} : memref<125024xf32, #tpu.memory_space<vmem>>, vector<16xf32>,
      %scan3A_1099 = arith.constant 7 : i32
      %scan3A_1100 = arith.addi %scan3A_1030, %scan3A_1099 : i32
      %mul3A_1101 = arith.constant 1 : i32
      %mul3A_1102 = arith.muli %scan3A_1100, %mul3A_1101 : i32
      %add3A_1103 = arith.constant 0 : i32
      %add3A_1104 = arith.addi %add3A_1103, %mul3A_1102 : i32
      %mul3A_1105 = arith.constant 16 : i32
      %mul3A_1106 = arith.muli %add3A_1104, %mul3A_1105 : i32
      %swap3A_1107 = arith.index_cast %mul3A_1106 : i32 to index
      %swap3A_1108 = tpu.vector_load %arg9[%swap3A_1107] {strides = array<i32>} : memref<125024xf32, #tpu.memory_space<vmem>>, vector<16xf32>,
      tpu.vector_store %arg9[%swap3A_1107], %broadcast_in_dim3A_39 {strides = array<i32>} : memref<125024xf32, #tpu.memory_space<vmem>>, vector<16xf32>,
    }
    %scan3A_80 = arith.constant 7808 : i32
    %scan3A_81 = arith.addi %scan3A, %scan3A_80 : i32
    %mul3A_82 = arith.constant 1 : i32
    %mul3A_83 = arith.muli %scan3A_81, %mul3A_82 : i32
    %add3A_84 = arith.constant 0 : i32
    %add3A_85 = arith.addi %add3A_84, %mul3A_83 : i32
    %mul3A_86 = arith.constant 16 : i32
    %mul3A_87 = arith.muli %add3A_85, %mul3A_86 : i32
    %swap3A = arith.index_cast %mul3A_87 : i32 to index
    %swap3A_88 = tpu.vector_load %arg9[%swap3A] {strides = array<i32>} : memref<125024xf32, #tpu.memory_space<vmem>>, vector<16xf32>,
    tpu.vector_store %arg9[%swap3A], %broadcast_in_dim3A_39 {strides = array<i32>} : memref<125024xf32, #tpu.memory_space<vmem>>, vector<16xf32>,
    %scan3A_89 = arith.constant 7809 : i32
    %scan3A_90 = arith.addi %scan3A, %scan3A_89 : i32
    %mul3A_91 = arith.constant 1 : i32
    %mul3A_92 = arith.muli %scan3A_90, %mul3A_91 : i32
    %add3A_93 = arith.constant 0 : i32
    %add3A_94 = arith.addi %add3A_93, %mul3A_92 : i32
    %mul3A_95 = arith.constant 16 : i32
    %mul3A_96 = arith.muli %add3A_94, %mul3A_95 : i32
    %swap3A_97 = arith.index_cast %mul3A_96 : i32 to index
    %swap3A_98 = tpu.vector_load %arg9[%swap3A_97] {strides = array<i32>} : memref<125024xf32, #tpu.memory_space<vmem>>, vector<16xf32>,
    tpu.vector_store %arg9[%swap3A_97], %broadcast_in_dim3A_39 {strides = array<i32>} : memref<125024xf32, #tpu.memory_space<vmem>>, vector<16xf32>,
    %scan3A_99 = arith.constant 7810 : i32
    %scan3A_100 = arith.addi %scan3A, %scan3A_99 : i32
    %mul3A_101 = arith.constant 1 : i32
    %mul3A_102 = arith.muli %scan3A_100, %mul3A_101 : i32
    %add3A_103 = arith.constant 0 : i32
    %add3A_104 = arith.addi %add3A_103, %mul3A_102 : i32
    %mul3A_105 = arith.constant 16 : i32
    %mul3A_106 = arith.muli %add3A_104, %mul3A_105 : i32
    %swap3A_107 = arith.index_cast %mul3A_106 : i32 to index
    %swap3A_108 = tpu.vector_load %arg9[%swap3A_107] {strides = array<i32>} : memref<125024xf32, #tpu.memory_space<vmem>>, vector<16xf32>,
    tpu.vector_store %arg9[%swap3A_107], %broadcast_in_dim3A_39 {strides = array<i32>} : memref<125024xf32, #tpu.memory_space<vmem>>, vector<16xf32>,
    %scan3A_109 = arith.constant 7811 : i32
    %scan3A_110 = arith.addi %scan3A, %scan3A_109 : i32
    %mul3A_111 = arith.constant 1 : i32
    %mul3A_112 = arith.muli %scan3A_110, %mul3A_111 : i32
    %add3A_113 = arith.constant 0 : i32
    %add3A_114 = arith.addi %add3A_113, %mul3A_112 : i32
    %mul3A_115 = arith.constant 16 : i32
    %mul3A_116 = arith.muli %add3A_114, %mul3A_115 : i32
    %swap3A_117 = arith.index_cast %mul3A_116 : i32 to index
    %swap3A_118 = tpu.vector_load %arg9[%swap3A_117] {strides = array<i32>} : memref<125024xf32, #tpu.memory_space<vmem>>, vector<16xf32>,
    tpu.vector_store %arg9[%swap3A_117], %broadcast_in_dim3A_39 {strides = array<i32>} : memref<125024xf32, #tpu.memory_space<vmem>>, vector<16xf32>,
    %scan3A_119 = arith.constant 7812 : i32
    %scan3A_120 = arith.addi %scan3A, %scan3A_119 : i32
    %mul3A_121 = arith.constant 1 : i32
    %mul3A_122 = arith.muli %scan3A_120, %mul3A_121 : i32
    %add3A_123 = arith.constant 0 : i32
    %add3A_124 = arith.addi %add3A_123, %mul3A_122 : i32
    %mul3A_125 = arith.constant 16 : i32
    %mul3A_126 = arith.muli %add3A_124, %mul3A_125 : i32
    %swap3A_127 = arith.index_cast %mul3A_126 : i32 to index
    %swap3A_128 = tpu.vector_load %arg9[%swap3A_127] {strides = array<i32>} : memref<125024xf32, #tpu.memory_space<vmem>>, vector<16xf32>,
    tpu.vector_store %arg9[%swap3A_127], %broadcast_in_dim3A_39 {strides = array<i32>} : memref<125024xf32, #tpu.memory_space<vmem>>, vector<16xf32>,
    %scan3A_129 = arith.constant 7813 : i32
    %scan3A_130 = arith.addi %scan3A, %scan3A_129 : i32
    %mul3A_131 = arith.constant 1 : i32
    %mul3A_132 = arith.muli %scan3A_130, %mul3A_131 : i32
    %add3A_133 = arith.constant 0 : i32
    %add3A_134 = arith.addi %add3A_133, %mul3A_132 : i32
    %mul3A_135 = arith.constant 16 : i32
    %mul3A_136 = arith.muli %add3A_134, %mul3A_135 : i32
    %swap3A_137 = arith.index_cast %mul3A_136 : i32 to index
    %swap3A_138 = tpu.vector_load %arg9[%swap3A_137] {strides = array<i32>} : memref<125024xf32, #tpu.memory_space<vmem>>, vector<16xf32>,
    tpu.vector_store %arg9[%swap3A_137], %broadcast_in_dim3A_39 {strides = array<i32>} : memref<125024xf32, #tpu.memory_space<vmem>>, vector<16xf32>,
    %scan3A_139 = arith.constant 7814 : i32
    %scan3A_140 = arith.constant 0 : i32
    %scan3A_141 = arith.constant 256 : i32
    %scan3A_142 = arith.addi %scan3A_140, %scan3A_141 : i32
    %scan3A_143 = arith.constant 1 : i32
    scf.for %scan3A_1030 = %scan3A_140 to %scan3A_142 step %scan3A_143  : i32 {
      %mul3A_1031 = arith.constant 2 : i32
      %mul3A_1032 = arith.muli %scan3A_1030, %mul3A_1031 : i32
      %add3A_1033 = arith.constant 0 : i32
      %add3A_1034 = arith.addi %add3A_1033, %mul3A_1032 : i32
      %add3A_1035 = arith.constant 0 : i32
      %add3A_1036 = arith.addi %add3A_1034, %add3A_1035 : i32
      %dma_wait3A_1037 = arith.constant 0 : i32
      %dma_wait3A_1038 = tpu.memref_slice %arg2[%dma_wait3A_1037] : memref<12582912xf32, #tpu.memory_space<hbm>> -> memref<768xf32, #tpu.memory_space<hbm>>
      %dma_wait3A_1039 = arith.constant 0 : i32
      %dma_wait3A_1040 = tpu.memref_slice %arg2[%dma_wait3A_1039] : memref<12582912xf32, #tpu.memory_space<hbm>> -> memref<768xf32, #tpu.memory_space<hbm>>
      tpu.wait_dma2 semaphore(%arg17 : memref<!tpu.dma_semaphore, #tpu.memory_space<semaphore_mem>>) src(%dma_wait3A_1040 : memref<768xf32, #tpu.memory_space<hbm>>) dst(%arg5 : memref<768xf32, #tpu.memory_space<vmem>>)
      %dma_wait3A_1041 = arith.constant 0 : i32
      %dma_wait3A_1042 = tpu.memref_slice %arg3[%dma_wait3A_1041] : memref<2097152xf32, #tpu.memory_space<hbm>> -> memref<128xf32, #tpu.memory_space<hbm>>
      %dma_wait3A_1043 = arith.constant 0 : i32
      %dma_wait3A_1044 = tpu.memref_slice %arg3[%dma_wait3A_1043] : memref<2097152xf32, #tpu.memory_space<hbm>> -> memref<128xf32, #tpu.memory_space<hbm>>
      tpu.wait_dma2 semaphore(%arg17 : memref<!tpu.dma_semaphore, #tpu.memory_space<semaphore_mem>>) src(%dma_wait3A_1044 : memref<128xf32, #tpu.memory_space<hbm>>) dst(%arg7 : memref<128xf32, #tpu.memory_space<vmem>>)
      %add3A_1045 = arith.constant 0 : i32
      %add3A_1046 = vector.broadcast %add3A_1045 : i32 to vector<16xi32>
      %add3A_1047 = arith.addi %mul3A_36, %add3A_1046 : vector<16xi32>
      %gather3A = tpu.vector_load_idx %arg5[%add3A_1047] : memref<768xf32, #tpu.memory_space<vmem>>[vector<16xi32>], vector<16xf32>,
      %add3A_1048 = arith.constant 1 : i32
      %add3A_1049 = vector.broadcast %add3A_1048 : i32 to vector<16xi32>
      %add3A_1050 = arith.addi %add3A_1047, %add3A_1049 : vector<16xi32>
      %gather3A_1051 = tpu.vector_load_idx %arg5[%add3A_1050] : memref<768xf32, #tpu.memory_space<vmem>>[vector<16xi32>], vector<16xf32>,
      %add3A_1052 = arith.constant 2 : i32
      %add3A_1053 = vector.broadcast %add3A_1052 : i32 to vector<16xi32>
      %add3A_1054 = arith.addi %add3A_1047, %add3A_1053 : vector<16xi32>
      %gather3A_1055 = tpu.vector_load_idx %arg5[%add3A_1054] : memref<768xf32, #tpu.memory_space<vmem>>[vector<16xi32>], vector<16xf32>,
      %get3A_1056 = arith.constant 0 : index
      %get3A_1057 = tpu.vector_load %arg7[%get3A_1056] {strides = array<i32>} : memref<128xf32, #tpu.memory_space<vmem>>, vector<16xf32>,
      %gt3A = arith.constant 0.000000e+00 : f32
      %gt3A_1058 = vector.broadcast %gt3A : f32 to vector<16xf32>
      %gt3A_1059 = arith.cmpf ogt, %get3A_1057, %gt3A_1058 : vector<16xf32>
      %add3A_1060 = arith.constant 2.000000e+00 : f32
      %add3A_1061 = vector.broadcast %add3A_1060 : f32 to vector<16xf32>
      %add3A_1062 = arith.addf %gather3A, %add3A_1061 : vector<16xf32>
      %mul3A_1063 = arith.constant 1.225000e+01 : f32
      %mul3A_1064 = vector.broadcast %mul3A_1063 : f32 to vector<16xf32>
      %mul3A_1065 = arith.mulf %add3A_1062, %mul3A_1064 : vector<16xf32>
      %max3A_1066 = arith.constant 0.000000e+00 : f32
      %max3A_1067 = vector.broadcast %max3A_1066 : f32 to vector<16xf32>
      %max3A_1068 = arith.maximumf %mul3A_1065, %max3A_1067 : vector<16xf32>
      %min3A = arith.constant 4.900000e+01 : f32
      %min3A_1069 = vector.broadcast %min3A : f32 to vector<16xf32>
      %min3A_1070 = arith.minimumf %max3A_1068, %min3A_1069 : vector<16xf32>
      %convert_element_type3A_1071 = arith.fptosi %min3A_1070 : vector<16xf32> to vector<16xi32>
      %mul3A_1072 = arith.constant 50 : i32
      %mul3A_1073 = vector.broadcast %mul3A_1072 : i32 to vector<16xi32>
      %mul3A_1074 = arith.muli %convert_element_type3A_1071, %mul3A_1073 : vector<16xi32>
      %add3A_1075 = arith.constant 2.000000e+00 : f32
      %add3A_1076 = vector.broadcast %add3A_1075 : f32 to vector<16xf32>
      %add3A_1077 = arith.addf %gather3A_1051, %add3A_1076 : vector<16xf32>
      %mul3A_1078 = arith.constant 1.225000e+01 : f32
      %mul3A_1079 = vector.broadcast %mul3A_1078 : f32 to vector<16xf32>
      %mul3A_1080 = arith.mulf %add3A_1077, %mul3A_1079 : vector<16xf32>
      %max3A_1081 = arith.constant 0.000000e+00 : f32
      %max3A_1082 = vector.broadcast %max3A_1081 : f32 to vector<16xf32>
      %max3A_1083 = arith.maximumf %mul3A_1080, %max3A_1082 : vector<16xf32>
      %min3A_1084 = arith.constant 4.900000e+01 : f32
      %min3A_1085 = vector.broadcast %min3A_1084 : f32 to vector<16xf32>
      %min3A_1086 = arith.minimumf %max3A_1083, %min3A_1085 : vector<16xf32>
      %convert_element_type3A_1087 = arith.fptosi %min3A_1086 : vector<16xf32> to vector<16xi32>
      %add3A_1088 = arith.addi %mul3A_1074, %convert_element_type3A_1087 : vector<16xi32>
      %mul3A_1089 = arith.constant 50 : i32
      %mul3A_1090 = vector.broadcast %mul3A_1089 : i32 to vector<16xi32>
      %mul3A_1091 = arith.muli %add3A_1088, %mul3A_1090 : vector<16xi32>
      %add3A_1092 = arith.constant 2.000000e+00 : f32
      %add3A_1093 = vector.broadcast %add3A_1092 : f32 to vector<16xf32>
      %add3A_1094 = arith.addf %gather3A_1055, %add3A_1093 : vector<16xf32>
      %mul3A_1095 = arith.constant 1.225000e+01 : f32
      %mul3A_1096 = vector.broadcast %mul3A_1095 : f32 to vector<16xf32>
      %mul3A_1097 = arith.mulf %add3A_1094, %mul3A_1096 : vector<16xf32>
      %max3A_1098 = arith.constant 0.000000e+00 : f32
      %max3A_1099 = vector.broadcast %max3A_1098 : f32 to vector<16xf32>
      %max3A_1100 = arith.maximumf %mul3A_1097, %max3A_1099 : vector<16xf32>
      %min3A_1101 = arith.constant 4.900000e+01 : f32
      %min3A_1102 = vector.broadcast %min3A_1101 : f32 to vector<16xf32>
      %min3A_1103 = arith.minimumf %max3A_1100, %min3A_1102 : vector<16xf32>
      %convert_element_type3A_1104 = arith.fptosi %min3A_1103 : vector<16xf32> to vector<16xi32>
      %add3A_1105 = arith.addi %mul3A_1091, %convert_element_type3A_1104 : vector<16xi32>
      tpu.vector_store_idx %arg9[%add3A_1105], %broadcast_in_dim3A_37 masked %gt3A_1059 : memref<125024xf32, #tpu.memory_space<vmem>>[vector<16xi32>], vector<16xf32>, vector<16xi1>
      %add3A_1106 = arith.constant 96 : i32
      %add3A_1107 = vector.broadcast %add3A_1106 : i32 to vector<16xi32>
      %add3A_1108 = arith.addi %mul3A_36, %add3A_1107 : vector<16xi32>
      %gather3A_1109 = tpu.vector_load_idx %arg5[%add3A_1108] : memref<768xf32, #tpu.memory_space<vmem>>[vector<16xi32>], vector<16xf32>,
      %add3A_1110 = arith.constant 1 : i32
      %add3A_1111 = vector.broadcast %add3A_1110 : i32 to vector<16xi32>
      %add3A_1112 = arith.addi %add3A_1108, %add3A_1111 : vector<16xi32>
      %gather3A_1113 = tpu.vector_load_idx %arg5[%add3A_1112] : memref<768xf32, #tpu.memory_space<vmem>>[vector<16xi32>], vector<16xf32>,
      %add3A_1114 = arith.constant 2 : i32
      %add3A_1115 = vector.broadcast %add3A_1114 : i32 to vector<16xi32>
      %add3A_1116 = arith.addi %add3A_1108, %add3A_1115 : vector<16xi32>
      %gather3A_1117 = tpu.vector_load_idx %arg5[%add3A_1116] : memref<768xf32, #tpu.memory_space<vmem>>[vector<16xi32>], vector<16xf32>,
      %get3A_1118 = arith.constant 16 : index
      %get3A_1119 = tpu.vector_load %arg7[%get3A_1118] {strides = array<i32>} : memref<128xf32, #tpu.memory_space<vmem>>, vector<16xf32>,
      %gt3A_1120 = arith.constant 0.000000e+00 : f32
      %gt3A_1121 = vector.broadcast %gt3A_1120 : f32 to vector<16xf32>
      %gt3A_1122 = arith.cmpf ogt, %get3A_1119, %gt3A_1121 : vector<16xf32>
      %add3A_1123 = arith.constant 2.000000e+00 : f32
      %add3A_1124 = vector.broadcast %add3A_1123 : f32 to vector<16xf32>
      %add3A_1125 = arith.addf %gather3A_1109, %add3A_1124 : vector<16xf32>
      %mul3A_1126 = arith.constant 1.225000e+01 : f32
      %mul3A_1127 = vector.broadcast %mul3A_1126 : f32 to vector<16xf32>
      %mul3A_1128 = arith.mulf %add3A_1125, %mul3A_1127 : vector<16xf32>
      %max3A_1129 = arith.constant 0.000000e+00 : f32
      %max3A_1130 = vector.broadcast %max3A_1129 : f32 to vector<16xf32>
      %max3A_1131 = arith.maximumf %mul3A_1128, %max3A_1130 : vector<16xf32>
      %min3A_1132 = arith.constant 4.900000e+01 : f32
      %min3A_1133 = vector.broadcast %min3A_1132 : f32 to vector<16xf32>
      %min3A_1134 = arith.minimumf %max3A_1131, %min3A_1133 : vector<16xf32>
      %convert_element_type3A_1135 = arith.fptosi %min3A_1134 : vector<16xf32> to vector<16xi32>
      %mul3A_1136 = arith.constant 50 : i32
      %mul3A_1137 = vector.broadcast %mul3A_1136 : i32 to vector<16xi32>
      %mul3A_1138 = arith.muli %convert_element_type3A_1135, %mul3A_1137 : vector<16xi32>
      %add3A_1139 = arith.constant 2.000000e+00 : f32
      %add3A_1140 = vector.broadcast %add3A_1139 : f32 to vector<16xf32>
      %add3A_1141 = arith.addf %gather3A_1113, %add3A_1140 : vector<16xf32>
      %mul3A_1142 = arith.constant 1.225000e+01 : f32
      %mul3A_1143 = vector.broadcast %mul3A_1142 : f32 to vector<16xf32>
      %mul3A_1144 = arith.mulf %add3A_1141, %mul3A_1143 : vector<16xf32>
      %max3A_1145 = arith.constant 0.000000e+00 : f32
      %max3A_1146 = vector.broadcast %max3A_1145 : f32 to vector<16xf32>
      %max3A_1147 = arith.maximumf %mul3A_1144, %max3A_1146 : vector<16xf32>
      %min3A_1148 = arith.constant 4.900000e+01 : f32
      %min3A_1149 = vector.broadcast %min3A_1148 : f32 to vector<16xf32>
      %min3A_1150 = arith.minimumf %max3A_1147, %min3A_1149 : vector<16xf32>
      %convert_element_type3A_1151 = arith.fptosi %min3A_1150 : vector<16xf32> to vector<16xi32>
      %add3A_1152 = arith.addi %mul3A_1138, %convert_element_type3A_1151 : vector<16xi32>
      %mul3A_1153 = arith.constant 50 : i32
      %mul3A_1154 = vector.broadcast %mul3A_1153 : i32 to vector<16xi32>
      %mul3A_1155 = arith.muli %add3A_1152, %mul3A_1154 : vector<16xi32>
      %add3A_1156 = arith.constant 2.000000e+00 : f32
      %add3A_1157 = vector.broadcast %add3A_1156 : f32 to vector<16xf32>
      %add3A_1158 = arith.addf %gather3A_1117, %add3A_1157 : vector<16xf32>
      %mul3A_1159 = arith.constant 1.225000e+01 : f32
      %mul3A_1160 = vector.broadcast %mul3A_1159 : f32 to vector<16xf32>
      %mul3A_1161 = arith.mulf %add3A_1158, %mul3A_1160 : vector<16xf32>
      %max3A_1162 = arith.constant 0.000000e+00 : f32
      %max3A_1163 = vector.broadcast %max3A_1162 : f32 to vector<16xf32>
      %max3A_1164 = arith.maximumf %mul3A_1161, %max3A_1163 : vector<16xf32>
      %min3A_1165 = arith.constant 4.900000e+01 : f32
      %min3A_1166 = vector.broadcast %min3A_1165 : f32 to vector<16xf32>
      %min3A_1167 = arith.minimumf %max3A_1164, %min3A_1166 : vector<16xf32>
      %convert_element_type3A_1168 = arith.fptosi %min3A_1167 : vector<16xf32> to vector<16xi32>
      %add3A_1169 = arith.addi %mul3A_1155, %convert_element_type3A_1168 : vector<16xi32>
      tpu.vector_store_idx %arg9[%add3A_1169], %broadcast_in_dim3A_37 masked %gt3A_1122 : memref<125024xf32, #tpu.memory_space<vmem>>[vector<16xi32>], vector<16xf32>, vector<16xi1>
      %add3A_1170 = arith.constant 192 : i32
      %add3A_1171 = vector.broadcast %add3A_1170 : i32 to vector<16xi32>
      %add3A_1172 = arith.addi %mul3A_36, %add3A_1171 : vector<16xi32>
      %gather3A_1173 = tpu.vector_load_idx %arg5[%add3A_1172] : memref<768xf32, #tpu.memory_space<vmem>>[vector<16xi32>], vector<16xf32>,
      %add3A_1174 = arith.constant 1 : i32
      %add3A_1175 = vector.broadcast %add3A_1174 : i32 to vector<16xi32>
      %add3A_1176 = arith.addi %add3A_1172, %add3A_1175 : vector<16xi32>
      %gather3A_1177 = tpu.vector_load_idx %arg5[%add3A_1176] : memref<768xf32, #tpu.memory_space<vmem>>[vector<16xi32>], vector<16xf32>,
      %add3A_1178 = arith.constant 2 : i32
      %add3A_1179 = vector.broadcast %add3A_1178 : i32 to vector<16xi32>
      %add3A_1180 = arith.addi %add3A_1172, %add3A_1179 : vector<16xi32>
      %gather3A_1181 = tpu.vector_load_idx %arg5[%add3A_1180] : memref<768xf32, #tpu.memory_space<vmem>>[vector<16xi32>], vector<16xf32>,
      %get3A_1182 = arith.constant 32 : index
      %get3A_1183 = tpu.vector_load %arg7[%get3A_1182] {strides = array<i32>} : memref<128xf32, #tpu.memory_space<vmem>>, vector<16xf32>,
      %gt3A_1184 = arith.constant 0.000000e+00 : f32
      %gt3A_1185 = vector.broadcast %gt3A_1184 : f32 to vector<16xf32>
      %gt3A_1186 = arith.cmpf ogt, %get3A_1183, %gt3A_1185 : vector<16xf32>
      %add3A_1187 = arith.constant 2.000000e+00 : f32
      %add3A_1188 = vector.broadcast %add3A_1187 : f32 to vector<16xf32>
      %add3A_1189 = arith.addf %gather3A_1173, %add3A_1188 : vector<16xf32>
      %mul3A_1190 = arith.constant 1.225000e+01 : f32
      %mul3A_1191 = vector.broadcast %mul3A_1190 : f32 to vector<16xf32>
      %mul3A_1192 = arith.mulf %add3A_1189, %mul3A_1191 : vector<16xf32>
      %max3A_1193 = arith.constant 0.000000e+00 : f32
      %max3A_1194 = vector.broadcast %max3A_1193 : f32 to vector<16xf32>
      %max3A_1195 = arith.maximumf %mul3A_1192, %max3A_1194 : vector<16xf32>
      %min3A_1196 = arith.constant 4.900000e+01 : f32
      %min3A_1197 = vector.broadcast %min3A_1196 : f32 to vector<16xf32>
      %min3A_1198 = arith.minimumf %max3A_1195, %min3A_1197 : vector<16xf32>
      %convert_element_type3A_1199 = arith.fptosi %min3A_1198 : vector<16xf32> to vector<16xi32>
      %mul3A_1200 = arith.constant 50 : i32
      %mul3A_1201 = vector.broadcast %mul3A_1200 : i32 to vector<16xi32>
      %mul3A_1202 = arith.muli %convert_element_type3A_1199, %mul3A_1201 : vector<16xi32>
      %add3A_1203 = arith.constant 2.000000e+00 : f32
      %add3A_1204 = vector.broadcast %add3A_1203 : f32 to vector<16xf32>
      %add3A_1205 = arith.addf %gather3A_1177, %add3A_1204 : vector<16xf32>
      %mul3A_1206 = arith.constant 1.225000e+01 : f32
      %mul3A_1207 = vector.broadcast %mul3A_1206 : f32 to vector<16xf32>
      %mul3A_1208 = arith.mulf %add3A_1205, %mul3A_1207 : vector<16xf32>
      %max3A_1209 = arith.constant 0.000000e+00 : f32
      %max3A_1210 = vector.broadcast %max3A_1209 : f32 to vector<16xf32>
      %max3A_1211 = arith.maximumf %mul3A_1208, %max3A_1210 : vector<16xf32>
      %min3A_1212 = arith.constant 4.900000e+01 : f32
      %min3A_1213 = vector.broadcast %min3A_1212 : f32 to vector<16xf32>
      %min3A_1214 = arith.minimumf %max3A_1211, %min3A_1213 : vector<16xf32>
      %convert_element_type3A_1215 = arith.fptosi %min3A_1214 : vector<16xf32> to vector<16xi32>
      %add3A_1216 = arith.addi %mul3A_1202, %convert_element_type3A_1215 : vector<16xi32>
      %mul3A_1217 = arith.constant 50 : i32
      %mul3A_1218 = vector.broadcast %mul3A_1217 : i32 to vector<16xi32>
      %mul3A_1219 = arith.muli %add3A_1216, %mul3A_1218 : vector<16xi32>
      %add3A_1220 = arith.constant 2.000000e+00 : f32
      %add3A_1221 = vector.broadcast %add3A_1220 : f32 to vector<16xf32>
      %add3A_1222 = arith.addf %gather3A_1181, %add3A_1221 : vector<16xf32>
      %mul3A_1223 = arith.constant 1.225000e+01 : f32
      %mul3A_1224 = vector.broadcast %mul3A_1223 : f32 to vector<16xf32>
      %mul3A_1225 = arith.mulf %add3A_1222, %mul3A_1224 : vector<16xf32>
      %max3A_1226 = arith.constant 0.000000e+00 : f32
      %max3A_1227 = vector.broadcast %max3A_1226 : f32 to vector<16xf32>
      %max3A_1228 = arith.maximumf %mul3A_1225, %max3A_1227 : vector<16xf32>
      %min3A_1229 = arith.constant 4.900000e+01 : f32
      %min3A_1230 = vector.broadcast %min3A_1229 : f32 to vector<16xf32>
      %min3A_1231 = arith.minimumf %max3A_1228, %min3A_1230 : vector<16xf32>
      %convert_element_type3A_1232 = arith.fptosi %min3A_1231 : vector<16xf32> to vector<16xi32>
      %add3A_1233 = arith.addi %mul3A_1219, %convert_element_type3A_1232 : vector<16xi32>
      tpu.vector_store_idx %arg9[%add3A_1233], %broadcast_in_dim3A_37 masked %gt3A_1186 : memref<125024xf32, #tpu.memory_space<vmem>>[vector<16xi32>], vector<16xf32>, vector<16xi1>
      %add3A_1234 = arith.constant 288 : i32
      %add3A_1235 = vector.broadcast %add3A_1234 : i32 to vector<16xi32>
      %add3A_1236 = arith.addi %mul3A_36, %add3A_1235 : vector<16xi32>
      %gather3A_1237 = tpu.vector_load_idx %arg5[%add3A_1236] : memref<768xf32, #tpu.memory_space<vmem>>[vector<16xi32>], vector<16xf32>,
      %add3A_1238 = arith.constant 1 : i32
      %add3A_1239 = vector.broadcast %add3A_1238 : i32 to vector<16xi32>
      %add3A_1240 = arith.addi %add3A_1236, %add3A_1239 : vector<16xi32>
      %gather3A_1241 = tpu.vector_load_idx %arg5[%add3A_1240] : memref<768xf32, #tpu.memory_space<vmem>>[vector<16xi32>], vector<16xf32>,
      %add3A_1242 = arith.constant 2 : i32
      %add3A_1243 = vector.broadcast %add3A_1242 : i32 to vector<16xi32>
      %add3A_1244 = arith.addi %add3A_1236, %add3A_1243 : vector<16xi32>
      %gather3A_1245 = tpu.vector_load_idx %arg5[%add3A_1244] : memref<768xf32, #tpu.memory_space<vmem>>[vector<16xi32>], vector<16xf32>,
      %get3A_1246 = arith.constant 48 : index
      %get3A_1247 = tpu.vector_load %arg7[%get3A_1246] {strides = array<i32>} : memref<128xf32, #tpu.memory_space<vmem>>, vector<16xf32>,
      %gt3A_1248 = arith.constant 0.000000e+00 : f32
      %gt3A_1249 = vector.broadcast %gt3A_1248 : f32 to vector<16xf32>
      %gt3A_1250 = arith.cmpf ogt, %get3A_1247, %gt3A_1249 : vector<16xf32>
      %add3A_1251 = arith.constant 2.000000e+00 : f32
      %add3A_1252 = vector.broadcast %add3A_1251 : f32 to vector<16xf32>
      %add3A_1253 = arith.addf %gather3A_1237, %add3A_1252 : vector<16xf32>
      %mul3A_1254 = arith.constant 1.225000e+01 : f32
      %mul3A_1255 = vector.broadcast %mul3A_1254 : f32 to vector<16xf32>
      %mul3A_1256 = arith.mulf %add3A_1253, %mul3A_1255 : vector<16xf32>
      %max3A_1257 = arith.constant 0.000000e+00 : f32
      %max3A_1258 = vector.broadcast %max3A_1257 : f32 to vector<16xf32>
      %max3A_1259 = arith.maximumf %mul3A_1256, %max3A_1258 : vector<16xf32>
      %min3A_1260 = arith.constant 4.900000e+01 : f32
      %min3A_1261 = vector.broadcast %min3A_1260 : f32 to vector<16xf32>
      %min3A_1262 = arith.minimumf %max3A_1259, %min3A_1261 : vector<16xf32>
      %convert_element_type3A_1263 = arith.fptosi %min3A_1262 : vector<16xf32> to vector<16xi32>
      %mul3A_1264 = arith.constant 50 : i32
      %mul3A_1265 = vector.broadcast %mul3A_1264 : i32 to vector<16xi32>
      %mul3A_1266 = arith.muli %convert_element_type3A_1263, %mul3A_1265 : vector<16xi32>
      %add3A_1267 = arith.constant 2.000000e+00 : f32
      %add3A_1268 = vector.broadcast %add3A_1267 : f32 to vector<16xf32>
      %add3A_1269 = arith.addf %gather3A_1241, %add3A_1268 : vector<16xf32>
      %mul3A_1270 = arith.constant 1.225000e+01 : f32
      %mul3A_1271 = vector.broadcast %mul3A_1270 : f32 to vector<16xf32>
      %mul3A_1272 = arith.mulf %add3A_1269, %mul3A_1271 : vector<16xf32>
      %max3A_1273 = arith.constant 0.000000e+00 : f32
      %max3A_1274 = vector.broadcast %max3A_1273 : f32 to vector<16xf32>
      %max3A_1275 = arith.maximumf %mul3A_1272, %max3A_1274 : vector<16xf32>
      %min3A_1276 = arith.constant 4.900000e+01 : f32
      %min3A_1277 = vector.broadcast %min3A_1276 : f32 to vector<16xf32>
      %min3A_1278 = arith.minimumf %max3A_1275, %min3A_1277 : vector<16xf32>
      %convert_element_type3A_1279 = arith.fptosi %min3A_1278 : vector<16xf32> to vector<16xi32>
      %add3A_1280 = arith.addi %mul3A_1266, %convert_element_type3A_1279 : vector<16xi32>
      %mul3A_1281 = arith.constant 50 : i32
      %mul3A_1282 = vector.broadcast %mul3A_1281 : i32 to vector<16xi32>
      %mul3A_1283 = arith.muli %add3A_1280, %mul3A_1282 : vector<16xi32>
      %add3A_1284 = arith.constant 2.000000e+00 : f32
      %add3A_1285 = vector.broadcast %add3A_1284 : f32 to vector<16xf32>
      %add3A_1286 = arith.addf %gather3A_1245, %add3A_1285 : vector<16xf32>
      %mul3A_1287 = arith.constant 1.225000e+01 : f32
      %mul3A_1288 = vector.broadcast %mul3A_1287 : f32 to vector<16xf32>
      %mul3A_1289 = arith.mulf %add3A_1286, %mul3A_1288 : vector<16xf32>
      %max3A_1290 = arith.constant 0.000000e+00 : f32
      %max3A_1291 = vector.broadcast %max3A_1290 : f32 to vector<16xf32>
      %max3A_1292 = arith.maximumf %mul3A_1289, %max3A_1291 : vector<16xf32>
      %min3A_1293 = arith.constant 4.900000e+01 : f32
      %min3A_1294 = vector.broadcast %min3A_1293 : f32 to vector<16xf32>
      %min3A_1295 = arith.minimumf %max3A_1292, %min3A_1294 : vector<16xf32>
      %convert_element_type3A_1296 = arith.fptosi %min3A_1295 : vector<16xf32> to vector<16xi32>
      %add3A_1297 = arith.addi %mul3A_1283, %convert_element_type3A_1296 : vector<16xi32>
      tpu.vector_store_idx %arg9[%add3A_1297], %broadcast_in_dim3A_37 masked %gt3A_1250 : memref<125024xf32, #tpu.memory_space<vmem>>[vector<16xi32>], vector<16xf32>, vector<16xi1>
      %add3A_1298 = arith.constant 384 : i32
      %add3A_1299 = vector.broadcast %add3A_1298 : i32 to vector<16xi32>
      %add3A_1300 = arith.addi %mul3A_36, %add3A_1299 : vector<16xi32>
      %gather3A_1301 = tpu.vector_load_idx %arg5[%add3A_1300] : memref<768xf32, #tpu.memory_space<vmem>>[vector<16xi32>], vector<16xf32>,
      %add3A_1302 = arith.constant 1 : i32
      %add3A_1303 = vector.broadcast %add3A_1302 : i32 to vector<16xi32>
      %add3A_1304 = arith.addi %add3A_1300, %add3A_1303 : vector<16xi32>
      %gather3A_1305 = tpu.vector_load_idx %arg5[%add3A_1304] : memref<768xf32, #tpu.memory_space<vmem>>[vector<16xi32>], vector<16xf32>,
      %add3A_1306 = arith.constant 2 : i32
      %add3A_1307 = vector.broadcast %add3A_1306 : i32 to vector<16xi32>
      %add3A_1308 = arith.addi %add3A_1300, %add3A_1307 : vector<16xi32>
      %gather3A_1309 = tpu.vector_load_idx %arg5[%add3A_1308] : memref<768xf32, #tpu.memory_space<vmem>>[vector<16xi32>], vector<16xf32>,
      %get3A_1310 = arith.constant 64 : index
      %get3A_1311 = tpu.vector_load %arg7[%get3A_1310] {strides = array<i32>} : memref<128xf32, #tpu.memory_space<vmem>>, vector<16xf32>,
      %gt3A_1312 = arith.constant 0.000000e+00 : f32
      %gt3A_1313 = vector.broadcast %gt3A_1312 : f32 to vector<16xf32>
      %gt3A_1314 = arith.cmpf ogt, %get3A_1311, %gt3A_1313 : vector<16xf32>
      %add3A_1315 = arith.constant 2.000000e+00 : f32
      %add3A_1316 = vector.broadcast %add3A_1315 : f32 to vector<16xf32>
      %add3A_1317 = arith.addf %gather3A_1301, %add3A_1316 : vector<16xf32>
      %mul3A_1318 = arith.constant 1.225000e+01 : f32
      %mul3A_1319 = vector.broadcast %mul3A_1318 : f32 to vector<16xf32>
      %mul3A_1320 = arith.mulf %add3A_1317, %mul3A_1319 : vector<16xf32>
      %max3A_1321 = arith.constant 0.000000e+00 : f32
      %max3A_1322 = vector.broadcast %max3A_1321 : f32 to vector<16xf32>
      %max3A_1323 = arith.maximumf %mul3A_1320, %max3A_1322 : vector<16xf32>
      %min3A_1324 = arith.constant 4.900000e+01 : f32
      %min3A_1325 = vector.broadcast %min3A_1324 : f32 to vector<16xf32>
      %min3A_1326 = arith.minimumf %max3A_1323, %min3A_1325 : vector<16xf32>
      %convert_element_type3A_1327 = arith.fptosi %min3A_1326 : vector<16xf32> to vector<16xi32>
      %mul3A_1328 = arith.constant 50 : i32
      %mul3A_1329 = vector.broadcast %mul3A_1328 : i32 to vector<16xi32>
      %mul3A_1330 = arith.muli %convert_element_type3A_1327, %mul3A_1329 : vector<16xi32>
      %add3A_1331 = arith.constant 2.000000e+00 : f32
      %add3A_1332 = vector.broadcast %add3A_1331 : f32 to vector<16xf32>
      %add3A_1333 = arith.addf %gather3A_1305, %add3A_1332 : vector<16xf32>
      %mul3A_1334 = arith.constant 1.225000e+01 : f32
      %mul3A_1335 = vector.broadcast %mul3A_1334 : f32 to vector<16xf32>
      %mul3A_1336 = arith.mulf %add3A_1333, %mul3A_1335 : vector<16xf32>
      %max3A_1337 = arith.constant 0.000000e+00 : f32
      %max3A_1338 = vector.broadcast %max3A_1337 : f32 to vector<16xf32>
      %max3A_1339 = arith.maximumf %mul3A_1336, %max3A_1338 : vector<16xf32>
      %min3A_1340 = arith.constant 4.900000e+01 : f32
      %min3A_1341 = vector.broadcast %min3A_1340 : f32 to vector<16xf32>
      %min3A_1342 = arith.minimumf %max3A_1339, %min3A_1341 : vector<16xf32>
      %convert_element_type3A_1343 = arith.fptosi %min3A_1342 : vector<16xf32> to vector<16xi32>
      %add3A_1344 = arith.addi %mul3A_1330, %convert_element_type3A_1343 : vector<16xi32>
      %mul3A_1345 = arith.constant 50 : i32
      %mul3A_1346 = vector.broadcast %mul3A_1345 : i32 to vector<16xi32>
      %mul3A_1347 = arith.muli %add3A_1344, %mul3A_1346 : vector<16xi32>
      %add3A_1348 = arith.constant 2.000000e+00 : f32
      %add3A_1349 = vector.broadcast %add3A_1348 : f32 to vector<16xf32>
      %add3A_1350 = arith.addf %gather3A_1309, %add3A_1349 : vector<16xf32>
      %mul3A_1351 = arith.constant 1.225000e+01 : f32
      %mul3A_1352 = vector.broadcast %mul3A_1351 : f32 to vector<16xf32>
      %mul3A_1353 = arith.mulf %add3A_1350, %mul3A_1352 : vector<16xf32>
      %max3A_1354 = arith.constant 0.000000e+00 : f32
      %max3A_1355 = vector.broadcast %max3A_1354 : f32 to vector<16xf32>
      %max3A_1356 = arith.maximumf %mul3A_1353, %max3A_1355 : vector<16xf32>
      %min3A_1357 = arith.constant 4.900000e+01 : f32
      %min3A_1358 = vector.broadcast %min3A_1357 : f32 to vector<16xf32>
      %min3A_1359 = arith.minimumf %max3A_1356, %min3A_1358 : vector<16xf32>
      %convert_element_type3A_1360 = arith.fptosi %min3A_1359 : vector<16xf32> to vector<16xi32>
      %add3A_1361 = arith.addi %mul3A_1347, %convert_element_type3A_1360 : vector<16xi32>
      tpu.vector_store_idx %arg9[%add3A_1361], %broadcast_in_dim3A_37 masked %gt3A_1314 : memref<125024xf32, #tpu.memory_space<vmem>>[vector<16xi32>], vector<16xf32>, vector<16xi1>
      %add3A_1362 = arith.constant 480 : i32
      %add3A_1363 = vector.broadcast %add3A_1362 : i32 to vector<16xi32>
      %add3A_1364 = arith.addi %mul3A_36, %add3A_1363 : vector<16xi32>
      %gather3A_1365 = tpu.vector_load_idx %arg5[%add3A_1364] : memref<768xf32, #tpu.memory_space<vmem>>[vector<16xi32>], vector<16xf32>,
      %add3A_1366 = arith.constant 1 : i32
      %add3A_1367 = vector.broadcast %add3A_1366 : i32 to vector<16xi32>
      %add3A_1368 = arith.addi %add3A_1364, %add3A_1367 : vector<16xi32>
      %gather3A_1369 = tpu.vector_load_idx %arg5[%add3A_1368] : memref<768xf32, #tpu.memory_space<vmem>>[vector<16xi32>], vector<16xf32>,
      %add3A_1370 = arith.constant 2 : i32
      %add3A_1371 = vector.broadcast %add3A_1370 : i32 to vector<16xi32>
      %add3A_1372 = arith.addi %add3A_1364, %add3A_1371 : vector<16xi32>
      %gather3A_1373 = tpu.vector_load_idx %arg5[%add3A_1372] : memref<768xf32, #tpu.memory_space<vmem>>[vector<16xi32>], vector<16xf32>,
      %get3A_1374 = arith.constant 80 : index
      %get3A_1375 = tpu.vector_load %arg7[%get3A_1374] {strides = array<i32>} : memref<128xf32, #tpu.memory_space<vmem>>, vector<16xf32>,
      %gt3A_1376 = arith.constant 0.000000e+00 : f32
      %gt3A_1377 = vector.broadcast %gt3A_1376 : f32 to vector<16xf32>
      %gt3A_1378 = arith.cmpf ogt, %get3A_1375, %gt3A_1377 : vector<16xf32>
      %add3A_1379 = arith.constant 2.000000e+00 : f32
      %add3A_1380 = vector.broadcast %add3A_1379 : f32 to vector<16xf32>
      %add3A_1381 = arith.addf %gather3A_1365, %add3A_1380 : vector<16xf32>
      %mul3A_1382 = arith.constant 1.225000e+01 : f32
      %mul3A_1383 = vector.broadcast %mul3A_1382 : f32 to vector<16xf32>
      %mul3A_1384 = arith.mulf %add3A_1381, %mul3A_1383 : vector<16xf32>
      %max3A_1385 = arith.constant 0.000000e+00 : f32
      %max3A_1386 = vector.broadcast %max3A_1385 : f32 to vector<16xf32>
      %max3A_1387 = arith.maximumf %mul3A_1384, %max3A_1386 : vector<16xf32>
      %min3A_1388 = arith.constant 4.900000e+01 : f32
      %min3A_1389 = vector.broadcast %min3A_1388 : f32 to vector<16xf32>
      %min3A_1390 = arith.minimumf %max3A_1387, %min3A_1389 : vector<16xf32>
      %convert_element_type3A_1391 = arith.fptosi %min3A_1390 : vector<16xf32> to vector<16xi32>
      %mul3A_1392 = arith.constant 50 : i32
      %mul3A_1393 = vector.broadcast %mul3A_1392 : i32 to vector<16xi32>
      %mul3A_1394 = arith.muli %convert_element_type3A_1391, %mul3A_1393 : vector<16xi32>
      %add3A_1395 = arith.constant 2.000000e+00 : f32
      %add3A_1396 = vector.broadcast %add3A_1395 : f32 to vector<16xf32>
      %add3A_1397 = arith.addf %gather3A_1369, %add3A_1396 : vector<16xf32>
      %mul3A_1398 = arith.constant 1.225000e+01 : f32
      %mul3A_1399 = vector.broadcast %mul3A_1398 : f32 to vector<16xf32>
      %mul3A_1400 = arith.mulf %add3A_1397, %mul3A_1399 : vector<16xf32>
      %max3A_1401 = arith.constant 0.000000e+00 : f32
      %max3A_1402 = vector.broadcast %max3A_1401 : f32 to vector<16xf32>
      %max3A_1403 = arith.maximumf %mul3A_1400, %max3A_1402 : vector<16xf32>
      %min3A_1404 = arith.constant 4.900000e+01 : f32
      %min3A_1405 = vector.broadcast %min3A_1404 : f32 to vector<16xf32>
      %min3A_1406 = arith.minimumf %max3A_1403, %min3A_1405 : vector<16xf32>
      %convert_element_type3A_1407 = arith.fptosi %min3A_1406 : vector<16xf32> to vector<16xi32>
      %add3A_1408 = arith.addi %mul3A_1394, %convert_element_type3A_1407 : vector<16xi32>
      %mul3A_1409 = arith.constant 50 : i32
      %mul3A_1410 = vector.broadcast %mul3A_1409 : i32 to vector<16xi32>
      %mul3A_1411 = arith.muli %add3A_1408, %mul3A_1410 : vector<16xi32>
      %add3A_1412 = arith.constant 2.000000e+00 : f32
      %add3A_1413 = vector.broadcast %add3A_1412 : f32 to vector<16xf32>
      %add3A_1414 = arith.addf %gather3A_1373, %add3A_1413 : vector<16xf32>
      %mul3A_1415 = arith.constant 1.225000e+01 : f32
      %mul3A_1416 = vector.broadcast %mul3A_1415 : f32 to vector<16xf32>
      %mul3A_1417 = arith.mulf %add3A_1414, %mul3A_1416 : vector<16xf32>
      %max3A_1418 = arith.constant 0.000000e+00 : f32
      %max3A_1419 = vector.broadcast %max3A_1418 : f32 to vector<16xf32>
      %max3A_1420 = arith.maximumf %mul3A_1417, %max3A_1419 : vector<16xf32>
      %min3A_1421 = arith.constant 4.900000e+01 : f32
      %min3A_1422 = vector.broadcast %min3A_1421 : f32 to vector<16xf32>
      %min3A_1423 = arith.minimumf %max3A_1420, %min3A_1422 : vector<16xf32>
      %convert_element_type3A_1424 = arith.fptosi %min3A_1423 : vector<16xf32> to vector<16xi32>
      %add3A_1425 = arith.addi %mul3A_1411, %convert_element_type3A_1424 : vector<16xi32>
      tpu.vector_store_idx %arg9[%add3A_1425], %broadcast_in_dim3A_37 masked %gt3A_1378 : memref<125024xf32, #tpu.memory_space<vmem>>[vector<16xi32>], vector<16xf32>, vector<16xi1>
      %add3A_1426 = arith.constant 576 : i32
      %add3A_1427 = vector.broadcast %add3A_1426 : i32 to vector<16xi32>
      %add3A_1428 = arith.addi %mul3A_36, %add3A_1427 : vector<16xi32>
      %gather3A_1429 = tpu.vector_load_idx %arg5[%add3A_1428] : memref<768xf32, #tpu.memory_space<vmem>>[vector<16xi32>], vector<16xf32>,
      %add3A_1430 = arith.constant 1 : i32
      %add3A_1431 = vector.broadcast %add3A_1430 : i32 to vector<16xi32>
      %add3A_1432 = arith.addi %add3A_1428, %add3A_1431 : vector<16xi32>
      %gather3A_1433 = tpu.vector_load_idx %arg5[%add3A_1432] : memref<768xf32, #tpu.memory_space<vmem>>[vector<16xi32>], vector<16xf32>,
      %add3A_1434 = arith.constant 2 : i32
      %add3A_1435 = vector.broadcast %add3A_1434 : i32 to vector<16xi32>
      %add3A_1436 = arith.addi %add3A_1428, %add3A_1435 : vector<16xi32>
      %gather3A_1437 = tpu.vector_load_idx %arg5[%add3A_1436] : memref<768xf32, #tpu.memory_space<vmem>>[vector<16xi32>], vector<16xf32>,
      %get3A_1438 = arith.constant 96 : index
      %get3A_1439 = tpu.vector_load %arg7[%get3A_1438] {strides = array<i32>} : memref<128xf32, #tpu.memory_space<vmem>>, vector<16xf32>,
      %gt3A_1440 = arith.constant 0.000000e+00 : f32
      %gt3A_1441 = vector.broadcast %gt3A_1440 : f32 to vector<16xf32>
      %gt3A_1442 = arith.cmpf ogt, %get3A_1439, %gt3A_1441 : vector<16xf32>
      %add3A_1443 = arith.constant 2.000000e+00 : f32
      %add3A_1444 = vector.broadcast %add3A_1443 : f32 to vector<16xf32>
      %add3A_1445 = arith.addf %gather3A_1429, %add3A_1444 : vector<16xf32>
      %mul3A_1446 = arith.constant 1.225000e+01 : f32
      %mul3A_1447 = vector.broadcast %mul3A_1446 : f32 to vector<16xf32>
      %mul3A_1448 = arith.mulf %add3A_1445, %mul3A_1447 : vector<16xf32>
      %max3A_1449 = arith.constant 0.000000e+00 : f32
      %max3A_1450 = vector.broadcast %max3A_1449 : f32 to vector<16xf32>
      %max3A_1451 = arith.maximumf %mul3A_1448, %max3A_1450 : vector<16xf32>
      %min3A_1452 = arith.constant 4.900000e+01 : f32
      %min3A_1453 = vector.broadcast %min3A_1452 : f32 to vector<16xf32>
      %min3A_1454 = arith.minimumf %max3A_1451, %min3A_1453 : vector<16xf32>
      %convert_element_type3A_1455 = arith.fptosi %min3A_1454 : vector<16xf32> to vector<16xi32>
      %mul3A_1456 = arith.constant 50 : i32
      %mul3A_1457 = vector.broadcast %mul3A_1456 : i32 to vector<16xi32>
      %mul3A_1458 = arith.muli %convert_element_type3A_1455, %mul3A_1457 : vector<16xi32>
      %add3A_1459 = arith.constant 2.000000e+00 : f32
      %add3A_1460 = vector.broadcast %add3A_1459 : f32 to vector<16xf32>
      %add3A_1461 = arith.addf %gather3A_1433, %add3A_1460 : vector<16xf32>
      %mul3A_1462 = arith.constant 1.225000e+01 : f32
      %mul3A_1463 = vector.broadcast %mul3A_1462 : f32 to vector<16xf32>
      %mul3A_1464 = arith.mulf %add3A_1461, %mul3A_1463 : vector<16xf32>
      %max3A_1465 = arith.constant 0.000000e+00 : f32
      %max3A_1466 = vector.broadcast %max3A_1465 : f32 to vector<16xf32>
      %max3A_1467 = arith.maximumf %mul3A_1464, %max3A_1466 : vector<16xf32>
      %min3A_1468 = arith.constant 4.900000e+01 : f32
      %min3A_1469 = vector.broadcast %min3A_1468 : f32 to vector<16xf32>
      %min3A_1470 = arith.minimumf %max3A_1467, %min3A_1469 : vector<16xf32>
      %convert_element_type3A_1471 = arith.fptosi %min3A_1470 : vector<16xf32> to vector<16xi32>
      %add3A_1472 = arith.addi %mul3A_1458, %convert_element_type3A_1471 : vector<16xi32>
      %mul3A_1473 = arith.constant 50 : i32
      %mul3A_1474 = vector.broadcast %mul3A_1473 : i32 to vector<16xi32>
      %mul3A_1475 = arith.muli %add3A_1472, %mul3A_1474 : vector<16xi32>
      %add3A_1476 = arith.constant 2.000000e+00 : f32
      %add3A_1477 = vector.broadcast %add3A_1476 : f32 to vector<16xf32>
      %add3A_1478 = arith.addf %gather3A_1437, %add3A_1477 : vector<16xf32>
      %mul3A_1479 = arith.constant 1.225000e+01 : f32
      %mul3A_1480 = vector.broadcast %mul3A_1479 : f32 to vector<16xf32>
      %mul3A_1481 = arith.mulf %add3A_1478, %mul3A_1480 : vector<16xf32>
      %max3A_1482 = arith.constant 0.000000e+00 : f32
      %max3A_1483 = vector.broadcast %max3A_1482 : f32 to vector<16xf32>
      %max3A_1484 = arith.maximumf %mul3A_1481, %max3A_1483 : vector<16xf32>
      %min3A_1485 = arith.constant 4.900000e+01 : f32
      %min3A_1486 = vector.broadcast %min3A_1485 : f32 to vector<16xf32>
      %min3A_1487 = arith.minimumf %max3A_1484, %min3A_1486 : vector<16xf32>
      %convert_element_type3A_1488 = arith.fptosi %min3A_1487 : vector<16xf32> to vector<16xi32>
      %add3A_1489 = arith.addi %mul3A_1475, %convert_element_type3A_1488 : vector<16xi32>
      tpu.vector_store_idx %arg9[%add3A_1489], %broadcast_in_dim3A_37 masked %gt3A_1442 : memref<125024xf32, #tpu.memory_space<vmem>>[vector<16xi32>], vector<16xf32>, vector<16xi1>
      %add3A_1490 = arith.constant 672 : i32
      %add3A_1491 = vector.broadcast %add3A_1490 : i32 to vector<16xi32>
      %add3A_1492 = arith.addi %mul3A_36, %add3A_1491 : vector<16xi32>
      %gather3A_1493 = tpu.vector_load_idx %arg5[%add3A_1492] : memref<768xf32, #tpu.memory_space<vmem>>[vector<16xi32>], vector<16xf32>,
      %add3A_1494 = arith.constant 1 : i32
      %add3A_1495 = vector.broadcast %add3A_1494 : i32 to vector<16xi32>
      %add3A_1496 = arith.addi %add3A_1492, %add3A_1495 : vector<16xi32>
      %gather3A_1497 = tpu.vector_load_idx %arg5[%add3A_1496] : memref<768xf32, #tpu.memory_space<vmem>>[vector<16xi32>], vector<16xf32>,
      %add3A_1498 = arith.constant 2 : i32
      %add3A_1499 = vector.broadcast %add3A_1498 : i32 to vector<16xi32>
      %add3A_1500 = arith.addi %add3A_1492, %add3A_1499 : vector<16xi32>
      %gather3A_1501 = tpu.vector_load_idx %arg5[%add3A_1500] : memref<768xf32, #tpu.memory_space<vmem>>[vector<16xi32>], vector<16xf32>,
      %get3A_1502 = arith.constant 112 : index
      %get3A_1503 = tpu.vector_load %arg7[%get3A_1502] {strides = array<i32>} : memref<128xf32, #tpu.memory_space<vmem>>, vector<16xf32>,
      %gt3A_1504 = arith.constant 0.000000e+00 : f32
      %gt3A_1505 = vector.broadcast %gt3A_1504 : f32 to vector<16xf32>
      %gt3A_1506 = arith.cmpf ogt, %get3A_1503, %gt3A_1505 : vector<16xf32>
      %add3A_1507 = arith.constant 2.000000e+00 : f32
      %add3A_1508 = vector.broadcast %add3A_1507 : f32 to vector<16xf32>
      %add3A_1509 = arith.addf %gather3A_1493, %add3A_1508 : vector<16xf32>
      %mul3A_1510 = arith.constant 1.225000e+01 : f32
      %mul3A_1511 = vector.broadcast %mul3A_1510 : f32 to vector<16xf32>
      %mul3A_1512 = arith.mulf %add3A_1509, %mul3A_1511 : vector<16xf32>
      %max3A_1513 = arith.constant 0.000000e+00 : f32
      %max3A_1514 = vector.broadcast %max3A_1513 : f32 to vector<16xf32>
      %max3A_1515 = arith.maximumf %mul3A_1512, %max3A_1514 : vector<16xf32>
      %min3A_1516 = arith.constant 4.900000e+01 : f32
      %min3A_1517 = vector.broadcast %min3A_1516 : f32 to vector<16xf32>
      %min3A_1518 = arith.minimumf %max3A_1515, %min3A_1517 : vector<16xf32>
      %convert_element_type3A_1519 = arith.fptosi %min3A_1518 : vector<16xf32> to vector<16xi32>
      %mul3A_1520 = arith.constant 50 : i32
      %mul3A_1521 = vector.broadcast %mul3A_1520 : i32 to vector<16xi32>
      %mul3A_1522 = arith.muli %convert_element_type3A_1519, %mul3A_1521 : vector<16xi32>
      %add3A_1523 = arith.constant 2.000000e+00 : f32
      %add3A_1524 = vector.broadcast %add3A_1523 : f32 to vector<16xf32>
      %add3A_1525 = arith.addf %gather3A_1497, %add3A_1524 : vector<16xf32>
      %mul3A_1526 = arith.constant 1.225000e+01 : f32
      %mul3A_1527 = vector.broadcast %mul3A_1526 : f32 to vector<16xf32>
      %mul3A_1528 = arith.mulf %add3A_1525, %mul3A_1527 : vector<16xf32>
      %max3A_1529 = arith.constant 0.000000e+00 : f32
      %max3A_1530 = vector.broadcast %max3A_1529 : f32 to vector<16xf32>
      %max3A_1531 = arith.maximumf %mul3A_1528, %max3A_1530 : vector<16xf32>
      %min3A_1532 = arith.constant 4.900000e+01 : f32
      %min3A_1533 = vector.broadcast %min3A_1532 : f32 to vector<16xf32>
      %min3A_1534 = arith.minimumf %max3A_1531, %min3A_1533 : vector<16xf32>
      %convert_element_type3A_1535 = arith.fptosi %min3A_1534 : vector<16xf32> to vector<16xi32>
      %add3A_1536 = arith.addi %mul3A_1522, %convert_element_type3A_1535 : vector<16xi32>
      %mul3A_1537 = arith.constant 50 : i32
      %mul3A_1538 = vector.broadcast %mul3A_1537 : i32 to vector<16xi32>
      %mul3A_1539 = arith.muli %add3A_1536, %mul3A_1538 : vector<16xi32>
      %add3A_1540 = arith.constant 2.000000e+00 : f32
      %add3A_1541 = vector.broadcast %add3A_1540 : f32 to vector<16xf32>
      %add3A_1542 = arith.addf %gather3A_1501, %add3A_1541 : vector<16xf32>
      %mul3A_1543 = arith.constant 1.225000e+01 : f32
      %mul3A_1544 = vector.broadcast %mul3A_1543 : f32 to vector<16xf32>
      %mul3A_1545 = arith.mulf %add3A_1542, %mul3A_1544 : vector<16xf32>
      %max3A_1546 = arith.constant 0.000000e+00 : f32
      %max3A_1547 = vector.broadcast %max3A_1546 : f32 to vector<16xf32>
      %max3A_1548 = arith.maximumf %mul3A_1545, %max3A_1547 : vector<16xf32>
      %min3A_1549 = arith.constant 4.900000e+01 : f32
      %min3A_1550 = vector.broadcast %min3A_1549 : f32 to vector<16xf32>
      %min3A_1551 = arith.minimumf %max3A_1548, %min3A_1550 : vector<16xf32>
      %convert_element_type3A_1552 = arith.fptosi %min3A_1551 : vector<16xf32> to vector<16xi32>
      %add3A_1553 = arith.addi %mul3A_1539, %convert_element_type3A_1552 : vector<16xi32>
      tpu.vector_store_idx %arg9[%add3A_1553], %broadcast_in_dim3A_37 masked %gt3A_1506 : memref<125024xf32, #tpu.memory_space<vmem>>[vector<16xi32>], vector<16xf32>, vector<16xi1>
      %add3A_1554 = arith.constant 2 : i32
      %add3A_1555 = arith.addi %add3A_1036, %add3A_1554 : i32
      %lt3A_1556 = arith.constant 512 : i32
      %lt3A_1557 = arith.cmpi slt, %add3A_1555, %lt3A_1556 : i32
      %convert_element_type3A_1558 = arith.extui %lt3A_1557 : i1 to i32
      %cond3A_1559 = arith.constant 0 : i32
      %cond3A_1560 = arith.cmpi ne, %convert_element_type3A_1558, %cond3A_1559 : i32
      scf.if %cond3A_1560 {
        %mul3A_2090 = arith.constant 768 : i32
        %mul3A_2091 = arith.muli %add3A_1555, %mul3A_2090 : i32
        %add3A_2092 = arith.addi %add3A_56, %mul3A_2091 : i32
        %dma_start3A_2093 = tpu.memref_slice %arg2[%add3A_2092] : memref<12582912xf32, #tpu.memory_space<hbm>> -> memref<768xf32, #tpu.memory_space<hbm>>
        %dma_start3A_2094 = tpu.memref_slice %arg2[%add3A_2092] : memref<12582912xf32, #tpu.memory_space<hbm>> -> memref<768xf32, #tpu.memory_space<hbm>>
        tpu.enqueue_dma source(%dma_start3A_2094 : memref<768xf32, #tpu.memory_space<hbm>>) target(%arg5 : memref<768xf32, #tpu.memory_space<vmem>>) target_semaphore(%arg17 : memref<!tpu.dma_semaphore, #tpu.memory_space<semaphore_mem>>)
        %mul3A_2095 = arith.constant 128 : i32
        %mul3A_2096 = arith.muli %add3A_1555, %mul3A_2095 : i32
        %add3A_2097 = arith.addi %add3A_61, %mul3A_2096 : i32
        %dma_start3A_2098 = tpu.memref_slice %arg3[%add3A_2097] : memref<2097152xf32, #tpu.memory_space<hbm>> -> memref<128xf32, #tpu.memory_space<hbm>>
        %dma_start3A_2099 = tpu.memref_slice %arg3[%add3A_2097] : memref<2097152xf32, #tpu.memory_space<hbm>> -> memref<128xf32, #tpu.memory_space<hbm>>
        tpu.enqueue_dma source(%dma_start3A_2099 : memref<128xf32, #tpu.memory_space<hbm>>) target(%arg7 : memref<128xf32, #tpu.memory_space<vmem>>) target_semaphore(%arg17 : memref<!tpu.dma_semaphore, #tpu.memory_space<semaphore_mem>>)
      } else {
      }
      %add3A_1561 = arith.constant 1 : i32
      %add3A_1562 = arith.addi %add3A_1034, %add3A_1561 : i32
      %dma_wait3A_1563 = arith.constant 0 : i32
      %dma_wait3A_1564 = tpu.memref_slice %arg2[%dma_wait3A_1563] : memref<12582912xf32, #tpu.memory_space<hbm>> -> memref<768xf32, #tpu.memory_space<hbm>>
      %dma_wait3A_1565 = arith.constant 0 : i32
      %dma_wait3A_1566 = tpu.memref_slice %arg2[%dma_wait3A_1565] : memref<12582912xf32, #tpu.memory_space<hbm>> -> memref<768xf32, #tpu.memory_space<hbm>>
      tpu.wait_dma2 semaphore(%arg18 : memref<!tpu.dma_semaphore, #tpu.memory_space<semaphore_mem>>) src(%dma_wait3A_1566 : memref<768xf32, #tpu.memory_space<hbm>>) dst(%arg6 : memref<768xf32, #tpu.memory_space<vmem>>)
      %dma_wait3A_1567 = arith.constant 0 : i32
      %dma_wait3A_1568 = tpu.memref_slice %arg3[%dma_wait3A_1567] : memref<2097152xf32, #tpu.memory_space<hbm>> -> memref<128xf32, #tpu.memory_space<hbm>>
      %dma_wait3A_1569 = arith.constant 0 : i32
      %dma_wait3A_1570 = tpu.memref_slice %arg3[%dma_wait3A_1569] : memref<2097152xf32, #tpu.memory_space<hbm>> -> memref<128xf32, #tpu.memory_space<hbm>>
      tpu.wait_dma2 semaphore(%arg18 : memref<!tpu.dma_semaphore, #tpu.memory_space<semaphore_mem>>) src(%dma_wait3A_1570 : memref<128xf32, #tpu.memory_space<hbm>>) dst(%arg8 : memref<128xf32, #tpu.memory_space<vmem>>)
      %add3A_1571 = arith.constant 0 : i32
      %add3A_1572 = vector.broadcast %add3A_1571 : i32 to vector<16xi32>
      %add3A_1573 = arith.addi %mul3A_36, %add3A_1572 : vector<16xi32>
      %gather3A_1574 = tpu.vector_load_idx %arg6[%add3A_1573] : memref<768xf32, #tpu.memory_space<vmem>>[vector<16xi32>], vector<16xf32>,
      %add3A_1575 = arith.constant 1 : i32
      %add3A_1576 = vector.broadcast %add3A_1575 : i32 to vector<16xi32>
      %add3A_1577 = arith.addi %add3A_1573, %add3A_1576 : vector<16xi32>
      %gather3A_1578 = tpu.vector_load_idx %arg6[%add3A_1577] : memref<768xf32, #tpu.memory_space<vmem>>[vector<16xi32>], vector<16xf32>,
      %add3A_1579 = arith.constant 2 : i32
      %add3A_1580 = vector.broadcast %add3A_1579 : i32 to vector<16xi32>
      %add3A_1581 = arith.addi %add3A_1573, %add3A_1580 : vector<16xi32>
      %gather3A_1582 = tpu.vector_load_idx %arg6[%add3A_1581] : memref<768xf32, #tpu.memory_space<vmem>>[vector<16xi32>], vector<16xf32>,
      %get3A_1583 = arith.constant 0 : index
      %get3A_1584 = tpu.vector_load %arg8[%get3A_1583] {strides = array<i32>} : memref<128xf32, #tpu.memory_space<vmem>>, vector<16xf32>,
      %gt3A_1585 = arith.constant 0.000000e+00 : f32
      %gt3A_1586 = vector.broadcast %gt3A_1585 : f32 to vector<16xf32>
      %gt3A_1587 = arith.cmpf ogt, %get3A_1584, %gt3A_1586 : vector<16xf32>
      %add3A_1588 = arith.constant 2.000000e+00 : f32
      %add3A_1589 = vector.broadcast %add3A_1588 : f32 to vector<16xf32>
      %add3A_1590 = arith.addf %gather3A_1574, %add3A_1589 : vector<16xf32>
      %mul3A_1591 = arith.constant 1.225000e+01 : f32
      %mul3A_1592 = vector.broadcast %mul3A_1591 : f32 to vector<16xf32>
      %mul3A_1593 = arith.mulf %add3A_1590, %mul3A_1592 : vector<16xf32>
      %max3A_1594 = arith.constant 0.000000e+00 : f32
      %max3A_1595 = vector.broadcast %max3A_1594 : f32 to vector<16xf32>
      %max3A_1596 = arith.maximumf %mul3A_1593, %max3A_1595 : vector<16xf32>
      %min3A_1597 = arith.constant 4.900000e+01 : f32
      %min3A_1598 = vector.broadcast %min3A_1597 : f32 to vector<16xf32>
      %min3A_1599 = arith.minimumf %max3A_1596, %min3A_1598 : vector<16xf32>
      %convert_element_type3A_1600 = arith.fptosi %min3A_1599 : vector<16xf32> to vector<16xi32>
      %mul3A_1601 = arith.constant 50 : i32
      %mul3A_1602 = vector.broadcast %mul3A_1601 : i32 to vector<16xi32>
      %mul3A_1603 = arith.muli %convert_element_type3A_1600, %mul3A_1602 : vector<16xi32>
      %add3A_1604 = arith.constant 2.000000e+00 : f32
      %add3A_1605 = vector.broadcast %add3A_1604 : f32 to vector<16xf32>
      %add3A_1606 = arith.addf %gather3A_1578, %add3A_1605 : vector<16xf32>
      %mul3A_1607 = arith.constant 1.225000e+01 : f32
      %mul3A_1608 = vector.broadcast %mul3A_1607 : f32 to vector<16xf32>
      %mul3A_1609 = arith.mulf %add3A_1606, %mul3A_1608 : vector<16xf32>
      %max3A_1610 = arith.constant 0.000000e+00 : f32
      %max3A_1611 = vector.broadcast %max3A_1610 : f32 to vector<16xf32>
      %max3A_1612 = arith.maximumf %mul3A_1609, %max3A_1611 : vector<16xf32>
      %min3A_1613 = arith.constant 4.900000e+01 : f32
      %min3A_1614 = vector.broadcast %min3A_1613 : f32 to vector<16xf32>
      %min3A_1615 = arith.minimumf %max3A_1612, %min3A_1614 : vector<16xf32>
      %convert_element_type3A_1616 = arith.fptosi %min3A_1615 : vector<16xf32> to vector<16xi32>
      %add3A_1617 = arith.addi %mul3A_1603, %convert_element_type3A_1616 : vector<16xi32>
      %mul3A_1618 = arith.constant 50 : i32
      %mul3A_1619 = vector.broadcast %mul3A_1618 : i32 to vector<16xi32>
      %mul3A_1620 = arith.muli %add3A_1617, %mul3A_1619 : vector<16xi32>
      %add3A_1621 = arith.constant 2.000000e+00 : f32
      %add3A_1622 = vector.broadcast %add3A_1621 : f32 to vector<16xf32>
      %add3A_1623 = arith.addf %gather3A_1582, %add3A_1622 : vector<16xf32>
      %mul3A_1624 = arith.constant 1.225000e+01 : f32
      %mul3A_1625 = vector.broadcast %mul3A_1624 : f32 to vector<16xf32>
      %mul3A_1626 = arith.mulf %add3A_1623, %mul3A_1625 : vector<16xf32>
      %max3A_1627 = arith.constant 0.000000e+00 : f32
      %max3A_1628 = vector.broadcast %max3A_1627 : f32 to vector<16xf32>
      %max3A_1629 = arith.maximumf %mul3A_1626, %max3A_1628 : vector<16xf32>
      %min3A_1630 = arith.constant 4.900000e+01 : f32
      %min3A_1631 = vector.broadcast %min3A_1630 : f32 to vector<16xf32>
      %min3A_1632 = arith.minimumf %max3A_1629, %min3A_1631 : vector<16xf32>
      %convert_element_type3A_1633 = arith.fptosi %min3A_1632 : vector<16xf32> to vector<16xi32>
      %add3A_1634 = arith.addi %mul3A_1620, %convert_element_type3A_1633 : vector<16xi32>
      tpu.vector_store_idx %arg9[%add3A_1634], %broadcast_in_dim3A_37 masked %gt3A_1587 : memref<125024xf32, #tpu.memory_space<vmem>>[vector<16xi32>], vector<16xf32>, vector<16xi1>
      %add3A_1635 = arith.constant 96 : i32
      %add3A_1636 = vector.broadcast %add3A_1635 : i32 to vector<16xi32>
      %add3A_1637 = arith.addi %mul3A_36, %add3A_1636 : vector<16xi32>
      %gather3A_1638 = tpu.vector_load_idx %arg6[%add3A_1637] : memref<768xf32, #tpu.memory_space<vmem>>[vector<16xi32>], vector<16xf32>,
      %add3A_1639 = arith.constant 1 : i32
      %add3A_1640 = vector.broadcast %add3A_1639 : i32 to vector<16xi32>
      %add3A_1641 = arith.addi %add3A_1637, %add3A_1640 : vector<16xi32>
      %gather3A_1642 = tpu.vector_load_idx %arg6[%add3A_1641] : memref<768xf32, #tpu.memory_space<vmem>>[vector<16xi32>], vector<16xf32>,
      %add3A_1643 = arith.constant 2 : i32
      %add3A_1644 = vector.broadcast %add3A_1643 : i32 to vector<16xi32>
      %add3A_1645 = arith.addi %add3A_1637, %add3A_1644 : vector<16xi32>
      %gather3A_1646 = tpu.vector_load_idx %arg6[%add3A_1645] : memref<768xf32, #tpu.memory_space<vmem>>[vector<16xi32>], vector<16xf32>,
      %get3A_1647 = arith.constant 16 : index
      %get3A_1648 = tpu.vector_load %arg8[%get3A_1647] {strides = array<i32>} : memref<128xf32, #tpu.memory_space<vmem>>, vector<16xf32>,
      %gt3A_1649 = arith.constant 0.000000e+00 : f32
      %gt3A_1650 = vector.broadcast %gt3A_1649 : f32 to vector<16xf32>
      %gt3A_1651 = arith.cmpf ogt, %get3A_1648, %gt3A_1650 : vector<16xf32>
      %add3A_1652 = arith.constant 2.000000e+00 : f32
      %add3A_1653 = vector.broadcast %add3A_1652 : f32 to vector<16xf32>
      %add3A_1654 = arith.addf %gather3A_1638, %add3A_1653 : vector<16xf32>
      %mul3A_1655 = arith.constant 1.225000e+01 : f32
      %mul3A_1656 = vector.broadcast %mul3A_1655 : f32 to vector<16xf32>
      %mul3A_1657 = arith.mulf %add3A_1654, %mul3A_1656 : vector<16xf32>
      %max3A_1658 = arith.constant 0.000000e+00 : f32
      %max3A_1659 = vector.broadcast %max3A_1658 : f32 to vector<16xf32>
      %max3A_1660 = arith.maximumf %mul3A_1657, %max3A_1659 : vector<16xf32>
      %min3A_1661 = arith.constant 4.900000e+01 : f32
      %min3A_1662 = vector.broadcast %min3A_1661 : f32 to vector<16xf32>
      %min3A_1663 = arith.minimumf %max3A_1660, %min3A_1662 : vector<16xf32>
      %convert_element_type3A_1664 = arith.fptosi %min3A_1663 : vector<16xf32> to vector<16xi32>
      %mul3A_1665 = arith.constant 50 : i32
      %mul3A_1666 = vector.broadcast %mul3A_1665 : i32 to vector<16xi32>
      %mul3A_1667 = arith.muli %convert_element_type3A_1664, %mul3A_1666 : vector<16xi32>
      %add3A_1668 = arith.constant 2.000000e+00 : f32
      %add3A_1669 = vector.broadcast %add3A_1668 : f32 to vector<16xf32>
      %add3A_1670 = arith.addf %gather3A_1642, %add3A_1669 : vector<16xf32>
      %mul3A_1671 = arith.constant 1.225000e+01 : f32
      %mul3A_1672 = vector.broadcast %mul3A_1671 : f32 to vector<16xf32>
      %mul3A_1673 = arith.mulf %add3A_1670, %mul3A_1672 : vector<16xf32>
      %max3A_1674 = arith.constant 0.000000e+00 : f32
      %max3A_1675 = vector.broadcast %max3A_1674 : f32 to vector<16xf32>
      %max3A_1676 = arith.maximumf %mul3A_1673, %max3A_1675 : vector<16xf32>
      %min3A_1677 = arith.constant 4.900000e+01 : f32
      %min3A_1678 = vector.broadcast %min3A_1677 : f32 to vector<16xf32>
      %min3A_1679 = arith.minimumf %max3A_1676, %min3A_1678 : vector<16xf32>
      %convert_element_type3A_1680 = arith.fptosi %min3A_1679 : vector<16xf32> to vector<16xi32>
      %add3A_1681 = arith.addi %mul3A_1667, %convert_element_type3A_1680 : vector<16xi32>
      %mul3A_1682 = arith.constant 50 : i32
      %mul3A_1683 = vector.broadcast %mul3A_1682 : i32 to vector<16xi32>
      %mul3A_1684 = arith.muli %add3A_1681, %mul3A_1683 : vector<16xi32>
      %add3A_1685 = arith.constant 2.000000e+00 : f32
      %add3A_1686 = vector.broadcast %add3A_1685 : f32 to vector<16xf32>
      %add3A_1687 = arith.addf %gather3A_1646, %add3A_1686 : vector<16xf32>
      %mul3A_1688 = arith.constant 1.225000e+01 : f32
      %mul3A_1689 = vector.broadcast %mul3A_1688 : f32 to vector<16xf32>
      %mul3A_1690 = arith.mulf %add3A_1687, %mul3A_1689 : vector<16xf32>
      %max3A_1691 = arith.constant 0.000000e+00 : f32
      %max3A_1692 = vector.broadcast %max3A_1691 : f32 to vector<16xf32>
      %max3A_1693 = arith.maximumf %mul3A_1690, %max3A_1692 : vector<16xf32>
      %min3A_1694 = arith.constant 4.900000e+01 : f32
      %min3A_1695 = vector.broadcast %min3A_1694 : f32 to vector<16xf32>
      %min3A_1696 = arith.minimumf %max3A_1693, %min3A_1695 : vector<16xf32>
      %convert_element_type3A_1697 = arith.fptosi %min3A_1696 : vector<16xf32> to vector<16xi32>
      %add3A_1698 = arith.addi %mul3A_1684, %convert_element_type3A_1697 : vector<16xi32>
      tpu.vector_store_idx %arg9[%add3A_1698], %broadcast_in_dim3A_37 masked %gt3A_1651 : memref<125024xf32, #tpu.memory_space<vmem>>[vector<16xi32>], vector<16xf32>, vector<16xi1>
      %add3A_1699 = arith.constant 192 : i32
      %add3A_1700 = vector.broadcast %add3A_1699 : i32 to vector<16xi32>
      %add3A_1701 = arith.addi %mul3A_36, %add3A_1700 : vector<16xi32>
      %gather3A_1702 = tpu.vector_load_idx %arg6[%add3A_1701] : memref<768xf32, #tpu.memory_space<vmem>>[vector<16xi32>], vector<16xf32>,
      %add3A_1703 = arith.constant 1 : i32
      %add3A_1704 = vector.broadcast %add3A_1703 : i32 to vector<16xi32>
      %add3A_1705 = arith.addi %add3A_1701, %add3A_1704 : vector<16xi32>
      %gather3A_1706 = tpu.vector_load_idx %arg6[%add3A_1705] : memref<768xf32, #tpu.memory_space<vmem>>[vector<16xi32>], vector<16xf32>,
      %add3A_1707 = arith.constant 2 : i32
      %add3A_1708 = vector.broadcast %add3A_1707 : i32 to vector<16xi32>
      %add3A_1709 = arith.addi %add3A_1701, %add3A_1708 : vector<16xi32>
      %gather3A_1710 = tpu.vector_load_idx %arg6[%add3A_1709] : memref<768xf32, #tpu.memory_space<vmem>>[vector<16xi32>], vector<16xf32>,
      %get3A_1711 = arith.constant 32 : index
      %get3A_1712 = tpu.vector_load %arg8[%get3A_1711] {strides = array<i32>} : memref<128xf32, #tpu.memory_space<vmem>>, vector<16xf32>,
      %gt3A_1713 = arith.constant 0.000000e+00 : f32
      %gt3A_1714 = vector.broadcast %gt3A_1713 : f32 to vector<16xf32>
      %gt3A_1715 = arith.cmpf ogt, %get3A_1712, %gt3A_1714 : vector<16xf32>
      %add3A_1716 = arith.constant 2.000000e+00 : f32
      %add3A_1717 = vector.broadcast %add3A_1716 : f32 to vector<16xf32>
      %add3A_1718 = arith.addf %gather3A_1702, %add3A_1717 : vector<16xf32>
      %mul3A_1719 = arith.constant 1.225000e+01 : f32
      %mul3A_1720 = vector.broadcast %mul3A_1719 : f32 to vector<16xf32>
      %mul3A_1721 = arith.mulf %add3A_1718, %mul3A_1720 : vector<16xf32>
      %max3A_1722 = arith.constant 0.000000e+00 : f32
      %max3A_1723 = vector.broadcast %max3A_1722 : f32 to vector<16xf32>
      %max3A_1724 = arith.maximumf %mul3A_1721, %max3A_1723 : vector<16xf32>
      %min3A_1725 = arith.constant 4.900000e+01 : f32
      %min3A_1726 = vector.broadcast %min3A_1725 : f32 to vector<16xf32>
      %min3A_1727 = arith.minimumf %max3A_1724, %min3A_1726 : vector<16xf32>
      %convert_element_type3A_1728 = arith.fptosi %min3A_1727 : vector<16xf32> to vector<16xi32>
      %mul3A_1729 = arith.constant 50 : i32
      %mul3A_1730 = vector.broadcast %mul3A_1729 : i32 to vector<16xi32>
      %mul3A_1731 = arith.muli %convert_element_type3A_1728, %mul3A_1730 : vector<16xi32>
      %add3A_1732 = arith.constant 2.000000e+00 : f32
      %add3A_1733 = vector.broadcast %add3A_1732 : f32 to vector<16xf32>
      %add3A_1734 = arith.addf %gather3A_1706, %add3A_1733 : vector<16xf32>
      %mul3A_1735 = arith.constant 1.225000e+01 : f32
      %mul3A_1736 = vector.broadcast %mul3A_1735 : f32 to vector<16xf32>
      %mul3A_1737 = arith.mulf %add3A_1734, %mul3A_1736 : vector<16xf32>
      %max3A_1738 = arith.constant 0.000000e+00 : f32
      %max3A_1739 = vector.broadcast %max3A_1738 : f32 to vector<16xf32>
      %max3A_1740 = arith.maximumf %mul3A_1737, %max3A_1739 : vector<16xf32>
      %min3A_1741 = arith.constant 4.900000e+01 : f32
      %min3A_1742 = vector.broadcast %min3A_1741 : f32 to vector<16xf32>
      %min3A_1743 = arith.minimumf %max3A_1740, %min3A_1742 : vector<16xf32>
      %convert_element_type3A_1744 = arith.fptosi %min3A_1743 : vector<16xf32> to vector<16xi32>
      %add3A_1745 = arith.addi %mul3A_1731, %convert_element_type3A_1744 : vector<16xi32>
      %mul3A_1746 = arith.constant 50 : i32
      %mul3A_1747 = vector.broadcast %mul3A_1746 : i32 to vector<16xi32>
      %mul3A_1748 = arith.muli %add3A_1745, %mul3A_1747 : vector<16xi32>
      %add3A_1749 = arith.constant 2.000000e+00 : f32
      %add3A_1750 = vector.broadcast %add3A_1749 : f32 to vector<16xf32>
      %add3A_1751 = arith.addf %gather3A_1710, %add3A_1750 : vector<16xf32>
      %mul3A_1752 = arith.constant 1.225000e+01 : f32
      %mul3A_1753 = vector.broadcast %mul3A_1752 : f32 to vector<16xf32>
      %mul3A_1754 = arith.mulf %add3A_1751, %mul3A_1753 : vector<16xf32>
      %max3A_1755 = arith.constant 0.000000e+00 : f32
      %max3A_1756 = vector.broadcast %max3A_1755 : f32 to vector<16xf32>
      %max3A_1757 = arith.maximumf %mul3A_1754, %max3A_1756 : vector<16xf32>
      %min3A_1758 = arith.constant 4.900000e+01 : f32
      %min3A_1759 = vector.broadcast %min3A_1758 : f32 to vector<16xf32>
      %min3A_1760 = arith.minimumf %max3A_1757, %min3A_1759 : vector<16xf32>
      %convert_element_type3A_1761 = arith.fptosi %min3A_1760 : vector<16xf32> to vector<16xi32>
      %add3A_1762 = arith.addi %mul3A_1748, %convert_element_type3A_1761 : vector<16xi32>
      tpu.vector_store_idx %arg9[%add3A_1762], %broadcast_in_dim3A_37 masked %gt3A_1715 : memref<125024xf32, #tpu.memory_space<vmem>>[vector<16xi32>], vector<16xf32>, vector<16xi1>
      %add3A_1763 = arith.constant 288 : i32
      %add3A_1764 = vector.broadcast %add3A_1763 : i32 to vector<16xi32>
      %add3A_1765 = arith.addi %mul3A_36, %add3A_1764 : vector<16xi32>
      %gather3A_1766 = tpu.vector_load_idx %arg6[%add3A_1765] : memref<768xf32, #tpu.memory_space<vmem>>[vector<16xi32>], vector<16xf32>,
      %add3A_1767 = arith.constant 1 : i32
      %add3A_1768 = vector.broadcast %add3A_1767 : i32 to vector<16xi32>
      %add3A_1769 = arith.addi %add3A_1765, %add3A_1768 : vector<16xi32>
      %gather3A_1770 = tpu.vector_load_idx %arg6[%add3A_1769] : memref<768xf32, #tpu.memory_space<vmem>>[vector<16xi32>], vector<16xf32>,
      %add3A_1771 = arith.constant 2 : i32
      %add3A_1772 = vector.broadcast %add3A_1771 : i32 to vector<16xi32>
      %add3A_1773 = arith.addi %add3A_1765, %add3A_1772 : vector<16xi32>
      %gather3A_1774 = tpu.vector_load_idx %arg6[%add3A_1773] : memref<768xf32, #tpu.memory_space<vmem>>[vector<16xi32>], vector<16xf32>,
      %get3A_1775 = arith.constant 48 : index
      %get3A_1776 = tpu.vector_load %arg8[%get3A_1775] {strides = array<i32>} : memref<128xf32, #tpu.memory_space<vmem>>, vector<16xf32>,
      %gt3A_1777 = arith.constant 0.000000e+00 : f32
      %gt3A_1778 = vector.broadcast %gt3A_1777 : f32 to vector<16xf32>
      %gt3A_1779 = arith.cmpf ogt, %get3A_1776, %gt3A_1778 : vector<16xf32>
      %add3A_1780 = arith.constant 2.000000e+00 : f32
      %add3A_1781 = vector.broadcast %add3A_1780 : f32 to vector<16xf32>
      %add3A_1782 = arith.addf %gather3A_1766, %add3A_1781 : vector<16xf32>
      %mul3A_1783 = arith.constant 1.225000e+01 : f32
      %mul3A_1784 = vector.broadcast %mul3A_1783 : f32 to vector<16xf32>
      %mul3A_1785 = arith.mulf %add3A_1782, %mul3A_1784 : vector<16xf32>
      %max3A_1786 = arith.constant 0.000000e+00 : f32
      %max3A_1787 = vector.broadcast %max3A_1786 : f32 to vector<16xf32>
      %max3A_1788 = arith.maximumf %mul3A_1785, %max3A_1787 : vector<16xf32>
      %min3A_1789 = arith.constant 4.900000e+01 : f32
      %min3A_1790 = vector.broadcast %min3A_1789 : f32 to vector<16xf32>
      %min3A_1791 = arith.minimumf %max3A_1788, %min3A_1790 : vector<16xf32>
      %convert_element_type3A_1792 = arith.fptosi %min3A_1791 : vector<16xf32> to vector<16xi32>
      %mul3A_1793 = arith.constant 50 : i32
      %mul3A_1794 = vector.broadcast %mul3A_1793 : i32 to vector<16xi32>
      %mul3A_1795 = arith.muli %convert_element_type3A_1792, %mul3A_1794 : vector<16xi32>
      %add3A_1796 = arith.constant 2.000000e+00 : f32
      %add3A_1797 = vector.broadcast %add3A_1796 : f32 to vector<16xf32>
      %add3A_1798 = arith.addf %gather3A_1770, %add3A_1797 : vector<16xf32>
      %mul3A_1799 = arith.constant 1.225000e+01 : f32
      %mul3A_1800 = vector.broadcast %mul3A_1799 : f32 to vector<16xf32>
      %mul3A_1801 = arith.mulf %add3A_1798, %mul3A_1800 : vector<16xf32>
      %max3A_1802 = arith.constant 0.000000e+00 : f32
      %max3A_1803 = vector.broadcast %max3A_1802 : f32 to vector<16xf32>
      %max3A_1804 = arith.maximumf %mul3A_1801, %max3A_1803 : vector<16xf32>
      %min3A_1805 = arith.constant 4.900000e+01 : f32
      %min3A_1806 = vector.broadcast %min3A_1805 : f32 to vector<16xf32>
      %min3A_1807 = arith.minimumf %max3A_1804, %min3A_1806 : vector<16xf32>
      %convert_element_type3A_1808 = arith.fptosi %min3A_1807 : vector<16xf32> to vector<16xi32>
      %add3A_1809 = arith.addi %mul3A_1795, %convert_element_type3A_1808 : vector<16xi32>
      %mul3A_1810 = arith.constant 50 : i32
      %mul3A_1811 = vector.broadcast %mul3A_1810 : i32 to vector<16xi32>
      %mul3A_1812 = arith.muli %add3A_1809, %mul3A_1811 : vector<16xi32>
      %add3A_1813 = arith.constant 2.000000e+00 : f32
      %add3A_1814 = vector.broadcast %add3A_1813 : f32 to vector<16xf32>
      %add3A_1815 = arith.addf %gather3A_1774, %add3A_1814 : vector<16xf32>
      %mul3A_1816 = arith.constant 1.225000e+01 : f32
      %mul3A_1817 = vector.broadcast %mul3A_1816 : f32 to vector<16xf32>
      %mul3A_1818 = arith.mulf %add3A_1815, %mul3A_1817 : vector<16xf32>
      %max3A_1819 = arith.constant 0.000000e+00 : f32
      %max3A_1820 = vector.broadcast %max3A_1819 : f32 to vector<16xf32>
      %max3A_1821 = arith.maximumf %mul3A_1818, %max3A_1820 : vector<16xf32>
      %min3A_1822 = arith.constant 4.900000e+01 : f32
      %min3A_1823 = vector.broadcast %min3A_1822 : f32 to vector<16xf32>
      %min3A_1824 = arith.minimumf %max3A_1821, %min3A_1823 : vector<16xf32>
      %convert_element_type3A_1825 = arith.fptosi %min3A_1824 : vector<16xf32> to vector<16xi32>
      %add3A_1826 = arith.addi %mul3A_1812, %convert_element_type3A_1825 : vector<16xi32>
      tpu.vector_store_idx %arg9[%add3A_1826], %broadcast_in_dim3A_37 masked %gt3A_1779 : memref<125024xf32, #tpu.memory_space<vmem>>[vector<16xi32>], vector<16xf32>, vector<16xi1>
      %add3A_1827 = arith.constant 384 : i32
      %add3A_1828 = vector.broadcast %add3A_1827 : i32 to vector<16xi32>
      %add3A_1829 = arith.addi %mul3A_36, %add3A_1828 : vector<16xi32>
      %gather3A_1830 = tpu.vector_load_idx %arg6[%add3A_1829] : memref<768xf32, #tpu.memory_space<vmem>>[vector<16xi32>], vector<16xf32>,
      %add3A_1831 = arith.constant 1 : i32
      %add3A_1832 = vector.broadcast %add3A_1831 : i32 to vector<16xi32>
      %add3A_1833 = arith.addi %add3A_1829, %add3A_1832 : vector<16xi32>
      %gather3A_1834 = tpu.vector_load_idx %arg6[%add3A_1833] : memref<768xf32, #tpu.memory_space<vmem>>[vector<16xi32>], vector<16xf32>,
      %add3A_1835 = arith.constant 2 : i32
      %add3A_1836 = vector.broadcast %add3A_1835 : i32 to vector<16xi32>
      %add3A_1837 = arith.addi %add3A_1829, %add3A_1836 : vector<16xi32>
      %gather3A_1838 = tpu.vector_load_idx %arg6[%add3A_1837] : memref<768xf32, #tpu.memory_space<vmem>>[vector<16xi32>], vector<16xf32>,
      %get3A_1839 = arith.constant 64 : index
      %get3A_1840 = tpu.vector_load %arg8[%get3A_1839] {strides = array<i32>} : memref<128xf32, #tpu.memory_space<vmem>>, vector<16xf32>,
      %gt3A_1841 = arith.constant 0.000000e+00 : f32
      %gt3A_1842 = vector.broadcast %gt3A_1841 : f32 to vector<16xf32>
      %gt3A_1843 = arith.cmpf ogt, %get3A_1840, %gt3A_1842 : vector<16xf32>
      %add3A_1844 = arith.constant 2.000000e+00 : f32
      %add3A_1845 = vector.broadcast %add3A_1844 : f32 to vector<16xf32>
      %add3A_1846 = arith.addf %gather3A_1830, %add3A_1845 : vector<16xf32>
      %mul3A_1847 = arith.constant 1.225000e+01 : f32
      %mul3A_1848 = vector.broadcast %mul3A_1847 : f32 to vector<16xf32>
      %mul3A_1849 = arith.mulf %add3A_1846, %mul3A_1848 : vector<16xf32>
      %max3A_1850 = arith.constant 0.000000e+00 : f32
      %max3A_1851 = vector.broadcast %max3A_1850 : f32 to vector<16xf32>
      %max3A_1852 = arith.maximumf %mul3A_1849, %max3A_1851 : vector<16xf32>
      %min3A_1853 = arith.constant 4.900000e+01 : f32
      %min3A_1854 = vector.broadcast %min3A_1853 : f32 to vector<16xf32>
      %min3A_1855 = arith.minimumf %max3A_1852, %min3A_1854 : vector<16xf32>
      %convert_element_type3A_1856 = arith.fptosi %min3A_1855 : vector<16xf32> to vector<16xi32>
      %mul3A_1857 = arith.constant 50 : i32
      %mul3A_1858 = vector.broadcast %mul3A_1857 : i32 to vector<16xi32>
      %mul3A_1859 = arith.muli %convert_element_type3A_1856, %mul3A_1858 : vector<16xi32>
      %add3A_1860 = arith.constant 2.000000e+00 : f32
      %add3A_1861 = vector.broadcast %add3A_1860 : f32 to vector<16xf32>
      %add3A_1862 = arith.addf %gather3A_1834, %add3A_1861 : vector<16xf32>
      %mul3A_1863 = arith.constant 1.225000e+01 : f32
      %mul3A_1864 = vector.broadcast %mul3A_1863 : f32 to vector<16xf32>
      %mul3A_1865 = arith.mulf %add3A_1862, %mul3A_1864 : vector<16xf32>
      %max3A_1866 = arith.constant 0.000000e+00 : f32
      %max3A_1867 = vector.broadcast %max3A_1866 : f32 to vector<16xf32>
      %max3A_1868 = arith.maximumf %mul3A_1865, %max3A_1867 : vector<16xf32>
      %min3A_1869 = arith.constant 4.900000e+01 : f32
      %min3A_1870 = vector.broadcast %min3A_1869 : f32 to vector<16xf32>
      %min3A_1871 = arith.minimumf %max3A_1868, %min3A_1870 : vector<16xf32>
      %convert_element_type3A_1872 = arith.fptosi %min3A_1871 : vector<16xf32> to vector<16xi32>
      %add3A_1873 = arith.addi %mul3A_1859, %convert_element_type3A_1872 : vector<16xi32>
      %mul3A_1874 = arith.constant 50 : i32
      %mul3A_1875 = vector.broadcast %mul3A_1874 : i32 to vector<16xi32>
      %mul3A_1876 = arith.muli %add3A_1873, %mul3A_1875 : vector<16xi32>
      %add3A_1877 = arith.constant 2.000000e+00 : f32
      %add3A_1878 = vector.broadcast %add3A_1877 : f32 to vector<16xf32>
      %add3A_1879 = arith.addf %gather3A_1838, %add3A_1878 : vector<16xf32>
      %mul3A_1880 = arith.constant 1.225000e+01 : f32
      %mul3A_1881 = vector.broadcast %mul3A_1880 : f32 to vector<16xf32>
      %mul3A_1882 = arith.mulf %add3A_1879, %mul3A_1881 : vector<16xf32>
      %max3A_1883 = arith.constant 0.000000e+00 : f32
      %max3A_1884 = vector.broadcast %max3A_1883 : f32 to vector<16xf32>
      %max3A_1885 = arith.maximumf %mul3A_1882, %max3A_1884 : vector<16xf32>
      %min3A_1886 = arith.constant 4.900000e+01 : f32
      %min3A_1887 = vector.broadcast %min3A_1886 : f32 to vector<16xf32>
      %min3A_1888 = arith.minimumf %max3A_1885, %min3A_1887 : vector<16xf32>
      %convert_element_type3A_1889 = arith.fptosi %min3A_1888 : vector<16xf32> to vector<16xi32>
      %add3A_1890 = arith.addi %mul3A_1876, %convert_element_type3A_1889 : vector<16xi32>
      tpu.vector_store_idx %arg9[%add3A_1890], %broadcast_in_dim3A_37 masked %gt3A_1843 : memref<125024xf32, #tpu.memory_space<vmem>>[vector<16xi32>], vector<16xf32>, vector<16xi1>
      %add3A_1891 = arith.constant 480 : i32
      %add3A_1892 = vector.broadcast %add3A_1891 : i32 to vector<16xi32>
      %add3A_1893 = arith.addi %mul3A_36, %add3A_1892 : vector<16xi32>
      %gather3A_1894 = tpu.vector_load_idx %arg6[%add3A_1893] : memref<768xf32, #tpu.memory_space<vmem>>[vector<16xi32>], vector<16xf32>,
      %add3A_1895 = arith.constant 1 : i32
      %add3A_1896 = vector.broadcast %add3A_1895 : i32 to vector<16xi32>
      %add3A_1897 = arith.addi %add3A_1893, %add3A_1896 : vector<16xi32>
      %gather3A_1898 = tpu.vector_load_idx %arg6[%add3A_1897] : memref<768xf32, #tpu.memory_space<vmem>>[vector<16xi32>], vector<16xf32>,
      %add3A_1899 = arith.constant 2 : i32
      %add3A_1900 = vector.broadcast %add3A_1899 : i32 to vector<16xi32>
      %add3A_1901 = arith.addi %add3A_1893, %add3A_1900 : vector<16xi32>
      %gather3A_1902 = tpu.vector_load_idx %arg6[%add3A_1901] : memref<768xf32, #tpu.memory_space<vmem>>[vector<16xi32>], vector<16xf32>,
      %get3A_1903 = arith.constant 80 : index
      %get3A_1904 = tpu.vector_load %arg8[%get3A_1903] {strides = array<i32>} : memref<128xf32, #tpu.memory_space<vmem>>, vector<16xf32>,
      %gt3A_1905 = arith.constant 0.000000e+00 : f32
      %gt3A_1906 = vector.broadcast %gt3A_1905 : f32 to vector<16xf32>
      %gt3A_1907 = arith.cmpf ogt, %get3A_1904, %gt3A_1906 : vector<16xf32>
      %add3A_1908 = arith.constant 2.000000e+00 : f32
      %add3A_1909 = vector.broadcast %add3A_1908 : f32 to vector<16xf32>
      %add3A_1910 = arith.addf %gather3A_1894, %add3A_1909 : vector<16xf32>
      %mul3A_1911 = arith.constant 1.225000e+01 : f32
      %mul3A_1912 = vector.broadcast %mul3A_1911 : f32 to vector<16xf32>
      %mul3A_1913 = arith.mulf %add3A_1910, %mul3A_1912 : vector<16xf32>
      %max3A_1914 = arith.constant 0.000000e+00 : f32
      %max3A_1915 = vector.broadcast %max3A_1914 : f32 to vector<16xf32>
      %max3A_1916 = arith.maximumf %mul3A_1913, %max3A_1915 : vector<16xf32>
      %min3A_1917 = arith.constant 4.900000e+01 : f32
      %min3A_1918 = vector.broadcast %min3A_1917 : f32 to vector<16xf32>
      %min3A_1919 = arith.minimumf %max3A_1916, %min3A_1918 : vector<16xf32>
      %convert_element_type3A_1920 = arith.fptosi %min3A_1919 : vector<16xf32> to vector<16xi32>
      %mul3A_1921 = arith.constant 50 : i32
      %mul3A_1922 = vector.broadcast %mul3A_1921 : i32 to vector<16xi32>
      %mul3A_1923 = arith.muli %convert_element_type3A_1920, %mul3A_1922 : vector<16xi32>
      %add3A_1924 = arith.constant 2.000000e+00 : f32
      %add3A_1925 = vector.broadcast %add3A_1924 : f32 to vector<16xf32>
      %add3A_1926 = arith.addf %gather3A_1898, %add3A_1925 : vector<16xf32>
      %mul3A_1927 = arith.constant 1.225000e+01 : f32
      %mul3A_1928 = vector.broadcast %mul3A_1927 : f32 to vector<16xf32>
      %mul3A_1929 = arith.mulf %add3A_1926, %mul3A_1928 : vector<16xf32>
      %max3A_1930 = arith.constant 0.000000e+00 : f32
      %max3A_1931 = vector.broadcast %max3A_1930 : f32 to vector<16xf32>
      %max3A_1932 = arith.maximumf %mul3A_1929, %max3A_1931 : vector<16xf32>
      %min3A_1933 = arith.constant 4.900000e+01 : f32
      %min3A_1934 = vector.broadcast %min3A_1933 : f32 to vector<16xf32>
      %min3A_1935 = arith.minimumf %max3A_1932, %min3A_1934 : vector<16xf32>
      %convert_element_type3A_1936 = arith.fptosi %min3A_1935 : vector<16xf32> to vector<16xi32>
      %add3A_1937 = arith.addi %mul3A_1923, %convert_element_type3A_1936 : vector<16xi32>
      %mul3A_1938 = arith.constant 50 : i32
      %mul3A_1939 = vector.broadcast %mul3A_1938 : i32 to vector<16xi32>
      %mul3A_1940 = arith.muli %add3A_1937, %mul3A_1939 : vector<16xi32>
      %add3A_1941 = arith.constant 2.000000e+00 : f32
      %add3A_1942 = vector.broadcast %add3A_1941 : f32 to vector<16xf32>
      %add3A_1943 = arith.addf %gather3A_1902, %add3A_1942 : vector<16xf32>
      %mul3A_1944 = arith.constant 1.225000e+01 : f32
      %mul3A_1945 = vector.broadcast %mul3A_1944 : f32 to vector<16xf32>
      %mul3A_1946 = arith.mulf %add3A_1943, %mul3A_1945 : vector<16xf32>
      %max3A_1947 = arith.constant 0.000000e+00 : f32
      %max3A_1948 = vector.broadcast %max3A_1947 : f32 to vector<16xf32>
      %max3A_1949 = arith.maximumf %mul3A_1946, %max3A_1948 : vector<16xf32>
      %min3A_1950 = arith.constant 4.900000e+01 : f32
      %min3A_1951 = vector.broadcast %min3A_1950 : f32 to vector<16xf32>
      %min3A_1952 = arith.minimumf %max3A_1949, %min3A_1951 : vector<16xf32>
      %convert_element_type3A_1953 = arith.fptosi %min3A_1952 : vector<16xf32> to vector<16xi32>
      %add3A_1954 = arith.addi %mul3A_1940, %convert_element_type3A_1953 : vector<16xi32>
      tpu.vector_store_idx %arg9[%add3A_1954], %broadcast_in_dim3A_37 masked %gt3A_1907 : memref<125024xf32, #tpu.memory_space<vmem>>[vector<16xi32>], vector<16xf32>, vector<16xi1>
      %add3A_1955 = arith.constant 576 : i32
      %add3A_1956 = vector.broadcast %add3A_1955 : i32 to vector<16xi32>
      %add3A_1957 = arith.addi %mul3A_36, %add3A_1956 : vector<16xi32>
      %gather3A_1958 = tpu.vector_load_idx %arg6[%add3A_1957] : memref<768xf32, #tpu.memory_space<vmem>>[vector<16xi32>], vector<16xf32>,
      %add3A_1959 = arith.constant 1 : i32
      %add3A_1960 = vector.broadcast %add3A_1959 : i32 to vector<16xi32>
      %add3A_1961 = arith.addi %add3A_1957, %add3A_1960 : vector<16xi32>
      %gather3A_1962 = tpu.vector_load_idx %arg6[%add3A_1961] : memref<768xf32, #tpu.memory_space<vmem>>[vector<16xi32>], vector<16xf32>,
      %add3A_1963 = arith.constant 2 : i32
      %add3A_1964 = vector.broadcast %add3A_1963 : i32 to vector<16xi32>
      %add3A_1965 = arith.addi %add3A_1957, %add3A_1964 : vector<16xi32>
      %gather3A_1966 = tpu.vector_load_idx %arg6[%add3A_1965] : memref<768xf32, #tpu.memory_space<vmem>>[vector<16xi32>], vector<16xf32>,
      %get3A_1967 = arith.constant 96 : index
      %get3A_1968 = tpu.vector_load %arg8[%get3A_1967] {strides = array<i32>} : memref<128xf32, #tpu.memory_space<vmem>>, vector<16xf32>,
      %gt3A_1969 = arith.constant 0.000000e+00 : f32
      %gt3A_1970 = vector.broadcast %gt3A_1969 : f32 to vector<16xf32>
      %gt3A_1971 = arith.cmpf ogt, %get3A_1968, %gt3A_1970 : vector<16xf32>
      %add3A_1972 = arith.constant 2.000000e+00 : f32
      %add3A_1973 = vector.broadcast %add3A_1972 : f32 to vector<16xf32>
      %add3A_1974 = arith.addf %gather3A_1958, %add3A_1973 : vector<16xf32>
      %mul3A_1975 = arith.constant 1.225000e+01 : f32
      %mul3A_1976 = vector.broadcast %mul3A_1975 : f32 to vector<16xf32>
      %mul3A_1977 = arith.mulf %add3A_1974, %mul3A_1976 : vector<16xf32>
      %max3A_1978 = arith.constant 0.000000e+00 : f32
      %max3A_1979 = vector.broadcast %max3A_1978 : f32 to vector<16xf32>
      %max3A_1980 = arith.maximumf %mul3A_1977, %max3A_1979 : vector<16xf32>
      %min3A_1981 = arith.constant 4.900000e+01 : f32
      %min3A_1982 = vector.broadcast %min3A_1981 : f32 to vector<16xf32>
      %min3A_1983 = arith.minimumf %max3A_1980, %min3A_1982 : vector<16xf32>
      %convert_element_type3A_1984 = arith.fptosi %min3A_1983 : vector<16xf32> to vector<16xi32>
      %mul3A_1985 = arith.constant 50 : i32
      %mul3A_1986 = vector.broadcast %mul3A_1985 : i32 to vector<16xi32>
      %mul3A_1987 = arith.muli %convert_element_type3A_1984, %mul3A_1986 : vector<16xi32>
      %add3A_1988 = arith.constant 2.000000e+00 : f32
      %add3A_1989 = vector.broadcast %add3A_1988 : f32 to vector<16xf32>
      %add3A_1990 = arith.addf %gather3A_1962, %add3A_1989 : vector<16xf32>
      %mul3A_1991 = arith.constant 1.225000e+01 : f32
      %mul3A_1992 = vector.broadcast %mul3A_1991 : f32 to vector<16xf32>
      %mul3A_1993 = arith.mulf %add3A_1990, %mul3A_1992 : vector<16xf32>
      %max3A_1994 = arith.constant 0.000000e+00 : f32
      %max3A_1995 = vector.broadcast %max3A_1994 : f32 to vector<16xf32>
      %max3A_1996 = arith.maximumf %mul3A_1993, %max3A_1995 : vector<16xf32>
      %min3A_1997 = arith.constant 4.900000e+01 : f32
      %min3A_1998 = vector.broadcast %min3A_1997 : f32 to vector<16xf32>
      %min3A_1999 = arith.minimumf %max3A_1996, %min3A_1998 : vector<16xf32>
      %convert_element_type3A_2000 = arith.fptosi %min3A_1999 : vector<16xf32> to vector<16xi32>
      %add3A_2001 = arith.addi %mul3A_1987, %convert_element_type3A_2000 : vector<16xi32>
      %mul3A_2002 = arith.constant 50 : i32
      %mul3A_2003 = vector.broadcast %mul3A_2002 : i32 to vector<16xi32>
      %mul3A_2004 = arith.muli %add3A_2001, %mul3A_2003 : vector<16xi32>
      %add3A_2005 = arith.constant 2.000000e+00 : f32
      %add3A_2006 = vector.broadcast %add3A_2005 : f32 to vector<16xf32>
      %add3A_2007 = arith.addf %gather3A_1966, %add3A_2006 : vector<16xf32>
      %mul3A_2008 = arith.constant 1.225000e+01 : f32
      %mul3A_2009 = vector.broadcast %mul3A_2008 : f32 to vector<16xf32>
      %mul3A_2010 = arith.mulf %add3A_2007, %mul3A_2009 : vector<16xf32>
      %max3A_2011 = arith.constant 0.000000e+00 : f32
      %max3A_2012 = vector.broadcast %max3A_2011 : f32 to vector<16xf32>
      %max3A_2013 = arith.maximumf %mul3A_2010, %max3A_2012 : vector<16xf32>
      %min3A_2014 = arith.constant 4.900000e+01 : f32
      %min3A_2015 = vector.broadcast %min3A_2014 : f32 to vector<16xf32>
      %min3A_2016 = arith.minimumf %max3A_2013, %min3A_2015 : vector<16xf32>
      %convert_element_type3A_2017 = arith.fptosi %min3A_2016 : vector<16xf32> to vector<16xi32>
      %add3A_2018 = arith.addi %mul3A_2004, %convert_element_type3A_2017 : vector<16xi32>
      tpu.vector_store_idx %arg9[%add3A_2018], %broadcast_in_dim3A_37 masked %gt3A_1971 : memref<125024xf32, #tpu.memory_space<vmem>>[vector<16xi32>], vector<16xf32>, vector<16xi1>
      %add3A_2019 = arith.constant 672 : i32
      %add3A_2020 = vector.broadcast %add3A_2019 : i32 to vector<16xi32>
      %add3A_2021 = arith.addi %mul3A_36, %add3A_2020 : vector<16xi32>
      %gather3A_2022 = tpu.vector_load_idx %arg6[%add3A_2021] : memref<768xf32, #tpu.memory_space<vmem>>[vector<16xi32>], vector<16xf32>,
      %add3A_2023 = arith.constant 1 : i32
      %add3A_2024 = vector.broadcast %add3A_2023 : i32 to vector<16xi32>
      %add3A_2025 = arith.addi %add3A_2021, %add3A_2024 : vector<16xi32>
      %gather3A_2026 = tpu.vector_load_idx %arg6[%add3A_2025] : memref<768xf32, #tpu.memory_space<vmem>>[vector<16xi32>], vector<16xf32>,
      %add3A_2027 = arith.constant 2 : i32
      %add3A_2028 = vector.broadcast %add3A_2027 : i32 to vector<16xi32>
      %add3A_2029 = arith.addi %add3A_2021, %add3A_2028 : vector<16xi32>
      %gather3A_2030 = tpu.vector_load_idx %arg6[%add3A_2029] : memref<768xf32, #tpu.memory_space<vmem>>[vector<16xi32>], vector<16xf32>,
      %get3A_2031 = arith.constant 112 : index
      %get3A_2032 = tpu.vector_load %arg8[%get3A_2031] {strides = array<i32>} : memref<128xf32, #tpu.memory_space<vmem>>, vector<16xf32>,
      %gt3A_2033 = arith.constant 0.000000e+00 : f32
      %gt3A_2034 = vector.broadcast %gt3A_2033 : f32 to vector<16xf32>
      %gt3A_2035 = arith.cmpf ogt, %get3A_2032, %gt3A_2034 : vector<16xf32>
      %add3A_2036 = arith.constant 2.000000e+00 : f32
      %add3A_2037 = vector.broadcast %add3A_2036 : f32 to vector<16xf32>
      %add3A_2038 = arith.addf %gather3A_2022, %add3A_2037 : vector<16xf32>
      %mul3A_2039 = arith.constant 1.225000e+01 : f32
      %mul3A_2040 = vector.broadcast %mul3A_2039 : f32 to vector<16xf32>
      %mul3A_2041 = arith.mulf %add3A_2038, %mul3A_2040 : vector<16xf32>
      %max3A_2042 = arith.constant 0.000000e+00 : f32
      %max3A_2043 = vector.broadcast %max3A_2042 : f32 to vector<16xf32>
      %max3A_2044 = arith.maximumf %mul3A_2041, %max3A_2043 : vector<16xf32>
      %min3A_2045 = arith.constant 4.900000e+01 : f32
      %min3A_2046 = vector.broadcast %min3A_2045 : f32 to vector<16xf32>
      %min3A_2047 = arith.minimumf %max3A_2044, %min3A_2046 : vector<16xf32>
      %convert_element_type3A_2048 = arith.fptosi %min3A_2047 : vector<16xf32> to vector<16xi32>
      %mul3A_2049 = arith.constant 50 : i32
      %mul3A_2050 = vector.broadcast %mul3A_2049 : i32 to vector<16xi32>
      %mul3A_2051 = arith.muli %convert_element_type3A_2048, %mul3A_2050 : vector<16xi32>
      %add3A_2052 = arith.constant 2.000000e+00 : f32
      %add3A_2053 = vector.broadcast %add3A_2052 : f32 to vector<16xf32>
      %add3A_2054 = arith.addf %gather3A_2026, %add3A_2053 : vector<16xf32>
      %mul3A_2055 = arith.constant 1.225000e+01 : f32
      %mul3A_2056 = vector.broadcast %mul3A_2055 : f32 to vector<16xf32>
      %mul3A_2057 = arith.mulf %add3A_2054, %mul3A_2056 : vector<16xf32>
      %max3A_2058 = arith.constant 0.000000e+00 : f32
      %max3A_2059 = vector.broadcast %max3A_2058 : f32 to vector<16xf32>
      %max3A_2060 = arith.maximumf %mul3A_2057, %max3A_2059 : vector<16xf32>
      %min3A_2061 = arith.constant 4.900000e+01 : f32
      %min3A_2062 = vector.broadcast %min3A_2061 : f32 to vector<16xf32>
      %min3A_2063 = arith.minimumf %max3A_2060, %min3A_2062 : vector<16xf32>
      %convert_element_type3A_2064 = arith.fptosi %min3A_2063 : vector<16xf32> to vector<16xi32>
      %add3A_2065 = arith.addi %mul3A_2051, %convert_element_type3A_2064 : vector<16xi32>
      %mul3A_2066 = arith.constant 50 : i32
      %mul3A_2067 = vector.broadcast %mul3A_2066 : i32 to vector<16xi32>
      %mul3A_2068 = arith.muli %add3A_2065, %mul3A_2067 : vector<16xi32>
      %add3A_2069 = arith.constant 2.000000e+00 : f32
      %add3A_2070 = vector.broadcast %add3A_2069 : f32 to vector<16xf32>
      %add3A_2071 = arith.addf %gather3A_2030, %add3A_2070 : vector<16xf32>
      %mul3A_2072 = arith.constant 1.225000e+01 : f32
      %mul3A_2073 = vector.broadcast %mul3A_2072 : f32 to vector<16xf32>
      %mul3A_2074 = arith.mulf %add3A_2071, %mul3A_2073 : vector<16xf32>
      %max3A_2075 = arith.constant 0.000000e+00 : f32
      %max3A_2076 = vector.broadcast %max3A_2075 : f32 to vector<16xf32>
      %max3A_2077 = arith.maximumf %mul3A_2074, %max3A_2076 : vector<16xf32>
      %min3A_2078 = arith.constant 4.900000e+01 : f32
      %min3A_2079 = vector.broadcast %min3A_2078 : f32 to vector<16xf32>
      %min3A_2080 = arith.minimumf %max3A_2077, %min3A_2079 : vector<16xf32>
      %convert_element_type3A_2081 = arith.fptosi %min3A_2080 : vector<16xf32> to vector<16xi32>
      %add3A_2082 = arith.addi %mul3A_2068, %convert_element_type3A_2081 : vector<16xi32>
      tpu.vector_store_idx %arg9[%add3A_2082], %broadcast_in_dim3A_37 masked %gt3A_2035 : memref<125024xf32, #tpu.memory_space<vmem>>[vector<16xi32>], vector<16xf32>, vector<16xi1>
      %add3A_2083 = arith.constant 2 : i32
      %add3A_2084 = arith.addi %add3A_1562, %add3A_2083 : i32
      %lt3A_2085 = arith.constant 512 : i32
      %lt3A_2086 = arith.cmpi slt, %add3A_2084, %lt3A_2085 : i32
      %convert_element_type3A_2087 = arith.extui %lt3A_2086 : i1 to i32
      %cond3A_2088 = arith.constant 0 : i32
      %cond3A_2089 = arith.cmpi ne, %convert_element_type3A_2087, %cond3A_2088 : i32
      scf.if %cond3A_2089 {
        %mul3A_2090 = arith.constant 768 : i32
        %mul3A_2091 = arith.muli %add3A_2084, %mul3A_2090 : i32
        %add3A_2092 = arith.addi %add3A_56, %mul3A_2091 : i32
        %dma_start3A_2093 = tpu.memref_slice %arg2[%add3A_2092] : memref<12582912xf32, #tpu.memory_space<hbm>> -> memref<768xf32, #tpu.memory_space<hbm>>
        %dma_start3A_2094 = tpu.memref_slice %arg2[%add3A_2092] : memref<12582912xf32, #tpu.memory_space<hbm>> -> memref<768xf32, #tpu.memory_space<hbm>>
        tpu.enqueue_dma source(%dma_start3A_2094 : memref<768xf32, #tpu.memory_space<hbm>>) target(%arg6 : memref<768xf32, #tpu.memory_space<vmem>>) target_semaphore(%arg18 : memref<!tpu.dma_semaphore, #tpu.memory_space<semaphore_mem>>)
        %mul3A_2095 = arith.constant 128 : i32
        %mul3A_2096 = arith.muli %add3A_2084, %mul3A_2095 : i32
        %add3A_2097 = arith.addi %add3A_61, %mul3A_2096 : i32
        %dma_start3A_2098 = tpu.memref_slice %arg3[%add3A_2097] : memref<2097152xf32, #tpu.memory_space<hbm>> -> memref<128xf32, #tpu.memory_space<hbm>>
        %dma_start3A_2099 = tpu.memref_slice %arg3[%add3A_2097] : memref<2097152xf32, #tpu.memory_space<hbm>> -> memref<128xf32, #tpu.memory_space<hbm>>
        tpu.enqueue_dma source(%dma_start3A_2099 : memref<128xf32, #tpu.memory_space<hbm>>) target(%arg8 : memref<128xf32, #tpu.memory_space<vmem>>) target_semaphore(%arg18 : memref<!tpu.dma_semaphore, #tpu.memory_space<semaphore_mem>>)
      } else {
      }
    }
    %scan3A_144 = arith.constant 256 : i32
    %sub3A_145 = arith.constant 1 : i32
    %sub3A_146 = arith.subi %sub3A_145, %select_n3A_28 : i32
    %mul3A_147 = arith.constant 62512 : i32
    %mul3A_148 = arith.muli %sub3A_146, %mul3A_147 : i32
    "tpu.region"() ({
      %run_scoped3A = tpu.sem_alloc : memref<!tpu.dma_semaphore, #tpu.memory_space<semaphore_mem>>
      %dma_start3A_1030 = tpu.memref_slice %arg9[%mul3A_148] : memref<125024xf32, #tpu.memory_space<vmem>> -> memref<62512xf32, #tpu.memory_space<vmem>>
      %dma_start3A_1031 = tpu.memref_slice %arg16[%mul3A_49] : memref<2000384xf32, #tpu.memory_space<hbm>> -> memref<62512xf32, #tpu.memory_space<hbm>>
      %dma_start3A_1032 = tpu.memref_slice %arg16[%mul3A_49] : memref<2000384xf32, #tpu.memory_space<hbm>> -> memref<62512xf32, #tpu.memory_space<hbm>>
      %dma_start3A_1033 = tpu.memref_slice %arg9[%mul3A_148] : memref<125024xf32, #tpu.memory_space<vmem>> -> memref<62512xf32, #tpu.memory_space<vmem>>
      tpu.enqueue_dma source(%dma_start3A_1033 : memref<62512xf32, #tpu.memory_space<vmem>>) target(%dma_start3A_1032 : memref<62512xf32, #tpu.memory_space<hbm>>) target_semaphore(%run_scoped3A : memref<!tpu.dma_semaphore, #tpu.memory_space<semaphore_mem>>)
      %dma_wait3A_1034 = tpu.memref_slice %arg9[%mul3A_148] : memref<125024xf32, #tpu.memory_space<vmem>> -> memref<62512xf32, #tpu.memory_space<vmem>>
      %dma_wait3A_1035 = tpu.memref_slice %arg16[%mul3A_49] : memref<2000384xf32, #tpu.memory_space<hbm>> -> memref<62512xf32, #tpu.memory_space<hbm>>
      %dma_wait3A_1036 = tpu.memref_slice %arg16[%mul3A_49] : memref<2000384xf32, #tpu.memory_space<hbm>> -> memref<62512xf32, #tpu.memory_space<hbm>>
      %dma_wait3A_1037 = tpu.memref_slice %arg9[%mul3A_148] : memref<125024xf32, #tpu.memory_space<vmem>> -> memref<62512xf32, #tpu.memory_space<vmem>>
      tpu.wait_dma2 semaphore(%run_scoped3A : memref<!tpu.dma_semaphore, #tpu.memory_space<semaphore_mem>>) src(%dma_wait3A_1037 : memref<62512xf32, #tpu.memory_space<vmem>>) dst(%dma_wait3A_1036 : memref<62512xf32, #tpu.memory_space<hbm>>)
      tpu.yield
    }) : () -> ()
    %barrier3A = arith.constant 0 : index
    tpu.barrier barrier_id(%barrier3A)
    %mul3A_149 = arith.constant 62512 : i32
    %mul3A_150 = arith.muli %select_n3A_28, %mul3A_149 : i32
    %mul3A_151 = arith.constant 500000 : i32
    %mul3A_152 = arith.muli %add3A_30, %mul3A_151 : i32
    %mul3A_153 = arith.constant 4 : i32
    %mul3A_154 = arith.muli %mul3A_150, %mul3A_153 : i32
    %add3A_155 = arith.addi %mul3A_152, %mul3A_154 : i32
    %scan3A_156 = arith.constant 0 : i32
    %scan3A_157 = arith.constant 64 : i32
    %scan3A_158 = arith.addi %scan3A_156, %scan3A_157 : i32
    %scan3A_159 = arith.constant 8 : i32
    scf.for %scan3A_1030 = %scan3A_156 to %scan3A_158 step %scan3A_159  : i32 {
      %mul3A_1031 = arith.constant 1 : i32
      %mul3A_1032 = arith.muli %scan3A_1030, %mul3A_1031 : i32
      %add3A_1033 = arith.constant 0 : i32
      %add3A_1034 = arith.addi %add3A_1033, %mul3A_1032 : i32
      %mul3A_1035 = arith.constant 16 : i32
      %mul3A_1036 = arith.muli %add3A_1034, %mul3A_1035 : i32
      %swap3A_1037 = arith.index_cast %mul3A_1036 : i32 to index
      %swap3A_1038 = tpu.vector_load %arg10[%swap3A_1037] {strides = array<i32>} : memref<1024xf32, #tpu.memory_space<vmem>>, vector<16xf32>,
      tpu.vector_store %arg10[%swap3A_1037], %broadcast_in_dim3A_39 {strides = array<i32>} : memref<1024xf32, #tpu.memory_space<vmem>>, vector<16xf32>,
      %mul3A_1039 = arith.constant 16 : i32
      %mul3A_1040 = arith.muli %add3A_1034, %mul3A_1039 : i32
      %swap3A_1041 = arith.index_cast %mul3A_1040 : i32 to index
      %swap3A_1042 = tpu.vector_load %arg11[%swap3A_1041] {strides = array<i32>} : memref<1024xf32, #tpu.memory_space<vmem>>, vector<16xf32>,
      tpu.vector_store %arg11[%swap3A_1041], %broadcast_in_dim3A_39 {strides = array<i32>} : memref<1024xf32, #tpu.memory_space<vmem>>, vector<16xf32>,
      %scan3A_1043 = arith.constant 1 : i32
      %scan3A_1044 = arith.addi %scan3A_1030, %scan3A_1043 : i32
      %mul3A_1045 = arith.constant 1 : i32
      %mul3A_1046 = arith.muli %scan3A_1044, %mul3A_1045 : i32
      %add3A_1047 = arith.constant 0 : i32
      %add3A_1048 = arith.addi %add3A_1047, %mul3A_1046 : i32
      %mul3A_1049 = arith.constant 16 : i32
      %mul3A_1050 = arith.muli %add3A_1048, %mul3A_1049 : i32
      %swap3A_1051 = arith.index_cast %mul3A_1050 : i32 to index
      %swap3A_1052 = tpu.vector_load %arg10[%swap3A_1051] {strides = array<i32>} : memref<1024xf32, #tpu.memory_space<vmem>>, vector<16xf32>,
      tpu.vector_store %arg10[%swap3A_1051], %broadcast_in_dim3A_39 {strides = array<i32>} : memref<1024xf32, #tpu.memory_space<vmem>>, vector<16xf32>,
      %mul3A_1053 = arith.constant 16 : i32
      %mul3A_1054 = arith.muli %add3A_1048, %mul3A_1053 : i32
      %swap3A_1055 = arith.index_cast %mul3A_1054 : i32 to index
      %swap3A_1056 = tpu.vector_load %arg11[%swap3A_1055] {strides = array<i32>} : memref<1024xf32, #tpu.memory_space<vmem>>, vector<16xf32>,
      tpu.vector_store %arg11[%swap3A_1055], %broadcast_in_dim3A_39 {strides = array<i32>} : memref<1024xf32, #tpu.memory_space<vmem>>, vector<16xf32>,
      %scan3A_1057 = arith.constant 2 : i32
      %scan3A_1058 = arith.addi %scan3A_1030, %scan3A_1057 : i32
      %mul3A_1059 = arith.constant 1 : i32
      %mul3A_1060 = arith.muli %scan3A_1058, %mul3A_1059 : i32
      %add3A_1061 = arith.constant 0 : i32
      %add3A_1062 = arith.addi %add3A_1061, %mul3A_1060 : i32
      %mul3A_1063 = arith.constant 16 : i32
      %mul3A_1064 = arith.muli %add3A_1062, %mul3A_1063 : i32
      %swap3A_1065 = arith.index_cast %mul3A_1064 : i32 to index
      %swap3A_1066 = tpu.vector_load %arg10[%swap3A_1065] {strides = array<i32>} : memref<1024xf32, #tpu.memory_space<vmem>>, vector<16xf32>,
      tpu.vector_store %arg10[%swap3A_1065], %broadcast_in_dim3A_39 {strides = array<i32>} : memref<1024xf32, #tpu.memory_space<vmem>>, vector<16xf32>,
      %mul3A_1067 = arith.constant 16 : i32
      %mul3A_1068 = arith.muli %add3A_1062, %mul3A_1067 : i32
      %swap3A_1069 = arith.index_cast %mul3A_1068 : i32 to index
      %swap3A_1070 = tpu.vector_load %arg11[%swap3A_1069] {strides = array<i32>} : memref<1024xf32, #tpu.memory_space<vmem>>, vector<16xf32>,
      tpu.vector_store %arg11[%swap3A_1069], %broadcast_in_dim3A_39 {strides = array<i32>} : memref<1024xf32, #tpu.memory_space<vmem>>, vector<16xf32>,
      %scan3A_1071 = arith.constant 3 : i32
      %scan3A_1072 = arith.addi %scan3A_1030, %scan3A_1071 : i32
      %mul3A_1073 = arith.constant 1 : i32
      %mul3A_1074 = arith.muli %scan3A_1072, %mul3A_1073 : i32
      %add3A_1075 = arith.constant 0 : i32
      %add3A_1076 = arith.addi %add3A_1075, %mul3A_1074 : i32
      %mul3A_1077 = arith.constant 16 : i32
      %mul3A_1078 = arith.muli %add3A_1076, %mul3A_1077 : i32
      %swap3A_1079 = arith.index_cast %mul3A_1078 : i32 to index
      %swap3A_1080 = tpu.vector_load %arg10[%swap3A_1079] {strides = array<i32>} : memref<1024xf32, #tpu.memory_space<vmem>>, vector<16xf32>,
      tpu.vector_store %arg10[%swap3A_1079], %broadcast_in_dim3A_39 {strides = array<i32>} : memref<1024xf32, #tpu.memory_space<vmem>>, vector<16xf32>,
      %mul3A_1081 = arith.constant 16 : i32
      %mul3A_1082 = arith.muli %add3A_1076, %mul3A_1081 : i32
      %swap3A_1083 = arith.index_cast %mul3A_1082 : i32 to index
      %swap3A_1084 = tpu.vector_load %arg11[%swap3A_1083] {strides = array<i32>} : memref<1024xf32, #tpu.memory_space<vmem>>, vector<16xf32>,
      tpu.vector_store %arg11[%swap3A_1083], %broadcast_in_dim3A_39 {strides = array<i32>} : memref<1024xf32, #tpu.memory_space<vmem>>, vector<16xf32>,
      %scan3A_1085 = arith.constant 4 : i32
      %scan3A_1086 = arith.addi %scan3A_1030, %scan3A_1085 : i32
      %mul3A_1087 = arith.constant 1 : i32
      %mul3A_1088 = arith.muli %scan3A_1086, %mul3A_1087 : i32
      %add3A_1089 = arith.constant 0 : i32
      %add3A_1090 = arith.addi %add3A_1089, %mul3A_1088 : i32
      %mul3A_1091 = arith.constant 16 : i32
      %mul3A_1092 = arith.muli %add3A_1090, %mul3A_1091 : i32
      %swap3A_1093 = arith.index_cast %mul3A_1092 : i32 to index
      %swap3A_1094 = tpu.vector_load %arg10[%swap3A_1093] {strides = array<i32>} : memref<1024xf32, #tpu.memory_space<vmem>>, vector<16xf32>,
      tpu.vector_store %arg10[%swap3A_1093], %broadcast_in_dim3A_39 {strides = array<i32>} : memref<1024xf32, #tpu.memory_space<vmem>>, vector<16xf32>,
      %mul3A_1095 = arith.constant 16 : i32
      %mul3A_1096 = arith.muli %add3A_1090, %mul3A_1095 : i32
      %swap3A_1097 = arith.index_cast %mul3A_1096 : i32 to index
      %swap3A_1098 = tpu.vector_load %arg11[%swap3A_1097] {strides = array<i32>} : memref<1024xf32, #tpu.memory_space<vmem>>, vector<16xf32>,
      tpu.vector_store %arg11[%swap3A_1097], %broadcast_in_dim3A_39 {strides = array<i32>} : memref<1024xf32, #tpu.memory_space<vmem>>, vector<16xf32>,
      %scan3A_1099 = arith.constant 5 : i32
      %scan3A_1100 = arith.addi %scan3A_1030, %scan3A_1099 : i32
      %mul3A_1101 = arith.constant 1 : i32
      %mul3A_1102 = arith.muli %scan3A_1100, %mul3A_1101 : i32
      %add3A_1103 = arith.constant 0 : i32
      %add3A_1104 = arith.addi %add3A_1103, %mul3A_1102 : i32
      %mul3A_1105 = arith.constant 16 : i32
      %mul3A_1106 = arith.muli %add3A_1104, %mul3A_1105 : i32
      %swap3A_1107 = arith.index_cast %mul3A_1106 : i32 to index
      %swap3A_1108 = tpu.vector_load %arg10[%swap3A_1107] {strides = array<i32>} : memref<1024xf32, #tpu.memory_space<vmem>>, vector<16xf32>,
      tpu.vector_store %arg10[%swap3A_1107], %broadcast_in_dim3A_39 {strides = array<i32>} : memref<1024xf32, #tpu.memory_space<vmem>>, vector<16xf32>,
      %mul3A_1109 = arith.constant 16 : i32
      %mul3A_1110 = arith.muli %add3A_1104, %mul3A_1109 : i32
      %swap3A_1111 = arith.index_cast %mul3A_1110 : i32 to index
      %swap3A_1112 = tpu.vector_load %arg11[%swap3A_1111] {strides = array<i32>} : memref<1024xf32, #tpu.memory_space<vmem>>, vector<16xf32>,
      tpu.vector_store %arg11[%swap3A_1111], %broadcast_in_dim3A_39 {strides = array<i32>} : memref<1024xf32, #tpu.memory_space<vmem>>, vector<16xf32>,
      %scan3A_1113 = arith.constant 6 : i32
      %scan3A_1114 = arith.addi %scan3A_1030, %scan3A_1113 : i32
      %mul3A_1115 = arith.constant 1 : i32
      %mul3A_1116 = arith.muli %scan3A_1114, %mul3A_1115 : i32
      %add3A_1117 = arith.constant 0 : i32
      %add3A_1118 = arith.addi %add3A_1117, %mul3A_1116 : i32
      %mul3A_1119 = arith.constant 16 : i32
      %mul3A_1120 = arith.muli %add3A_1118, %mul3A_1119 : i32
      %swap3A_1121 = arith.index_cast %mul3A_1120 : i32 to index
      %swap3A_1122 = tpu.vector_load %arg10[%swap3A_1121] {strides = array<i32>} : memref<1024xf32, #tpu.memory_space<vmem>>, vector<16xf32>,
      tpu.vector_store %arg10[%swap3A_1121], %broadcast_in_dim3A_39 {strides = array<i32>} : memref<1024xf32, #tpu.memory_space<vmem>>, vector<16xf32>,
      %mul3A_1123 = arith.constant 16 : i32
      %mul3A_1124 = arith.muli %add3A_1118, %mul3A_1123 : i32
      %swap3A_1125 = arith.index_cast %mul3A_1124 : i32 to index
      %swap3A_1126 = tpu.vector_load %arg11[%swap3A_1125] {strides = array<i32>} : memref<1024xf32, #tpu.memory_space<vmem>>, vector<16xf32>,
      tpu.vector_store %arg11[%swap3A_1125], %broadcast_in_dim3A_39 {strides = array<i32>} : memref<1024xf32, #tpu.memory_space<vmem>>, vector<16xf32>,
      %scan3A_1127 = arith.constant 7 : i32
      %scan3A_1128 = arith.addi %scan3A_1030, %scan3A_1127 : i32
      %mul3A_1129 = arith.constant 1 : i32
      %mul3A_1130 = arith.muli %scan3A_1128, %mul3A_1129 : i32
      %add3A_1131 = arith.constant 0 : i32
      %add3A_1132 = arith.addi %add3A_1131, %mul3A_1130 : i32
      %mul3A_1133 = arith.constant 16 : i32
      %mul3A_1134 = arith.muli %add3A_1132, %mul3A_1133 : i32
      %swap3A_1135 = arith.index_cast %mul3A_1134 : i32 to index
      %swap3A_1136 = tpu.vector_load %arg10[%swap3A_1135] {strides = array<i32>} : memref<1024xf32, #tpu.memory_space<vmem>>, vector<16xf32>,
      tpu.vector_store %arg10[%swap3A_1135], %broadcast_in_dim3A_39 {strides = array<i32>} : memref<1024xf32, #tpu.memory_space<vmem>>, vector<16xf32>,
      %mul3A_1137 = arith.constant 16 : i32
      %mul3A_1138 = arith.muli %add3A_1132, %mul3A_1137 : i32
      %swap3A_1139 = arith.index_cast %mul3A_1138 : i32 to index
      %swap3A_1140 = tpu.vector_load %arg11[%swap3A_1139] {strides = array<i32>} : memref<1024xf32, #tpu.memory_space<vmem>>, vector<16xf32>,
      tpu.vector_store %arg11[%swap3A_1139], %broadcast_in_dim3A_39 {strides = array<i32>} : memref<1024xf32, #tpu.memory_space<vmem>>, vector<16xf32>,
    }
    %scan3A_160 = arith.constant 64 : i32
    %add3A_161 = arith.constant 0 : i32
    %add3A_162 = arith.addi %mul3A_51, %add3A_161 : i32
    %dma_start3A_163 = tpu.memref_slice %arg16[%add3A_162] : memref<2000384xf32, #tpu.memory_space<hbm>> -> memref<512xf32, #tpu.memory_space<hbm>>
    %dma_start3A_164 = tpu.memref_slice %arg16[%add3A_162] : memref<2000384xf32, #tpu.memory_space<hbm>> -> memref<512xf32, #tpu.memory_space<hbm>>
    tpu.enqueue_dma source(%dma_start3A_164 : memref<512xf32, #tpu.memory_space<hbm>>) target(%arg12 : memref<512xf32, #tpu.memory_space<vmem>>) target_semaphore(%arg19 : memref<!tpu.dma_semaphore, #tpu.memory_space<semaphore_mem>>)
    %add3A_165 = arith.constant 512 : i32
    %add3A_166 = arith.addi %mul3A_51, %add3A_165 : i32
    %dma_start3A_167 = tpu.memref_slice %arg16[%add3A_166] : memref<2000384xf32, #tpu.memory_space<hbm>> -> memref<512xf32, #tpu.memory_space<hbm>>
    %dma_start3A_168 = tpu.memref_slice %arg16[%add3A_166] : memref<2000384xf32, #tpu.memory_space<hbm>> -> memref<512xf32, #tpu.memory_space<hbm>>
    tpu.enqueue_dma source(%dma_start3A_168 : memref<512xf32, #tpu.memory_space<hbm>>) target(%arg13 : memref<512xf32, #tpu.memory_space<vmem>>) target_semaphore(%arg20 : memref<!tpu.dma_semaphore, #tpu.memory_space<semaphore_mem>>)
    %add3A_169 = arith.constant 1024 : i32
    %add3A_170 = arith.addi %mul3A_51, %add3A_169 : i32
    %dma_start3A_171 = tpu.memref_slice %arg16[%add3A_170] : memref<2000384xf32, #tpu.memory_space<hbm>> -> memref<512xf32, #tpu.memory_space<hbm>>
    %dma_start3A_172 = tpu.memref_slice %arg16[%add3A_170] : memref<2000384xf32, #tpu.memory_space<hbm>> -> memref<512xf32, #tpu.memory_space<hbm>>
    tpu.enqueue_dma source(%dma_start3A_172 : memref<512xf32, #tpu.memory_space<hbm>>) target(%arg14 : memref<512xf32, #tpu.memory_space<vmem>>) target_semaphore(%arg21 : memref<!tpu.dma_semaphore, #tpu.memory_space<semaphore_mem>>)
    %add3A_173 = arith.constant 1536 : i32
    %add3A_174 = arith.addi %mul3A_51, %add3A_173 : i32
    %dma_start3A_175 = tpu.memref_slice %arg16[%add3A_174] : memref<2000384xf32, #tpu.memory_space<hbm>> -> memref<512xf32, #tpu.memory_space<hbm>>
    %dma_start3A_176 = tpu.memref_slice %arg16[%add3A_174] : memref<2000384xf32, #tpu.memory_space<hbm>> -> memref<512xf32, #tpu.memory_space<hbm>>
    tpu.enqueue_dma source(%dma_start3A_176 : memref<512xf32, #tpu.memory_space<hbm>>) target(%arg15 : memref<512xf32, #tpu.memory_space<vmem>>) target_semaphore(%arg22 : memref<!tpu.dma_semaphore, #tpu.memory_space<semaphore_mem>>)
    %scan3A_177 = arith.constant 0 : i32
    %scan3A_178 = arith.constant 30 : i32
    %scan3A_179 = arith.addi %scan3A_177, %scan3A_178 : i32
    %scan3A_180 = arith.constant 1 : i32
    scf.for %scan3A_1030 = %scan3A_177 to %scan3A_179 step %scan3A_180  : i32 {
      %mul3A_1031 = arith.constant 4 : i32
      %mul3A_1032 = arith.muli %scan3A_1030, %mul3A_1031 : i32
      %add3A_1033 = arith.constant 0 : i32
      %add3A_1034 = arith.addi %add3A_1033, %mul3A_1032 : i32
      %add3A_1035 = arith.constant 0 : i32
      %add3A_1036 = arith.addi %add3A_1034, %add3A_1035 : i32
      %dma_wait3A_1037 = arith.constant 0 : i32
      %dma_wait3A_1038 = tpu.memref_slice %arg16[%dma_wait3A_1037] : memref<2000384xf32, #tpu.memory_space<hbm>> -> memref<512xf32, #tpu.memory_space<hbm>>
      %dma_wait3A_1039 = arith.constant 0 : i32
      %dma_wait3A_1040 = tpu.memref_slice %arg16[%dma_wait3A_1039] : memref<2000384xf32, #tpu.memory_space<hbm>> -> memref<512xf32, #tpu.memory_space<hbm>>
      tpu.wait_dma2 semaphore(%arg19 : memref<!tpu.dma_semaphore, #tpu.memory_space<semaphore_mem>>) src(%dma_wait3A_1040 : memref<512xf32, #tpu.memory_space<hbm>>) dst(%arg12 : memref<512xf32, #tpu.memory_space<vmem>>)
      %mul3A_1041 = arith.constant 2 : i32
      %mul3A_1042 = arith.muli %add3A_1036, %mul3A_1041 : i32
      %add3A_1043 = arith.constant 0 : i32
      %add3A_1044 = arith.addi %mul3A_1042, %add3A_1043 : i32
      %ge3A = arith.constant 2 : i32
      %ge3A_1045 = arith.cmpi sge, %add3A_1044, %ge3A : i32
      %convert_element_type3A_1046 = arith.extui %ge3A_1045 : i1 to i32
      %cond3A_1047 = arith.constant 0 : i32
      %cond3A_1048 = arith.cmpi ne, %convert_element_type3A_1046, %cond3A_1047 : i32
      scf.if %cond3A_1048 {
        %dma_wait3A_2862 = arith.constant 0 : i32
        %dma_wait3A_2863 = tpu.memref_slice %arg4[%dma_wait3A_2862] : memref<8000000xf32, #tpu.memory_space<hbm>> -> memref<1024xf32, #tpu.memory_space<hbm>>
        %dma_wait3A_2864 = arith.constant 0 : i32
        %dma_wait3A_2865 = tpu.memref_slice %arg4[%dma_wait3A_2864] : memref<8000000xf32, #tpu.memory_space<hbm>> -> memref<1024xf32, #tpu.memory_space<hbm>>
        tpu.wait_dma2 semaphore(%arg23 : memref<!tpu.dma_semaphore, #tpu.memory_space<semaphore_mem>>) src(%arg10 : memref<1024xf32, #tpu.memory_space<vmem>>) dst(%dma_wait3A_2865 : memref<1024xf32, #tpu.memory_space<hbm>>)
      } else {
      }
      %mul3A_1049 = arith.constant 512 : i32
      %mul3A_1050 = arith.muli %add3A_1036, %mul3A_1049 : i32
      %add3A_1051 = arith.addi %mul3A_150, %mul3A_1050 : i32
      %add3A_1052 = arith.constant 0 : i32
      %add3A_1053 = arith.addi %add3A_1051, %add3A_1052 : i32
      %get3A_1054 = arith.index_cast %add3A_1053 : i32 to index
      %get3A_1055 = tpu.vector_load %arg9[%get3A_1054] {strides = array<i32>} : memref<125024xf32, #tpu.memory_space<vmem>>, vector<16xf32>,
      %get3A_1056 = arith.constant 0 : index
      %get3A_1057 = tpu.vector_load %arg12[%get3A_1056] {strides = array<i32>} : memref<512xf32, #tpu.memory_space<vmem>>, vector<16xf32>,
      %add3A_1058 = arith.constant 0 : i32
      %add3A_1059 = vector.broadcast %add3A_1058 : i32 to vector<16xi32>
      %add3A_1060 = arith.addi %mul3A_33, %add3A_1059 : vector<16xi32>
      %max3A_1061 = arith.maximumf %get3A_1055, %get3A_1057 : vector<16xf32>
      tpu.vector_store_idx %arg10[%add3A_1060], %max3A_1061 : memref<1024xf32, #tpu.memory_space<vmem>>[vector<16xi32>], vector<16xf32>,
      %mul3A_1062 = arith.constant 512 : i32
      %mul3A_1063 = arith.muli %add3A_1036, %mul3A_1062 : i32
      %add3A_1064 = arith.addi %mul3A_150, %mul3A_1063 : i32
      %add3A_1065 = arith.constant 16 : i32
      %add3A_1066 = arith.addi %add3A_1064, %add3A_1065 : i32
      %get3A_1067 = arith.index_cast %add3A_1066 : i32 to index
      %get3A_1068 = tpu.vector_load %arg9[%get3A_1067] {strides = array<i32>} : memref<125024xf32, #tpu.memory_space<vmem>>, vector<16xf32>,
      %get3A_1069 = arith.constant 16 : index
      %get3A_1070 = tpu.vector_load %arg12[%get3A_1069] {strides = array<i32>} : memref<512xf32, #tpu.memory_space<vmem>>, vector<16xf32>,
      %add3A_1071 = arith.constant 64 : i32
      %add3A_1072 = vector.broadcast %add3A_1071 : i32 to vector<16xi32>
      %add3A_1073 = arith.addi %mul3A_33, %add3A_1072 : vector<16xi32>
      %max3A_1074 = arith.maximumf %get3A_1068, %get3A_1070 : vector<16xf32>
      tpu.vector_store_idx %arg10[%add3A_1073], %max3A_1074 : memref<1024xf32, #tpu.memory_space<vmem>>[vector<16xi32>], vector<16xf32>,
      %mul3A_1075 = arith.constant 512 : i32
      %mul3A_1076 = arith.muli %add3A_1036, %mul3A_1075 : i32
      %add3A_1077 = arith.addi %mul3A_150, %mul3A_1076 : i32
      %add3A_1078 = arith.constant 32 : i32
      %add3A_1079 = arith.addi %add3A_1077, %add3A_1078 : i32
      %get3A_1080 = arith.index_cast %add3A_1079 : i32 to index
      %get3A_1081 = tpu.vector_load %arg9[%get3A_1080] {strides = array<i32>} : memref<125024xf32, #tpu.memory_space<vmem>>, vector<16xf32>,
      %get3A_1082 = arith.constant 32 : index
      %get3A_1083 = tpu.vector_load %arg12[%get3A_1082] {strides = array<i32>} : memref<512xf32, #tpu.memory_space<vmem>>, vector<16xf32>,
      %add3A_1084 = arith.constant 128 : i32
      %add3A_1085 = vector.broadcast %add3A_1084 : i32 to vector<16xi32>
      %add3A_1086 = arith.addi %mul3A_33, %add3A_1085 : vector<16xi32>
      %max3A_1087 = arith.maximumf %get3A_1081, %get3A_1083 : vector<16xf32>
      tpu.vector_store_idx %arg10[%add3A_1086], %max3A_1087 : memref<1024xf32, #tpu.memory_space<vmem>>[vector<16xi32>], vector<16xf32>,
      %mul3A_1088 = arith.constant 512 : i32
      %mul3A_1089 = arith.muli %add3A_1036, %mul3A_1088 : i32
      %add3A_1090 = arith.addi %mul3A_150, %mul3A_1089 : i32
      %add3A_1091 = arith.constant 48 : i32
      %add3A_1092 = arith.addi %add3A_1090, %add3A_1091 : i32
      %get3A_1093 = arith.index_cast %add3A_1092 : i32 to index
      %get3A_1094 = tpu.vector_load %arg9[%get3A_1093] {strides = array<i32>} : memref<125024xf32, #tpu.memory_space<vmem>>, vector<16xf32>,
      %get3A_1095 = arith.constant 48 : index
      %get3A_1096 = tpu.vector_load %arg12[%get3A_1095] {strides = array<i32>} : memref<512xf32, #tpu.memory_space<vmem>>, vector<16xf32>,
      %add3A_1097 = arith.constant 192 : i32
      %add3A_1098 = vector.broadcast %add3A_1097 : i32 to vector<16xi32>
      %add3A_1099 = arith.addi %mul3A_33, %add3A_1098 : vector<16xi32>
      %max3A_1100 = arith.maximumf %get3A_1094, %get3A_1096 : vector<16xf32>
      tpu.vector_store_idx %arg10[%add3A_1099], %max3A_1100 : memref<1024xf32, #tpu.memory_space<vmem>>[vector<16xi32>], vector<16xf32>,
      %mul3A_1101 = arith.constant 512 : i32
      %mul3A_1102 = arith.muli %add3A_1036, %mul3A_1101 : i32
      %add3A_1103 = arith.addi %mul3A_150, %mul3A_1102 : i32
      %add3A_1104 = arith.constant 64 : i32
      %add3A_1105 = arith.addi %add3A_1103, %add3A_1104 : i32
      %get3A_1106 = arith.index_cast %add3A_1105 : i32 to index
      %get3A_1107 = tpu.vector_load %arg9[%get3A_1106] {strides = array<i32>} : memref<125024xf32, #tpu.memory_space<vmem>>, vector<16xf32>,
      %get3A_1108 = arith.constant 64 : index
      %get3A_1109 = tpu.vector_load %arg12[%get3A_1108] {strides = array<i32>} : memref<512xf32, #tpu.memory_space<vmem>>, vector<16xf32>,
      %add3A_1110 = arith.constant 256 : i32
      %add3A_1111 = vector.broadcast %add3A_1110 : i32 to vector<16xi32>
      %add3A_1112 = arith.addi %mul3A_33, %add3A_1111 : vector<16xi32>
      %max3A_1113 = arith.maximumf %get3A_1107, %get3A_1109 : vector<16xf32>
      tpu.vector_store_idx %arg10[%add3A_1112], %max3A_1113 : memref<1024xf32, #tpu.memory_space<vmem>>[vector<16xi32>], vector<16xf32>,
      %mul3A_1114 = arith.constant 512 : i32
      %mul3A_1115 = arith.muli %add3A_1036, %mul3A_1114 : i32
      %add3A_1116 = arith.addi %mul3A_150, %mul3A_1115 : i32
      %add3A_1117 = arith.constant 80 : i32
      %add3A_1118 = arith.addi %add3A_1116, %add3A_1117 : i32
      %get3A_1119 = arith.index_cast %add3A_1118 : i32 to index
      %get3A_1120 = tpu.vector_load %arg9[%get3A_1119] {strides = array<i32>} : memref<125024xf32, #tpu.memory_space<vmem>>, vector<16xf32>,
      %get3A_1121 = arith.constant 80 : index
      %get3A_1122 = tpu.vector_load %arg12[%get3A_1121] {strides = array<i32>} : memref<512xf32, #tpu.memory_space<vmem>>, vector<16xf32>,
      %add3A_1123 = arith.constant 320 : i32
      %add3A_1124 = vector.broadcast %add3A_1123 : i32 to vector<16xi32>
      %add3A_1125 = arith.addi %mul3A_33, %add3A_1124 : vector<16xi32>
      %max3A_1126 = arith.maximumf %get3A_1120, %get3A_1122 : vector<16xf32>
      tpu.vector_store_idx %arg10[%add3A_1125], %max3A_1126 : memref<1024xf32, #tpu.memory_space<vmem>>[vector<16xi32>], vector<16xf32>,
      %mul3A_1127 = arith.constant 512 : i32
      %mul3A_1128 = arith.muli %add3A_1036, %mul3A_1127 : i32
      %add3A_1129 = arith.addi %mul3A_150, %mul3A_1128 : i32
      %add3A_1130 = arith.constant 96 : i32
      %add3A_1131 = arith.addi %add3A_1129, %add3A_1130 : i32
      %get3A_1132 = arith.index_cast %add3A_1131 : i32 to index
      %get3A_1133 = tpu.vector_load %arg9[%get3A_1132] {strides = array<i32>} : memref<125024xf32, #tpu.memory_space<vmem>>, vector<16xf32>,
      %get3A_1134 = arith.constant 96 : index
      %get3A_1135 = tpu.vector_load %arg12[%get3A_1134] {strides = array<i32>} : memref<512xf32, #tpu.memory_space<vmem>>, vector<16xf32>,
      %add3A_1136 = arith.constant 384 : i32
      %add3A_1137 = vector.broadcast %add3A_1136 : i32 to vector<16xi32>
      %add3A_1138 = arith.addi %mul3A_33, %add3A_1137 : vector<16xi32>
      %max3A_1139 = arith.maximumf %get3A_1133, %get3A_1135 : vector<16xf32>
      tpu.vector_store_idx %arg10[%add3A_1138], %max3A_1139 : memref<1024xf32, #tpu.memory_space<vmem>>[vector<16xi32>], vector<16xf32>,
      %mul3A_1140 = arith.constant 512 : i32
      %mul3A_1141 = arith.muli %add3A_1036, %mul3A_1140 : i32
      %add3A_1142 = arith.addi %mul3A_150, %mul3A_1141 : i32
      %add3A_1143 = arith.constant 112 : i32
      %add3A_1144 = arith.addi %add3A_1142, %add3A_1143 : i32
      %get3A_1145 = arith.index_cast %add3A_1144 : i32 to index
      %get3A_1146 = tpu.vector_load %arg9[%get3A_1145] {strides = array<i32>} : memref<125024xf32, #tpu.memory_space<vmem>>, vector<16xf32>,
      %get3A_1147 = arith.constant 112 : index
      %get3A_1148 = tpu.vector_load %arg12[%get3A_1147] {strides = array<i32>} : memref<512xf32, #tpu.memory_space<vmem>>, vector<16xf32>,
      %add3A_1149 = arith.constant 448 : i32
      %add3A_1150 = vector.broadcast %add3A_1149 : i32 to vector<16xi32>
      %add3A_1151 = arith.addi %mul3A_33, %add3A_1150 : vector<16xi32>
      %max3A_1152 = arith.maximumf %get3A_1146, %get3A_1148 : vector<16xf32>
      tpu.vector_store_idx %arg10[%add3A_1151], %max3A_1152 : memref<1024xf32, #tpu.memory_space<vmem>>[vector<16xi32>], vector<16xf32>,
      %mul3A_1153 = arith.constant 512 : i32
      %mul3A_1154 = arith.muli %add3A_1036, %mul3A_1153 : i32
      %add3A_1155 = arith.addi %mul3A_150, %mul3A_1154 : i32
      %add3A_1156 = arith.constant 128 : i32
      %add3A_1157 = arith.addi %add3A_1155, %add3A_1156 : i32
      %get3A_1158 = arith.index_cast %add3A_1157 : i32 to index
      %get3A_1159 = tpu.vector_load %arg9[%get3A_1158] {strides = array<i32>} : memref<125024xf32, #tpu.memory_space<vmem>>, vector<16xf32>,
      %get3A_1160 = arith.constant 128 : index
      %get3A_1161 = tpu.vector_load %arg12[%get3A_1160] {strides = array<i32>} : memref<512xf32, #tpu.memory_space<vmem>>, vector<16xf32>,
      %add3A_1162 = arith.constant 512 : i32
      %add3A_1163 = vector.broadcast %add3A_1162 : i32 to vector<16xi32>
      %add3A_1164 = arith.addi %mul3A_33, %add3A_1163 : vector<16xi32>
      %max3A_1165 = arith.maximumf %get3A_1159, %get3A_1161 : vector<16xf32>
      tpu.vector_store_idx %arg10[%add3A_1164], %max3A_1165 : memref<1024xf32, #tpu.memory_space<vmem>>[vector<16xi32>], vector<16xf32>,
      %mul3A_1166 = arith.constant 512 : i32
      %mul3A_1167 = arith.muli %add3A_1036, %mul3A_1166 : i32
      %add3A_1168 = arith.addi %mul3A_150, %mul3A_1167 : i32
      %add3A_1169 = arith.constant 144 : i32
      %add3A_1170 = arith.addi %add3A_1168, %add3A_1169 : i32
      %get3A_1171 = arith.index_cast %add3A_1170 : i32 to index
      %get3A_1172 = tpu.vector_load %arg9[%get3A_1171] {strides = array<i32>} : memref<125024xf32, #tpu.memory_space<vmem>>, vector<16xf32>,
      %get3A_1173 = arith.constant 144 : index
      %get3A_1174 = tpu.vector_load %arg12[%get3A_1173] {strides = array<i32>} : memref<512xf32, #tpu.memory_space<vmem>>, vector<16xf32>,
      %add3A_1175 = arith.constant 576 : i32
      %add3A_1176 = vector.broadcast %add3A_1175 : i32 to vector<16xi32>
      %add3A_1177 = arith.addi %mul3A_33, %add3A_1176 : vector<16xi32>
      %max3A_1178 = arith.maximumf %get3A_1172, %get3A_1174 : vector<16xf32>
      tpu.vector_store_idx %arg10[%add3A_1177], %max3A_1178 : memref<1024xf32, #tpu.memory_space<vmem>>[vector<16xi32>], vector<16xf32>,
      %mul3A_1179 = arith.constant 512 : i32
      %mul3A_1180 = arith.muli %add3A_1036, %mul3A_1179 : i32
      %add3A_1181 = arith.addi %mul3A_150, %mul3A_1180 : i32
      %add3A_1182 = arith.constant 160 : i32
      %add3A_1183 = arith.addi %add3A_1181, %add3A_1182 : i32
      %get3A_1184 = arith.index_cast %add3A_1183 : i32 to index
      %get3A_1185 = tpu.vector_load %arg9[%get3A_1184] {strides = array<i32>} : memref<125024xf32, #tpu.memory_space<vmem>>, vector<16xf32>,
      %get3A_1186 = arith.constant 160 : index
      %get3A_1187 = tpu.vector_load %arg12[%get3A_1186] {strides = array<i32>} : memref<512xf32, #tpu.memory_space<vmem>>, vector<16xf32>,
      %add3A_1188 = arith.constant 640 : i32
      %add3A_1189 = vector.broadcast %add3A_1188 : i32 to vector<16xi32>
      %add3A_1190 = arith.addi %mul3A_33, %add3A_1189 : vector<16xi32>
      %max3A_1191 = arith.maximumf %get3A_1185, %get3A_1187 : vector<16xf32>
      tpu.vector_store_idx %arg10[%add3A_1190], %max3A_1191 : memref<1024xf32, #tpu.memory_space<vmem>>[vector<16xi32>], vector<16xf32>,
      %mul3A_1192 = arith.constant 512 : i32
      %mul3A_1193 = arith.muli %add3A_1036, %mul3A_1192 : i32
      %add3A_1194 = arith.addi %mul3A_150, %mul3A_1193 : i32
      %add3A_1195 = arith.constant 176 : i32
      %add3A_1196 = arith.addi %add3A_1194, %add3A_1195 : i32
      %get3A_1197 = arith.index_cast %add3A_1196 : i32 to index
      %get3A_1198 = tpu.vector_load %arg9[%get3A_1197] {strides = array<i32>} : memref<125024xf32, #tpu.memory_space<vmem>>, vector<16xf32>,
      %get3A_1199 = arith.constant 176 : index
      %get3A_1200 = tpu.vector_load %arg12[%get3A_1199] {strides = array<i32>} : memref<512xf32, #tpu.memory_space<vmem>>, vector<16xf32>,
      %add3A_1201 = arith.constant 704 : i32
      %add3A_1202 = vector.broadcast %add3A_1201 : i32 to vector<16xi32>
      %add3A_1203 = arith.addi %mul3A_33, %add3A_1202 : vector<16xi32>
      %max3A_1204 = arith.maximumf %get3A_1198, %get3A_1200 : vector<16xf32>
      tpu.vector_store_idx %arg10[%add3A_1203], %max3A_1204 : memref<1024xf32, #tpu.memory_space<vmem>>[vector<16xi32>], vector<16xf32>,
      %mul3A_1205 = arith.constant 512 : i32
      %mul3A_1206 = arith.muli %add3A_1036, %mul3A_1205 : i32
      %add3A_1207 = arith.addi %mul3A_150, %mul3A_1206 : i32
      %add3A_1208 = arith.constant 192 : i32
      %add3A_1209 = arith.addi %add3A_1207, %add3A_1208 : i32
      %get3A_1210 = arith.index_cast %add3A_1209 : i32 to index
      %get3A_1211 = tpu.vector_load %arg9[%get3A_1210] {strides = array<i32>} : memref<125024xf32, #tpu.memory_space<vmem>>, vector<16xf32>,
      %get3A_1212 = arith.constant 192 : index
      %get3A_1213 = tpu.vector_load %arg12[%get3A_1212] {strides = array<i32>} : memref<512xf32, #tpu.memory_space<vmem>>, vector<16xf32>,
      %add3A_1214 = arith.constant 768 : i32
      %add3A_1215 = vector.broadcast %add3A_1214 : i32 to vector<16xi32>
      %add3A_1216 = arith.addi %mul3A_33, %add3A_1215 : vector<16xi32>
      %max3A_1217 = arith.maximumf %get3A_1211, %get3A_1213 : vector<16xf32>
      tpu.vector_store_idx %arg10[%add3A_1216], %max3A_1217 : memref<1024xf32, #tpu.memory_space<vmem>>[vector<16xi32>], vector<16xf32>,
      %mul3A_1218 = arith.constant 512 : i32
      %mul3A_1219 = arith.muli %add3A_1036, %mul3A_1218 : i32
      %add3A_1220 = arith.addi %mul3A_150, %mul3A_1219 : i32
      %add3A_1221 = arith.constant 208 : i32
      %add3A_1222 = arith.addi %add3A_1220, %add3A_1221 : i32
      %get3A_1223 = arith.index_cast %add3A_1222 : i32 to index
      %get3A_1224 = tpu.vector_load %arg9[%get3A_1223] {strides = array<i32>} : memref<125024xf32, #tpu.memory_space<vmem>>, vector<16xf32>,
      %get3A_1225 = arith.constant 208 : index
      %get3A_1226 = tpu.vector_load %arg12[%get3A_1225] {strides = array<i32>} : memref<512xf32, #tpu.memory_space<vmem>>, vector<16xf32>,
      %add3A_1227 = arith.constant 832 : i32
      %add3A_1228 = vector.broadcast %add3A_1227 : i32 to vector<16xi32>
      %add3A_1229 = arith.addi %mul3A_33, %add3A_1228 : vector<16xi32>
      %max3A_1230 = arith.maximumf %get3A_1224, %get3A_1226 : vector<16xf32>
      tpu.vector_store_idx %arg10[%add3A_1229], %max3A_1230 : memref<1024xf32, #tpu.memory_space<vmem>>[vector<16xi32>], vector<16xf32>,
      %mul3A_1231 = arith.constant 512 : i32
      %mul3A_1232 = arith.muli %add3A_1036, %mul3A_1231 : i32
      %add3A_1233 = arith.addi %mul3A_150, %mul3A_1232 : i32
      %add3A_1234 = arith.constant 224 : i32
      %add3A_1235 = arith.addi %add3A_1233, %add3A_1234 : i32
      %get3A_1236 = arith.index_cast %add3A_1235 : i32 to index
      %get3A_1237 = tpu.vector_load %arg9[%get3A_1236] {strides = array<i32>} : memref<125024xf32, #tpu.memory_space<vmem>>, vector<16xf32>,
      %get3A_1238 = arith.constant 224 : index
      %get3A_1239 = tpu.vector_load %arg12[%get3A_1238] {strides = array<i32>} : memref<512xf32, #tpu.memory_space<vmem>>, vector<16xf32>,
      %add3A_1240 = arith.constant 896 : i32
      %add3A_1241 = vector.broadcast %add3A_1240 : i32 to vector<16xi32>
      %add3A_1242 = arith.addi %mul3A_33, %add3A_1241 : vector<16xi32>
      %max3A_1243 = arith.maximumf %get3A_1237, %get3A_1239 : vector<16xf32>
      tpu.vector_store_idx %arg10[%add3A_1242], %max3A_1243 : memref<1024xf32, #tpu.memory_space<vmem>>[vector<16xi32>], vector<16xf32>,
      %mul3A_1244 = arith.constant 512 : i32
      %mul3A_1245 = arith.muli %add3A_1036, %mul3A_1244 : i32
      %add3A_1246 = arith.addi %mul3A_150, %mul3A_1245 : i32
      %add3A_1247 = arith.constant 240 : i32
      %add3A_1248 = arith.addi %add3A_1246, %add3A_1247 : i32
      %get3A_1249 = arith.index_cast %add3A_1248 : i32 to index
      %get3A_1250 = tpu.vector_load %arg9[%get3A_1249] {strides = array<i32>} : memref<125024xf32, #tpu.memory_space<vmem>>, vector<16xf32>,
      %get3A_1251 = arith.constant 240 : index
      %get3A_1252 = tpu.vector_load %arg12[%get3A_1251] {strides = array<i32>} : memref<512xf32, #tpu.memory_space<vmem>>, vector<16xf32>,
      %add3A_1253 = arith.constant 960 : i32
      %add3A_1254 = vector.broadcast %add3A_1253 : i32 to vector<16xi32>
      %add3A_1255 = arith.addi %mul3A_33, %add3A_1254 : vector<16xi32>
      %max3A_1256 = arith.maximumf %get3A_1250, %get3A_1252 : vector<16xf32>
      tpu.vector_store_idx %arg10[%add3A_1255], %max3A_1256 : memref<1024xf32, #tpu.memory_space<vmem>>[vector<16xi32>], vector<16xf32>,
      %mul3A_1257 = arith.constant 1024 : i32
      %mul3A_1258 = arith.muli %add3A_1044, %mul3A_1257 : i32
      %add3A_1259 = arith.addi %add3A_155, %mul3A_1258 : i32
      %dma_start3A_1260 = tpu.memref_slice %arg4[%add3A_1259] : memref<8000000xf32, #tpu.memory_space<hbm>> -> memref<1024xf32, #tpu.memory_space<hbm>>
      %dma_start3A_1261 = tpu.memref_slice %arg4[%add3A_1259] : memref<8000000xf32, #tpu.memory_space<hbm>> -> memref<1024xf32, #tpu.memory_space<hbm>>
      tpu.enqueue_dma source(%arg10 : memref<1024xf32, #tpu.memory_space<vmem>>) target(%dma_start3A_1261 : memref<1024xf32, #tpu.memory_space<hbm>>) target_semaphore(%arg23 : memref<!tpu.dma_semaphore, #tpu.memory_space<semaphore_mem>>)
      %mul3A_1262 = arith.constant 2 : i32
      %mul3A_1263 = arith.muli %add3A_1036, %mul3A_1262 : i32
      %add3A_1264 = arith.constant 1 : i32
      %add3A_1265 = arith.addi %mul3A_1263, %add3A_1264 : i32
      %ge3A_1266 = arith.constant 2 : i32
      %ge3A_1267 = arith.cmpi sge, %add3A_1265, %ge3A_1266 : i32
      %convert_element_type3A_1268 = arith.extui %ge3A_1267 : i1 to i32
      %cond3A_1269 = arith.constant 0 : i32
      %cond3A_1270 = arith.cmpi ne, %convert_element_type3A_1268, %cond3A_1269 : i32
      scf.if %cond3A_1270 {
        %dma_wait3A_2862 = arith.constant 0 : i32
        %dma_wait3A_2863 = tpu.memref_slice %arg4[%dma_wait3A_2862] : memref<8000000xf32, #tpu.memory_space<hbm>> -> memref<1024xf32, #tpu.memory_space<hbm>>
        %dma_wait3A_2864 = arith.constant 0 : i32
        %dma_wait3A_2865 = tpu.memref_slice %arg4[%dma_wait3A_2864] : memref<8000000xf32, #tpu.memory_space<hbm>> -> memref<1024xf32, #tpu.memory_space<hbm>>
        tpu.wait_dma2 semaphore(%arg24 : memref<!tpu.dma_semaphore, #tpu.memory_space<semaphore_mem>>) src(%arg11 : memref<1024xf32, #tpu.memory_space<vmem>>) dst(%dma_wait3A_2865 : memref<1024xf32, #tpu.memory_space<hbm>>)
      } else {
      }
      %mul3A_1271 = arith.constant 512 : i32
      %mul3A_1272 = arith.muli %add3A_1036, %mul3A_1271 : i32
      %add3A_1273 = arith.addi %mul3A_150, %mul3A_1272 : i32
      %add3A_1274 = arith.constant 256 : i32
      %add3A_1275 = arith.addi %add3A_1273, %add3A_1274 : i32
      %get3A_1276 = arith.index_cast %add3A_1275 : i32 to index
      %get3A_1277 = tpu.vector_load %arg9[%get3A_1276] {strides = array<i32>} : memref<125024xf32, #tpu.memory_space<vmem>>, vector<16xf32>,
      %get3A_1278 = arith.constant 256 : index
      %get3A_1279 = tpu.vector_load %arg12[%get3A_1278] {strides = array<i32>} : memref<512xf32, #tpu.memory_space<vmem>>, vector<16xf32>,
      %add3A_1280 = arith.constant 0 : i32
      %add3A_1281 = vector.broadcast %add3A_1280 : i32 to vector<16xi32>
      %add3A_1282 = arith.addi %mul3A_33, %add3A_1281 : vector<16xi32>
      %max3A_1283 = arith.maximumf %get3A_1277, %get3A_1279 : vector<16xf32>
      tpu.vector_store_idx %arg11[%add3A_1282], %max3A_1283 : memref<1024xf32, #tpu.memory_space<vmem>>[vector<16xi32>], vector<16xf32>,
      %mul3A_1284 = arith.constant 512 : i32
      %mul3A_1285 = arith.muli %add3A_1036, %mul3A_1284 : i32
      %add3A_1286 = arith.addi %mul3A_150, %mul3A_1285 : i32
      %add3A_1287 = arith.constant 272 : i32
      %add3A_1288 = arith.addi %add3A_1286, %add3A_1287 : i32
      %get3A_1289 = arith.index_cast %add3A_1288 : i32 to index
      %get3A_1290 = tpu.vector_load %arg9[%get3A_1289] {strides = array<i32>} : memref<125024xf32, #tpu.memory_space<vmem>>, vector<16xf32>,
      %get3A_1291 = arith.constant 272 : index
      %get3A_1292 = tpu.vector_load %arg12[%get3A_1291] {strides = array<i32>} : memref<512xf32, #tpu.memory_space<vmem>>, vector<16xf32>,
      %add3A_1293 = arith.constant 64 : i32
      %add3A_1294 = vector.broadcast %add3A_1293 : i32 to vector<16xi32>
      %add3A_1295 = arith.addi %mul3A_33, %add3A_1294 : vector<16xi32>
      %max3A_1296 = arith.maximumf %get3A_1290, %get3A_1292 : vector<16xf32>
      tpu.vector_store_idx %arg11[%add3A_1295], %max3A_1296 : memref<1024xf32, #tpu.memory_space<vmem>>[vector<16xi32>], vector<16xf32>,
      %mul3A_1297 = arith.constant 512 : i32
      %mul3A_1298 = arith.muli %add3A_1036, %mul3A_1297 : i32
      %add3A_1299 = arith.addi %mul3A_150, %mul3A_1298 : i32
      %add3A_1300 = arith.constant 288 : i32
      %add3A_1301 = arith.addi %add3A_1299, %add3A_1300 : i32
      %get3A_1302 = arith.index_cast %add3A_1301 : i32 to index
      %get3A_1303 = tpu.vector_load %arg9[%get3A_1302] {strides = array<i32>} : memref<125024xf32, #tpu.memory_space<vmem>>, vector<16xf32>,
      %get3A_1304 = arith.constant 288 : index
      %get3A_1305 = tpu.vector_load %arg12[%get3A_1304] {strides = array<i32>} : memref<512xf32, #tpu.memory_space<vmem>>, vector<16xf32>,
      %add3A_1306 = arith.constant 128 : i32
      %add3A_1307 = vector.broadcast %add3A_1306 : i32 to vector<16xi32>
      %add3A_1308 = arith.addi %mul3A_33, %add3A_1307 : vector<16xi32>
      %max3A_1309 = arith.maximumf %get3A_1303, %get3A_1305 : vector<16xf32>
      tpu.vector_store_idx %arg11[%add3A_1308], %max3A_1309 : memref<1024xf32, #tpu.memory_space<vmem>>[vector<16xi32>], vector<16xf32>,
      %mul3A_1310 = arith.constant 512 : i32
      %mul3A_1311 = arith.muli %add3A_1036, %mul3A_1310 : i32
      %add3A_1312 = arith.addi %mul3A_150, %mul3A_1311 : i32
      %add3A_1313 = arith.constant 304 : i32
      %add3A_1314 = arith.addi %add3A_1312, %add3A_1313 : i32
      %get3A_1315 = arith.index_cast %add3A_1314 : i32 to index
      %get3A_1316 = tpu.vector_load %arg9[%get3A_1315] {strides = array<i32>} : memref<125024xf32, #tpu.memory_space<vmem>>, vector<16xf32>,
      %get3A_1317 = arith.constant 304 : index
      %get3A_1318 = tpu.vector_load %arg12[%get3A_1317] {strides = array<i32>} : memref<512xf32, #tpu.memory_space<vmem>>, vector<16xf32>,
      %add3A_1319 = arith.constant 192 : i32
      %add3A_1320 = vector.broadcast %add3A_1319 : i32 to vector<16xi32>
      %add3A_1321 = arith.addi %mul3A_33, %add3A_1320 : vector<16xi32>
      %max3A_1322 = arith.maximumf %get3A_1316, %get3A_1318 : vector<16xf32>
      tpu.vector_store_idx %arg11[%add3A_1321], %max3A_1322 : memref<1024xf32, #tpu.memory_space<vmem>>[vector<16xi32>], vector<16xf32>,
      %mul3A_1323 = arith.constant 512 : i32
      %mul3A_1324 = arith.muli %add3A_1036, %mul3A_1323 : i32
      %add3A_1325 = arith.addi %mul3A_150, %mul3A_1324 : i32
      %add3A_1326 = arith.constant 320 : i32
      %add3A_1327 = arith.addi %add3A_1325, %add3A_1326 : i32
      %get3A_1328 = arith.index_cast %add3A_1327 : i32 to index
      %get3A_1329 = tpu.vector_load %arg9[%get3A_1328] {strides = array<i32>} : memref<125024xf32, #tpu.memory_space<vmem>>, vector<16xf32>,
      %get3A_1330 = arith.constant 320 : index
      %get3A_1331 = tpu.vector_load %arg12[%get3A_1330] {strides = array<i32>} : memref<512xf32, #tpu.memory_space<vmem>>, vector<16xf32>,
      %add3A_1332 = arith.constant 256 : i32
      %add3A_1333 = vector.broadcast %add3A_1332 : i32 to vector<16xi32>
      %add3A_1334 = arith.addi %mul3A_33, %add3A_1333 : vector<16xi32>
      %max3A_1335 = arith.maximumf %get3A_1329, %get3A_1331 : vector<16xf32>
      tpu.vector_store_idx %arg11[%add3A_1334], %max3A_1335 : memref<1024xf32, #tpu.memory_space<vmem>>[vector<16xi32>], vector<16xf32>,
      %mul3A_1336 = arith.constant 512 : i32
      %mul3A_1337 = arith.muli %add3A_1036, %mul3A_1336 : i32
      %add3A_1338 = arith.addi %mul3A_150, %mul3A_1337 : i32
      %add3A_1339 = arith.constant 336 : i32
      %add3A_1340 = arith.addi %add3A_1338, %add3A_1339 : i32
      %get3A_1341 = arith.index_cast %add3A_1340 : i32 to index
      %get3A_1342 = tpu.vector_load %arg9[%get3A_1341] {strides = array<i32>} : memref<125024xf32, #tpu.memory_space<vmem>>, vector<16xf32>,
      %get3A_1343 = arith.constant 336 : index
      %get3A_1344 = tpu.vector_load %arg12[%get3A_1343] {strides = array<i32>} : memref<512xf32, #tpu.memory_space<vmem>>, vector<16xf32>,
      %add3A_1345 = arith.constant 320 : i32
      %add3A_1346 = vector.broadcast %add3A_1345 : i32 to vector<16xi32>
      %add3A_1347 = arith.addi %mul3A_33, %add3A_1346 : vector<16xi32>
      %max3A_1348 = arith.maximumf %get3A_1342, %get3A_1344 : vector<16xf32>
      tpu.vector_store_idx %arg11[%add3A_1347], %max3A_1348 : memref<1024xf32, #tpu.memory_space<vmem>>[vector<16xi32>], vector<16xf32>,
      %mul3A_1349 = arith.constant 512 : i32
      %mul3A_1350 = arith.muli %add3A_1036, %mul3A_1349 : i32
      %add3A_1351 = arith.addi %mul3A_150, %mul3A_1350 : i32
      %add3A_1352 = arith.constant 352 : i32
      %add3A_1353 = arith.addi %add3A_1351, %add3A_1352 : i32
      %get3A_1354 = arith.index_cast %add3A_1353 : i32 to index
      %get3A_1355 = tpu.vector_load %arg9[%get3A_1354] {strides = array<i32>} : memref<125024xf32, #tpu.memory_space<vmem>>, vector<16xf32>,
      %get3A_1356 = arith.constant 352 : index
      %get3A_1357 = tpu.vector_load %arg12[%get3A_1356] {strides = array<i32>} : memref<512xf32, #tpu.memory_space<vmem>>, vector<16xf32>,
      %add3A_1358 = arith.constant 384 : i32
      %add3A_1359 = vector.broadcast %add3A_1358 : i32 to vector<16xi32>
      %add3A_1360 = arith.addi %mul3A_33, %add3A_1359 : vector<16xi32>
      %max3A_1361 = arith.maximumf %get3A_1355, %get3A_1357 : vector<16xf32>
      tpu.vector_store_idx %arg11[%add3A_1360], %max3A_1361 : memref<1024xf32, #tpu.memory_space<vmem>>[vector<16xi32>], vector<16xf32>,
      %mul3A_1362 = arith.constant 512 : i32
      %mul3A_1363 = arith.muli %add3A_1036, %mul3A_1362 : i32
      %add3A_1364 = arith.addi %mul3A_150, %mul3A_1363 : i32
      %add3A_1365 = arith.constant 368 : i32
      %add3A_1366 = arith.addi %add3A_1364, %add3A_1365 : i32
      %get3A_1367 = arith.index_cast %add3A_1366 : i32 to index
      %get3A_1368 = tpu.vector_load %arg9[%get3A_1367] {strides = array<i32>} : memref<125024xf32, #tpu.memory_space<vmem>>, vector<16xf32>,
      %get3A_1369 = arith.constant 368 : index
      %get3A_1370 = tpu.vector_load %arg12[%get3A_1369] {strides = array<i32>} : memref<512xf32, #tpu.memory_space<vmem>>, vector<16xf32>,
      %add3A_1371 = arith.constant 448 : i32
      %add3A_1372 = vector.broadcast %add3A_1371 : i32 to vector<16xi32>
      %add3A_1373 = arith.addi %mul3A_33, %add3A_1372 : vector<16xi32>
      %max3A_1374 = arith.maximumf %get3A_1368, %get3A_1370 : vector<16xf32>
      tpu.vector_store_idx %arg11[%add3A_1373], %max3A_1374 : memref<1024xf32, #tpu.memory_space<vmem>>[vector<16xi32>], vector<16xf32>,
      %mul3A_1375 = arith.constant 512 : i32
      %mul3A_1376 = arith.muli %add3A_1036, %mul3A_1375 : i32
      %add3A_1377 = arith.addi %mul3A_150, %mul3A_1376 : i32
      %add3A_1378 = arith.constant 384 : i32
      %add3A_1379 = arith.addi %add3A_1377, %add3A_1378 : i32
      %get3A_1380 = arith.index_cast %add3A_1379 : i32 to index
      %get3A_1381 = tpu.vector_load %arg9[%get3A_1380] {strides = array<i32>} : memref<125024xf32, #tpu.memory_space<vmem>>, vector<16xf32>,
      %get3A_1382 = arith.constant 384 : index
      %get3A_1383 = tpu.vector_load %arg12[%get3A_1382] {strides = array<i32>} : memref<512xf32, #tpu.memory_space<vmem>>, vector<16xf32>,
      %add3A_1384 = arith.constant 512 : i32
      %add3A_1385 = vector.broadcast %add3A_1384 : i32 to vector<16xi32>
      %add3A_1386 = arith.addi %mul3A_33, %add3A_1385 : vector<16xi32>
      %max3A_1387 = arith.maximumf %get3A_1381, %get3A_1383 : vector<16xf32>
      tpu.vector_store_idx %arg11[%add3A_1386], %max3A_1387 : memref<1024xf32, #tpu.memory_space<vmem>>[vector<16xi32>], vector<16xf32>,
      %mul3A_1388 = arith.constant 512 : i32
      %mul3A_1389 = arith.muli %add3A_1036, %mul3A_1388 : i32
      %add3A_1390 = arith.addi %mul3A_150, %mul3A_1389 : i32
      %add3A_1391 = arith.constant 400 : i32
      %add3A_1392 = arith.addi %add3A_1390, %add3A_1391 : i32
      %get3A_1393 = arith.index_cast %add3A_1392 : i32 to index
      %get3A_1394 = tpu.vector_load %arg9[%get3A_1393] {strides = array<i32>} : memref<125024xf32, #tpu.memory_space<vmem>>, vector<16xf32>,
      %get3A_1395 = arith.constant 400 : index
      %get3A_1396 = tpu.vector_load %arg12[%get3A_1395] {strides = array<i32>} : memref<512xf32, #tpu.memory_space<vmem>>, vector<16xf32>,
      %add3A_1397 = arith.constant 576 : i32
      %add3A_1398 = vector.broadcast %add3A_1397 : i32 to vector<16xi32>
      %add3A_1399 = arith.addi %mul3A_33, %add3A_1398 : vector<16xi32>
      %max3A_1400 = arith.maximumf %get3A_1394, %get3A_1396 : vector<16xf32>
      tpu.vector_store_idx %arg11[%add3A_1399], %max3A_1400 : memref<1024xf32, #tpu.memory_space<vmem>>[vector<16xi32>], vector<16xf32>,
      %mul3A_1401 = arith.constant 512 : i32
      %mul3A_1402 = arith.muli %add3A_1036, %mul3A_1401 : i32
      %add3A_1403 = arith.addi %mul3A_150, %mul3A_1402 : i32
      %add3A_1404 = arith.constant 416 : i32
      %add3A_1405 = arith.addi %add3A_1403, %add3A_1404 : i32
      %get3A_1406 = arith.index_cast %add3A_1405 : i32 to index
      %get3A_1407 = tpu.vector_load %arg9[%get3A_1406] {strides = array<i32>} : memref<125024xf32, #tpu.memory_space<vmem>>, vector<16xf32>,
      %get3A_1408 = arith.constant 416 : index
      %get3A_1409 = tpu.vector_load %arg12[%get3A_1408] {strides = array<i32>} : memref<512xf32, #tpu.memory_space<vmem>>, vector<16xf32>,
      %add3A_1410 = arith.constant 640 : i32
      %add3A_1411 = vector.broadcast %add3A_1410 : i32 to vector<16xi32>
      %add3A_1412 = arith.addi %mul3A_33, %add3A_1411 : vector<16xi32>
      %max3A_1413 = arith.maximumf %get3A_1407, %get3A_1409 : vector<16xf32>
      tpu.vector_store_idx %arg11[%add3A_1412], %max3A_1413 : memref<1024xf32, #tpu.memory_space<vmem>>[vector<16xi32>], vector<16xf32>,
      %mul3A_1414 = arith.constant 512 : i32
      %mul3A_1415 = arith.muli %add3A_1036, %mul3A_1414 : i32
      %add3A_1416 = arith.addi %mul3A_150, %mul3A_1415 : i32
      %add3A_1417 = arith.constant 432 : i32
      %add3A_1418 = arith.addi %add3A_1416, %add3A_1417 : i32
      %get3A_1419 = arith.index_cast %add3A_1418 : i32 to index
      %get3A_1420 = tpu.vector_load %arg9[%get3A_1419] {strides = array<i32>} : memref<125024xf32, #tpu.memory_space<vmem>>, vector<16xf32>,
      %get3A_1421 = arith.constant 432 : index
      %get3A_1422 = tpu.vector_load %arg12[%get3A_1421] {strides = array<i32>} : memref<512xf32, #tpu.memory_space<vmem>>, vector<16xf32>,
      %add3A_1423 = arith.constant 704 : i32
      %add3A_1424 = vector.broadcast %add3A_1423 : i32 to vector<16xi32>
      %add3A_1425 = arith.addi %mul3A_33, %add3A_1424 : vector<16xi32>
      %max3A_1426 = arith.maximumf %get3A_1420, %get3A_1422 : vector<16xf32>
      tpu.vector_store_idx %arg11[%add3A_1425], %max3A_1426 : memref<1024xf32, #tpu.memory_space<vmem>>[vector<16xi32>], vector<16xf32>,
      %mul3A_1427 = arith.constant 512 : i32
      %mul3A_1428 = arith.muli %add3A_1036, %mul3A_1427 : i32
      %add3A_1429 = arith.addi %mul3A_150, %mul3A_1428 : i32
      %add3A_1430 = arith.constant 448 : i32
      %add3A_1431 = arith.addi %add3A_1429, %add3A_1430 : i32
      %get3A_1432 = arith.index_cast %add3A_1431 : i32 to index
      %get3A_1433 = tpu.vector_load %arg9[%get3A_1432] {strides = array<i32>} : memref<125024xf32, #tpu.memory_space<vmem>>, vector<16xf32>,
      %get3A_1434 = arith.constant 448 : index
      %get3A_1435 = tpu.vector_load %arg12[%get3A_1434] {strides = array<i32>} : memref<512xf32, #tpu.memory_space<vmem>>, vector<16xf32>,
      %add3A_1436 = arith.constant 768 : i32
      %add3A_1437 = vector.broadcast %add3A_1436 : i32 to vector<16xi32>
      %add3A_1438 = arith.addi %mul3A_33, %add3A_1437 : vector<16xi32>
      %max3A_1439 = arith.maximumf %get3A_1433, %get3A_1435 : vector<16xf32>
      tpu.vector_store_idx %arg11[%add3A_1438], %max3A_1439 : memref<1024xf32, #tpu.memory_space<vmem>>[vector<16xi32>], vector<16xf32>,
      %mul3A_1440 = arith.constant 512 : i32
      %mul3A_1441 = arith.muli %add3A_1036, %mul3A_1440 : i32
      %add3A_1442 = arith.addi %mul3A_150, %mul3A_1441 : i32
      %add3A_1443 = arith.constant 464 : i32
      %add3A_1444 = arith.addi %add3A_1442, %add3A_1443 : i32
      %get3A_1445 = arith.index_cast %add3A_1444 : i32 to index
      %get3A_1446 = tpu.vector_load %arg9[%get3A_1445] {strides = array<i32>} : memref<125024xf32, #tpu.memory_space<vmem>>, vector<16xf32>,
      %get3A_1447 = arith.constant 464 : index
      %get3A_1448 = tpu.vector_load %arg12[%get3A_1447] {strides = array<i32>} : memref<512xf32, #tpu.memory_space<vmem>>, vector<16xf32>,
      %add3A_1449 = arith.constant 832 : i32
      %add3A_1450 = vector.broadcast %add3A_1449 : i32 to vector<16xi32>
      %add3A_1451 = arith.addi %mul3A_33, %add3A_1450 : vector<16xi32>
      %max3A_1452 = arith.maximumf %get3A_1446, %get3A_1448 : vector<16xf32>
      tpu.vector_store_idx %arg11[%add3A_1451], %max3A_1452 : memref<1024xf32, #tpu.memory_space<vmem>>[vector<16xi32>], vector<16xf32>,
      %mul3A_1453 = arith.constant 512 : i32
      %mul3A_1454 = arith.muli %add3A_1036, %mul3A_1453 : i32
      %add3A_1455 = arith.addi %mul3A_150, %mul3A_1454 : i32
      %add3A_1456 = arith.constant 480 : i32
      %add3A_1457 = arith.addi %add3A_1455, %add3A_1456 : i32
      %get3A_1458 = arith.index_cast %add3A_1457 : i32 to index
      %get3A_1459 = tpu.vector_load %arg9[%get3A_1458] {strides = array<i32>} : memref<125024xf32, #tpu.memory_space<vmem>>, vector<16xf32>,
      %get3A_1460 = arith.constant 480 : index
      %get3A_1461 = tpu.vector_load %arg12[%get3A_1460] {strides = array<i32>} : memref<512xf32, #tpu.memory_space<vmem>>, vector<16xf32>,
      %add3A_1462 = arith.constant 896 : i32
      %add3A_1463 = vector.broadcast %add3A_1462 : i32 to vector<16xi32>
      %add3A_1464 = arith.addi %mul3A_33, %add3A_1463 : vector<16xi32>
      %max3A_1465 = arith.maximumf %get3A_1459, %get3A_1461 : vector<16xf32>
      tpu.vector_store_idx %arg11[%add3A_1464], %max3A_1465 : memref<1024xf32, #tpu.memory_space<vmem>>[vector<16xi32>], vector<16xf32>,
      %mul3A_1466 = arith.constant 512 : i32
      %mul3A_1467 = arith.muli %add3A_1036, %mul3A_1466 : i32
      %add3A_1468 = arith.addi %mul3A_150, %mul3A_1467 : i32
      %add3A_1469 = arith.constant 496 : i32
      %add3A_1470 = arith.addi %add3A_1468, %add3A_1469 : i32
      %get3A_1471 = arith.index_cast %add3A_1470 : i32 to index
      %get3A_1472 = tpu.vector_load %arg9[%get3A_1471] {strides = array<i32>} : memref<125024xf32, #tpu.memory_space<vmem>>, vector<16xf32>,
      %get3A_1473 = arith.constant 496 : index
      %get3A_1474 = tpu.vector_load %arg12[%get3A_1473] {strides = array<i32>} : memref<512xf32, #tpu.memory_space<vmem>>, vector<16xf32>,
      %add3A_1475 = arith.constant 960 : i32
      %add3A_1476 = vector.broadcast %add3A_1475 : i32 to vector<16xi32>
      %add3A_1477 = arith.addi %mul3A_33, %add3A_1476 : vector<16xi32>
      %max3A_1478 = arith.maximumf %get3A_1472, %get3A_1474 : vector<16xf32>
      tpu.vector_store_idx %arg11[%add3A_1477], %max3A_1478 : memref<1024xf32, #tpu.memory_space<vmem>>[vector<16xi32>], vector<16xf32>,
      %mul3A_1479 = arith.constant 1024 : i32
      %mul3A_1480 = arith.muli %add3A_1265, %mul3A_1479 : i32
      %add3A_1481 = arith.addi %add3A_155, %mul3A_1480 : i32
      %dma_start3A_1482 = tpu.memref_slice %arg4[%add3A_1481] : memref<8000000xf32, #tpu.memory_space<hbm>> -> memref<1024xf32, #tpu.memory_space<hbm>>
      %dma_start3A_1483 = tpu.memref_slice %arg4[%add3A_1481] : memref<8000000xf32, #tpu.memory_space<hbm>> -> memref<1024xf32, #tpu.memory_space<hbm>>
      tpu.enqueue_dma source(%arg11 : memref<1024xf32, #tpu.memory_space<vmem>>) target(%dma_start3A_1483 : memref<1024xf32, #tpu.memory_space<hbm>>) target_semaphore(%arg24 : memref<!tpu.dma_semaphore, #tpu.memory_space<semaphore_mem>>)
      %add3A_1484 = arith.constant 4 : i32
      %add3A_1485 = arith.addi %add3A_1036, %add3A_1484 : i32
      %lt3A_1486 = arith.constant 122 : i32
      %lt3A_1487 = arith.cmpi slt, %add3A_1485, %lt3A_1486 : i32
      %convert_element_type3A_1488 = arith.extui %lt3A_1487 : i1 to i32
      %cond3A_1489 = arith.constant 0 : i32
      %cond3A_1490 = arith.cmpi ne, %convert_element_type3A_1488, %cond3A_1489 : i32
      scf.if %cond3A_1490 {
        %mul3A_2862 = arith.constant 512 : i32
        %mul3A_2863 = arith.muli %add3A_1485, %mul3A_2862 : i32
        %add3A_2864 = arith.addi %mul3A_51, %mul3A_2863 : i32
        %dma_start3A_2865 = tpu.memref_slice %arg16[%add3A_2864] : memref<2000384xf32, #tpu.memory_space<hbm>> -> memref<512xf32, #tpu.memory_space<hbm>>
        %dma_start3A_2866 = tpu.memref_slice %arg16[%add3A_2864] : memref<2000384xf32, #tpu.memory_space<hbm>> -> memref<512xf32, #tpu.memory_space<hbm>>
        tpu.enqueue_dma source(%dma_start3A_2866 : memref<512xf32, #tpu.memory_space<hbm>>) target(%arg12 : memref<512xf32, #tpu.memory_space<vmem>>) target_semaphore(%arg19 : memref<!tpu.dma_semaphore, #tpu.memory_space<semaphore_mem>>)
      } else {
      }
      %add3A_1491 = arith.constant 1 : i32
      %add3A_1492 = arith.addi %add3A_1034, %add3A_1491 : i32
      %dma_wait3A_1493 = arith.constant 0 : i32
      %dma_wait3A_1494 = tpu.memref_slice %arg16[%dma_wait3A_1493] : memref<2000384xf32, #tpu.memory_space<hbm>> -> memref<512xf32, #tpu.memory_space<hbm>>
      %dma_wait3A_1495 = arith.constant 0 : i32
      %dma_wait3A_1496 = tpu.memref_slice %arg16[%dma_wait3A_1495] : memref<2000384xf32, #tpu.memory_space<hbm>> -> memref<512xf32, #tpu.memory_space<hbm>>
      tpu.wait_dma2 semaphore(%arg20 : memref<!tpu.dma_semaphore, #tpu.memory_space<semaphore_mem>>) src(%dma_wait3A_1496 : memref<512xf32, #tpu.memory_space<hbm>>) dst(%arg13 : memref<512xf32, #tpu.memory_space<vmem>>)
      %mul3A_1497 = arith.constant 2 : i32
      %mul3A_1498 = arith.muli %add3A_1492, %mul3A_1497 : i32
      %add3A_1499 = arith.constant 0 : i32
      %add3A_1500 = arith.addi %mul3A_1498, %add3A_1499 : i32
      %ge3A_1501 = arith.constant 2 : i32
      %ge3A_1502 = arith.cmpi sge, %add3A_1500, %ge3A_1501 : i32
      %convert_element_type3A_1503 = arith.extui %ge3A_1502 : i1 to i32
      %cond3A_1504 = arith.constant 0 : i32
      %cond3A_1505 = arith.cmpi ne, %convert_element_type3A_1503, %cond3A_1504 : i32
      scf.if %cond3A_1505 {
        %dma_wait3A_2862 = arith.constant 0 : i32
        %dma_wait3A_2863 = tpu.memref_slice %arg4[%dma_wait3A_2862] : memref<8000000xf32, #tpu.memory_space<hbm>> -> memref<1024xf32, #tpu.memory_space<hbm>>
        %dma_wait3A_2864 = arith.constant 0 : i32
        %dma_wait3A_2865 = tpu.memref_slice %arg4[%dma_wait3A_2864] : memref<8000000xf32, #tpu.memory_space<hbm>> -> memref<1024xf32, #tpu.memory_space<hbm>>
        tpu.wait_dma2 semaphore(%arg23 : memref<!tpu.dma_semaphore, #tpu.memory_space<semaphore_mem>>) src(%arg10 : memref<1024xf32, #tpu.memory_space<vmem>>) dst(%dma_wait3A_2865 : memref<1024xf32, #tpu.memory_space<hbm>>)
      } else {
      }
      %mul3A_1506 = arith.constant 512 : i32
      %mul3A_1507 = arith.muli %add3A_1492, %mul3A_1506 : i32
      %add3A_1508 = arith.addi %mul3A_150, %mul3A_1507 : i32
      %add3A_1509 = arith.constant 0 : i32
      %add3A_1510 = arith.addi %add3A_1508, %add3A_1509 : i32
      %get3A_1511 = arith.index_cast %add3A_1510 : i32 to index
      %get3A_1512 = tpu.vector_load %arg9[%get3A_1511] {strides = array<i32>} : memref<125024xf32, #tpu.memory_space<vmem>>, vector<16xf32>,
      %get3A_1513 = arith.constant 0 : index
      %get3A_1514 = tpu.vector_load %arg13[%get3A_1513] {strides = array<i32>} : memref<512xf32, #tpu.memory_space<vmem>>, vector<16xf32>,
      %add3A_1515 = arith.constant 0 : i32
      %add3A_1516 = vector.broadcast %add3A_1515 : i32 to vector<16xi32>
      %add3A_1517 = arith.addi %mul3A_33, %add3A_1516 : vector<16xi32>
      %max3A_1518 = arith.maximumf %get3A_1512, %get3A_1514 : vector<16xf32>
      tpu.vector_store_idx %arg10[%add3A_1517], %max3A_1518 : memref<1024xf32, #tpu.memory_space<vmem>>[vector<16xi32>], vector<16xf32>,
      %mul3A_1519 = arith.constant 512 : i32
      %mul3A_1520 = arith.muli %add3A_1492, %mul3A_1519 : i32
      %add3A_1521 = arith.addi %mul3A_150, %mul3A_1520 : i32
      %add3A_1522 = arith.constant 16 : i32
      %add3A_1523 = arith.addi %add3A_1521, %add3A_1522 : i32
      %get3A_1524 = arith.index_cast %add3A_1523 : i32 to index
      %get3A_1525 = tpu.vector_load %arg9[%get3A_1524] {strides = array<i32>} : memref<125024xf32, #tpu.memory_space<vmem>>, vector<16xf32>,
      %get3A_1526 = arith.constant 16 : index
      %get3A_1527 = tpu.vector_load %arg13[%get3A_1526] {strides = array<i32>} : memref<512xf32, #tpu.memory_space<vmem>>, vector<16xf32>,
      %add3A_1528 = arith.constant 64 : i32
      %add3A_1529 = vector.broadcast %add3A_1528 : i32 to vector<16xi32>
      %add3A_1530 = arith.addi %mul3A_33, %add3A_1529 : vector<16xi32>
      %max3A_1531 = arith.maximumf %get3A_1525, %get3A_1527 : vector<16xf32>
      tpu.vector_store_idx %arg10[%add3A_1530], %max3A_1531 : memref<1024xf32, #tpu.memory_space<vmem>>[vector<16xi32>], vector<16xf32>,
      %mul3A_1532 = arith.constant 512 : i32
      %mul3A_1533 = arith.muli %add3A_1492, %mul3A_1532 : i32
      %add3A_1534 = arith.addi %mul3A_150, %mul3A_1533 : i32
      %add3A_1535 = arith.constant 32 : i32
      %add3A_1536 = arith.addi %add3A_1534, %add3A_1535 : i32
      %get3A_1537 = arith.index_cast %add3A_1536 : i32 to index
      %get3A_1538 = tpu.vector_load %arg9[%get3A_1537] {strides = array<i32>} : memref<125024xf32, #tpu.memory_space<vmem>>, vector<16xf32>,
      %get3A_1539 = arith.constant 32 : index
      %get3A_1540 = tpu.vector_load %arg13[%get3A_1539] {strides = array<i32>} : memref<512xf32, #tpu.memory_space<vmem>>, vector<16xf32>,
      %add3A_1541 = arith.constant 128 : i32
      %add3A_1542 = vector.broadcast %add3A_1541 : i32 to vector<16xi32>
      %add3A_1543 = arith.addi %mul3A_33, %add3A_1542 : vector<16xi32>
      %max3A_1544 = arith.maximumf %get3A_1538, %get3A_1540 : vector<16xf32>
      tpu.vector_store_idx %arg10[%add3A_1543], %max3A_1544 : memref<1024xf32, #tpu.memory_space<vmem>>[vector<16xi32>], vector<16xf32>,
      %mul3A_1545 = arith.constant 512 : i32
      %mul3A_1546 = arith.muli %add3A_1492, %mul3A_1545 : i32
      %add3A_1547 = arith.addi %mul3A_150, %mul3A_1546 : i32
      %add3A_1548 = arith.constant 48 : i32
      %add3A_1549 = arith.addi %add3A_1547, %add3A_1548 : i32
      %get3A_1550 = arith.index_cast %add3A_1549 : i32 to index
      %get3A_1551 = tpu.vector_load %arg9[%get3A_1550] {strides = array<i32>} : memref<125024xf32, #tpu.memory_space<vmem>>, vector<16xf32>,
      %get3A_1552 = arith.constant 48 : index
      %get3A_1553 = tpu.vector_load %arg13[%get3A_1552] {strides = array<i32>} : memref<512xf32, #tpu.memory_space<vmem>>, vector<16xf32>,
      %add3A_1554 = arith.constant 192 : i32
      %add3A_1555 = vector.broadcast %add3A_1554 : i32 to vector<16xi32>
      %add3A_1556 = arith.addi %mul3A_33, %add3A_1555 : vector<16xi32>
      %max3A_1557 = arith.maximumf %get3A_1551, %get3A_1553 : vector<16xf32>
      tpu.vector_store_idx %arg10[%add3A_1556], %max3A_1557 : memref<1024xf32, #tpu.memory_space<vmem>>[vector<16xi32>], vector<16xf32>,
      %mul3A_1558 = arith.constant 512 : i32
      %mul3A_1559 = arith.muli %add3A_1492, %mul3A_1558 : i32
      %add3A_1560 = arith.addi %mul3A_150, %mul3A_1559 : i32
      %add3A_1561 = arith.constant 64 : i32
      %add3A_1562 = arith.addi %add3A_1560, %add3A_1561 : i32
      %get3A_1563 = arith.index_cast %add3A_1562 : i32 to index
      %get3A_1564 = tpu.vector_load %arg9[%get3A_1563] {strides = array<i32>} : memref<125024xf32, #tpu.memory_space<vmem>>, vector<16xf32>,
      %get3A_1565 = arith.constant 64 : index
      %get3A_1566 = tpu.vector_load %arg13[%get3A_1565] {strides = array<i32>} : memref<512xf32, #tpu.memory_space<vmem>>, vector<16xf32>,
      %add3A_1567 = arith.constant 256 : i32
      %add3A_1568 = vector.broadcast %add3A_1567 : i32 to vector<16xi32>
      %add3A_1569 = arith.addi %mul3A_33, %add3A_1568 : vector<16xi32>
      %max3A_1570 = arith.maximumf %get3A_1564, %get3A_1566 : vector<16xf32>
      tpu.vector_store_idx %arg10[%add3A_1569], %max3A_1570 : memref<1024xf32, #tpu.memory_space<vmem>>[vector<16xi32>], vector<16xf32>,
      %mul3A_1571 = arith.constant 512 : i32
      %mul3A_1572 = arith.muli %add3A_1492, %mul3A_1571 : i32
      %add3A_1573 = arith.addi %mul3A_150, %mul3A_1572 : i32
      %add3A_1574 = arith.constant 80 : i32
      %add3A_1575 = arith.addi %add3A_1573, %add3A_1574 : i32
      %get3A_1576 = arith.index_cast %add3A_1575 : i32 to index
      %get3A_1577 = tpu.vector_load %arg9[%get3A_1576] {strides = array<i32>} : memref<125024xf32, #tpu.memory_space<vmem>>, vector<16xf32>,
      %get3A_1578 = arith.constant 80 : index
      %get3A_1579 = tpu.vector_load %arg13[%get3A_1578] {strides = array<i32>} : memref<512xf32, #tpu.memory_space<vmem>>, vector<16xf32>,
      %add3A_1580 = arith.constant 320 : i32
      %add3A_1581 = vector.broadcast %add3A_1580 : i32 to vector<16xi32>
      %add3A_1582 = arith.addi %mul3A_33, %add3A_1581 : vector<16xi32>
      %max3A_1583 = arith.maximumf %get3A_1577, %get3A_1579 : vector<16xf32>
      tpu.vector_store_idx %arg10[%add3A_1582], %max3A_1583 : memref<1024xf32, #tpu.memory_space<vmem>>[vector<16xi32>], vector<16xf32>,
      %mul3A_1584 = arith.constant 512 : i32
      %mul3A_1585 = arith.muli %add3A_1492, %mul3A_1584 : i32
      %add3A_1586 = arith.addi %mul3A_150, %mul3A_1585 : i32
      %add3A_1587 = arith.constant 96 : i32
      %add3A_1588 = arith.addi %add3A_1586, %add3A_1587 : i32
      %get3A_1589 = arith.index_cast %add3A_1588 : i32 to index
      %get3A_1590 = tpu.vector_load %arg9[%get3A_1589] {strides = array<i32>} : memref<125024xf32, #tpu.memory_space<vmem>>, vector<16xf32>,
      %get3A_1591 = arith.constant 96 : index
      %get3A_1592 = tpu.vector_load %arg13[%get3A_1591] {strides = array<i32>} : memref<512xf32, #tpu.memory_space<vmem>>, vector<16xf32>,
      %add3A_1593 = arith.constant 384 : i32
      %add3A_1594 = vector.broadcast %add3A_1593 : i32 to vector<16xi32>
      %add3A_1595 = arith.addi %mul3A_33, %add3A_1594 : vector<16xi32>
      %max3A_1596 = arith.maximumf %get3A_1590, %get3A_1592 : vector<16xf32>
      tpu.vector_store_idx %arg10[%add3A_1595], %max3A_1596 : memref<1024xf32, #tpu.memory_space<vmem>>[vector<16xi32>], vector<16xf32>,
      %mul3A_1597 = arith.constant 512 : i32
      %mul3A_1598 = arith.muli %add3A_1492, %mul3A_1597 : i32
      %add3A_1599 = arith.addi %mul3A_150, %mul3A_1598 : i32
      %add3A_1600 = arith.constant 112 : i32
      %add3A_1601 = arith.addi %add3A_1599, %add3A_1600 : i32
      %get3A_1602 = arith.index_cast %add3A_1601 : i32 to index
      %get3A_1603 = tpu.vector_load %arg9[%get3A_1602] {strides = array<i32>} : memref<125024xf32, #tpu.memory_space<vmem>>, vector<16xf32>,
      %get3A_1604 = arith.constant 112 : index
      %get3A_1605 = tpu.vector_load %arg13[%get3A_1604] {strides = array<i32>} : memref<512xf32, #tpu.memory_space<vmem>>, vector<16xf32>,
      %add3A_1606 = arith.constant 448 : i32
      %add3A_1607 = vector.broadcast %add3A_1606 : i32 to vector<16xi32>
      %add3A_1608 = arith.addi %mul3A_33, %add3A_1607 : vector<16xi32>
      %max3A_1609 = arith.maximumf %get3A_1603, %get3A_1605 : vector<16xf32>
      tpu.vector_store_idx %arg10[%add3A_1608], %max3A_1609 : memref<1024xf32, #tpu.memory_space<vmem>>[vector<16xi32>], vector<16xf32>,
      %mul3A_1610 = arith.constant 512 : i32
      %mul3A_1611 = arith.muli %add3A_1492, %mul3A_1610 : i32
      %add3A_1612 = arith.addi %mul3A_150, %mul3A_1611 : i32
      %add3A_1613 = arith.constant 128 : i32
      %add3A_1614 = arith.addi %add3A_1612, %add3A_1613 : i32
      %get3A_1615 = arith.index_cast %add3A_1614 : i32 to index
      %get3A_1616 = tpu.vector_load %arg9[%get3A_1615] {strides = array<i32>} : memref<125024xf32, #tpu.memory_space<vmem>>, vector<16xf32>,
      %get3A_1617 = arith.constant 128 : index
      %get3A_1618 = tpu.vector_load %arg13[%get3A_1617] {strides = array<i32>} : memref<512xf32, #tpu.memory_space<vmem>>, vector<16xf32>,
      %add3A_1619 = arith.constant 512 : i32
      %add3A_1620 = vector.broadcast %add3A_1619 : i32 to vector<16xi32>
      %add3A_1621 = arith.addi %mul3A_33, %add3A_1620 : vector<16xi32>
      %max3A_1622 = arith.maximumf %get3A_1616, %get3A_1618 : vector<16xf32>
      tpu.vector_store_idx %arg10[%add3A_1621], %max3A_1622 : memref<1024xf32, #tpu.memory_space<vmem>>[vector<16xi32>], vector<16xf32>,
      %mul3A_1623 = arith.constant 512 : i32
      %mul3A_1624 = arith.muli %add3A_1492, %mul3A_1623 : i32
      %add3A_1625 = arith.addi %mul3A_150, %mul3A_1624 : i32
      %add3A_1626 = arith.constant 144 : i32
      %add3A_1627 = arith.addi %add3A_1625, %add3A_1626 : i32
      %get3A_1628 = arith.index_cast %add3A_1627 : i32 to index
      %get3A_1629 = tpu.vector_load %arg9[%get3A_1628] {strides = array<i32>} : memref<125024xf32, #tpu.memory_space<vmem>>, vector<16xf32>,
      %get3A_1630 = arith.constant 144 : index
      %get3A_1631 = tpu.vector_load %arg13[%get3A_1630] {strides = array<i32>} : memref<512xf32, #tpu.memory_space<vmem>>, vector<16xf32>,
      %add3A_1632 = arith.constant 576 : i32
      %add3A_1633 = vector.broadcast %add3A_1632 : i32 to vector<16xi32>
      %add3A_1634 = arith.addi %mul3A_33, %add3A_1633 : vector<16xi32>
      %max3A_1635 = arith.maximumf %get3A_1629, %get3A_1631 : vector<16xf32>
      tpu.vector_store_idx %arg10[%add3A_1634], %max3A_1635 : memref<1024xf32, #tpu.memory_space<vmem>>[vector<16xi32>], vector<16xf32>,
      %mul3A_1636 = arith.constant 512 : i32
      %mul3A_1637 = arith.muli %add3A_1492, %mul3A_1636 : i32
      %add3A_1638 = arith.addi %mul3A_150, %mul3A_1637 : i32
      %add3A_1639 = arith.constant 160 : i32
      %add3A_1640 = arith.addi %add3A_1638, %add3A_1639 : i32
      %get3A_1641 = arith.index_cast %add3A_1640 : i32 to index
      %get3A_1642 = tpu.vector_load %arg9[%get3A_1641] {strides = array<i32>} : memref<125024xf32, #tpu.memory_space<vmem>>, vector<16xf32>,
      %get3A_1643 = arith.constant 160 : index
      %get3A_1644 = tpu.vector_load %arg13[%get3A_1643] {strides = array<i32>} : memref<512xf32, #tpu.memory_space<vmem>>, vector<16xf32>,
      %add3A_1645 = arith.constant 640 : i32
      %add3A_1646 = vector.broadcast %add3A_1645 : i32 to vector<16xi32>
      %add3A_1647 = arith.addi %mul3A_33, %add3A_1646 : vector<16xi32>
      %max3A_1648 = arith.maximumf %get3A_1642, %get3A_1644 : vector<16xf32>
      tpu.vector_store_idx %arg10[%add3A_1647], %max3A_1648 : memref<1024xf32, #tpu.memory_space<vmem>>[vector<16xi32>], vector<16xf32>,
      %mul3A_1649 = arith.constant 512 : i32
      %mul3A_1650 = arith.muli %add3A_1492, %mul3A_1649 : i32
      %add3A_1651 = arith.addi %mul3A_150, %mul3A_1650 : i32
      %add3A_1652 = arith.constant 176 : i32
      %add3A_1653 = arith.addi %add3A_1651, %add3A_1652 : i32
      %get3A_1654 = arith.index_cast %add3A_1653 : i32 to index
      %get3A_1655 = tpu.vector_load %arg9[%get3A_1654] {strides = array<i32>} : memref<125024xf32, #tpu.memory_space<vmem>>, vector<16xf32>,
      %get3A_1656 = arith.constant 176 : index
      %get3A_1657 = tpu.vector_load %arg13[%get3A_1656] {strides = array<i32>} : memref<512xf32, #tpu.memory_space<vmem>>, vector<16xf32>,
      %add3A_1658 = arith.constant 704 : i32
      %add3A_1659 = vector.broadcast %add3A_1658 : i32 to vector<16xi32>
      %add3A_1660 = arith.addi %mul3A_33, %add3A_1659 : vector<16xi32>
      %max3A_1661 = arith.maximumf %get3A_1655, %get3A_1657 : vector<16xf32>
      tpu.vector_store_idx %arg10[%add3A_1660], %max3A_1661 : memref<1024xf32, #tpu.memory_space<vmem>>[vector<16xi32>], vector<16xf32>,
      %mul3A_1662 = arith.constant 512 : i32
      %mul3A_1663 = arith.muli %add3A_1492, %mul3A_1662 : i32
      %add3A_1664 = arith.addi %mul3A_150, %mul3A_1663 : i32
      %add3A_1665 = arith.constant 192 : i32
      %add3A_1666 = arith.addi %add3A_1664, %add3A_1665 : i32
      %get3A_1667 = arith.index_cast %add3A_1666 : i32 to index
      %get3A_1668 = tpu.vector_load %arg9[%get3A_1667] {strides = array<i32>} : memref<125024xf32, #tpu.memory_space<vmem>>, vector<16xf32>,
      %get3A_1669 = arith.constant 192 : index
      %get3A_1670 = tpu.vector_load %arg13[%get3A_1669] {strides = array<i32>} : memref<512xf32, #tpu.memory_space<vmem>>, vector<16xf32>,
      %add3A_1671 = arith.constant 768 : i32
      %add3A_1672 = vector.broadcast %add3A_1671 : i32 to vector<16xi32>
      %add3A_1673 = arith.addi %mul3A_33, %add3A_1672 : vector<16xi32>
      %max3A_1674 = arith.maximumf %get3A_1668, %get3A_1670 : vector<16xf32>
      tpu.vector_store_idx %arg10[%add3A_1673], %max3A_1674 : memref<1024xf32, #tpu.memory_space<vmem>>[vector<16xi32>], vector<16xf32>,
      %mul3A_1675 = arith.constant 512 : i32
      %mul3A_1676 = arith.muli %add3A_1492, %mul3A_1675 : i32
      %add3A_1677 = arith.addi %mul3A_150, %mul3A_1676 : i32
      %add3A_1678 = arith.constant 208 : i32
      %add3A_1679 = arith.addi %add3A_1677, %add3A_1678 : i32
      %get3A_1680 = arith.index_cast %add3A_1679 : i32 to index
      %get3A_1681 = tpu.vector_load %arg9[%get3A_1680] {strides = array<i32>} : memref<125024xf32, #tpu.memory_space<vmem>>, vector<16xf32>,
      %get3A_1682 = arith.constant 208 : index
      %get3A_1683 = tpu.vector_load %arg13[%get3A_1682] {strides = array<i32>} : memref<512xf32, #tpu.memory_space<vmem>>, vector<16xf32>,
      %add3A_1684 = arith.constant 832 : i32
      %add3A_1685 = vector.broadcast %add3A_1684 : i32 to vector<16xi32>
      %add3A_1686 = arith.addi %mul3A_33, %add3A_1685 : vector<16xi32>
      %max3A_1687 = arith.maximumf %get3A_1681, %get3A_1683 : vector<16xf32>
      tpu.vector_store_idx %arg10[%add3A_1686], %max3A_1687 : memref<1024xf32, #tpu.memory_space<vmem>>[vector<16xi32>], vector<16xf32>,
      %mul3A_1688 = arith.constant 512 : i32
      %mul3A_1689 = arith.muli %add3A_1492, %mul3A_1688 : i32
      %add3A_1690 = arith.addi %mul3A_150, %mul3A_1689 : i32
      %add3A_1691 = arith.constant 224 : i32
      %add3A_1692 = arith.addi %add3A_1690, %add3A_1691 : i32
      %get3A_1693 = arith.index_cast %add3A_1692 : i32 to index
      %get3A_1694 = tpu.vector_load %arg9[%get3A_1693] {strides = array<i32>} : memref<125024xf32, #tpu.memory_space<vmem>>, vector<16xf32>,
      %get3A_1695 = arith.constant 224 : index
      %get3A_1696 = tpu.vector_load %arg13[%get3A_1695] {strides = array<i32>} : memref<512xf32, #tpu.memory_space<vmem>>, vector<16xf32>,
      %add3A_1697 = arith.constant 896 : i32
      %add3A_1698 = vector.broadcast %add3A_1697 : i32 to vector<16xi32>
      %add3A_1699 = arith.addi %mul3A_33, %add3A_1698 : vector<16xi32>
      %max3A_1700 = arith.maximumf %get3A_1694, %get3A_1696 : vector<16xf32>
      tpu.vector_store_idx %arg10[%add3A_1699], %max3A_1700 : memref<1024xf32, #tpu.memory_space<vmem>>[vector<16xi32>], vector<16xf32>,
      %mul3A_1701 = arith.constant 512 : i32
      %mul3A_1702 = arith.muli %add3A_1492, %mul3A_1701 : i32
      %add3A_1703 = arith.addi %mul3A_150, %mul3A_1702 : i32
      %add3A_1704 = arith.constant 240 : i32
      %add3A_1705 = arith.addi %add3A_1703, %add3A_1704 : i32
      %get3A_1706 = arith.index_cast %add3A_1705 : i32 to index
      %get3A_1707 = tpu.vector_load %arg9[%get3A_1706] {strides = array<i32>} : memref<125024xf32, #tpu.memory_space<vmem>>, vector<16xf32>,
      %get3A_1708 = arith.constant 240 : index
      %get3A_1709 = tpu.vector_load %arg13[%get3A_1708] {strides = array<i32>} : memref<512xf32, #tpu.memory_space<vmem>>, vector<16xf32>,
      %add3A_1710 = arith.constant 960 : i32
      %add3A_1711 = vector.broadcast %add3A_1710 : i32 to vector<16xi32>
      %add3A_1712 = arith.addi %mul3A_33, %add3A_1711 : vector<16xi32>
      %max3A_1713 = arith.maximumf %get3A_1707, %get3A_1709 : vector<16xf32>
      tpu.vector_store_idx %arg10[%add3A_1712], %max3A_1713 : memref<1024xf32, #tpu.memory_space<vmem>>[vector<16xi32>], vector<16xf32>,
      %mul3A_1714 = arith.constant 1024 : i32
      %mul3A_1715 = arith.muli %add3A_1500, %mul3A_1714 : i32
      %add3A_1716 = arith.addi %add3A_155, %mul3A_1715 : i32
      %dma_start3A_1717 = tpu.memref_slice %arg4[%add3A_1716] : memref<8000000xf32, #tpu.memory_space<hbm>> -> memref<1024xf32, #tpu.memory_space<hbm>>
      %dma_start3A_1718 = tpu.memref_slice %arg4[%add3A_1716] : memref<8000000xf32, #tpu.memory_space<hbm>> -> memref<1024xf32, #tpu.memory_space<hbm>>
      tpu.enqueue_dma source(%arg10 : memref<1024xf32, #tpu.memory_space<vmem>>) target(%dma_start3A_1718 : memref<1024xf32, #tpu.memory_space<hbm>>) target_semaphore(%arg23 : memref<!tpu.dma_semaphore, #tpu.memory_space<semaphore_mem>>)
      %mul3A_1719 = arith.constant 2 : i32
      %mul3A_1720 = arith.muli %add3A_1492, %mul3A_1719 : i32
      %add3A_1721 = arith.constant 1 : i32
      %add3A_1722 = arith.addi %mul3A_1720, %add3A_1721 : i32
      %ge3A_1723 = arith.constant 2 : i32
      %ge3A_1724 = arith.cmpi sge, %add3A_1722, %ge3A_1723 : i32
      %convert_element_type3A_1725 = arith.extui %ge3A_1724 : i1 to i32
      %cond3A_1726 = arith.constant 0 : i32
      %cond3A_1727 = arith.cmpi ne, %convert_element_type3A_1725, %cond3A_1726 : i32
      scf.if %cond3A_1727 {
        %dma_wait3A_2862 = arith.constant 0 : i32
        %dma_wait3A_2863 = tpu.memref_slice %arg4[%dma_wait3A_2862] : memref<8000000xf32, #tpu.memory_space<hbm>> -> memref<1024xf32, #tpu.memory_space<hbm>>
        %dma_wait3A_2864 = arith.constant 0 : i32
        %dma_wait3A_2865 = tpu.memref_slice %arg4[%dma_wait3A_2864] : memref<8000000xf32, #tpu.memory_space<hbm>> -> memref<1024xf32, #tpu.memory_space<hbm>>
        tpu.wait_dma2 semaphore(%arg24 : memref<!tpu.dma_semaphore, #tpu.memory_space<semaphore_mem>>) src(%arg11 : memref<1024xf32, #tpu.memory_space<vmem>>) dst(%dma_wait3A_2865 : memref<1024xf32, #tpu.memory_space<hbm>>)
      } else {
      }
      %mul3A_1728 = arith.constant 512 : i32
      %mul3A_1729 = arith.muli %add3A_1492, %mul3A_1728 : i32
      %add3A_1730 = arith.addi %mul3A_150, %mul3A_1729 : i32
      %add3A_1731 = arith.constant 256 : i32
      %add3A_1732 = arith.addi %add3A_1730, %add3A_1731 : i32
      %get3A_1733 = arith.index_cast %add3A_1732 : i32 to index
      %get3A_1734 = tpu.vector_load %arg9[%get3A_1733] {strides = array<i32>} : memref<125024xf32, #tpu.memory_space<vmem>>, vector<16xf32>,
      %get3A_1735 = arith.constant 256 : index
      %get3A_1736 = tpu.vector_load %arg13[%get3A_1735] {strides = array<i32>} : memref<512xf32, #tpu.memory_space<vmem>>, vector<16xf32>,
      %add3A_1737 = arith.constant 0 : i32
      %add3A_1738 = vector.broadcast %add3A_1737 : i32 to vector<16xi32>
      %add3A_1739 = arith.addi %mul3A_33, %add3A_1738 : vector<16xi32>
      %max3A_1740 = arith.maximumf %get3A_1734, %get3A_1736 : vector<16xf32>
      tpu.vector_store_idx %arg11[%add3A_1739], %max3A_1740 : memref<1024xf32, #tpu.memory_space<vmem>>[vector<16xi32>], vector<16xf32>,
      %mul3A_1741 = arith.constant 512 : i32
      %mul3A_1742 = arith.muli %add3A_1492, %mul3A_1741 : i32
      %add3A_1743 = arith.addi %mul3A_150, %mul3A_1742 : i32
      %add3A_1744 = arith.constant 272 : i32
      %add3A_1745 = arith.addi %add3A_1743, %add3A_1744 : i32
      %get3A_1746 = arith.index_cast %add3A_1745 : i32 to index
      %get3A_1747 = tpu.vector_load %arg9[%get3A_1746] {strides = array<i32>} : memref<125024xf32, #tpu.memory_space<vmem>>, vector<16xf32>,
      %get3A_1748 = arith.constant 272 : index
      %get3A_1749 = tpu.vector_load %arg13[%get3A_1748] {strides = array<i32>} : memref<512xf32, #tpu.memory_space<vmem>>, vector<16xf32>,
      %add3A_1750 = arith.constant 64 : i32
      %add3A_1751 = vector.broadcast %add3A_1750 : i32 to vector<16xi32>
      %add3A_1752 = arith.addi %mul3A_33, %add3A_1751 : vector<16xi32>
      %max3A_1753 = arith.maximumf %get3A_1747, %get3A_1749 : vector<16xf32>
      tpu.vector_store_idx %arg11[%add3A_1752], %max3A_1753 : memref<1024xf32, #tpu.memory_space<vmem>>[vector<16xi32>], vector<16xf32>,
      %mul3A_1754 = arith.constant 512 : i32
      %mul3A_1755 = arith.muli %add3A_1492, %mul3A_1754 : i32
      %add3A_1756 = arith.addi %mul3A_150, %mul3A_1755 : i32
      %add3A_1757 = arith.constant 288 : i32
      %add3A_1758 = arith.addi %add3A_1756, %add3A_1757 : i32
      %get3A_1759 = arith.index_cast %add3A_1758 : i32 to index
      %get3A_1760 = tpu.vector_load %arg9[%get3A_1759] {strides = array<i32>} : memref<125024xf32, #tpu.memory_space<vmem>>, vector<16xf32>,
      %get3A_1761 = arith.constant 288 : index
      %get3A_1762 = tpu.vector_load %arg13[%get3A_1761] {strides = array<i32>} : memref<512xf32, #tpu.memory_space<vmem>>, vector<16xf32>,
      %add3A_1763 = arith.constant 128 : i32
      %add3A_1764 = vector.broadcast %add3A_1763 : i32 to vector<16xi32>
      %add3A_1765 = arith.addi %mul3A_33, %add3A_1764 : vector<16xi32>
      %max3A_1766 = arith.maximumf %get3A_1760, %get3A_1762 : vector<16xf32>
      tpu.vector_store_idx %arg11[%add3A_1765], %max3A_1766 : memref<1024xf32, #tpu.memory_space<vmem>>[vector<16xi32>], vector<16xf32>,
      %mul3A_1767 = arith.constant 512 : i32
      %mul3A_1768 = arith.muli %add3A_1492, %mul3A_1767 : i32
      %add3A_1769 = arith.addi %mul3A_150, %mul3A_1768 : i32
      %add3A_1770 = arith.constant 304 : i32
      %add3A_1771 = arith.addi %add3A_1769, %add3A_1770 : i32
      %get3A_1772 = arith.index_cast %add3A_1771 : i32 to index
      %get3A_1773 = tpu.vector_load %arg9[%get3A_1772] {strides = array<i32>} : memref<125024xf32, #tpu.memory_space<vmem>>, vector<16xf32>,
      %get3A_1774 = arith.constant 304 : index
      %get3A_1775 = tpu.vector_load %arg13[%get3A_1774] {strides = array<i32>} : memref<512xf32, #tpu.memory_space<vmem>>, vector<16xf32>,
      %add3A_1776 = arith.constant 192 : i32
      %add3A_1777 = vector.broadcast %add3A_1776 : i32 to vector<16xi32>
      %add3A_1778 = arith.addi %mul3A_33, %add3A_1777 : vector<16xi32>
      %max3A_1779 = arith.maximumf %get3A_1773, %get3A_1775 : vector<16xf32>
      tpu.vector_store_idx %arg11[%add3A_1778], %max3A_1779 : memref<1024xf32, #tpu.memory_space<vmem>>[vector<16xi32>], vector<16xf32>,
      %mul3A_1780 = arith.constant 512 : i32
      %mul3A_1781 = arith.muli %add3A_1492, %mul3A_1780 : i32
      %add3A_1782 = arith.addi %mul3A_150, %mul3A_1781 : i32
      %add3A_1783 = arith.constant 320 : i32
      %add3A_1784 = arith.addi %add3A_1782, %add3A_1783 : i32
      %get3A_1785 = arith.index_cast %add3A_1784 : i32 to index
      %get3A_1786 = tpu.vector_load %arg9[%get3A_1785] {strides = array<i32>} : memref<125024xf32, #tpu.memory_space<vmem>>, vector<16xf32>,
      %get3A_1787 = arith.constant 320 : index
      %get3A_1788 = tpu.vector_load %arg13[%get3A_1787] {strides = array<i32>} : memref<512xf32, #tpu.memory_space<vmem>>, vector<16xf32>,
      %add3A_1789 = arith.constant 256 : i32
      %add3A_1790 = vector.broadcast %add3A_1789 : i32 to vector<16xi32>
      %add3A_1791 = arith.addi %mul3A_33, %add3A_1790 : vector<16xi32>
      %max3A_1792 = arith.maximumf %get3A_1786, %get3A_1788 : vector<16xf32>
      tpu.vector_store_idx %arg11[%add3A_1791], %max3A_1792 : memref<1024xf32, #tpu.memory_space<vmem>>[vector<16xi32>], vector<16xf32>,
      %mul3A_1793 = arith.constant 512 : i32
      %mul3A_1794 = arith.muli %add3A_1492, %mul3A_1793 : i32
      %add3A_1795 = arith.addi %mul3A_150, %mul3A_1794 : i32
      %add3A_1796 = arith.constant 336 : i32
      %add3A_1797 = arith.addi %add3A_1795, %add3A_1796 : i32
      %get3A_1798 = arith.index_cast %add3A_1797 : i32 to index
      %get3A_1799 = tpu.vector_load %arg9[%get3A_1798] {strides = array<i32>} : memref<125024xf32, #tpu.memory_space<vmem>>, vector<16xf32>,
      %get3A_1800 = arith.constant 336 : index
      %get3A_1801 = tpu.vector_load %arg13[%get3A_1800] {strides = array<i32>} : memref<512xf32, #tpu.memory_space<vmem>>, vector<16xf32>,
      %add3A_1802 = arith.constant 320 : i32
      %add3A_1803 = vector.broadcast %add3A_1802 : i32 to vector<16xi32>
      %add3A_1804 = arith.addi %mul3A_33, %add3A_1803 : vector<16xi32>
      %max3A_1805 = arith.maximumf %get3A_1799, %get3A_1801 : vector<16xf32>
      tpu.vector_store_idx %arg11[%add3A_1804], %max3A_1805 : memref<1024xf32, #tpu.memory_space<vmem>>[vector<16xi32>], vector<16xf32>,
      %mul3A_1806 = arith.constant 512 : i32
      %mul3A_1807 = arith.muli %add3A_1492, %mul3A_1806 : i32
      %add3A_1808 = arith.addi %mul3A_150, %mul3A_1807 : i32
      %add3A_1809 = arith.constant 352 : i32
      %add3A_1810 = arith.addi %add3A_1808, %add3A_1809 : i32
      %get3A_1811 = arith.index_cast %add3A_1810 : i32 to index
      %get3A_1812 = tpu.vector_load %arg9[%get3A_1811] {strides = array<i32>} : memref<125024xf32, #tpu.memory_space<vmem>>, vector<16xf32>,
      %get3A_1813 = arith.constant 352 : index
      %get3A_1814 = tpu.vector_load %arg13[%get3A_1813] {strides = array<i32>} : memref<512xf32, #tpu.memory_space<vmem>>, vector<16xf32>,
      %add3A_1815 = arith.constant 384 : i32
      %add3A_1816 = vector.broadcast %add3A_1815 : i32 to vector<16xi32>
      %add3A_1817 = arith.addi %mul3A_33, %add3A_1816 : vector<16xi32>
      %max3A_1818 = arith.maximumf %get3A_1812, %get3A_1814 : vector<16xf32>
      tpu.vector_store_idx %arg11[%add3A_1817], %max3A_1818 : memref<1024xf32, #tpu.memory_space<vmem>>[vector<16xi32>], vector<16xf32>,
      %mul3A_1819 = arith.constant 512 : i32
      %mul3A_1820 = arith.muli %add3A_1492, %mul3A_1819 : i32
      %add3A_1821 = arith.addi %mul3A_150, %mul3A_1820 : i32
      %add3A_1822 = arith.constant 368 : i32
      %add3A_1823 = arith.addi %add3A_1821, %add3A_1822 : i32
      %get3A_1824 = arith.index_cast %add3A_1823 : i32 to index
      %get3A_1825 = tpu.vector_load %arg9[%get3A_1824] {strides = array<i32>} : memref<125024xf32, #tpu.memory_space<vmem>>, vector<16xf32>,
      %get3A_1826 = arith.constant 368 : index
      %get3A_1827 = tpu.vector_load %arg13[%get3A_1826] {strides = array<i32>} : memref<512xf32, #tpu.memory_space<vmem>>, vector<16xf32>,
      %add3A_1828 = arith.constant 448 : i32
      %add3A_1829 = vector.broadcast %add3A_1828 : i32 to vector<16xi32>
      %add3A_1830 = arith.addi %mul3A_33, %add3A_1829 : vector<16xi32>
      %max3A_1831 = arith.maximumf %get3A_1825, %get3A_1827 : vector<16xf32>
      tpu.vector_store_idx %arg11[%add3A_1830], %max3A_1831 : memref<1024xf32, #tpu.memory_space<vmem>>[vector<16xi32>], vector<16xf32>,
      %mul3A_1832 = arith.constant 512 : i32
      %mul3A_1833 = arith.muli %add3A_1492, %mul3A_1832 : i32
      %add3A_1834 = arith.addi %mul3A_150, %mul3A_1833 : i32
      %add3A_1835 = arith.constant 384 : i32
      %add3A_1836 = arith.addi %add3A_1834, %add3A_1835 : i32
      %get3A_1837 = arith.index_cast %add3A_1836 : i32 to index
      %get3A_1838 = tpu.vector_load %arg9[%get3A_1837] {strides = array<i32>} : memref<125024xf32, #tpu.memory_space<vmem>>, vector<16xf32>,
      %get3A_1839 = arith.constant 384 : index
      %get3A_1840 = tpu.vector_load %arg13[%get3A_1839] {strides = array<i32>} : memref<512xf32, #tpu.memory_space<vmem>>, vector<16xf32>,
      %add3A_1841 = arith.constant 512 : i32
      %add3A_1842 = vector.broadcast %add3A_1841 : i32 to vector<16xi32>
      %add3A_1843 = arith.addi %mul3A_33, %add3A_1842 : vector<16xi32>
      %max3A_1844 = arith.maximumf %get3A_1838, %get3A_1840 : vector<16xf32>
      tpu.vector_store_idx %arg11[%add3A_1843], %max3A_1844 : memref<1024xf32, #tpu.memory_space<vmem>>[vector<16xi32>], vector<16xf32>,
      %mul3A_1845 = arith.constant 512 : i32
      %mul3A_1846 = arith.muli %add3A_1492, %mul3A_1845 : i32
      %add3A_1847 = arith.addi %mul3A_150, %mul3A_1846 : i32
      %add3A_1848 = arith.constant 400 : i32
      %add3A_1849 = arith.addi %add3A_1847, %add3A_1848 : i32
      %get3A_1850 = arith.index_cast %add3A_1849 : i32 to index
      %get3A_1851 = tpu.vector_load %arg9[%get3A_1850] {strides = array<i32>} : memref<125024xf32, #tpu.memory_space<vmem>>, vector<16xf32>,
      %get3A_1852 = arith.constant 400 : index
      %get3A_1853 = tpu.vector_load %arg13[%get3A_1852] {strides = array<i32>} : memref<512xf32, #tpu.memory_space<vmem>>, vector<16xf32>,
      %add3A_1854 = arith.constant 576 : i32
      %add3A_1855 = vector.broadcast %add3A_1854 : i32 to vector<16xi32>
      %add3A_1856 = arith.addi %mul3A_33, %add3A_1855 : vector<16xi32>
      %max3A_1857 = arith.maximumf %get3A_1851, %get3A_1853 : vector<16xf32>
      tpu.vector_store_idx %arg11[%add3A_1856], %max3A_1857 : memref<1024xf32, #tpu.memory_space<vmem>>[vector<16xi32>], vector<16xf32>,
      %mul3A_1858 = arith.constant 512 : i32
      %mul3A_1859 = arith.muli %add3A_1492, %mul3A_1858 : i32
      %add3A_1860 = arith.addi %mul3A_150, %mul3A_1859 : i32
      %add3A_1861 = arith.constant 416 : i32
      %add3A_1862 = arith.addi %add3A_1860, %add3A_1861 : i32
      %get3A_1863 = arith.index_cast %add3A_1862 : i32 to index
      %get3A_1864 = tpu.vector_load %arg9[%get3A_1863] {strides = array<i32>} : memref<125024xf32, #tpu.memory_space<vmem>>, vector<16xf32>,
      %get3A_1865 = arith.constant 416 : index
      %get3A_1866 = tpu.vector_load %arg13[%get3A_1865] {strides = array<i32>} : memref<512xf32, #tpu.memory_space<vmem>>, vector<16xf32>,
      %add3A_1867 = arith.constant 640 : i32
      %add3A_1868 = vector.broadcast %add3A_1867 : i32 to vector<16xi32>
      %add3A_1869 = arith.addi %mul3A_33, %add3A_1868 : vector<16xi32>
      %max3A_1870 = arith.maximumf %get3A_1864, %get3A_1866 : vector<16xf32>
      tpu.vector_store_idx %arg11[%add3A_1869], %max3A_1870 : memref<1024xf32, #tpu.memory_space<vmem>>[vector<16xi32>], vector<16xf32>,
      %mul3A_1871 = arith.constant 512 : i32
      %mul3A_1872 = arith.muli %add3A_1492, %mul3A_1871 : i32
      %add3A_1873 = arith.addi %mul3A_150, %mul3A_1872 : i32
      %add3A_1874 = arith.constant 432 : i32
      %add3A_1875 = arith.addi %add3A_1873, %add3A_1874 : i32
      %get3A_1876 = arith.index_cast %add3A_1875 : i32 to index
      %get3A_1877 = tpu.vector_load %arg9[%get3A_1876] {strides = array<i32>} : memref<125024xf32, #tpu.memory_space<vmem>>, vector<16xf32>,
      %get3A_1878 = arith.constant 432 : index
      %get3A_1879 = tpu.vector_load %arg13[%get3A_1878] {strides = array<i32>} : memref<512xf32, #tpu.memory_space<vmem>>, vector<16xf32>,
      %add3A_1880 = arith.constant 704 : i32
      %add3A_1881 = vector.broadcast %add3A_1880 : i32 to vector<16xi32>
      %add3A_1882 = arith.addi %mul3A_33, %add3A_1881 : vector<16xi32>
      %max3A_1883 = arith.maximumf %get3A_1877, %get3A_1879 : vector<16xf32>
      tpu.vector_store_idx %arg11[%add3A_1882], %max3A_1883 : memref<1024xf32, #tpu.memory_space<vmem>>[vector<16xi32>], vector<16xf32>,
      %mul3A_1884 = arith.constant 512 : i32
      %mul3A_1885 = arith.muli %add3A_1492, %mul3A_1884 : i32
      %add3A_1886 = arith.addi %mul3A_150, %mul3A_1885 : i32
      %add3A_1887 = arith.constant 448 : i32
      %add3A_1888 = arith.addi %add3A_1886, %add3A_1887 : i32
      %get3A_1889 = arith.index_cast %add3A_1888 : i32 to index
      %get3A_1890 = tpu.vector_load %arg9[%get3A_1889] {strides = array<i32>} : memref<125024xf32, #tpu.memory_space<vmem>>, vector<16xf32>,
      %get3A_1891 = arith.constant 448 : index
      %get3A_1892 = tpu.vector_load %arg13[%get3A_1891] {strides = array<i32>} : memref<512xf32, #tpu.memory_space<vmem>>, vector<16xf32>,
      %add3A_1893 = arith.constant 768 : i32
      %add3A_1894 = vector.broadcast %add3A_1893 : i32 to vector<16xi32>
      %add3A_1895 = arith.addi %mul3A_33, %add3A_1894 : vector<16xi32>
      %max3A_1896 = arith.maximumf %get3A_1890, %get3A_1892 : vector<16xf32>
      tpu.vector_store_idx %arg11[%add3A_1895], %max3A_1896 : memref<1024xf32, #tpu.memory_space<vmem>>[vector<16xi32>], vector<16xf32>,
      %mul3A_1897 = arith.constant 512 : i32
      %mul3A_1898 = arith.muli %add3A_1492, %mul3A_1897 : i32
      %add3A_1899 = arith.addi %mul3A_150, %mul3A_1898 : i32
      %add3A_1900 = arith.constant 464 : i32
      %add3A_1901 = arith.addi %add3A_1899, %add3A_1900 : i32
      %get3A_1902 = arith.index_cast %add3A_1901 : i32 to index
      %get3A_1903 = tpu.vector_load %arg9[%get3A_1902] {strides = array<i32>} : memref<125024xf32, #tpu.memory_space<vmem>>, vector<16xf32>,
      %get3A_1904 = arith.constant 464 : index
      %get3A_1905 = tpu.vector_load %arg13[%get3A_1904] {strides = array<i32>} : memref<512xf32, #tpu.memory_space<vmem>>, vector<16xf32>,
      %add3A_1906 = arith.constant 832 : i32
      %add3A_1907 = vector.broadcast %add3A_1906 : i32 to vector<16xi32>
      %add3A_1908 = arith.addi %mul3A_33, %add3A_1907 : vector<16xi32>
      %max3A_1909 = arith.maximumf %get3A_1903, %get3A_1905 : vector<16xf32>
      tpu.vector_store_idx %arg11[%add3A_1908], %max3A_1909 : memref<1024xf32, #tpu.memory_space<vmem>>[vector<16xi32>], vector<16xf32>,
      %mul3A_1910 = arith.constant 512 : i32
      %mul3A_1911 = arith.muli %add3A_1492, %mul3A_1910 : i32
      %add3A_1912 = arith.addi %mul3A_150, %mul3A_1911 : i32
      %add3A_1913 = arith.constant 480 : i32
      %add3A_1914 = arith.addi %add3A_1912, %add3A_1913 : i32
      %get3A_1915 = arith.index_cast %add3A_1914 : i32 to index
      %get3A_1916 = tpu.vector_load %arg9[%get3A_1915] {strides = array<i32>} : memref<125024xf32, #tpu.memory_space<vmem>>, vector<16xf32>,
      %get3A_1917 = arith.constant 480 : index
      %get3A_1918 = tpu.vector_load %arg13[%get3A_1917] {strides = array<i32>} : memref<512xf32, #tpu.memory_space<vmem>>, vector<16xf32>,
      %add3A_1919 = arith.constant 896 : i32
      %add3A_1920 = vector.broadcast %add3A_1919 : i32 to vector<16xi32>
      %add3A_1921 = arith.addi %mul3A_33, %add3A_1920 : vector<16xi32>
      %max3A_1922 = arith.maximumf %get3A_1916, %get3A_1918 : vector<16xf32>
      tpu.vector_store_idx %arg11[%add3A_1921], %max3A_1922 : memref<1024xf32, #tpu.memory_space<vmem>>[vector<16xi32>], vector<16xf32>,
      %mul3A_1923 = arith.constant 512 : i32
      %mul3A_1924 = arith.muli %add3A_1492, %mul3A_1923 : i32
      %add3A_1925 = arith.addi %mul3A_150, %mul3A_1924 : i32
      %add3A_1926 = arith.constant 496 : i32
      %add3A_1927 = arith.addi %add3A_1925, %add3A_1926 : i32
      %get3A_1928 = arith.index_cast %add3A_1927 : i32 to index
      %get3A_1929 = tpu.vector_load %arg9[%get3A_1928] {strides = array<i32>} : memref<125024xf32, #tpu.memory_space<vmem>>, vector<16xf32>,
      %get3A_1930 = arith.constant 496 : index
      %get3A_1931 = tpu.vector_load %arg13[%get3A_1930] {strides = array<i32>} : memref<512xf32, #tpu.memory_space<vmem>>, vector<16xf32>,
      %add3A_1932 = arith.constant 960 : i32
      %add3A_1933 = vector.broadcast %add3A_1932 : i32 to vector<16xi32>
      %add3A_1934 = arith.addi %mul3A_33, %add3A_1933 : vector<16xi32>
      %max3A_1935 = arith.maximumf %get3A_1929, %get3A_1931 : vector<16xf32>
      tpu.vector_store_idx %arg11[%add3A_1934], %max3A_1935 : memref<1024xf32, #tpu.memory_space<vmem>>[vector<16xi32>], vector<16xf32>,
      %mul3A_1936 = arith.constant 1024 : i32
      %mul3A_1937 = arith.muli %add3A_1722, %mul3A_1936 : i32
      %add3A_1938 = arith.addi %add3A_155, %mul3A_1937 : i32
      %dma_start3A_1939 = tpu.memref_slice %arg4[%add3A_1938] : memref<8000000xf32, #tpu.memory_space<hbm>> -> memref<1024xf32, #tpu.memory_space<hbm>>
      %dma_start3A_1940 = tpu.memref_slice %arg4[%add3A_1938] : memref<8000000xf32, #tpu.memory_space<hbm>> -> memref<1024xf32, #tpu.memory_space<hbm>>
      tpu.enqueue_dma source(%arg11 : memref<1024xf32, #tpu.memory_space<vmem>>) target(%dma_start3A_1940 : memref<1024xf32, #tpu.memory_space<hbm>>) target_semaphore(%arg24 : memref<!tpu.dma_semaphore, #tpu.memory_space<semaphore_mem>>)
      %add3A_1941 = arith.constant 4 : i32
      %add3A_1942 = arith.addi %add3A_1492, %add3A_1941 : i32
      %lt3A_1943 = arith.constant 122 : i32
      %lt3A_1944 = arith.cmpi slt, %add3A_1942, %lt3A_1943 : i32
      %convert_element_type3A_1945 = arith.extui %lt3A_1944 : i1 to i32
      %cond3A_1946 = arith.constant 0 : i32
      %cond3A_1947 = arith.cmpi ne, %convert_element_type3A_1945, %cond3A_1946 : i32
      scf.if %cond3A_1947 {
        %mul3A_2862 = arith.constant 512 : i32
        %mul3A_2863 = arith.muli %add3A_1942, %mul3A_2862 : i32
        %add3A_2864 = arith.addi %mul3A_51, %mul3A_2863 : i32
        %dma_start3A_2865 = tpu.memref_slice %arg16[%add3A_2864] : memref<2000384xf32, #tpu.memory_space<hbm>> -> memref<512xf32, #tpu.memory_space<hbm>>
        %dma_start3A_2866 = tpu.memref_slice %arg16[%add3A_2864] : memref<2000384xf32, #tpu.memory_space<hbm>> -> memref<512xf32, #tpu.memory_space<hbm>>
        tpu.enqueue_dma source(%dma_start3A_2866 : memref<512xf32, #tpu.memory_space<hbm>>) target(%arg13 : memref<512xf32, #tpu.memory_space<vmem>>) target_semaphore(%arg20 : memref<!tpu.dma_semaphore, #tpu.memory_space<semaphore_mem>>)
      } else {
      }
      %add3A_1948 = arith.constant 2 : i32
      %add3A_1949 = arith.addi %add3A_1034, %add3A_1948 : i32
      %dma_wait3A_1950 = arith.constant 0 : i32
      %dma_wait3A_1951 = tpu.memref_slice %arg16[%dma_wait3A_1950] : memref<2000384xf32, #tpu.memory_space<hbm>> -> memref<512xf32, #tpu.memory_space<hbm>>
      %dma_wait3A_1952 = arith.constant 0 : i32
      %dma_wait3A_1953 = tpu.memref_slice %arg16[%dma_wait3A_1952] : memref<2000384xf32, #tpu.memory_space<hbm>> -> memref<512xf32, #tpu.memory_space<hbm>>
      tpu.wait_dma2 semaphore(%arg21 : memref<!tpu.dma_semaphore, #tpu.memory_space<semaphore_mem>>) src(%dma_wait3A_1953 : memref<512xf32, #tpu.memory_space<hbm>>) dst(%arg14 : memref<512xf32, #tpu.memory_space<vmem>>)
      %mul3A_1954 = arith.constant 2 : i32
      %mul3A_1955 = arith.muli %add3A_1949, %mul3A_1954 : i32
      %add3A_1956 = arith.constant 0 : i32
      %add3A_1957 = arith.addi %mul3A_1955, %add3A_1956 : i32
      %ge3A_1958 = arith.constant 2 : i32
      %ge3A_1959 = arith.cmpi sge, %add3A_1957, %ge3A_1958 : i32
      %convert_element_type3A_1960 = arith.extui %ge3A_1959 : i1 to i32
      %cond3A_1961 = arith.constant 0 : i32
      %cond3A_1962 = arith.cmpi ne, %convert_element_type3A_1960, %cond3A_1961 : i32
      scf.if %cond3A_1962 {
        %dma_wait3A_2862 = arith.constant 0 : i32
        %dma_wait3A_2863 = tpu.memref_slice %arg4[%dma_wait3A_2862] : memref<8000000xf32, #tpu.memory_space<hbm>> -> memref<1024xf32, #tpu.memory_space<hbm>>
        %dma_wait3A_2864 = arith.constant 0 : i32
        %dma_wait3A_2865 = tpu.memref_slice %arg4[%dma_wait3A_2864] : memref<8000000xf32, #tpu.memory_space<hbm>> -> memref<1024xf32, #tpu.memory_space<hbm>>
        tpu.wait_dma2 semaphore(%arg23 : memref<!tpu.dma_semaphore, #tpu.memory_space<semaphore_mem>>) src(%arg10 : memref<1024xf32, #tpu.memory_space<vmem>>) dst(%dma_wait3A_2865 : memref<1024xf32, #tpu.memory_space<hbm>>)
      } else {
      }
      %mul3A_1963 = arith.constant 512 : i32
      %mul3A_1964 = arith.muli %add3A_1949, %mul3A_1963 : i32
      %add3A_1965 = arith.addi %mul3A_150, %mul3A_1964 : i32
      %add3A_1966 = arith.constant 0 : i32
      %add3A_1967 = arith.addi %add3A_1965, %add3A_1966 : i32
      %get3A_1968 = arith.index_cast %add3A_1967 : i32 to index
      %get3A_1969 = tpu.vector_load %arg9[%get3A_1968] {strides = array<i32>} : memref<125024xf32, #tpu.memory_space<vmem>>, vector<16xf32>,
      %get3A_1970 = arith.constant 0 : index
      %get3A_1971 = tpu.vector_load %arg14[%get3A_1970] {strides = array<i32>} : memref<512xf32, #tpu.memory_space<vmem>>, vector<16xf32>,
      %add3A_1972 = arith.constant 0 : i32
      %add3A_1973 = vector.broadcast %add3A_1972 : i32 to vector<16xi32>
      %add3A_1974 = arith.addi %mul3A_33, %add3A_1973 : vector<16xi32>
      %max3A_1975 = arith.maximumf %get3A_1969, %get3A_1971 : vector<16xf32>
      tpu.vector_store_idx %arg10[%add3A_1974], %max3A_1975 : memref<1024xf32, #tpu.memory_space<vmem>>[vector<16xi32>], vector<16xf32>,
      %mul3A_1976 = arith.constant 512 : i32
      %mul3A_1977 = arith.muli %add3A_1949, %mul3A_1976 : i32
      %add3A_1978 = arith.addi %mul3A_150, %mul3A_1977 : i32
      %add3A_1979 = arith.constant 16 : i32
      %add3A_1980 = arith.addi %add3A_1978, %add3A_1979 : i32
      %get3A_1981 = arith.index_cast %add3A_1980 : i32 to index
      %get3A_1982 = tpu.vector_load %arg9[%get3A_1981] {strides = array<i32>} : memref<125024xf32, #tpu.memory_space<vmem>>, vector<16xf32>,
      %get3A_1983 = arith.constant 16 : index
      %get3A_1984 = tpu.vector_load %arg14[%get3A_1983] {strides = array<i32>} : memref<512xf32, #tpu.memory_space<vmem>>, vector<16xf32>,
      %add3A_1985 = arith.constant 64 : i32
      %add3A_1986 = vector.broadcast %add3A_1985 : i32 to vector<16xi32>
      %add3A_1987 = arith.addi %mul3A_33, %add3A_1986 : vector<16xi32>
      %max3A_1988 = arith.maximumf %get3A_1982, %get3A_1984 : vector<16xf32>
      tpu.vector_store_idx %arg10[%add3A_1987], %max3A_1988 : memref<1024xf32, #tpu.memory_space<vmem>>[vector<16xi32>], vector<16xf32>,
      %mul3A_1989 = arith.constant 512 : i32
      %mul3A_1990 = arith.muli %add3A_1949, %mul3A_1989 : i32
      %add3A_1991 = arith.addi %mul3A_150, %mul3A_1990 : i32
      %add3A_1992 = arith.constant 32 : i32
      %add3A_1993 = arith.addi %add3A_1991, %add3A_1992 : i32
      %get3A_1994 = arith.index_cast %add3A_1993 : i32 to index
      %get3A_1995 = tpu.vector_load %arg9[%get3A_1994] {strides = array<i32>} : memref<125024xf32, #tpu.memory_space<vmem>>, vector<16xf32>,
      %get3A_1996 = arith.constant 32 : index
      %get3A_1997 = tpu.vector_load %arg14[%get3A_1996] {strides = array<i32>} : memref<512xf32, #tpu.memory_space<vmem>>, vector<16xf32>,
      %add3A_1998 = arith.constant 128 : i32
      %add3A_1999 = vector.broadcast %add3A_1998 : i32 to vector<16xi32>
      %add3A_2000 = arith.addi %mul3A_33, %add3A_1999 : vector<16xi32>
      %max3A_2001 = arith.maximumf %get3A_1995, %get3A_1997 : vector<16xf32>
      tpu.vector_store_idx %arg10[%add3A_2000], %max3A_2001 : memref<1024xf32, #tpu.memory_space<vmem>>[vector<16xi32>], vector<16xf32>,
      %mul3A_2002 = arith.constant 512 : i32
      %mul3A_2003 = arith.muli %add3A_1949, %mul3A_2002 : i32
      %add3A_2004 = arith.addi %mul3A_150, %mul3A_2003 : i32
      %add3A_2005 = arith.constant 48 : i32
      %add3A_2006 = arith.addi %add3A_2004, %add3A_2005 : i32
      %get3A_2007 = arith.index_cast %add3A_2006 : i32 to index
      %get3A_2008 = tpu.vector_load %arg9[%get3A_2007] {strides = array<i32>} : memref<125024xf32, #tpu.memory_space<vmem>>, vector<16xf32>,
      %get3A_2009 = arith.constant 48 : index
      %get3A_2010 = tpu.vector_load %arg14[%get3A_2009] {strides = array<i32>} : memref<512xf32, #tpu.memory_space<vmem>>, vector<16xf32>,
      %add3A_2011 = arith.constant 192 : i32
      %add3A_2012 = vector.broadcast %add3A_2011 : i32 to vector<16xi32>
      %add3A_2013 = arith.addi %mul3A_33, %add3A_2012 : vector<16xi32>
      %max3A_2014 = arith.maximumf %get3A_2008, %get3A_2010 : vector<16xf32>
      tpu.vector_store_idx %arg10[%add3A_2013], %max3A_2014 : memref<1024xf32, #tpu.memory_space<vmem>>[vector<16xi32>], vector<16xf32>,
      %mul3A_2015 = arith.constant 512 : i32
      %mul3A_2016 = arith.muli %add3A_1949, %mul3A_2015 : i32
      %add3A_2017 = arith.addi %mul3A_150, %mul3A_2016 : i32
      %add3A_2018 = arith.constant 64 : i32
      %add3A_2019 = arith.addi %add3A_2017, %add3A_2018 : i32
      %get3A_2020 = arith.index_cast %add3A_2019 : i32 to index
      %get3A_2021 = tpu.vector_load %arg9[%get3A_2020] {strides = array<i32>} : memref<125024xf32, #tpu.memory_space<vmem>>, vector<16xf32>,
      %get3A_2022 = arith.constant 64 : index
      %get3A_2023 = tpu.vector_load %arg14[%get3A_2022] {strides = array<i32>} : memref<512xf32, #tpu.memory_space<vmem>>, vector<16xf32>,
      %add3A_2024 = arith.constant 256 : i32
      %add3A_2025 = vector.broadcast %add3A_2024 : i32 to vector<16xi32>
      %add3A_2026 = arith.addi %mul3A_33, %add3A_2025 : vector<16xi32>
      %max3A_2027 = arith.maximumf %get3A_2021, %get3A_2023 : vector<16xf32>
      tpu.vector_store_idx %arg10[%add3A_2026], %max3A_2027 : memref<1024xf32, #tpu.memory_space<vmem>>[vector<16xi32>], vector<16xf32>,
      %mul3A_2028 = arith.constant 512 : i32
      %mul3A_2029 = arith.muli %add3A_1949, %mul3A_2028 : i32
      %add3A_2030 = arith.addi %mul3A_150, %mul3A_2029 : i32
      %add3A_2031 = arith.constant 80 : i32
      %add3A_2032 = arith.addi %add3A_2030, %add3A_2031 : i32
      %get3A_2033 = arith.index_cast %add3A_2032 : i32 to index
      %get3A_2034 = tpu.vector_load %arg9[%get3A_2033] {strides = array<i32>} : memref<125024xf32, #tpu.memory_space<vmem>>, vector<16xf32>,
      %get3A_2035 = arith.constant 80 : index
      %get3A_2036 = tpu.vector_load %arg14[%get3A_2035] {strides = array<i32>} : memref<512xf32, #tpu.memory_space<vmem>>, vector<16xf32>,
      %add3A_2037 = arith.constant 320 : i32
      %add3A_2038 = vector.broadcast %add3A_2037 : i32 to vector<16xi32>
      %add3A_2039 = arith.addi %mul3A_33, %add3A_2038 : vector<16xi32>
      %max3A_2040 = arith.maximumf %get3A_2034, %get3A_2036 : vector<16xf32>
      tpu.vector_store_idx %arg10[%add3A_2039], %max3A_2040 : memref<1024xf32, #tpu.memory_space<vmem>>[vector<16xi32>], vector<16xf32>,
      %mul3A_2041 = arith.constant 512 : i32
      %mul3A_2042 = arith.muli %add3A_1949, %mul3A_2041 : i32
      %add3A_2043 = arith.addi %mul3A_150, %mul3A_2042 : i32
      %add3A_2044 = arith.constant 96 : i32
      %add3A_2045 = arith.addi %add3A_2043, %add3A_2044 : i32
      %get3A_2046 = arith.index_cast %add3A_2045 : i32 to index
      %get3A_2047 = tpu.vector_load %arg9[%get3A_2046] {strides = array<i32>} : memref<125024xf32, #tpu.memory_space<vmem>>, vector<16xf32>,
      %get3A_2048 = arith.constant 96 : index
      %get3A_2049 = tpu.vector_load %arg14[%get3A_2048] {strides = array<i32>} : memref<512xf32, #tpu.memory_space<vmem>>, vector<16xf32>,
      %add3A_2050 = arith.constant 384 : i32
      %add3A_2051 = vector.broadcast %add3A_2050 : i32 to vector<16xi32>
      %add3A_2052 = arith.addi %mul3A_33, %add3A_2051 : vector<16xi32>
      %max3A_2053 = arith.maximumf %get3A_2047, %get3A_2049 : vector<16xf32>
      tpu.vector_store_idx %arg10[%add3A_2052], %max3A_2053 : memref<1024xf32, #tpu.memory_space<vmem>>[vector<16xi32>], vector<16xf32>,
      %mul3A_2054 = arith.constant 512 : i32
      %mul3A_2055 = arith.muli %add3A_1949, %mul3A_2054 : i32
      %add3A_2056 = arith.addi %mul3A_150, %mul3A_2055 : i32
      %add3A_2057 = arith.constant 112 : i32
      %add3A_2058 = arith.addi %add3A_2056, %add3A_2057 : i32
      %get3A_2059 = arith.index_cast %add3A_2058 : i32 to index
      %get3A_2060 = tpu.vector_load %arg9[%get3A_2059] {strides = array<i32>} : memref<125024xf32, #tpu.memory_space<vmem>>, vector<16xf32>,
      %get3A_2061 = arith.constant 112 : index
      %get3A_2062 = tpu.vector_load %arg14[%get3A_2061] {strides = array<i32>} : memref<512xf32, #tpu.memory_space<vmem>>, vector<16xf32>,
      %add3A_2063 = arith.constant 448 : i32
      %add3A_2064 = vector.broadcast %add3A_2063 : i32 to vector<16xi32>
      %add3A_2065 = arith.addi %mul3A_33, %add3A_2064 : vector<16xi32>
      %max3A_2066 = arith.maximumf %get3A_2060, %get3A_2062 : vector<16xf32>
      tpu.vector_store_idx %arg10[%add3A_2065], %max3A_2066 : memref<1024xf32, #tpu.memory_space<vmem>>[vector<16xi32>], vector<16xf32>,
      %mul3A_2067 = arith.constant 512 : i32
      %mul3A_2068 = arith.muli %add3A_1949, %mul3A_2067 : i32
      %add3A_2069 = arith.addi %mul3A_150, %mul3A_2068 : i32
      %add3A_2070 = arith.constant 128 : i32
      %add3A_2071 = arith.addi %add3A_2069, %add3A_2070 : i32
      %get3A_2072 = arith.index_cast %add3A_2071 : i32 to index
      %get3A_2073 = tpu.vector_load %arg9[%get3A_2072] {strides = array<i32>} : memref<125024xf32, #tpu.memory_space<vmem>>, vector<16xf32>,
      %get3A_2074 = arith.constant 128 : index
      %get3A_2075 = tpu.vector_load %arg14[%get3A_2074] {strides = array<i32>} : memref<512xf32, #tpu.memory_space<vmem>>, vector<16xf32>,
      %add3A_2076 = arith.constant 512 : i32
      %add3A_2077 = vector.broadcast %add3A_2076 : i32 to vector<16xi32>
      %add3A_2078 = arith.addi %mul3A_33, %add3A_2077 : vector<16xi32>
      %max3A_2079 = arith.maximumf %get3A_2073, %get3A_2075 : vector<16xf32>
      tpu.vector_store_idx %arg10[%add3A_2078], %max3A_2079 : memref<1024xf32, #tpu.memory_space<vmem>>[vector<16xi32>], vector<16xf32>,
      %mul3A_2080 = arith.constant 512 : i32
      %mul3A_2081 = arith.muli %add3A_1949, %mul3A_2080 : i32
      %add3A_2082 = arith.addi %mul3A_150, %mul3A_2081 : i32
      %add3A_2083 = arith.constant 144 : i32
      %add3A_2084 = arith.addi %add3A_2082, %add3A_2083 : i32
      %get3A_2085 = arith.index_cast %add3A_2084 : i32 to index
      %get3A_2086 = tpu.vector_load %arg9[%get3A_2085] {strides = array<i32>} : memref<125024xf32, #tpu.memory_space<vmem>>, vector<16xf32>,
      %get3A_2087 = arith.constant 144 : index
      %get3A_2088 = tpu.vector_load %arg14[%get3A_2087] {strides = array<i32>} : memref<512xf32, #tpu.memory_space<vmem>>, vector<16xf32>,
      %add3A_2089 = arith.constant 576 : i32
      %add3A_2090 = vector.broadcast %add3A_2089 : i32 to vector<16xi32>
      %add3A_2091 = arith.addi %mul3A_33, %add3A_2090 : vector<16xi32>
      %max3A_2092 = arith.maximumf %get3A_2086, %get3A_2088 : vector<16xf32>
      tpu.vector_store_idx %arg10[%add3A_2091], %max3A_2092 : memref<1024xf32, #tpu.memory_space<vmem>>[vector<16xi32>], vector<16xf32>,
      %mul3A_2093 = arith.constant 512 : i32
      %mul3A_2094 = arith.muli %add3A_1949, %mul3A_2093 : i32
      %add3A_2095 = arith.addi %mul3A_150, %mul3A_2094 : i32
      %add3A_2096 = arith.constant 160 : i32
      %add3A_2097 = arith.addi %add3A_2095, %add3A_2096 : i32
      %get3A_2098 = arith.index_cast %add3A_2097 : i32 to index
      %get3A_2099 = tpu.vector_load %arg9[%get3A_2098] {strides = array<i32>} : memref<125024xf32, #tpu.memory_space<vmem>>, vector<16xf32>,
      %get3A_2100 = arith.constant 160 : index
      %get3A_2101 = tpu.vector_load %arg14[%get3A_2100] {strides = array<i32>} : memref<512xf32, #tpu.memory_space<vmem>>, vector<16xf32>,
      %add3A_2102 = arith.constant 640 : i32
      %add3A_2103 = vector.broadcast %add3A_2102 : i32 to vector<16xi32>
      %add3A_2104 = arith.addi %mul3A_33, %add3A_2103 : vector<16xi32>
      %max3A_2105 = arith.maximumf %get3A_2099, %get3A_2101 : vector<16xf32>
      tpu.vector_store_idx %arg10[%add3A_2104], %max3A_2105 : memref<1024xf32, #tpu.memory_space<vmem>>[vector<16xi32>], vector<16xf32>,
      %mul3A_2106 = arith.constant 512 : i32
      %mul3A_2107 = arith.muli %add3A_1949, %mul3A_2106 : i32
      %add3A_2108 = arith.addi %mul3A_150, %mul3A_2107 : i32
      %add3A_2109 = arith.constant 176 : i32
      %add3A_2110 = arith.addi %add3A_2108, %add3A_2109 : i32
      %get3A_2111 = arith.index_cast %add3A_2110 : i32 to index
      %get3A_2112 = tpu.vector_load %arg9[%get3A_2111] {strides = array<i32>} : memref<125024xf32, #tpu.memory_space<vmem>>, vector<16xf32>,
      %get3A_2113 = arith.constant 176 : index
      %get3A_2114 = tpu.vector_load %arg14[%get3A_2113] {strides = array<i32>} : memref<512xf32, #tpu.memory_space<vmem>>, vector<16xf32>,
      %add3A_2115 = arith.constant 704 : i32
      %add3A_2116 = vector.broadcast %add3A_2115 : i32 to vector<16xi32>
      %add3A_2117 = arith.addi %mul3A_33, %add3A_2116 : vector<16xi32>
      %max3A_2118 = arith.maximumf %get3A_2112, %get3A_2114 : vector<16xf32>
      tpu.vector_store_idx %arg10[%add3A_2117], %max3A_2118 : memref<1024xf32, #tpu.memory_space<vmem>>[vector<16xi32>], vector<16xf32>,
      %mul3A_2119 = arith.constant 512 : i32
      %mul3A_2120 = arith.muli %add3A_1949, %mul3A_2119 : i32
      %add3A_2121 = arith.addi %mul3A_150, %mul3A_2120 : i32
      %add3A_2122 = arith.constant 192 : i32
      %add3A_2123 = arith.addi %add3A_2121, %add3A_2122 : i32
      %get3A_2124 = arith.index_cast %add3A_2123 : i32 to index
      %get3A_2125 = tpu.vector_load %arg9[%get3A_2124] {strides = array<i32>} : memref<125024xf32, #tpu.memory_space<vmem>>, vector<16xf32>,
      %get3A_2126 = arith.constant 192 : index
      %get3A_2127 = tpu.vector_load %arg14[%get3A_2126] {strides = array<i32>} : memref<512xf32, #tpu.memory_space<vmem>>, vector<16xf32>,
      %add3A_2128 = arith.constant 768 : i32
      %add3A_2129 = vector.broadcast %add3A_2128 : i32 to vector<16xi32>
      %add3A_2130 = arith.addi %mul3A_33, %add3A_2129 : vector<16xi32>
      %max3A_2131 = arith.maximumf %get3A_2125, %get3A_2127 : vector<16xf32>
      tpu.vector_store_idx %arg10[%add3A_2130], %max3A_2131 : memref<1024xf32, #tpu.memory_space<vmem>>[vector<16xi32>], vector<16xf32>,
      %mul3A_2132 = arith.constant 512 : i32
      %mul3A_2133 = arith.muli %add3A_1949, %mul3A_2132 : i32
      %add3A_2134 = arith.addi %mul3A_150, %mul3A_2133 : i32
      %add3A_2135 = arith.constant 208 : i32
      %add3A_2136 = arith.addi %add3A_2134, %add3A_2135 : i32
      %get3A_2137 = arith.index_cast %add3A_2136 : i32 to index
      %get3A_2138 = tpu.vector_load %arg9[%get3A_2137] {strides = array<i32>} : memref<125024xf32, #tpu.memory_space<vmem>>, vector<16xf32>,
      %get3A_2139 = arith.constant 208 : index
      %get3A_2140 = tpu.vector_load %arg14[%get3A_2139] {strides = array<i32>} : memref<512xf32, #tpu.memory_space<vmem>>, vector<16xf32>,
      %add3A_2141 = arith.constant 832 : i32
      %add3A_2142 = vector.broadcast %add3A_2141 : i32 to vector<16xi32>
      %add3A_2143 = arith.addi %mul3A_33, %add3A_2142 : vector<16xi32>
      %max3A_2144 = arith.maximumf %get3A_2138, %get3A_2140 : vector<16xf32>
      tpu.vector_store_idx %arg10[%add3A_2143], %max3A_2144 : memref<1024xf32, #tpu.memory_space<vmem>>[vector<16xi32>], vector<16xf32>,
      %mul3A_2145 = arith.constant 512 : i32
      %mul3A_2146 = arith.muli %add3A_1949, %mul3A_2145 : i32
      %add3A_2147 = arith.addi %mul3A_150, %mul3A_2146 : i32
      %add3A_2148 = arith.constant 224 : i32
      %add3A_2149 = arith.addi %add3A_2147, %add3A_2148 : i32
      %get3A_2150 = arith.index_cast %add3A_2149 : i32 to index
      %get3A_2151 = tpu.vector_load %arg9[%get3A_2150] {strides = array<i32>} : memref<125024xf32, #tpu.memory_space<vmem>>, vector<16xf32>,
      %get3A_2152 = arith.constant 224 : index
      %get3A_2153 = tpu.vector_load %arg14[%get3A_2152] {strides = array<i32>} : memref<512xf32, #tpu.memory_space<vmem>>, vector<16xf32>,
      %add3A_2154 = arith.constant 896 : i32
      %add3A_2155 = vector.broadcast %add3A_2154 : i32 to vector<16xi32>
      %add3A_2156 = arith.addi %mul3A_33, %add3A_2155 : vector<16xi32>
      %max3A_2157 = arith.maximumf %get3A_2151, %get3A_2153 : vector<16xf32>
      tpu.vector_store_idx %arg10[%add3A_2156], %max3A_2157 : memref<1024xf32, #tpu.memory_space<vmem>>[vector<16xi32>], vector<16xf32>,
      %mul3A_2158 = arith.constant 512 : i32
      %mul3A_2159 = arith.muli %add3A_1949, %mul3A_2158 : i32
      %add3A_2160 = arith.addi %mul3A_150, %mul3A_2159 : i32
      %add3A_2161 = arith.constant 240 : i32
      %add3A_2162 = arith.addi %add3A_2160, %add3A_2161 : i32
      %get3A_2163 = arith.index_cast %add3A_2162 : i32 to index
      %get3A_2164 = tpu.vector_load %arg9[%get3A_2163] {strides = array<i32>} : memref<125024xf32, #tpu.memory_space<vmem>>, vector<16xf32>,
      %get3A_2165 = arith.constant 240 : index
      %get3A_2166 = tpu.vector_load %arg14[%get3A_2165] {strides = array<i32>} : memref<512xf32, #tpu.memory_space<vmem>>, vector<16xf32>,
      %add3A_2167 = arith.constant 960 : i32
      %add3A_2168 = vector.broadcast %add3A_2167 : i32 to vector<16xi32>
      %add3A_2169 = arith.addi %mul3A_33, %add3A_2168 : vector<16xi32>
      %max3A_2170 = arith.maximumf %get3A_2164, %get3A_2166 : vector<16xf32>
      tpu.vector_store_idx %arg10[%add3A_2169], %max3A_2170 : memref<1024xf32, #tpu.memory_space<vmem>>[vector<16xi32>], vector<16xf32>,
      %mul3A_2171 = arith.constant 1024 : i32
      %mul3A_2172 = arith.muli %add3A_1957, %mul3A_2171 : i32
      %add3A_2173 = arith.addi %add3A_155, %mul3A_2172 : i32
      %dma_start3A_2174 = tpu.memref_slice %arg4[%add3A_2173] : memref<8000000xf32, #tpu.memory_space<hbm>> -> memref<1024xf32, #tpu.memory_space<hbm>>
      %dma_start3A_2175 = tpu.memref_slice %arg4[%add3A_2173] : memref<8000000xf32, #tpu.memory_space<hbm>> -> memref<1024xf32, #tpu.memory_space<hbm>>
      tpu.enqueue_dma source(%arg10 : memref<1024xf32, #tpu.memory_space<vmem>>) target(%dma_start3A_2175 : memref<1024xf32, #tpu.memory_space<hbm>>) target_semaphore(%arg23 : memref<!tpu.dma_semaphore, #tpu.memory_space<semaphore_mem>>)
      %mul3A_2176 = arith.constant 2 : i32
      %mul3A_2177 = arith.muli %add3A_1949, %mul3A_2176 : i32
      %add3A_2178 = arith.constant 1 : i32
      %add3A_2179 = arith.addi %mul3A_2177, %add3A_2178 : i32
      %ge3A_2180 = arith.constant 2 : i32
      %ge3A_2181 = arith.cmpi sge, %add3A_2179, %ge3A_2180 : i32
      %convert_element_type3A_2182 = arith.extui %ge3A_2181 : i1 to i32
      %cond3A_2183 = arith.constant 0 : i32
      %cond3A_2184 = arith.cmpi ne, %convert_element_type3A_2182, %cond3A_2183 : i32
      scf.if %cond3A_2184 {
        %dma_wait3A_2862 = arith.constant 0 : i32
        %dma_wait3A_2863 = tpu.memref_slice %arg4[%dma_wait3A_2862] : memref<8000000xf32, #tpu.memory_space<hbm>> -> memref<1024xf32, #tpu.memory_space<hbm>>
        %dma_wait3A_2864 = arith.constant 0 : i32
        %dma_wait3A_2865 = tpu.memref_slice %arg4[%dma_wait3A_2864] : memref<8000000xf32, #tpu.memory_space<hbm>> -> memref<1024xf32, #tpu.memory_space<hbm>>
        tpu.wait_dma2 semaphore(%arg24 : memref<!tpu.dma_semaphore, #tpu.memory_space<semaphore_mem>>) src(%arg11 : memref<1024xf32, #tpu.memory_space<vmem>>) dst(%dma_wait3A_2865 : memref<1024xf32, #tpu.memory_space<hbm>>)
      } else {
      }
      %mul3A_2185 = arith.constant 512 : i32
      %mul3A_2186 = arith.muli %add3A_1949, %mul3A_2185 : i32
      %add3A_2187 = arith.addi %mul3A_150, %mul3A_2186 : i32
      %add3A_2188 = arith.constant 256 : i32
      %add3A_2189 = arith.addi %add3A_2187, %add3A_2188 : i32
      %get3A_2190 = arith.index_cast %add3A_2189 : i32 to index
      %get3A_2191 = tpu.vector_load %arg9[%get3A_2190] {strides = array<i32>} : memref<125024xf32, #tpu.memory_space<vmem>>, vector<16xf32>,
      %get3A_2192 = arith.constant 256 : index
      %get3A_2193 = tpu.vector_load %arg14[%get3A_2192] {strides = array<i32>} : memref<512xf32, #tpu.memory_space<vmem>>, vector<16xf32>,
      %add3A_2194 = arith.constant 0 : i32
      %add3A_2195 = vector.broadcast %add3A_2194 : i32 to vector<16xi32>
      %add3A_2196 = arith.addi %mul3A_33, %add3A_2195 : vector<16xi32>
      %max3A_2197 = arith.maximumf %get3A_2191, %get3A_2193 : vector<16xf32>
      tpu.vector_store_idx %arg11[%add3A_2196], %max3A_2197 : memref<1024xf32, #tpu.memory_space<vmem>>[vector<16xi32>], vector<16xf32>,
      %mul3A_2198 = arith.constant 512 : i32
      %mul3A_2199 = arith.muli %add3A_1949, %mul3A_2198 : i32
      %add3A_2200 = arith.addi %mul3A_150, %mul3A_2199 : i32
      %add3A_2201 = arith.constant 272 : i32
      %add3A_2202 = arith.addi %add3A_2200, %add3A_2201 : i32
      %get3A_2203 = arith.index_cast %add3A_2202 : i32 to index
      %get3A_2204 = tpu.vector_load %arg9[%get3A_2203] {strides = array<i32>} : memref<125024xf32, #tpu.memory_space<vmem>>, vector<16xf32>,
      %get3A_2205 = arith.constant 272 : index
      %get3A_2206 = tpu.vector_load %arg14[%get3A_2205] {strides = array<i32>} : memref<512xf32, #tpu.memory_space<vmem>>, vector<16xf32>,
      %add3A_2207 = arith.constant 64 : i32
      %add3A_2208 = vector.broadcast %add3A_2207 : i32 to vector<16xi32>
      %add3A_2209 = arith.addi %mul3A_33, %add3A_2208 : vector<16xi32>
      %max3A_2210 = arith.maximumf %get3A_2204, %get3A_2206 : vector<16xf32>
      tpu.vector_store_idx %arg11[%add3A_2209], %max3A_2210 : memref<1024xf32, #tpu.memory_space<vmem>>[vector<16xi32>], vector<16xf32>,
      %mul3A_2211 = arith.constant 512 : i32
      %mul3A_2212 = arith.muli %add3A_1949, %mul3A_2211 : i32
      %add3A_2213 = arith.addi %mul3A_150, %mul3A_2212 : i32
      %add3A_2214 = arith.constant 288 : i32
      %add3A_2215 = arith.addi %add3A_2213, %add3A_2214 : i32
      %get3A_2216 = arith.index_cast %add3A_2215 : i32 to index
      %get3A_2217 = tpu.vector_load %arg9[%get3A_2216] {strides = array<i32>} : memref<125024xf32, #tpu.memory_space<vmem>>, vector<16xf32>,
      %get3A_2218 = arith.constant 288 : index
      %get3A_2219 = tpu.vector_load %arg14[%get3A_2218] {strides = array<i32>} : memref<512xf32, #tpu.memory_space<vmem>>, vector<16xf32>,
      %add3A_2220 = arith.constant 128 : i32
      %add3A_2221 = vector.broadcast %add3A_2220 : i32 to vector<16xi32>
      %add3A_2222 = arith.addi %mul3A_33, %add3A_2221 : vector<16xi32>
      %max3A_2223 = arith.maximumf %get3A_2217, %get3A_2219 : vector<16xf32>
      tpu.vector_store_idx %arg11[%add3A_2222], %max3A_2223 : memref<1024xf32, #tpu.memory_space<vmem>>[vector<16xi32>], vector<16xf32>,
      %mul3A_2224 = arith.constant 512 : i32
      %mul3A_2225 = arith.muli %add3A_1949, %mul3A_2224 : i32
      %add3A_2226 = arith.addi %mul3A_150, %mul3A_2225 : i32
      %add3A_2227 = arith.constant 304 : i32
      %add3A_2228 = arith.addi %add3A_2226, %add3A_2227 : i32
      %get3A_2229 = arith.index_cast %add3A_2228 : i32 to index
      %get3A_2230 = tpu.vector_load %arg9[%get3A_2229] {strides = array<i32>} : memref<125024xf32, #tpu.memory_space<vmem>>, vector<16xf32>,
      %get3A_2231 = arith.constant 304 : index
      %get3A_2232 = tpu.vector_load %arg14[%get3A_2231] {strides = array<i32>} : memref<512xf32, #tpu.memory_space<vmem>>, vector<16xf32>,
      %add3A_2233 = arith.constant 192 : i32
      %add3A_2234 = vector.broadcast %add3A_2233 : i32 to vector<16xi32>
      %add3A_2235 = arith.addi %mul3A_33, %add3A_2234 : vector<16xi32>
      %max3A_2236 = arith.maximumf %get3A_2230, %get3A_2232 : vector<16xf32>
      tpu.vector_store_idx %arg11[%add3A_2235], %max3A_2236 : memref<1024xf32, #tpu.memory_space<vmem>>[vector<16xi32>], vector<16xf32>,
      %mul3A_2237 = arith.constant 512 : i32
      %mul3A_2238 = arith.muli %add3A_1949, %mul3A_2237 : i32
      %add3A_2239 = arith.addi %mul3A_150, %mul3A_2238 : i32
      %add3A_2240 = arith.constant 320 : i32
      %add3A_2241 = arith.addi %add3A_2239, %add3A_2240 : i32
      %get3A_2242 = arith.index_cast %add3A_2241 : i32 to index
      %get3A_2243 = tpu.vector_load %arg9[%get3A_2242] {strides = array<i32>} : memref<125024xf32, #tpu.memory_space<vmem>>, vector<16xf32>,
      %get3A_2244 = arith.constant 320 : index
      %get3A_2245 = tpu.vector_load %arg14[%get3A_2244] {strides = array<i32>} : memref<512xf32, #tpu.memory_space<vmem>>, vector<16xf32>,
      %add3A_2246 = arith.constant 256 : i32
      %add3A_2247 = vector.broadcast %add3A_2246 : i32 to vector<16xi32>
      %add3A_2248 = arith.addi %mul3A_33, %add3A_2247 : vector<16xi32>
      %max3A_2249 = arith.maximumf %get3A_2243, %get3A_2245 : vector<16xf32>
      tpu.vector_store_idx %arg11[%add3A_2248], %max3A_2249 : memref<1024xf32, #tpu.memory_space<vmem>>[vector<16xi32>], vector<16xf32>,
      %mul3A_2250 = arith.constant 512 : i32
      %mul3A_2251 = arith.muli %add3A_1949, %mul3A_2250 : i32
      %add3A_2252 = arith.addi %mul3A_150, %mul3A_2251 : i32
      %add3A_2253 = arith.constant 336 : i32
      %add3A_2254 = arith.addi %add3A_2252, %add3A_2253 : i32
      %get3A_2255 = arith.index_cast %add3A_2254 : i32 to index
      %get3A_2256 = tpu.vector_load %arg9[%get3A_2255] {strides = array<i32>} : memref<125024xf32, #tpu.memory_space<vmem>>, vector<16xf32>,
      %get3A_2257 = arith.constant 336 : index
      %get3A_2258 = tpu.vector_load %arg14[%get3A_2257] {strides = array<i32>} : memref<512xf32, #tpu.memory_space<vmem>>, vector<16xf32>,
      %add3A_2259 = arith.constant 320 : i32
      %add3A_2260 = vector.broadcast %add3A_2259 : i32 to vector<16xi32>
      %add3A_2261 = arith.addi %mul3A_33, %add3A_2260 : vector<16xi32>
      %max3A_2262 = arith.maximumf %get3A_2256, %get3A_2258 : vector<16xf32>
      tpu.vector_store_idx %arg11[%add3A_2261], %max3A_2262 : memref<1024xf32, #tpu.memory_space<vmem>>[vector<16xi32>], vector<16xf32>,
      %mul3A_2263 = arith.constant 512 : i32
      %mul3A_2264 = arith.muli %add3A_1949, %mul3A_2263 : i32
      %add3A_2265 = arith.addi %mul3A_150, %mul3A_2264 : i32
      %add3A_2266 = arith.constant 352 : i32
      %add3A_2267 = arith.addi %add3A_2265, %add3A_2266 : i32
      %get3A_2268 = arith.index_cast %add3A_2267 : i32 to index
      %get3A_2269 = tpu.vector_load %arg9[%get3A_2268] {strides = array<i32>} : memref<125024xf32, #tpu.memory_space<vmem>>, vector<16xf32>,
      %get3A_2270 = arith.constant 352 : index
      %get3A_2271 = tpu.vector_load %arg14[%get3A_2270] {strides = array<i32>} : memref<512xf32, #tpu.memory_space<vmem>>, vector<16xf32>,
      %add3A_2272 = arith.constant 384 : i32
      %add3A_2273 = vector.broadcast %add3A_2272 : i32 to vector<16xi32>
      %add3A_2274 = arith.addi %mul3A_33, %add3A_2273 : vector<16xi32>
      %max3A_2275 = arith.maximumf %get3A_2269, %get3A_2271 : vector<16xf32>
      tpu.vector_store_idx %arg11[%add3A_2274], %max3A_2275 : memref<1024xf32, #tpu.memory_space<vmem>>[vector<16xi32>], vector<16xf32>,
      %mul3A_2276 = arith.constant 512 : i32
      %mul3A_2277 = arith.muli %add3A_1949, %mul3A_2276 : i32
      %add3A_2278 = arith.addi %mul3A_150, %mul3A_2277 : i32
      %add3A_2279 = arith.constant 368 : i32
      %add3A_2280 = arith.addi %add3A_2278, %add3A_2279 : i32
      %get3A_2281 = arith.index_cast %add3A_2280 : i32 to index
      %get3A_2282 = tpu.vector_load %arg9[%get3A_2281] {strides = array<i32>} : memref<125024xf32, #tpu.memory_space<vmem>>, vector<16xf32>,
      %get3A_2283 = arith.constant 368 : index
      %get3A_2284 = tpu.vector_load %arg14[%get3A_2283] {strides = array<i32>} : memref<512xf32, #tpu.memory_space<vmem>>, vector<16xf32>,
      %add3A_2285 = arith.constant 448 : i32
      %add3A_2286 = vector.broadcast %add3A_2285 : i32 to vector<16xi32>
      %add3A_2287 = arith.addi %mul3A_33, %add3A_2286 : vector<16xi32>
      %max3A_2288 = arith.maximumf %get3A_2282, %get3A_2284 : vector<16xf32>
      tpu.vector_store_idx %arg11[%add3A_2287], %max3A_2288 : memref<1024xf32, #tpu.memory_space<vmem>>[vector<16xi32>], vector<16xf32>,
      %mul3A_2289 = arith.constant 512 : i32
      %mul3A_2290 = arith.muli %add3A_1949, %mul3A_2289 : i32
      %add3A_2291 = arith.addi %mul3A_150, %mul3A_2290 : i32
      %add3A_2292 = arith.constant 384 : i32
      %add3A_2293 = arith.addi %add3A_2291, %add3A_2292 : i32
      %get3A_2294 = arith.index_cast %add3A_2293 : i32 to index
      %get3A_2295 = tpu.vector_load %arg9[%get3A_2294] {strides = array<i32>} : memref<125024xf32, #tpu.memory_space<vmem>>, vector<16xf32>,
      %get3A_2296 = arith.constant 384 : index
      %get3A_2297 = tpu.vector_load %arg14[%get3A_2296] {strides = array<i32>} : memref<512xf32, #tpu.memory_space<vmem>>, vector<16xf32>,
      %add3A_2298 = arith.constant 512 : i32
      %add3A_2299 = vector.broadcast %add3A_2298 : i32 to vector<16xi32>
      %add3A_2300 = arith.addi %mul3A_33, %add3A_2299 : vector<16xi32>
      %max3A_2301 = arith.maximumf %get3A_2295, %get3A_2297 : vector<16xf32>
      tpu.vector_store_idx %arg11[%add3A_2300], %max3A_2301 : memref<1024xf32, #tpu.memory_space<vmem>>[vector<16xi32>], vector<16xf32>,
      %mul3A_2302 = arith.constant 512 : i32
      %mul3A_2303 = arith.muli %add3A_1949, %mul3A_2302 : i32
      %add3A_2304 = arith.addi %mul3A_150, %mul3A_2303 : i32
      %add3A_2305 = arith.constant 400 : i32
      %add3A_2306 = arith.addi %add3A_2304, %add3A_2305 : i32
      %get3A_2307 = arith.index_cast %add3A_2306 : i32 to index
      %get3A_2308 = tpu.vector_load %arg9[%get3A_2307] {strides = array<i32>} : memref<125024xf32, #tpu.memory_space<vmem>>, vector<16xf32>,
      %get3A_2309 = arith.constant 400 : index
      %get3A_2310 = tpu.vector_load %arg14[%get3A_2309] {strides = array<i32>} : memref<512xf32, #tpu.memory_space<vmem>>, vector<16xf32>,
      %add3A_2311 = arith.constant 576 : i32
      %add3A_2312 = vector.broadcast %add3A_2311 : i32 to vector<16xi32>
      %add3A_2313 = arith.addi %mul3A_33, %add3A_2312 : vector<16xi32>
      %max3A_2314 = arith.maximumf %get3A_2308, %get3A_2310 : vector<16xf32>
      tpu.vector_store_idx %arg11[%add3A_2313], %max3A_2314 : memref<1024xf32, #tpu.memory_space<vmem>>[vector<16xi32>], vector<16xf32>,
      %mul3A_2315 = arith.constant 512 : i32
      %mul3A_2316 = arith.muli %add3A_1949, %mul3A_2315 : i32
      %add3A_2317 = arith.addi %mul3A_150, %mul3A_2316 : i32
      %add3A_2318 = arith.constant 416 : i32
      %add3A_2319 = arith.addi %add3A_2317, %add3A_2318 : i32
      %get3A_2320 = arith.index_cast %add3A_2319 : i32 to index
      %get3A_2321 = tpu.vector_load %arg9[%get3A_2320] {strides = array<i32>} : memref<125024xf32, #tpu.memory_space<vmem>>, vector<16xf32>,
      %get3A_2322 = arith.constant 416 : index
      %get3A_2323 = tpu.vector_load %arg14[%get3A_2322] {strides = array<i32>} : memref<512xf32, #tpu.memory_space<vmem>>, vector<16xf32>,
      %add3A_2324 = arith.constant 640 : i32
      %add3A_2325 = vector.broadcast %add3A_2324 : i32 to vector<16xi32>
      %add3A_2326 = arith.addi %mul3A_33, %add3A_2325 : vector<16xi32>
      %max3A_2327 = arith.maximumf %get3A_2321, %get3A_2323 : vector<16xf32>
      tpu.vector_store_idx %arg11[%add3A_2326], %max3A_2327 : memref<1024xf32, #tpu.memory_space<vmem>>[vector<16xi32>], vector<16xf32>,
      %mul3A_2328 = arith.constant 512 : i32
      %mul3A_2329 = arith.muli %add3A_1949, %mul3A_2328 : i32
      %add3A_2330 = arith.addi %mul3A_150, %mul3A_2329 : i32
      %add3A_2331 = arith.constant 432 : i32
      %add3A_2332 = arith.addi %add3A_2330, %add3A_2331 : i32
      %get3A_2333 = arith.index_cast %add3A_2332 : i32 to index
      %get3A_2334 = tpu.vector_load %arg9[%get3A_2333] {strides = array<i32>} : memref<125024xf32, #tpu.memory_space<vmem>>, vector<16xf32>,
      %get3A_2335 = arith.constant 432 : index
      %get3A_2336 = tpu.vector_load %arg14[%get3A_2335] {strides = array<i32>} : memref<512xf32, #tpu.memory_space<vmem>>, vector<16xf32>,
      %add3A_2337 = arith.constant 704 : i32
      %add3A_2338 = vector.broadcast %add3A_2337 : i32 to vector<16xi32>
      %add3A_2339 = arith.addi %mul3A_33, %add3A_2338 : vector<16xi32>
      %max3A_2340 = arith.maximumf %get3A_2334, %get3A_2336 : vector<16xf32>
      tpu.vector_store_idx %arg11[%add3A_2339], %max3A_2340 : memref<1024xf32, #tpu.memory_space<vmem>>[vector<16xi32>], vector<16xf32>,
      %mul3A_2341 = arith.constant 512 : i32
      %mul3A_2342 = arith.muli %add3A_1949, %mul3A_2341 : i32
      %add3A_2343 = arith.addi %mul3A_150, %mul3A_2342 : i32
      %add3A_2344 = arith.constant 448 : i32
      %add3A_2345 = arith.addi %add3A_2343, %add3A_2344 : i32
      %get3A_2346 = arith.index_cast %add3A_2345 : i32 to index
      %get3A_2347 = tpu.vector_load %arg9[%get3A_2346] {strides = array<i32>} : memref<125024xf32, #tpu.memory_space<vmem>>, vector<16xf32>,
      %get3A_2348 = arith.constant 448 : index
      %get3A_2349 = tpu.vector_load %arg14[%get3A_2348] {strides = array<i32>} : memref<512xf32, #tpu.memory_space<vmem>>, vector<16xf32>,
      %add3A_2350 = arith.constant 768 : i32
      %add3A_2351 = vector.broadcast %add3A_2350 : i32 to vector<16xi32>
      %add3A_2352 = arith.addi %mul3A_33, %add3A_2351 : vector<16xi32>
      %max3A_2353 = arith.maximumf %get3A_2347, %get3A_2349 : vector<16xf32>
      tpu.vector_store_idx %arg11[%add3A_2352], %max3A_2353 : memref<1024xf32, #tpu.memory_space<vmem>>[vector<16xi32>], vector<16xf32>,
      %mul3A_2354 = arith.constant 512 : i32
      %mul3A_2355 = arith.muli %add3A_1949, %mul3A_2354 : i32
      %add3A_2356 = arith.addi %mul3A_150, %mul3A_2355 : i32
      %add3A_2357 = arith.constant 464 : i32
      %add3A_2358 = arith.addi %add3A_2356, %add3A_2357 : i32
      %get3A_2359 = arith.index_cast %add3A_2358 : i32 to index
      %get3A_2360 = tpu.vector_load %arg9[%get3A_2359] {strides = array<i32>} : memref<125024xf32, #tpu.memory_space<vmem>>, vector<16xf32>,
      %get3A_2361 = arith.constant 464 : index
      %get3A_2362 = tpu.vector_load %arg14[%get3A_2361] {strides = array<i32>} : memref<512xf32, #tpu.memory_space<vmem>>, vector<16xf32>,
      %add3A_2363 = arith.constant 832 : i32
      %add3A_2364 = vector.broadcast %add3A_2363 : i32 to vector<16xi32>
      %add3A_2365 = arith.addi %mul3A_33, %add3A_2364 : vector<16xi32>
      %max3A_2366 = arith.maximumf %get3A_2360, %get3A_2362 : vector<16xf32>
      tpu.vector_store_idx %arg11[%add3A_2365], %max3A_2366 : memref<1024xf32, #tpu.memory_space<vmem>>[vector<16xi32>], vector<16xf32>,
      %mul3A_2367 = arith.constant 512 : i32
      %mul3A_2368 = arith.muli %add3A_1949, %mul3A_2367 : i32
      %add3A_2369 = arith.addi %mul3A_150, %mul3A_2368 : i32
      %add3A_2370 = arith.constant 480 : i32
      %add3A_2371 = arith.addi %add3A_2369, %add3A_2370 : i32
      %get3A_2372 = arith.index_cast %add3A_2371 : i32 to index
      %get3A_2373 = tpu.vector_load %arg9[%get3A_2372] {strides = array<i32>} : memref<125024xf32, #tpu.memory_space<vmem>>, vector<16xf32>,
      %get3A_2374 = arith.constant 480 : index
      %get3A_2375 = tpu.vector_load %arg14[%get3A_2374] {strides = array<i32>} : memref<512xf32, #tpu.memory_space<vmem>>, vector<16xf32>,
      %add3A_2376 = arith.constant 896 : i32
      %add3A_2377 = vector.broadcast %add3A_2376 : i32 to vector<16xi32>
      %add3A_2378 = arith.addi %mul3A_33, %add3A_2377 : vector<16xi32>
      %max3A_2379 = arith.maximumf %get3A_2373, %get3A_2375 : vector<16xf32>
      tpu.vector_store_idx %arg11[%add3A_2378], %max3A_2379 : memref<1024xf32, #tpu.memory_space<vmem>>[vector<16xi32>], vector<16xf32>,
      %mul3A_2380 = arith.constant 512 : i32
      %mul3A_2381 = arith.muli %add3A_1949, %mul3A_2380 : i32
      %add3A_2382 = arith.addi %mul3A_150, %mul3A_2381 : i32
      %add3A_2383 = arith.constant 496 : i32
      %add3A_2384 = arith.addi %add3A_2382, %add3A_2383 : i32
      %get3A_2385 = arith.index_cast %add3A_2384 : i32 to index
      %get3A_2386 = tpu.vector_load %arg9[%get3A_2385] {strides = array<i32>} : memref<125024xf32, #tpu.memory_space<vmem>>, vector<16xf32>,
      %get3A_2387 = arith.constant 496 : index
      %get3A_2388 = tpu.vector_load %arg14[%get3A_2387] {strides = array<i32>} : memref<512xf32, #tpu.memory_space<vmem>>, vector<16xf32>,
      %add3A_2389 = arith.constant 960 : i32
      %add3A_2390 = vector.broadcast %add3A_2389 : i32 to vector<16xi32>
      %add3A_2391 = arith.addi %mul3A_33, %add3A_2390 : vector<16xi32>
      %max3A_2392 = arith.maximumf %get3A_2386, %get3A_2388 : vector<16xf32>
      tpu.vector_store_idx %arg11[%add3A_2391], %max3A_2392 : memref<1024xf32, #tpu.memory_space<vmem>>[vector<16xi32>], vector<16xf32>,
      %mul3A_2393 = arith.constant 1024 : i32
      %mul3A_2394 = arith.muli %add3A_2179, %mul3A_2393 : i32
      %add3A_2395 = arith.addi %add3A_155, %mul3A_2394 : i32
      %dma_start3A_2396 = tpu.memref_slice %arg4[%add3A_2395] : memref<8000000xf32, #tpu.memory_space<hbm>> -> memref<1024xf32, #tpu.memory_space<hbm>>
      %dma_start3A_2397 = tpu.memref_slice %arg4[%add3A_2395] : memref<8000000xf32, #tpu.memory_space<hbm>> -> memref<1024xf32, #tpu.memory_space<hbm>>
      tpu.enqueue_dma source(%arg11 : memref<1024xf32, #tpu.memory_space<vmem>>) target(%dma_start3A_2397 : memref<1024xf32, #tpu.memory_space<hbm>>) target_semaphore(%arg24 : memref<!tpu.dma_semaphore, #tpu.memory_space<semaphore_mem>>)
      %add3A_2398 = arith.constant 4 : i32
      %add3A_2399 = arith.addi %add3A_1949, %add3A_2398 : i32
      %lt3A_2400 = arith.constant 122 : i32
      %lt3A_2401 = arith.cmpi slt, %add3A_2399, %lt3A_2400 : i32
      %convert_element_type3A_2402 = arith.extui %lt3A_2401 : i1 to i32
      %cond3A_2403 = arith.constant 0 : i32
      %cond3A_2404 = arith.cmpi ne, %convert_element_type3A_2402, %cond3A_2403 : i32
      scf.if %cond3A_2404 {
        %mul3A_2862 = arith.constant 512 : i32
        %mul3A_2863 = arith.muli %add3A_2399, %mul3A_2862 : i32
        %add3A_2864 = arith.addi %mul3A_51, %mul3A_2863 : i32
        %dma_start3A_2865 = tpu.memref_slice %arg16[%add3A_2864] : memref<2000384xf32, #tpu.memory_space<hbm>> -> memref<512xf32, #tpu.memory_space<hbm>>
        %dma_start3A_2866 = tpu.memref_slice %arg16[%add3A_2864] : memref<2000384xf32, #tpu.memory_space<hbm>> -> memref<512xf32, #tpu.memory_space<hbm>>
        tpu.enqueue_dma source(%dma_start3A_2866 : memref<512xf32, #tpu.memory_space<hbm>>) target(%arg14 : memref<512xf32, #tpu.memory_space<vmem>>) target_semaphore(%arg21 : memref<!tpu.dma_semaphore, #tpu.memory_space<semaphore_mem>>)
      } else {
      }
      %add3A_2405 = arith.constant 3 : i32
      %add3A_2406 = arith.addi %add3A_1034, %add3A_2405 : i32
      %dma_wait3A_2407 = arith.constant 0 : i32
      %dma_wait3A_2408 = tpu.memref_slice %arg16[%dma_wait3A_2407] : memref<2000384xf32, #tpu.memory_space<hbm>> -> memref<512xf32, #tpu.memory_space<hbm>>
      %dma_wait3A_2409 = arith.constant 0 : i32
      %dma_wait3A_2410 = tpu.memref_slice %arg16[%dma_wait3A_2409] : memref<2000384xf32, #tpu.memory_space<hbm>> -> memref<512xf32, #tpu.memory_space<hbm>>
      tpu.wait_dma2 semaphore(%arg22 : memref<!tpu.dma_semaphore, #tpu.memory_space<semaphore_mem>>) src(%dma_wait3A_2410 : memref<512xf32, #tpu.memory_space<hbm>>) dst(%arg15 : memref<512xf32, #tpu.memory_space<vmem>>)
      %mul3A_2411 = arith.constant 2 : i32
      %mul3A_2412 = arith.muli %add3A_2406, %mul3A_2411 : i32
      %add3A_2413 = arith.constant 0 : i32
      %add3A_2414 = arith.addi %mul3A_2412, %add3A_2413 : i32
      %ge3A_2415 = arith.constant 2 : i32
      %ge3A_2416 = arith.cmpi sge, %add3A_2414, %ge3A_2415 : i32
      %convert_element_type3A_2417 = arith.extui %ge3A_2416 : i1 to i32
      %cond3A_2418 = arith.constant 0 : i32
      %cond3A_2419 = arith.cmpi ne, %convert_element_type3A_2417, %cond3A_2418 : i32
      scf.if %cond3A_2419 {
        %dma_wait3A_2862 = arith.constant 0 : i32
        %dma_wait3A_2863 = tpu.memref_slice %arg4[%dma_wait3A_2862] : memref<8000000xf32, #tpu.memory_space<hbm>> -> memref<1024xf32, #tpu.memory_space<hbm>>
        %dma_wait3A_2864 = arith.constant 0 : i32
        %dma_wait3A_2865 = tpu.memref_slice %arg4[%dma_wait3A_2864] : memref<8000000xf32, #tpu.memory_space<hbm>> -> memref<1024xf32, #tpu.memory_space<hbm>>
        tpu.wait_dma2 semaphore(%arg23 : memref<!tpu.dma_semaphore, #tpu.memory_space<semaphore_mem>>) src(%arg10 : memref<1024xf32, #tpu.memory_space<vmem>>) dst(%dma_wait3A_2865 : memref<1024xf32, #tpu.memory_space<hbm>>)
      } else {
      }
      %mul3A_2420 = arith.constant 512 : i32
      %mul3A_2421 = arith.muli %add3A_2406, %mul3A_2420 : i32
      %add3A_2422 = arith.addi %mul3A_150, %mul3A_2421 : i32
      %add3A_2423 = arith.constant 0 : i32
      %add3A_2424 = arith.addi %add3A_2422, %add3A_2423 : i32
      %get3A_2425 = arith.index_cast %add3A_2424 : i32 to index
      %get3A_2426 = tpu.vector_load %arg9[%get3A_2425] {strides = array<i32>} : memref<125024xf32, #tpu.memory_space<vmem>>, vector<16xf32>,
      %get3A_2427 = arith.constant 0 : index
      %get3A_2428 = tpu.vector_load %arg15[%get3A_2427] {strides = array<i32>} : memref<512xf32, #tpu.memory_space<vmem>>, vector<16xf32>,
      %add3A_2429 = arith.constant 0 : i32
      %add3A_2430 = vector.broadcast %add3A_2429 : i32 to vector<16xi32>
      %add3A_2431 = arith.addi %mul3A_33, %add3A_2430 : vector<16xi32>
      %max3A_2432 = arith.maximumf %get3A_2426, %get3A_2428 : vector<16xf32>
      tpu.vector_store_idx %arg10[%add3A_2431], %max3A_2432 : memref<1024xf32, #tpu.memory_space<vmem>>[vector<16xi32>], vector<16xf32>,
      %mul3A_2433 = arith.constant 512 : i32
      %mul3A_2434 = arith.muli %add3A_2406, %mul3A_2433 : i32
      %add3A_2435 = arith.addi %mul3A_150, %mul3A_2434 : i32
      %add3A_2436 = arith.constant 16 : i32
      %add3A_2437 = arith.addi %add3A_2435, %add3A_2436 : i32
      %get3A_2438 = arith.index_cast %add3A_2437 : i32 to index
      %get3A_2439 = tpu.vector_load %arg9[%get3A_2438] {strides = array<i32>} : memref<125024xf32, #tpu.memory_space<vmem>>, vector<16xf32>,
      %get3A_2440 = arith.constant 16 : index
      %get3A_2441 = tpu.vector_load %arg15[%get3A_2440] {strides = array<i32>} : memref<512xf32, #tpu.memory_space<vmem>>, vector<16xf32>,
      %add3A_2442 = arith.constant 64 : i32
      %add3A_2443 = vector.broadcast %add3A_2442 : i32 to vector<16xi32>
      %add3A_2444 = arith.addi %mul3A_33, %add3A_2443 : vector<16xi32>
      %max3A_2445 = arith.maximumf %get3A_2439, %get3A_2441 : vector<16xf32>
      tpu.vector_store_idx %arg10[%add3A_2444], %max3A_2445 : memref<1024xf32, #tpu.memory_space<vmem>>[vector<16xi32>], vector<16xf32>,
      %mul3A_2446 = arith.constant 512 : i32
      %mul3A_2447 = arith.muli %add3A_2406, %mul3A_2446 : i32
      %add3A_2448 = arith.addi %mul3A_150, %mul3A_2447 : i32
      %add3A_2449 = arith.constant 32 : i32
      %add3A_2450 = arith.addi %add3A_2448, %add3A_2449 : i32
      %get3A_2451 = arith.index_cast %add3A_2450 : i32 to index
      %get3A_2452 = tpu.vector_load %arg9[%get3A_2451] {strides = array<i32>} : memref<125024xf32, #tpu.memory_space<vmem>>, vector<16xf32>,
      %get3A_2453 = arith.constant 32 : index
      %get3A_2454 = tpu.vector_load %arg15[%get3A_2453] {strides = array<i32>} : memref<512xf32, #tpu.memory_space<vmem>>, vector<16xf32>,
      %add3A_2455 = arith.constant 128 : i32
      %add3A_2456 = vector.broadcast %add3A_2455 : i32 to vector<16xi32>
      %add3A_2457 = arith.addi %mul3A_33, %add3A_2456 : vector<16xi32>
      %max3A_2458 = arith.maximumf %get3A_2452, %get3A_2454 : vector<16xf32>
      tpu.vector_store_idx %arg10[%add3A_2457], %max3A_2458 : memref<1024xf32, #tpu.memory_space<vmem>>[vector<16xi32>], vector<16xf32>,
      %mul3A_2459 = arith.constant 512 : i32
      %mul3A_2460 = arith.muli %add3A_2406, %mul3A_2459 : i32
      %add3A_2461 = arith.addi %mul3A_150, %mul3A_2460 : i32
      %add3A_2462 = arith.constant 48 : i32
      %add3A_2463 = arith.addi %add3A_2461, %add3A_2462 : i32
      %get3A_2464 = arith.index_cast %add3A_2463 : i32 to index
      %get3A_2465 = tpu.vector_load %arg9[%get3A_2464] {strides = array<i32>} : memref<125024xf32, #tpu.memory_space<vmem>>, vector<16xf32>,
      %get3A_2466 = arith.constant 48 : index
      %get3A_2467 = tpu.vector_load %arg15[%get3A_2466] {strides = array<i32>} : memref<512xf32, #tpu.memory_space<vmem>>, vector<16xf32>,
      %add3A_2468 = arith.constant 192 : i32
      %add3A_2469 = vector.broadcast %add3A_2468 : i32 to vector<16xi32>
      %add3A_2470 = arith.addi %mul3A_33, %add3A_2469 : vector<16xi32>
      %max3A_2471 = arith.maximumf %get3A_2465, %get3A_2467 : vector<16xf32>
      tpu.vector_store_idx %arg10[%add3A_2470], %max3A_2471 : memref<1024xf32, #tpu.memory_space<vmem>>[vector<16xi32>], vector<16xf32>,
      %mul3A_2472 = arith.constant 512 : i32
      %mul3A_2473 = arith.muli %add3A_2406, %mul3A_2472 : i32
      %add3A_2474 = arith.addi %mul3A_150, %mul3A_2473 : i32
      %add3A_2475 = arith.constant 64 : i32
      %add3A_2476 = arith.addi %add3A_2474, %add3A_2475 : i32
      %get3A_2477 = arith.index_cast %add3A_2476 : i32 to index
      %get3A_2478 = tpu.vector_load %arg9[%get3A_2477] {strides = array<i32>} : memref<125024xf32, #tpu.memory_space<vmem>>, vector<16xf32>,
      %get3A_2479 = arith.constant 64 : index
      %get3A_2480 = tpu.vector_load %arg15[%get3A_2479] {strides = array<i32>} : memref<512xf32, #tpu.memory_space<vmem>>, vector<16xf32>,
      %add3A_2481 = arith.constant 256 : i32
      %add3A_2482 = vector.broadcast %add3A_2481 : i32 to vector<16xi32>
      %add3A_2483 = arith.addi %mul3A_33, %add3A_2482 : vector<16xi32>
      %max3A_2484 = arith.maximumf %get3A_2478, %get3A_2480 : vector<16xf32>
      tpu.vector_store_idx %arg10[%add3A_2483], %max3A_2484 : memref<1024xf32, #tpu.memory_space<vmem>>[vector<16xi32>], vector<16xf32>,
      %mul3A_2485 = arith.constant 512 : i32
      %mul3A_2486 = arith.muli %add3A_2406, %mul3A_2485 : i32
      %add3A_2487 = arith.addi %mul3A_150, %mul3A_2486 : i32
      %add3A_2488 = arith.constant 80 : i32
      %add3A_2489 = arith.addi %add3A_2487, %add3A_2488 : i32
      %get3A_2490 = arith.index_cast %add3A_2489 : i32 to index
      %get3A_2491 = tpu.vector_load %arg9[%get3A_2490] {strides = array<i32>} : memref<125024xf32, #tpu.memory_space<vmem>>, vector<16xf32>,
      %get3A_2492 = arith.constant 80 : index
      %get3A_2493 = tpu.vector_load %arg15[%get3A_2492] {strides = array<i32>} : memref<512xf32, #tpu.memory_space<vmem>>, vector<16xf32>,
      %add3A_2494 = arith.constant 320 : i32
      %add3A_2495 = vector.broadcast %add3A_2494 : i32 to vector<16xi32>
      %add3A_2496 = arith.addi %mul3A_33, %add3A_2495 : vector<16xi32>
      %max3A_2497 = arith.maximumf %get3A_2491, %get3A_2493 : vector<16xf32>
      tpu.vector_store_idx %arg10[%add3A_2496], %max3A_2497 : memref<1024xf32, #tpu.memory_space<vmem>>[vector<16xi32>], vector<16xf32>,
      %mul3A_2498 = arith.constant 512 : i32
      %mul3A_2499 = arith.muli %add3A_2406, %mul3A_2498 : i32
      %add3A_2500 = arith.addi %mul3A_150, %mul3A_2499 : i32
      %add3A_2501 = arith.constant 96 : i32
      %add3A_2502 = arith.addi %add3A_2500, %add3A_2501 : i32
      %get3A_2503 = arith.index_cast %add3A_2502 : i32 to index
      %get3A_2504 = tpu.vector_load %arg9[%get3A_2503] {strides = array<i32>} : memref<125024xf32, #tpu.memory_space<vmem>>, vector<16xf32>,
      %get3A_2505 = arith.constant 96 : index
      %get3A_2506 = tpu.vector_load %arg15[%get3A_2505] {strides = array<i32>} : memref<512xf32, #tpu.memory_space<vmem>>, vector<16xf32>,
      %add3A_2507 = arith.constant 384 : i32
      %add3A_2508 = vector.broadcast %add3A_2507 : i32 to vector<16xi32>
      %add3A_2509 = arith.addi %mul3A_33, %add3A_2508 : vector<16xi32>
      %max3A_2510 = arith.maximumf %get3A_2504, %get3A_2506 : vector<16xf32>
      tpu.vector_store_idx %arg10[%add3A_2509], %max3A_2510 : memref<1024xf32, #tpu.memory_space<vmem>>[vector<16xi32>], vector<16xf32>,
      %mul3A_2511 = arith.constant 512 : i32
      %mul3A_2512 = arith.muli %add3A_2406, %mul3A_2511 : i32
      %add3A_2513 = arith.addi %mul3A_150, %mul3A_2512 : i32
      %add3A_2514 = arith.constant 112 : i32
      %add3A_2515 = arith.addi %add3A_2513, %add3A_2514 : i32
      %get3A_2516 = arith.index_cast %add3A_2515 : i32 to index
      %get3A_2517 = tpu.vector_load %arg9[%get3A_2516] {strides = array<i32>} : memref<125024xf32, #tpu.memory_space<vmem>>, vector<16xf32>,
      %get3A_2518 = arith.constant 112 : index
      %get3A_2519 = tpu.vector_load %arg15[%get3A_2518] {strides = array<i32>} : memref<512xf32, #tpu.memory_space<vmem>>, vector<16xf32>,
      %add3A_2520 = arith.constant 448 : i32
      %add3A_2521 = vector.broadcast %add3A_2520 : i32 to vector<16xi32>
      %add3A_2522 = arith.addi %mul3A_33, %add3A_2521 : vector<16xi32>
      %max3A_2523 = arith.maximumf %get3A_2517, %get3A_2519 : vector<16xf32>
      tpu.vector_store_idx %arg10[%add3A_2522], %max3A_2523 : memref<1024xf32, #tpu.memory_space<vmem>>[vector<16xi32>], vector<16xf32>,
      %mul3A_2524 = arith.constant 512 : i32
      %mul3A_2525 = arith.muli %add3A_2406, %mul3A_2524 : i32
      %add3A_2526 = arith.addi %mul3A_150, %mul3A_2525 : i32
      %add3A_2527 = arith.constant 128 : i32
      %add3A_2528 = arith.addi %add3A_2526, %add3A_2527 : i32
      %get3A_2529 = arith.index_cast %add3A_2528 : i32 to index
      %get3A_2530 = tpu.vector_load %arg9[%get3A_2529] {strides = array<i32>} : memref<125024xf32, #tpu.memory_space<vmem>>, vector<16xf32>,
      %get3A_2531 = arith.constant 128 : index
      %get3A_2532 = tpu.vector_load %arg15[%get3A_2531] {strides = array<i32>} : memref<512xf32, #tpu.memory_space<vmem>>, vector<16xf32>,
      %add3A_2533 = arith.constant 512 : i32
      %add3A_2534 = vector.broadcast %add3A_2533 : i32 to vector<16xi32>
      %add3A_2535 = arith.addi %mul3A_33, %add3A_2534 : vector<16xi32>
      %max3A_2536 = arith.maximumf %get3A_2530, %get3A_2532 : vector<16xf32>
      tpu.vector_store_idx %arg10[%add3A_2535], %max3A_2536 : memref<1024xf32, #tpu.memory_space<vmem>>[vector<16xi32>], vector<16xf32>,
      %mul3A_2537 = arith.constant 512 : i32
      %mul3A_2538 = arith.muli %add3A_2406, %mul3A_2537 : i32
      %add3A_2539 = arith.addi %mul3A_150, %mul3A_2538 : i32
      %add3A_2540 = arith.constant 144 : i32
      %add3A_2541 = arith.addi %add3A_2539, %add3A_2540 : i32
      %get3A_2542 = arith.index_cast %add3A_2541 : i32 to index
      %get3A_2543 = tpu.vector_load %arg9[%get3A_2542] {strides = array<i32>} : memref<125024xf32, #tpu.memory_space<vmem>>, vector<16xf32>,
      %get3A_2544 = arith.constant 144 : index
      %get3A_2545 = tpu.vector_load %arg15[%get3A_2544] {strides = array<i32>} : memref<512xf32, #tpu.memory_space<vmem>>, vector<16xf32>,
      %add3A_2546 = arith.constant 576 : i32
      %add3A_2547 = vector.broadcast %add3A_2546 : i32 to vector<16xi32>
      %add3A_2548 = arith.addi %mul3A_33, %add3A_2547 : vector<16xi32>
      %max3A_2549 = arith.maximumf %get3A_2543, %get3A_2545 : vector<16xf32>
      tpu.vector_store_idx %arg10[%add3A_2548], %max3A_2549 : memref<1024xf32, #tpu.memory_space<vmem>>[vector<16xi32>], vector<16xf32>,
      %mul3A_2550 = arith.constant 512 : i32
      %mul3A_2551 = arith.muli %add3A_2406, %mul3A_2550 : i32
      %add3A_2552 = arith.addi %mul3A_150, %mul3A_2551 : i32
      %add3A_2553 = arith.constant 160 : i32
      %add3A_2554 = arith.addi %add3A_2552, %add3A_2553 : i32
      %get3A_2555 = arith.index_cast %add3A_2554 : i32 to index
      %get3A_2556 = tpu.vector_load %arg9[%get3A_2555] {strides = array<i32>} : memref<125024xf32, #tpu.memory_space<vmem>>, vector<16xf32>,
      %get3A_2557 = arith.constant 160 : index
      %get3A_2558 = tpu.vector_load %arg15[%get3A_2557] {strides = array<i32>} : memref<512xf32, #tpu.memory_space<vmem>>, vector<16xf32>,
      %add3A_2559 = arith.constant 640 : i32
      %add3A_2560 = vector.broadcast %add3A_2559 : i32 to vector<16xi32>
      %add3A_2561 = arith.addi %mul3A_33, %add3A_2560 : vector<16xi32>
      %max3A_2562 = arith.maximumf %get3A_2556, %get3A_2558 : vector<16xf32>
      tpu.vector_store_idx %arg10[%add3A_2561], %max3A_2562 : memref<1024xf32, #tpu.memory_space<vmem>>[vector<16xi32>], vector<16xf32>,
      %mul3A_2563 = arith.constant 512 : i32
      %mul3A_2564 = arith.muli %add3A_2406, %mul3A_2563 : i32
      %add3A_2565 = arith.addi %mul3A_150, %mul3A_2564 : i32
      %add3A_2566 = arith.constant 176 : i32
      %add3A_2567 = arith.addi %add3A_2565, %add3A_2566 : i32
      %get3A_2568 = arith.index_cast %add3A_2567 : i32 to index
      %get3A_2569 = tpu.vector_load %arg9[%get3A_2568] {strides = array<i32>} : memref<125024xf32, #tpu.memory_space<vmem>>, vector<16xf32>,
      %get3A_2570 = arith.constant 176 : index
      %get3A_2571 = tpu.vector_load %arg15[%get3A_2570] {strides = array<i32>} : memref<512xf32, #tpu.memory_space<vmem>>, vector<16xf32>,
      %add3A_2572 = arith.constant 704 : i32
      %add3A_2573 = vector.broadcast %add3A_2572 : i32 to vector<16xi32>
      %add3A_2574 = arith.addi %mul3A_33, %add3A_2573 : vector<16xi32>
      %max3A_2575 = arith.maximumf %get3A_2569, %get3A_2571 : vector<16xf32>
      tpu.vector_store_idx %arg10[%add3A_2574], %max3A_2575 : memref<1024xf32, #tpu.memory_space<vmem>>[vector<16xi32>], vector<16xf32>,
      %mul3A_2576 = arith.constant 512 : i32
      %mul3A_2577 = arith.muli %add3A_2406, %mul3A_2576 : i32
      %add3A_2578 = arith.addi %mul3A_150, %mul3A_2577 : i32
      %add3A_2579 = arith.constant 192 : i32
      %add3A_2580 = arith.addi %add3A_2578, %add3A_2579 : i32
      %get3A_2581 = arith.index_cast %add3A_2580 : i32 to index
      %get3A_2582 = tpu.vector_load %arg9[%get3A_2581] {strides = array<i32>} : memref<125024xf32, #tpu.memory_space<vmem>>, vector<16xf32>,
      %get3A_2583 = arith.constant 192 : index
      %get3A_2584 = tpu.vector_load %arg15[%get3A_2583] {strides = array<i32>} : memref<512xf32, #tpu.memory_space<vmem>>, vector<16xf32>,
      %add3A_2585 = arith.constant 768 : i32
      %add3A_2586 = vector.broadcast %add3A_2585 : i32 to vector<16xi32>
      %add3A_2587 = arith.addi %mul3A_33, %add3A_2586 : vector<16xi32>
      %max3A_2588 = arith.maximumf %get3A_2582, %get3A_2584 : vector<16xf32>
      tpu.vector_store_idx %arg10[%add3A_2587], %max3A_2588 : memref<1024xf32, #tpu.memory_space<vmem>>[vector<16xi32>], vector<16xf32>,
      %mul3A_2589 = arith.constant 512 : i32
      %mul3A_2590 = arith.muli %add3A_2406, %mul3A_2589 : i32
      %add3A_2591 = arith.addi %mul3A_150, %mul3A_2590 : i32
      %add3A_2592 = arith.constant 208 : i32
      %add3A_2593 = arith.addi %add3A_2591, %add3A_2592 : i32
      %get3A_2594 = arith.index_cast %add3A_2593 : i32 to index
      %get3A_2595 = tpu.vector_load %arg9[%get3A_2594] {strides = array<i32>} : memref<125024xf32, #tpu.memory_space<vmem>>, vector<16xf32>,
      %get3A_2596 = arith.constant 208 : index
      %get3A_2597 = tpu.vector_load %arg15[%get3A_2596] {strides = array<i32>} : memref<512xf32, #tpu.memory_space<vmem>>, vector<16xf32>,
      %add3A_2598 = arith.constant 832 : i32
      %add3A_2599 = vector.broadcast %add3A_2598 : i32 to vector<16xi32>
      %add3A_2600 = arith.addi %mul3A_33, %add3A_2599 : vector<16xi32>
      %max3A_2601 = arith.maximumf %get3A_2595, %get3A_2597 : vector<16xf32>
      tpu.vector_store_idx %arg10[%add3A_2600], %max3A_2601 : memref<1024xf32, #tpu.memory_space<vmem>>[vector<16xi32>], vector<16xf32>,
      %mul3A_2602 = arith.constant 512 : i32
      %mul3A_2603 = arith.muli %add3A_2406, %mul3A_2602 : i32
      %add3A_2604 = arith.addi %mul3A_150, %mul3A_2603 : i32
      %add3A_2605 = arith.constant 224 : i32
      %add3A_2606 = arith.addi %add3A_2604, %add3A_2605 : i32
      %get3A_2607 = arith.index_cast %add3A_2606 : i32 to index
      %get3A_2608 = tpu.vector_load %arg9[%get3A_2607] {strides = array<i32>} : memref<125024xf32, #tpu.memory_space<vmem>>, vector<16xf32>,
      %get3A_2609 = arith.constant 224 : index
      %get3A_2610 = tpu.vector_load %arg15[%get3A_2609] {strides = array<i32>} : memref<512xf32, #tpu.memory_space<vmem>>, vector<16xf32>,
      %add3A_2611 = arith.constant 896 : i32
      %add3A_2612 = vector.broadcast %add3A_2611 : i32 to vector<16xi32>
      %add3A_2613 = arith.addi %mul3A_33, %add3A_2612 : vector<16xi32>
      %max3A_2614 = arith.maximumf %get3A_2608, %get3A_2610 : vector<16xf32>
      tpu.vector_store_idx %arg10[%add3A_2613], %max3A_2614 : memref<1024xf32, #tpu.memory_space<vmem>>[vector<16xi32>], vector<16xf32>,
      %mul3A_2615 = arith.constant 512 : i32
      %mul3A_2616 = arith.muli %add3A_2406, %mul3A_2615 : i32
      %add3A_2617 = arith.addi %mul3A_150, %mul3A_2616 : i32
      %add3A_2618 = arith.constant 240 : i32
      %add3A_2619 = arith.addi %add3A_2617, %add3A_2618 : i32
      %get3A_2620 = arith.index_cast %add3A_2619 : i32 to index
      %get3A_2621 = tpu.vector_load %arg9[%get3A_2620] {strides = array<i32>} : memref<125024xf32, #tpu.memory_space<vmem>>, vector<16xf32>,
      %get3A_2622 = arith.constant 240 : index
      %get3A_2623 = tpu.vector_load %arg15[%get3A_2622] {strides = array<i32>} : memref<512xf32, #tpu.memory_space<vmem>>, vector<16xf32>,
      %add3A_2624 = arith.constant 960 : i32
      %add3A_2625 = vector.broadcast %add3A_2624 : i32 to vector<16xi32>
      %add3A_2626 = arith.addi %mul3A_33, %add3A_2625 : vector<16xi32>
      %max3A_2627 = arith.maximumf %get3A_2621, %get3A_2623 : vector<16xf32>
      tpu.vector_store_idx %arg10[%add3A_2626], %max3A_2627 : memref<1024xf32, #tpu.memory_space<vmem>>[vector<16xi32>], vector<16xf32>,
      %mul3A_2628 = arith.constant 1024 : i32
      %mul3A_2629 = arith.muli %add3A_2414, %mul3A_2628 : i32
      %add3A_2630 = arith.addi %add3A_155, %mul3A_2629 : i32
      %dma_start3A_2631 = tpu.memref_slice %arg4[%add3A_2630] : memref<8000000xf32, #tpu.memory_space<hbm>> -> memref<1024xf32, #tpu.memory_space<hbm>>
      %dma_start3A_2632 = tpu.memref_slice %arg4[%add3A_2630] : memref<8000000xf32, #tpu.memory_space<hbm>> -> memref<1024xf32, #tpu.memory_space<hbm>>
      tpu.enqueue_dma source(%arg10 : memref<1024xf32, #tpu.memory_space<vmem>>) target(%dma_start3A_2632 : memref<1024xf32, #tpu.memory_space<hbm>>) target_semaphore(%arg23 : memref<!tpu.dma_semaphore, #tpu.memory_space<semaphore_mem>>)
      %mul3A_2633 = arith.constant 2 : i32
      %mul3A_2634 = arith.muli %add3A_2406, %mul3A_2633 : i32
      %add3A_2635 = arith.constant 1 : i32
      %add3A_2636 = arith.addi %mul3A_2634, %add3A_2635 : i32
      %ge3A_2637 = arith.constant 2 : i32
      %ge3A_2638 = arith.cmpi sge, %add3A_2636, %ge3A_2637 : i32
      %convert_element_type3A_2639 = arith.extui %ge3A_2638 : i1 to i32
      %cond3A_2640 = arith.constant 0 : i32
      %cond3A_2641 = arith.cmpi ne, %convert_element_type3A_2639, %cond3A_2640 : i32
      scf.if %cond3A_2641 {
        %dma_wait3A_2862 = arith.constant 0 : i32
        %dma_wait3A_2863 = tpu.memref_slice %arg4[%dma_wait3A_2862] : memref<8000000xf32, #tpu.memory_space<hbm>> -> memref<1024xf32, #tpu.memory_space<hbm>>
        %dma_wait3A_2864 = arith.constant 0 : i32
        %dma_wait3A_2865 = tpu.memref_slice %arg4[%dma_wait3A_2864] : memref<8000000xf32, #tpu.memory_space<hbm>> -> memref<1024xf32, #tpu.memory_space<hbm>>
        tpu.wait_dma2 semaphore(%arg24 : memref<!tpu.dma_semaphore, #tpu.memory_space<semaphore_mem>>) src(%arg11 : memref<1024xf32, #tpu.memory_space<vmem>>) dst(%dma_wait3A_2865 : memref<1024xf32, #tpu.memory_space<hbm>>)
      } else {
      }
      %mul3A_2642 = arith.constant 512 : i32
      %mul3A_2643 = arith.muli %add3A_2406, %mul3A_2642 : i32
      %add3A_2644 = arith.addi %mul3A_150, %mul3A_2643 : i32
      %add3A_2645 = arith.constant 256 : i32
      %add3A_2646 = arith.addi %add3A_2644, %add3A_2645 : i32
      %get3A_2647 = arith.index_cast %add3A_2646 : i32 to index
      %get3A_2648 = tpu.vector_load %arg9[%get3A_2647] {strides = array<i32>} : memref<125024xf32, #tpu.memory_space<vmem>>, vector<16xf32>,
      %get3A_2649 = arith.constant 256 : index
      %get3A_2650 = tpu.vector_load %arg15[%get3A_2649] {strides = array<i32>} : memref<512xf32, #tpu.memory_space<vmem>>, vector<16xf32>,
      %add3A_2651 = arith.constant 0 : i32
      %add3A_2652 = vector.broadcast %add3A_2651 : i32 to vector<16xi32>
      %add3A_2653 = arith.addi %mul3A_33, %add3A_2652 : vector<16xi32>
      %max3A_2654 = arith.maximumf %get3A_2648, %get3A_2650 : vector<16xf32>
      tpu.vector_store_idx %arg11[%add3A_2653], %max3A_2654 : memref<1024xf32, #tpu.memory_space<vmem>>[vector<16xi32>], vector<16xf32>,
      %mul3A_2655 = arith.constant 512 : i32
      %mul3A_2656 = arith.muli %add3A_2406, %mul3A_2655 : i32
      %add3A_2657 = arith.addi %mul3A_150, %mul3A_2656 : i32
      %add3A_2658 = arith.constant 272 : i32
      %add3A_2659 = arith.addi %add3A_2657, %add3A_2658 : i32
      %get3A_2660 = arith.index_cast %add3A_2659 : i32 to index
      %get3A_2661 = tpu.vector_load %arg9[%get3A_2660] {strides = array<i32>} : memref<125024xf32, #tpu.memory_space<vmem>>, vector<16xf32>,
      %get3A_2662 = arith.constant 272 : index
      %get3A_2663 = tpu.vector_load %arg15[%get3A_2662] {strides = array<i32>} : memref<512xf32, #tpu.memory_space<vmem>>, vector<16xf32>,
      %add3A_2664 = arith.constant 64 : i32
      %add3A_2665 = vector.broadcast %add3A_2664 : i32 to vector<16xi32>
      %add3A_2666 = arith.addi %mul3A_33, %add3A_2665 : vector<16xi32>
      %max3A_2667 = arith.maximumf %get3A_2661, %get3A_2663 : vector<16xf32>
      tpu.vector_store_idx %arg11[%add3A_2666], %max3A_2667 : memref<1024xf32, #tpu.memory_space<vmem>>[vector<16xi32>], vector<16xf32>,
      %mul3A_2668 = arith.constant 512 : i32
      %mul3A_2669 = arith.muli %add3A_2406, %mul3A_2668 : i32
      %add3A_2670 = arith.addi %mul3A_150, %mul3A_2669 : i32
      %add3A_2671 = arith.constant 288 : i32
      %add3A_2672 = arith.addi %add3A_2670, %add3A_2671 : i32
      %get3A_2673 = arith.index_cast %add3A_2672 : i32 to index
      %get3A_2674 = tpu.vector_load %arg9[%get3A_2673] {strides = array<i32>} : memref<125024xf32, #tpu.memory_space<vmem>>, vector<16xf32>,
      %get3A_2675 = arith.constant 288 : index
      %get3A_2676 = tpu.vector_load %arg15[%get3A_2675] {strides = array<i32>} : memref<512xf32, #tpu.memory_space<vmem>>, vector<16xf32>,
      %add3A_2677 = arith.constant 128 : i32
      %add3A_2678 = vector.broadcast %add3A_2677 : i32 to vector<16xi32>
      %add3A_2679 = arith.addi %mul3A_33, %add3A_2678 : vector<16xi32>
      %max3A_2680 = arith.maximumf %get3A_2674, %get3A_2676 : vector<16xf32>
      tpu.vector_store_idx %arg11[%add3A_2679], %max3A_2680 : memref<1024xf32, #tpu.memory_space<vmem>>[vector<16xi32>], vector<16xf32>,
      %mul3A_2681 = arith.constant 512 : i32
      %mul3A_2682 = arith.muli %add3A_2406, %mul3A_2681 : i32
      %add3A_2683 = arith.addi %mul3A_150, %mul3A_2682 : i32
      %add3A_2684 = arith.constant 304 : i32
      %add3A_2685 = arith.addi %add3A_2683, %add3A_2684 : i32
      %get3A_2686 = arith.index_cast %add3A_2685 : i32 to index
      %get3A_2687 = tpu.vector_load %arg9[%get3A_2686] {strides = array<i32>} : memref<125024xf32, #tpu.memory_space<vmem>>, vector<16xf32>,
      %get3A_2688 = arith.constant 304 : index
      %get3A_2689 = tpu.vector_load %arg15[%get3A_2688] {strides = array<i32>} : memref<512xf32, #tpu.memory_space<vmem>>, vector<16xf32>,
      %add3A_2690 = arith.constant 192 : i32
      %add3A_2691 = vector.broadcast %add3A_2690 : i32 to vector<16xi32>
      %add3A_2692 = arith.addi %mul3A_33, %add3A_2691 : vector<16xi32>
      %max3A_2693 = arith.maximumf %get3A_2687, %get3A_2689 : vector<16xf32>
      tpu.vector_store_idx %arg11[%add3A_2692], %max3A_2693 : memref<1024xf32, #tpu.memory_space<vmem>>[vector<16xi32>], vector<16xf32>,
      %mul3A_2694 = arith.constant 512 : i32
      %mul3A_2695 = arith.muli %add3A_2406, %mul3A_2694 : i32
      %add3A_2696 = arith.addi %mul3A_150, %mul3A_2695 : i32
      %add3A_2697 = arith.constant 320 : i32
      %add3A_2698 = arith.addi %add3A_2696, %add3A_2697 : i32
      %get3A_2699 = arith.index_cast %add3A_2698 : i32 to index
      %get3A_2700 = tpu.vector_load %arg9[%get3A_2699] {strides = array<i32>} : memref<125024xf32, #tpu.memory_space<vmem>>, vector<16xf32>,
      %get3A_2701 = arith.constant 320 : index
      %get3A_2702 = tpu.vector_load %arg15[%get3A_2701] {strides = array<i32>} : memref<512xf32, #tpu.memory_space<vmem>>, vector<16xf32>,
      %add3A_2703 = arith.constant 256 : i32
      %add3A_2704 = vector.broadcast %add3A_2703 : i32 to vector<16xi32>
      %add3A_2705 = arith.addi %mul3A_33, %add3A_2704 : vector<16xi32>
      %max3A_2706 = arith.maximumf %get3A_2700, %get3A_2702 : vector<16xf32>
      tpu.vector_store_idx %arg11[%add3A_2705], %max3A_2706 : memref<1024xf32, #tpu.memory_space<vmem>>[vector<16xi32>], vector<16xf32>,
      %mul3A_2707 = arith.constant 512 : i32
      %mul3A_2708 = arith.muli %add3A_2406, %mul3A_2707 : i32
      %add3A_2709 = arith.addi %mul3A_150, %mul3A_2708 : i32
      %add3A_2710 = arith.constant 336 : i32
      %add3A_2711 = arith.addi %add3A_2709, %add3A_2710 : i32
      %get3A_2712 = arith.index_cast %add3A_2711 : i32 to index
      %get3A_2713 = tpu.vector_load %arg9[%get3A_2712] {strides = array<i32>} : memref<125024xf32, #tpu.memory_space<vmem>>, vector<16xf32>,
      %get3A_2714 = arith.constant 336 : index
      %get3A_2715 = tpu.vector_load %arg15[%get3A_2714] {strides = array<i32>} : memref<512xf32, #tpu.memory_space<vmem>>, vector<16xf32>,
      %add3A_2716 = arith.constant 320 : i32
      %add3A_2717 = vector.broadcast %add3A_2716 : i32 to vector<16xi32>
      %add3A_2718 = arith.addi %mul3A_33, %add3A_2717 : vector<16xi32>
      %max3A_2719 = arith.maximumf %get3A_2713, %get3A_2715 : vector<16xf32>
      tpu.vector_store_idx %arg11[%add3A_2718], %max3A_2719 : memref<1024xf32, #tpu.memory_space<vmem>>[vector<16xi32>], vector<16xf32>,
      %mul3A_2720 = arith.constant 512 : i32
      %mul3A_2721 = arith.muli %add3A_2406, %mul3A_2720 : i32
      %add3A_2722 = arith.addi %mul3A_150, %mul3A_2721 : i32
      %add3A_2723 = arith.constant 352 : i32
      %add3A_2724 = arith.addi %add3A_2722, %add3A_2723 : i32
      %get3A_2725 = arith.index_cast %add3A_2724 : i32 to index
      %get3A_2726 = tpu.vector_load %arg9[%get3A_2725] {strides = array<i32>} : memref<125024xf32, #tpu.memory_space<vmem>>, vector<16xf32>,
      %get3A_2727 = arith.constant 352 : index
      %get3A_2728 = tpu.vector_load %arg15[%get3A_2727] {strides = array<i32>} : memref<512xf32, #tpu.memory_space<vmem>>, vector<16xf32>,
      %add3A_2729 = arith.constant 384 : i32
      %add3A_2730 = vector.broadcast %add3A_2729 : i32 to vector<16xi32>
      %add3A_2731 = arith.addi %mul3A_33, %add3A_2730 : vector<16xi32>
      %max3A_2732 = arith.maximumf %get3A_2726, %get3A_2728 : vector<16xf32>
      tpu.vector_store_idx %arg11[%add3A_2731], %max3A_2732 : memref<1024xf32, #tpu.memory_space<vmem>>[vector<16xi32>], vector<16xf32>,
      %mul3A_2733 = arith.constant 512 : i32
      %mul3A_2734 = arith.muli %add3A_2406, %mul3A_2733 : i32
      %add3A_2735 = arith.addi %mul3A_150, %mul3A_2734 : i32
      %add3A_2736 = arith.constant 368 : i32
      %add3A_2737 = arith.addi %add3A_2735, %add3A_2736 : i32
      %get3A_2738 = arith.index_cast %add3A_2737 : i32 to index
      %get3A_2739 = tpu.vector_load %arg9[%get3A_2738] {strides = array<i32>} : memref<125024xf32, #tpu.memory_space<vmem>>, vector<16xf32>,
      %get3A_2740 = arith.constant 368 : index
      %get3A_2741 = tpu.vector_load %arg15[%get3A_2740] {strides = array<i32>} : memref<512xf32, #tpu.memory_space<vmem>>, vector<16xf32>,
      %add3A_2742 = arith.constant 448 : i32
      %add3A_2743 = vector.broadcast %add3A_2742 : i32 to vector<16xi32>
      %add3A_2744 = arith.addi %mul3A_33, %add3A_2743 : vector<16xi32>
      %max3A_2745 = arith.maximumf %get3A_2739, %get3A_2741 : vector<16xf32>
      tpu.vector_store_idx %arg11[%add3A_2744], %max3A_2745 : memref<1024xf32, #tpu.memory_space<vmem>>[vector<16xi32>], vector<16xf32>,
      %mul3A_2746 = arith.constant 512 : i32
      %mul3A_2747 = arith.muli %add3A_2406, %mul3A_2746 : i32
      %add3A_2748 = arith.addi %mul3A_150, %mul3A_2747 : i32
      %add3A_2749 = arith.constant 384 : i32
      %add3A_2750 = arith.addi %add3A_2748, %add3A_2749 : i32
      %get3A_2751 = arith.index_cast %add3A_2750 : i32 to index
      %get3A_2752 = tpu.vector_load %arg9[%get3A_2751] {strides = array<i32>} : memref<125024xf32, #tpu.memory_space<vmem>>, vector<16xf32>,
      %get3A_2753 = arith.constant 384 : index
      %get3A_2754 = tpu.vector_load %arg15[%get3A_2753] {strides = array<i32>} : memref<512xf32, #tpu.memory_space<vmem>>, vector<16xf32>,
      %add3A_2755 = arith.constant 512 : i32
      %add3A_2756 = vector.broadcast %add3A_2755 : i32 to vector<16xi32>
      %add3A_2757 = arith.addi %mul3A_33, %add3A_2756 : vector<16xi32>
      %max3A_2758 = arith.maximumf %get3A_2752, %get3A_2754 : vector<16xf32>
      tpu.vector_store_idx %arg11[%add3A_2757], %max3A_2758 : memref<1024xf32, #tpu.memory_space<vmem>>[vector<16xi32>], vector<16xf32>,
      %mul3A_2759 = arith.constant 512 : i32
      %mul3A_2760 = arith.muli %add3A_2406, %mul3A_2759 : i32
      %add3A_2761 = arith.addi %mul3A_150, %mul3A_2760 : i32
      %add3A_2762 = arith.constant 400 : i32
      %add3A_2763 = arith.addi %add3A_2761, %add3A_2762 : i32
      %get3A_2764 = arith.index_cast %add3A_2763 : i32 to index
      %get3A_2765 = tpu.vector_load %arg9[%get3A_2764] {strides = array<i32>} : memref<125024xf32, #tpu.memory_space<vmem>>, vector<16xf32>,
      %get3A_2766 = arith.constant 400 : index
      %get3A_2767 = tpu.vector_load %arg15[%get3A_2766] {strides = array<i32>} : memref<512xf32, #tpu.memory_space<vmem>>, vector<16xf32>,
      %add3A_2768 = arith.constant 576 : i32
      %add3A_2769 = vector.broadcast %add3A_2768 : i32 to vector<16xi32>
      %add3A_2770 = arith.addi %mul3A_33, %add3A_2769 : vector<16xi32>
      %max3A_2771 = arith.maximumf %get3A_2765, %get3A_2767 : vector<16xf32>
      tpu.vector_store_idx %arg11[%add3A_2770], %max3A_2771 : memref<1024xf32, #tpu.memory_space<vmem>>[vector<16xi32>], vector<16xf32>,
      %mul3A_2772 = arith.constant 512 : i32
      %mul3A_2773 = arith.muli %add3A_2406, %mul3A_2772 : i32
      %add3A_2774 = arith.addi %mul3A_150, %mul3A_2773 : i32
      %add3A_2775 = arith.constant 416 : i32
      %add3A_2776 = arith.addi %add3A_2774, %add3A_2775 : i32
      %get3A_2777 = arith.index_cast %add3A_2776 : i32 to index
      %get3A_2778 = tpu.vector_load %arg9[%get3A_2777] {strides = array<i32>} : memref<125024xf32, #tpu.memory_space<vmem>>, vector<16xf32>,
      %get3A_2779 = arith.constant 416 : index
      %get3A_2780 = tpu.vector_load %arg15[%get3A_2779] {strides = array<i32>} : memref<512xf32, #tpu.memory_space<vmem>>, vector<16xf32>,
      %add3A_2781 = arith.constant 640 : i32
      %add3A_2782 = vector.broadcast %add3A_2781 : i32 to vector<16xi32>
      %add3A_2783 = arith.addi %mul3A_33, %add3A_2782 : vector<16xi32>
      %max3A_2784 = arith.maximumf %get3A_2778, %get3A_2780 : vector<16xf32>
      tpu.vector_store_idx %arg11[%add3A_2783], %max3A_2784 : memref<1024xf32, #tpu.memory_space<vmem>>[vector<16xi32>], vector<16xf32>,
      %mul3A_2785 = arith.constant 512 : i32
      %mul3A_2786 = arith.muli %add3A_2406, %mul3A_2785 : i32
      %add3A_2787 = arith.addi %mul3A_150, %mul3A_2786 : i32
      %add3A_2788 = arith.constant 432 : i32
      %add3A_2789 = arith.addi %add3A_2787, %add3A_2788 : i32
      %get3A_2790 = arith.index_cast %add3A_2789 : i32 to index
      %get3A_2791 = tpu.vector_load %arg9[%get3A_2790] {strides = array<i32>} : memref<125024xf32, #tpu.memory_space<vmem>>, vector<16xf32>,
      %get3A_2792 = arith.constant 432 : index
      %get3A_2793 = tpu.vector_load %arg15[%get3A_2792] {strides = array<i32>} : memref<512xf32, #tpu.memory_space<vmem>>, vector<16xf32>,
      %add3A_2794 = arith.constant 704 : i32
      %add3A_2795 = vector.broadcast %add3A_2794 : i32 to vector<16xi32>
      %add3A_2796 = arith.addi %mul3A_33, %add3A_2795 : vector<16xi32>
      %max3A_2797 = arith.maximumf %get3A_2791, %get3A_2793 : vector<16xf32>
      tpu.vector_store_idx %arg11[%add3A_2796], %max3A_2797 : memref<1024xf32, #tpu.memory_space<vmem>>[vector<16xi32>], vector<16xf32>,
      %mul3A_2798 = arith.constant 512 : i32
      %mul3A_2799 = arith.muli %add3A_2406, %mul3A_2798 : i32
      %add3A_2800 = arith.addi %mul3A_150, %mul3A_2799 : i32
      %add3A_2801 = arith.constant 448 : i32
      %add3A_2802 = arith.addi %add3A_2800, %add3A_2801 : i32
      %get3A_2803 = arith.index_cast %add3A_2802 : i32 to index
      %get3A_2804 = tpu.vector_load %arg9[%get3A_2803] {strides = array<i32>} : memref<125024xf32, #tpu.memory_space<vmem>>, vector<16xf32>,
      %get3A_2805 = arith.constant 448 : index
      %get3A_2806 = tpu.vector_load %arg15[%get3A_2805] {strides = array<i32>} : memref<512xf32, #tpu.memory_space<vmem>>, vector<16xf32>,
      %add3A_2807 = arith.constant 768 : i32
      %add3A_2808 = vector.broadcast %add3A_2807 : i32 to vector<16xi32>
      %add3A_2809 = arith.addi %mul3A_33, %add3A_2808 : vector<16xi32>
      %max3A_2810 = arith.maximumf %get3A_2804, %get3A_2806 : vector<16xf32>
      tpu.vector_store_idx %arg11[%add3A_2809], %max3A_2810 : memref<1024xf32, #tpu.memory_space<vmem>>[vector<16xi32>], vector<16xf32>,
      %mul3A_2811 = arith.constant 512 : i32
      %mul3A_2812 = arith.muli %add3A_2406, %mul3A_2811 : i32
      %add3A_2813 = arith.addi %mul3A_150, %mul3A_2812 : i32
      %add3A_2814 = arith.constant 464 : i32
      %add3A_2815 = arith.addi %add3A_2813, %add3A_2814 : i32
      %get3A_2816 = arith.index_cast %add3A_2815 : i32 to index
      %get3A_2817 = tpu.vector_load %arg9[%get3A_2816] {strides = array<i32>} : memref<125024xf32, #tpu.memory_space<vmem>>, vector<16xf32>,
      %get3A_2818 = arith.constant 464 : index
      %get3A_2819 = tpu.vector_load %arg15[%get3A_2818] {strides = array<i32>} : memref<512xf32, #tpu.memory_space<vmem>>, vector<16xf32>,
      %add3A_2820 = arith.constant 832 : i32
      %add3A_2821 = vector.broadcast %add3A_2820 : i32 to vector<16xi32>
      %add3A_2822 = arith.addi %mul3A_33, %add3A_2821 : vector<16xi32>
      %max3A_2823 = arith.maximumf %get3A_2817, %get3A_2819 : vector<16xf32>
      tpu.vector_store_idx %arg11[%add3A_2822], %max3A_2823 : memref<1024xf32, #tpu.memory_space<vmem>>[vector<16xi32>], vector<16xf32>,
      %mul3A_2824 = arith.constant 512 : i32
      %mul3A_2825 = arith.muli %add3A_2406, %mul3A_2824 : i32
      %add3A_2826 = arith.addi %mul3A_150, %mul3A_2825 : i32
      %add3A_2827 = arith.constant 480 : i32
      %add3A_2828 = arith.addi %add3A_2826, %add3A_2827 : i32
      %get3A_2829 = arith.index_cast %add3A_2828 : i32 to index
      %get3A_2830 = tpu.vector_load %arg9[%get3A_2829] {strides = array<i32>} : memref<125024xf32, #tpu.memory_space<vmem>>, vector<16xf32>,
      %get3A_2831 = arith.constant 480 : index
      %get3A_2832 = tpu.vector_load %arg15[%get3A_2831] {strides = array<i32>} : memref<512xf32, #tpu.memory_space<vmem>>, vector<16xf32>,
      %add3A_2833 = arith.constant 896 : i32
      %add3A_2834 = vector.broadcast %add3A_2833 : i32 to vector<16xi32>
      %add3A_2835 = arith.addi %mul3A_33, %add3A_2834 : vector<16xi32>
      %max3A_2836 = arith.maximumf %get3A_2830, %get3A_2832 : vector<16xf32>
      tpu.vector_store_idx %arg11[%add3A_2835], %max3A_2836 : memref<1024xf32, #tpu.memory_space<vmem>>[vector<16xi32>], vector<16xf32>,
      %mul3A_2837 = arith.constant 512 : i32
      %mul3A_2838 = arith.muli %add3A_2406, %mul3A_2837 : i32
      %add3A_2839 = arith.addi %mul3A_150, %mul3A_2838 : i32
      %add3A_2840 = arith.constant 496 : i32
      %add3A_2841 = arith.addi %add3A_2839, %add3A_2840 : i32
      %get3A_2842 = arith.index_cast %add3A_2841 : i32 to index
      %get3A_2843 = tpu.vector_load %arg9[%get3A_2842] {strides = array<i32>} : memref<125024xf32, #tpu.memory_space<vmem>>, vector<16xf32>,
      %get3A_2844 = arith.constant 496 : index
      %get3A_2845 = tpu.vector_load %arg15[%get3A_2844] {strides = array<i32>} : memref<512xf32, #tpu.memory_space<vmem>>, vector<16xf32>,
      %add3A_2846 = arith.constant 960 : i32
      %add3A_2847 = vector.broadcast %add3A_2846 : i32 to vector<16xi32>
      %add3A_2848 = arith.addi %mul3A_33, %add3A_2847 : vector<16xi32>
      %max3A_2849 = arith.maximumf %get3A_2843, %get3A_2845 : vector<16xf32>
      tpu.vector_store_idx %arg11[%add3A_2848], %max3A_2849 : memref<1024xf32, #tpu.memory_space<vmem>>[vector<16xi32>], vector<16xf32>,
      %mul3A_2850 = arith.constant 1024 : i32
      %mul3A_2851 = arith.muli %add3A_2636, %mul3A_2850 : i32
      %add3A_2852 = arith.addi %add3A_155, %mul3A_2851 : i32
      %dma_start3A_2853 = tpu.memref_slice %arg4[%add3A_2852] : memref<8000000xf32, #tpu.memory_space<hbm>> -> memref<1024xf32, #tpu.memory_space<hbm>>
      %dma_start3A_2854 = tpu.memref_slice %arg4[%add3A_2852] : memref<8000000xf32, #tpu.memory_space<hbm>> -> memref<1024xf32, #tpu.memory_space<hbm>>
      tpu.enqueue_dma source(%arg11 : memref<1024xf32, #tpu.memory_space<vmem>>) target(%dma_start3A_2854 : memref<1024xf32, #tpu.memory_space<hbm>>) target_semaphore(%arg24 : memref<!tpu.dma_semaphore, #tpu.memory_space<semaphore_mem>>)
      %add3A_2855 = arith.constant 4 : i32
      %add3A_2856 = arith.addi %add3A_2406, %add3A_2855 : i32
      %lt3A_2857 = arith.constant 122 : i32
      %lt3A_2858 = arith.cmpi slt, %add3A_2856, %lt3A_2857 : i32
      %convert_element_type3A_2859 = arith.extui %lt3A_2858 : i1 to i32
      %cond3A_2860 = arith.constant 0 : i32
      %cond3A_2861 = arith.cmpi ne, %convert_element_type3A_2859, %cond3A_2860 : i32
      scf.if %cond3A_2861 {
        %mul3A_2862 = arith.constant 512 : i32
        %mul3A_2863 = arith.muli %add3A_2856, %mul3A_2862 : i32
        %add3A_2864 = arith.addi %mul3A_51, %mul3A_2863 : i32
        %dma_start3A_2865 = tpu.memref_slice %arg16[%add3A_2864] : memref<2000384xf32, #tpu.memory_space<hbm>> -> memref<512xf32, #tpu.memory_space<hbm>>
        %dma_start3A_2866 = tpu.memref_slice %arg16[%add3A_2864] : memref<2000384xf32, #tpu.memory_space<hbm>> -> memref<512xf32, #tpu.memory_space<hbm>>
        tpu.enqueue_dma source(%dma_start3A_2866 : memref<512xf32, #tpu.memory_space<hbm>>) target(%arg15 : memref<512xf32, #tpu.memory_space<vmem>>) target_semaphore(%arg22 : memref<!tpu.dma_semaphore, #tpu.memory_space<semaphore_mem>>)
      } else {
      }
    }
    %scan3A_181 = arith.constant 30 : i32
    %dma_wait3A = arith.constant 0 : i32
    %dma_wait3A_182 = tpu.memref_slice %arg16[%dma_wait3A] : memref<2000384xf32, #tpu.memory_space<hbm>> -> memref<512xf32, #tpu.memory_space<hbm>>
    %dma_wait3A_183 = arith.constant 0 : i32
    %dma_wait3A_184 = tpu.memref_slice %arg16[%dma_wait3A_183] : memref<2000384xf32, #tpu.memory_space<hbm>> -> memref<512xf32, #tpu.memory_space<hbm>>
    tpu.wait_dma2 semaphore(%arg19 : memref<!tpu.dma_semaphore, #tpu.memory_space<semaphore_mem>>) src(%dma_wait3A_184 : memref<512xf32, #tpu.memory_space<hbm>>) dst(%arg12 : memref<512xf32, #tpu.memory_space<vmem>>)
    %dma_wait3A_185 = arith.constant 0 : i32
    %dma_wait3A_186 = tpu.memref_slice %arg4[%dma_wait3A_185] : memref<8000000xf32, #tpu.memory_space<hbm>> -> memref<1024xf32, #tpu.memory_space<hbm>>
    %dma_wait3A_187 = arith.constant 0 : i32
    %dma_wait3A_188 = tpu.memref_slice %arg4[%dma_wait3A_187] : memref<8000000xf32, #tpu.memory_space<hbm>> -> memref<1024xf32, #tpu.memory_space<hbm>>
    tpu.wait_dma2 semaphore(%arg23 : memref<!tpu.dma_semaphore, #tpu.memory_space<semaphore_mem>>) src(%arg10 : memref<1024xf32, #tpu.memory_space<vmem>>) dst(%dma_wait3A_188 : memref<1024xf32, #tpu.memory_space<hbm>>)
    %add3A_189 = arith.constant 61440 : i32
    %add3A_190 = arith.addi %mul3A_150, %add3A_189 : i32
    %add3A_191 = arith.constant 0 : i32
    %add3A_192 = arith.addi %add3A_190, %add3A_191 : i32
    %get3A = arith.index_cast %add3A_192 : i32 to index
    %get3A_193 = tpu.vector_load %arg9[%get3A] {strides = array<i32>} : memref<125024xf32, #tpu.memory_space<vmem>>, vector<16xf32>,
    %get3A_194 = arith.constant 0 : index
    %get3A_195 = tpu.vector_load %arg12[%get3A_194] {strides = array<i32>} : memref<512xf32, #tpu.memory_space<vmem>>, vector<16xf32>,
    %add3A_196 = arith.constant 0 : i32
    %add3A_197 = vector.broadcast %add3A_196 : i32 to vector<16xi32>
    %add3A_198 = arith.addi %mul3A_33, %add3A_197 : vector<16xi32>
    %max3A = arith.maximumf %get3A_193, %get3A_195 : vector<16xf32>
    tpu.vector_store_idx %arg10[%add3A_198], %max3A : memref<1024xf32, #tpu.memory_space<vmem>>[vector<16xi32>], vector<16xf32>,
    %add3A_199 = arith.constant 61440 : i32
    %add3A_200 = arith.addi %mul3A_150, %add3A_199 : i32
    %add3A_201 = arith.constant 16 : i32
    %add3A_202 = arith.addi %add3A_200, %add3A_201 : i32
    %get3A_203 = arith.index_cast %add3A_202 : i32 to index
    %get3A_204 = tpu.vector_load %arg9[%get3A_203] {strides = array<i32>} : memref<125024xf32, #tpu.memory_space<vmem>>, vector<16xf32>,
    %get3A_205 = arith.constant 16 : index
    %get3A_206 = tpu.vector_load %arg12[%get3A_205] {strides = array<i32>} : memref<512xf32, #tpu.memory_space<vmem>>, vector<16xf32>,
    %add3A_207 = arith.constant 64 : i32
    %add3A_208 = vector.broadcast %add3A_207 : i32 to vector<16xi32>
    %add3A_209 = arith.addi %mul3A_33, %add3A_208 : vector<16xi32>
    %max3A_210 = arith.maximumf %get3A_204, %get3A_206 : vector<16xf32>
    tpu.vector_store_idx %arg10[%add3A_209], %max3A_210 : memref<1024xf32, #tpu.memory_space<vmem>>[vector<16xi32>], vector<16xf32>,
    %add3A_211 = arith.constant 61440 : i32
    %add3A_212 = arith.addi %mul3A_150, %add3A_211 : i32
    %add3A_213 = arith.constant 32 : i32
    %add3A_214 = arith.addi %add3A_212, %add3A_213 : i32
    %get3A_215 = arith.index_cast %add3A_214 : i32 to index
    %get3A_216 = tpu.vector_load %arg9[%get3A_215] {strides = array<i32>} : memref<125024xf32, #tpu.memory_space<vmem>>, vector<16xf32>,
    %get3A_217 = arith.constant 32 : index
    %get3A_218 = tpu.vector_load %arg12[%get3A_217] {strides = array<i32>} : memref<512xf32, #tpu.memory_space<vmem>>, vector<16xf32>,
    %add3A_219 = arith.constant 128 : i32
    %add3A_220 = vector.broadcast %add3A_219 : i32 to vector<16xi32>
    %add3A_221 = arith.addi %mul3A_33, %add3A_220 : vector<16xi32>
    %max3A_222 = arith.maximumf %get3A_216, %get3A_218 : vector<16xf32>
    tpu.vector_store_idx %arg10[%add3A_221], %max3A_222 : memref<1024xf32, #tpu.memory_space<vmem>>[vector<16xi32>], vector<16xf32>,
    %add3A_223 = arith.constant 61440 : i32
    %add3A_224 = arith.addi %mul3A_150, %add3A_223 : i32
    %add3A_225 = arith.constant 48 : i32
    %add3A_226 = arith.addi %add3A_224, %add3A_225 : i32
    %get3A_227 = arith.index_cast %add3A_226 : i32 to index
    %get3A_228 = tpu.vector_load %arg9[%get3A_227] {strides = array<i32>} : memref<125024xf32, #tpu.memory_space<vmem>>, vector<16xf32>,
    %get3A_229 = arith.constant 48 : index
    %get3A_230 = tpu.vector_load %arg12[%get3A_229] {strides = array<i32>} : memref<512xf32, #tpu.memory_space<vmem>>, vector<16xf32>,
    %add3A_231 = arith.constant 192 : i32
    %add3A_232 = vector.broadcast %add3A_231 : i32 to vector<16xi32>
    %add3A_233 = arith.addi %mul3A_33, %add3A_232 : vector<16xi32>
    %max3A_234 = arith.maximumf %get3A_228, %get3A_230 : vector<16xf32>
    tpu.vector_store_idx %arg10[%add3A_233], %max3A_234 : memref<1024xf32, #tpu.memory_space<vmem>>[vector<16xi32>], vector<16xf32>,
    %add3A_235 = arith.constant 61440 : i32
    %add3A_236 = arith.addi %mul3A_150, %add3A_235 : i32
    %add3A_237 = arith.constant 64 : i32
    %add3A_238 = arith.addi %add3A_236, %add3A_237 : i32
    %get3A_239 = arith.index_cast %add3A_238 : i32 to index
    %get3A_240 = tpu.vector_load %arg9[%get3A_239] {strides = array<i32>} : memref<125024xf32, #tpu.memory_space<vmem>>, vector<16xf32>,
    %get3A_241 = arith.constant 64 : index
    %get3A_242 = tpu.vector_load %arg12[%get3A_241] {strides = array<i32>} : memref<512xf32, #tpu.memory_space<vmem>>, vector<16xf32>,
    %add3A_243 = arith.constant 256 : i32
    %add3A_244 = vector.broadcast %add3A_243 : i32 to vector<16xi32>
    %add3A_245 = arith.addi %mul3A_33, %add3A_244 : vector<16xi32>
    %max3A_246 = arith.maximumf %get3A_240, %get3A_242 : vector<16xf32>
    tpu.vector_store_idx %arg10[%add3A_245], %max3A_246 : memref<1024xf32, #tpu.memory_space<vmem>>[vector<16xi32>], vector<16xf32>,
    %add3A_247 = arith.constant 61440 : i32
    %add3A_248 = arith.addi %mul3A_150, %add3A_247 : i32
    %add3A_249 = arith.constant 80 : i32
    %add3A_250 = arith.addi %add3A_248, %add3A_249 : i32
    %get3A_251 = arith.index_cast %add3A_250 : i32 to index
    %get3A_252 = tpu.vector_load %arg9[%get3A_251] {strides = array<i32>} : memref<125024xf32, #tpu.memory_space<vmem>>, vector<16xf32>,
    %get3A_253 = arith.constant 80 : index
    %get3A_254 = tpu.vector_load %arg12[%get3A_253] {strides = array<i32>} : memref<512xf32, #tpu.memory_space<vmem>>, vector<16xf32>,
    %add3A_255 = arith.constant 320 : i32
    %add3A_256 = vector.broadcast %add3A_255 : i32 to vector<16xi32>
    %add3A_257 = arith.addi %mul3A_33, %add3A_256 : vector<16xi32>
    %max3A_258 = arith.maximumf %get3A_252, %get3A_254 : vector<16xf32>
    tpu.vector_store_idx %arg10[%add3A_257], %max3A_258 : memref<1024xf32, #tpu.memory_space<vmem>>[vector<16xi32>], vector<16xf32>,
    %add3A_259 = arith.constant 61440 : i32
    %add3A_260 = arith.addi %mul3A_150, %add3A_259 : i32
    %add3A_261 = arith.constant 96 : i32
    %add3A_262 = arith.addi %add3A_260, %add3A_261 : i32
    %get3A_263 = arith.index_cast %add3A_262 : i32 to index
    %get3A_264 = tpu.vector_load %arg9[%get3A_263] {strides = array<i32>} : memref<125024xf32, #tpu.memory_space<vmem>>, vector<16xf32>,
    %get3A_265 = arith.constant 96 : index
    %get3A_266 = tpu.vector_load %arg12[%get3A_265] {strides = array<i32>} : memref<512xf32, #tpu.memory_space<vmem>>, vector<16xf32>,
    %add3A_267 = arith.constant 384 : i32
    %add3A_268 = vector.broadcast %add3A_267 : i32 to vector<16xi32>
    %add3A_269 = arith.addi %mul3A_33, %add3A_268 : vector<16xi32>
    %max3A_270 = arith.maximumf %get3A_264, %get3A_266 : vector<16xf32>
    tpu.vector_store_idx %arg10[%add3A_269], %max3A_270 : memref<1024xf32, #tpu.memory_space<vmem>>[vector<16xi32>], vector<16xf32>,
    %add3A_271 = arith.constant 61440 : i32
    %add3A_272 = arith.addi %mul3A_150, %add3A_271 : i32
    %add3A_273 = arith.constant 112 : i32
    %add3A_274 = arith.addi %add3A_272, %add3A_273 : i32
    %get3A_275 = arith.index_cast %add3A_274 : i32 to index
    %get3A_276 = tpu.vector_load %arg9[%get3A_275] {strides = array<i32>} : memref<125024xf32, #tpu.memory_space<vmem>>, vector<16xf32>,
    %get3A_277 = arith.constant 112 : index
    %get3A_278 = tpu.vector_load %arg12[%get3A_277] {strides = array<i32>} : memref<512xf32, #tpu.memory_space<vmem>>, vector<16xf32>,
    %add3A_279 = arith.constant 448 : i32
    %add3A_280 = vector.broadcast %add3A_279 : i32 to vector<16xi32>
    %add3A_281 = arith.addi %mul3A_33, %add3A_280 : vector<16xi32>
    %max3A_282 = arith.maximumf %get3A_276, %get3A_278 : vector<16xf32>
    tpu.vector_store_idx %arg10[%add3A_281], %max3A_282 : memref<1024xf32, #tpu.memory_space<vmem>>[vector<16xi32>], vector<16xf32>,
    %add3A_283 = arith.constant 61440 : i32
    %add3A_284 = arith.addi %mul3A_150, %add3A_283 : i32
    %add3A_285 = arith.constant 128 : i32
    %add3A_286 = arith.addi %add3A_284, %add3A_285 : i32
    %get3A_287 = arith.index_cast %add3A_286 : i32 to index
    %get3A_288 = tpu.vector_load %arg9[%get3A_287] {strides = array<i32>} : memref<125024xf32, #tpu.memory_space<vmem>>, vector<16xf32>,
    %get3A_289 = arith.constant 128 : index
    %get3A_290 = tpu.vector_load %arg12[%get3A_289] {strides = array<i32>} : memref<512xf32, #tpu.memory_space<vmem>>, vector<16xf32>,
    %add3A_291 = arith.constant 512 : i32
    %add3A_292 = vector.broadcast %add3A_291 : i32 to vector<16xi32>
    %add3A_293 = arith.addi %mul3A_33, %add3A_292 : vector<16xi32>
    %max3A_294 = arith.maximumf %get3A_288, %get3A_290 : vector<16xf32>
    tpu.vector_store_idx %arg10[%add3A_293], %max3A_294 : memref<1024xf32, #tpu.memory_space<vmem>>[vector<16xi32>], vector<16xf32>,
    %add3A_295 = arith.constant 61440 : i32
    %add3A_296 = arith.addi %mul3A_150, %add3A_295 : i32
    %add3A_297 = arith.constant 144 : i32
    %add3A_298 = arith.addi %add3A_296, %add3A_297 : i32
    %get3A_299 = arith.index_cast %add3A_298 : i32 to index
    %get3A_300 = tpu.vector_load %arg9[%get3A_299] {strides = array<i32>} : memref<125024xf32, #tpu.memory_space<vmem>>, vector<16xf32>,
    %get3A_301 = arith.constant 144 : index
    %get3A_302 = tpu.vector_load %arg12[%get3A_301] {strides = array<i32>} : memref<512xf32, #tpu.memory_space<vmem>>, vector<16xf32>,
    %add3A_303 = arith.constant 576 : i32
    %add3A_304 = vector.broadcast %add3A_303 : i32 to vector<16xi32>
    %add3A_305 = arith.addi %mul3A_33, %add3A_304 : vector<16xi32>
    %max3A_306 = arith.maximumf %get3A_300, %get3A_302 : vector<16xf32>
    tpu.vector_store_idx %arg10[%add3A_305], %max3A_306 : memref<1024xf32, #tpu.memory_space<vmem>>[vector<16xi32>], vector<16xf32>,
    %add3A_307 = arith.constant 61440 : i32
    %add3A_308 = arith.addi %mul3A_150, %add3A_307 : i32
    %add3A_309 = arith.constant 160 : i32
    %add3A_310 = arith.addi %add3A_308, %add3A_309 : i32
    %get3A_311 = arith.index_cast %add3A_310 : i32 to index
    %get3A_312 = tpu.vector_load %arg9[%get3A_311] {strides = array<i32>} : memref<125024xf32, #tpu.memory_space<vmem>>, vector<16xf32>,
    %get3A_313 = arith.constant 160 : index
    %get3A_314 = tpu.vector_load %arg12[%get3A_313] {strides = array<i32>} : memref<512xf32, #tpu.memory_space<vmem>>, vector<16xf32>,
    %add3A_315 = arith.constant 640 : i32
    %add3A_316 = vector.broadcast %add3A_315 : i32 to vector<16xi32>
    %add3A_317 = arith.addi %mul3A_33, %add3A_316 : vector<16xi32>
    %max3A_318 = arith.maximumf %get3A_312, %get3A_314 : vector<16xf32>
    tpu.vector_store_idx %arg10[%add3A_317], %max3A_318 : memref<1024xf32, #tpu.memory_space<vmem>>[vector<16xi32>], vector<16xf32>,
    %add3A_319 = arith.constant 61440 : i32
    %add3A_320 = arith.addi %mul3A_150, %add3A_319 : i32
    %add3A_321 = arith.constant 176 : i32
    %add3A_322 = arith.addi %add3A_320, %add3A_321 : i32
    %get3A_323 = arith.index_cast %add3A_322 : i32 to index
    %get3A_324 = tpu.vector_load %arg9[%get3A_323] {strides = array<i32>} : memref<125024xf32, #tpu.memory_space<vmem>>, vector<16xf32>,
    %get3A_325 = arith.constant 176 : index
    %get3A_326 = tpu.vector_load %arg12[%get3A_325] {strides = array<i32>} : memref<512xf32, #tpu.memory_space<vmem>>, vector<16xf32>,
    %add3A_327 = arith.constant 704 : i32
    %add3A_328 = vector.broadcast %add3A_327 : i32 to vector<16xi32>
    %add3A_329 = arith.addi %mul3A_33, %add3A_328 : vector<16xi32>
    %max3A_330 = arith.maximumf %get3A_324, %get3A_326 : vector<16xf32>
    tpu.vector_store_idx %arg10[%add3A_329], %max3A_330 : memref<1024xf32, #tpu.memory_space<vmem>>[vector<16xi32>], vector<16xf32>,
    %add3A_331 = arith.constant 61440 : i32
    %add3A_332 = arith.addi %mul3A_150, %add3A_331 : i32
    %add3A_333 = arith.constant 192 : i32
    %add3A_334 = arith.addi %add3A_332, %add3A_333 : i32
    %get3A_335 = arith.index_cast %add3A_334 : i32 to index
    %get3A_336 = tpu.vector_load %arg9[%get3A_335] {strides = array<i32>} : memref<125024xf32, #tpu.memory_space<vmem>>, vector<16xf32>,
    %get3A_337 = arith.constant 192 : index
    %get3A_338 = tpu.vector_load %arg12[%get3A_337] {strides = array<i32>} : memref<512xf32, #tpu.memory_space<vmem>>, vector<16xf32>,
    %add3A_339 = arith.constant 768 : i32
    %add3A_340 = vector.broadcast %add3A_339 : i32 to vector<16xi32>
    %add3A_341 = arith.addi %mul3A_33, %add3A_340 : vector<16xi32>
    %max3A_342 = arith.maximumf %get3A_336, %get3A_338 : vector<16xf32>
    tpu.vector_store_idx %arg10[%add3A_341], %max3A_342 : memref<1024xf32, #tpu.memory_space<vmem>>[vector<16xi32>], vector<16xf32>,
    %add3A_343 = arith.constant 61440 : i32
    %add3A_344 = arith.addi %mul3A_150, %add3A_343 : i32
    %add3A_345 = arith.constant 208 : i32
    %add3A_346 = arith.addi %add3A_344, %add3A_345 : i32
    %get3A_347 = arith.index_cast %add3A_346 : i32 to index
    %get3A_348 = tpu.vector_load %arg9[%get3A_347] {strides = array<i32>} : memref<125024xf32, #tpu.memory_space<vmem>>, vector<16xf32>,
    %get3A_349 = arith.constant 208 : index
    %get3A_350 = tpu.vector_load %arg12[%get3A_349] {strides = array<i32>} : memref<512xf32, #tpu.memory_space<vmem>>, vector<16xf32>,
    %add3A_351 = arith.constant 832 : i32
    %add3A_352 = vector.broadcast %add3A_351 : i32 to vector<16xi32>
    %add3A_353 = arith.addi %mul3A_33, %add3A_352 : vector<16xi32>
    %max3A_354 = arith.maximumf %get3A_348, %get3A_350 : vector<16xf32>
    tpu.vector_store_idx %arg10[%add3A_353], %max3A_354 : memref<1024xf32, #tpu.memory_space<vmem>>[vector<16xi32>], vector<16xf32>,
    %add3A_355 = arith.constant 61440 : i32
    %add3A_356 = arith.addi %mul3A_150, %add3A_355 : i32
    %add3A_357 = arith.constant 224 : i32
    %add3A_358 = arith.addi %add3A_356, %add3A_357 : i32
    %get3A_359 = arith.index_cast %add3A_358 : i32 to index
    %get3A_360 = tpu.vector_load %arg9[%get3A_359] {strides = array<i32>} : memref<125024xf32, #tpu.memory_space<vmem>>, vector<16xf32>,
    %get3A_361 = arith.constant 224 : index
    %get3A_362 = tpu.vector_load %arg12[%get3A_361] {strides = array<i32>} : memref<512xf32, #tpu.memory_space<vmem>>, vector<16xf32>,
    %add3A_363 = arith.constant 896 : i32
    %add3A_364 = vector.broadcast %add3A_363 : i32 to vector<16xi32>
    %add3A_365 = arith.addi %mul3A_33, %add3A_364 : vector<16xi32>
    %max3A_366 = arith.maximumf %get3A_360, %get3A_362 : vector<16xf32>
    tpu.vector_store_idx %arg10[%add3A_365], %max3A_366 : memref<1024xf32, #tpu.memory_space<vmem>>[vector<16xi32>], vector<16xf32>,
    %add3A_367 = arith.constant 61440 : i32
    %add3A_368 = arith.addi %mul3A_150, %add3A_367 : i32
    %add3A_369 = arith.constant 240 : i32
    %add3A_370 = arith.addi %add3A_368, %add3A_369 : i32
    %get3A_371 = arith.index_cast %add3A_370 : i32 to index
    %get3A_372 = tpu.vector_load %arg9[%get3A_371] {strides = array<i32>} : memref<125024xf32, #tpu.memory_space<vmem>>, vector<16xf32>,
    %get3A_373 = arith.constant 240 : index
    %get3A_374 = tpu.vector_load %arg12[%get3A_373] {strides = array<i32>} : memref<512xf32, #tpu.memory_space<vmem>>, vector<16xf32>,
    %add3A_375 = arith.constant 960 : i32
    %add3A_376 = vector.broadcast %add3A_375 : i32 to vector<16xi32>
    %add3A_377 = arith.addi %mul3A_33, %add3A_376 : vector<16xi32>
    %max3A_378 = arith.maximumf %get3A_372, %get3A_374 : vector<16xf32>
    tpu.vector_store_idx %arg10[%add3A_377], %max3A_378 : memref<1024xf32, #tpu.memory_space<vmem>>[vector<16xi32>], vector<16xf32>,
    %add3A_379 = arith.constant 245760 : i32
    %add3A_380 = arith.addi %add3A_155, %add3A_379 : i32
    %dma_start3A_381 = tpu.memref_slice %arg4[%add3A_380] : memref<8000000xf32, #tpu.memory_space<hbm>> -> memref<1024xf32, #tpu.memory_space<hbm>>
    %dma_start3A_382 = tpu.memref_slice %arg4[%add3A_380] : memref<8000000xf32, #tpu.memory_space<hbm>> -> memref<1024xf32, #tpu.memory_space<hbm>>
    tpu.enqueue_dma source(%arg10 : memref<1024xf32, #tpu.memory_space<vmem>>) target(%dma_start3A_382 : memref<1024xf32, #tpu.memory_space<hbm>>) target_semaphore(%arg23 : memref<!tpu.dma_semaphore, #tpu.memory_space<semaphore_mem>>)
    %dma_wait3A_383 = arith.constant 0 : i32
    %dma_wait3A_384 = tpu.memref_slice %arg4[%dma_wait3A_383] : memref<8000000xf32, #tpu.memory_space<hbm>> -> memref<1024xf32, #tpu.memory_space<hbm>>
    %dma_wait3A_385 = arith.constant 0 : i32
    %dma_wait3A_386 = tpu.memref_slice %arg4[%dma_wait3A_385] : memref<8000000xf32, #tpu.memory_space<hbm>> -> memref<1024xf32, #tpu.memory_space<hbm>>
    tpu.wait_dma2 semaphore(%arg24 : memref<!tpu.dma_semaphore, #tpu.memory_space<semaphore_mem>>) src(%arg11 : memref<1024xf32, #tpu.memory_space<vmem>>) dst(%dma_wait3A_386 : memref<1024xf32, #tpu.memory_space<hbm>>)
    %add3A_387 = arith.constant 61440 : i32
    %add3A_388 = arith.addi %mul3A_150, %add3A_387 : i32
    %add3A_389 = arith.constant 256 : i32
    %add3A_390 = arith.addi %add3A_388, %add3A_389 : i32
    %get3A_391 = arith.index_cast %add3A_390 : i32 to index
    %get3A_392 = tpu.vector_load %arg9[%get3A_391] {strides = array<i32>} : memref<125024xf32, #tpu.memory_space<vmem>>, vector<16xf32>,
    %get3A_393 = arith.constant 256 : index
    %get3A_394 = tpu.vector_load %arg12[%get3A_393] {strides = array<i32>} : memref<512xf32, #tpu.memory_space<vmem>>, vector<16xf32>,
    %add3A_395 = arith.constant 0 : i32
    %add3A_396 = vector.broadcast %add3A_395 : i32 to vector<16xi32>
    %add3A_397 = arith.addi %mul3A_33, %add3A_396 : vector<16xi32>
    %max3A_398 = arith.maximumf %get3A_392, %get3A_394 : vector<16xf32>
    tpu.vector_store_idx %arg11[%add3A_397], %max3A_398 : memref<1024xf32, #tpu.memory_space<vmem>>[vector<16xi32>], vector<16xf32>,
    %add3A_399 = arith.constant 61440 : i32
    %add3A_400 = arith.addi %mul3A_150, %add3A_399 : i32
    %add3A_401 = arith.constant 272 : i32
    %add3A_402 = arith.addi %add3A_400, %add3A_401 : i32
    %get3A_403 = arith.index_cast %add3A_402 : i32 to index
    %get3A_404 = tpu.vector_load %arg9[%get3A_403] {strides = array<i32>} : memref<125024xf32, #tpu.memory_space<vmem>>, vector<16xf32>,
    %get3A_405 = arith.constant 272 : index
    %get3A_406 = tpu.vector_load %arg12[%get3A_405] {strides = array<i32>} : memref<512xf32, #tpu.memory_space<vmem>>, vector<16xf32>,
    %add3A_407 = arith.constant 64 : i32
    %add3A_408 = vector.broadcast %add3A_407 : i32 to vector<16xi32>
    %add3A_409 = arith.addi %mul3A_33, %add3A_408 : vector<16xi32>
    %max3A_410 = arith.maximumf %get3A_404, %get3A_406 : vector<16xf32>
    tpu.vector_store_idx %arg11[%add3A_409], %max3A_410 : memref<1024xf32, #tpu.memory_space<vmem>>[vector<16xi32>], vector<16xf32>,
    %add3A_411 = arith.constant 61440 : i32
    %add3A_412 = arith.addi %mul3A_150, %add3A_411 : i32
    %add3A_413 = arith.constant 288 : i32
    %add3A_414 = arith.addi %add3A_412, %add3A_413 : i32
    %get3A_415 = arith.index_cast %add3A_414 : i32 to index
    %get3A_416 = tpu.vector_load %arg9[%get3A_415] {strides = array<i32>} : memref<125024xf32, #tpu.memory_space<vmem>>, vector<16xf32>,
    %get3A_417 = arith.constant 288 : index
    %get3A_418 = tpu.vector_load %arg12[%get3A_417] {strides = array<i32>} : memref<512xf32, #tpu.memory_space<vmem>>, vector<16xf32>,
    %add3A_419 = arith.constant 128 : i32
    %add3A_420 = vector.broadcast %add3A_419 : i32 to vector<16xi32>
    %add3A_421 = arith.addi %mul3A_33, %add3A_420 : vector<16xi32>
    %max3A_422 = arith.maximumf %get3A_416, %get3A_418 : vector<16xf32>
    tpu.vector_store_idx %arg11[%add3A_421], %max3A_422 : memref<1024xf32, #tpu.memory_space<vmem>>[vector<16xi32>], vector<16xf32>,
    %add3A_423 = arith.constant 61440 : i32
    %add3A_424 = arith.addi %mul3A_150, %add3A_423 : i32
    %add3A_425 = arith.constant 304 : i32
    %add3A_426 = arith.addi %add3A_424, %add3A_425 : i32
    %get3A_427 = arith.index_cast %add3A_426 : i32 to index
    %get3A_428 = tpu.vector_load %arg9[%get3A_427] {strides = array<i32>} : memref<125024xf32, #tpu.memory_space<vmem>>, vector<16xf32>,
    %get3A_429 = arith.constant 304 : index
    %get3A_430 = tpu.vector_load %arg12[%get3A_429] {strides = array<i32>} : memref<512xf32, #tpu.memory_space<vmem>>, vector<16xf32>,
    %add3A_431 = arith.constant 192 : i32
    %add3A_432 = vector.broadcast %add3A_431 : i32 to vector<16xi32>
    %add3A_433 = arith.addi %mul3A_33, %add3A_432 : vector<16xi32>
    %max3A_434 = arith.maximumf %get3A_428, %get3A_430 : vector<16xf32>
    tpu.vector_store_idx %arg11[%add3A_433], %max3A_434 : memref<1024xf32, #tpu.memory_space<vmem>>[vector<16xi32>], vector<16xf32>,
    %add3A_435 = arith.constant 61440 : i32
    %add3A_436 = arith.addi %mul3A_150, %add3A_435 : i32
    %add3A_437 = arith.constant 320 : i32
    %add3A_438 = arith.addi %add3A_436, %add3A_437 : i32
    %get3A_439 = arith.index_cast %add3A_438 : i32 to index
    %get3A_440 = tpu.vector_load %arg9[%get3A_439] {strides = array<i32>} : memref<125024xf32, #tpu.memory_space<vmem>>, vector<16xf32>,
    %get3A_441 = arith.constant 320 : index
    %get3A_442 = tpu.vector_load %arg12[%get3A_441] {strides = array<i32>} : memref<512xf32, #tpu.memory_space<vmem>>, vector<16xf32>,
    %add3A_443 = arith.constant 256 : i32
    %add3A_444 = vector.broadcast %add3A_443 : i32 to vector<16xi32>
    %add3A_445 = arith.addi %mul3A_33, %add3A_444 : vector<16xi32>
    %max3A_446 = arith.maximumf %get3A_440, %get3A_442 : vector<16xf32>
    tpu.vector_store_idx %arg11[%add3A_445], %max3A_446 : memref<1024xf32, #tpu.memory_space<vmem>>[vector<16xi32>], vector<16xf32>,
    %add3A_447 = arith.constant 61440 : i32
    %add3A_448 = arith.addi %mul3A_150, %add3A_447 : i32
    %add3A_449 = arith.constant 336 : i32
    %add3A_450 = arith.addi %add3A_448, %add3A_449 : i32
    %get3A_451 = arith.index_cast %add3A_450 : i32 to index
    %get3A_452 = tpu.vector_load %arg9[%get3A_451] {strides = array<i32>} : memref<125024xf32, #tpu.memory_space<vmem>>, vector<16xf32>,
    %get3A_453 = arith.constant 336 : index
    %get3A_454 = tpu.vector_load %arg12[%get3A_453] {strides = array<i32>} : memref<512xf32, #tpu.memory_space<vmem>>, vector<16xf32>,
    %add3A_455 = arith.constant 320 : i32
    %add3A_456 = vector.broadcast %add3A_455 : i32 to vector<16xi32>
    %add3A_457 = arith.addi %mul3A_33, %add3A_456 : vector<16xi32>
    %max3A_458 = arith.maximumf %get3A_452, %get3A_454 : vector<16xf32>
    tpu.vector_store_idx %arg11[%add3A_457], %max3A_458 : memref<1024xf32, #tpu.memory_space<vmem>>[vector<16xi32>], vector<16xf32>,
    %add3A_459 = arith.constant 61440 : i32
    %add3A_460 = arith.addi %mul3A_150, %add3A_459 : i32
    %add3A_461 = arith.constant 352 : i32
    %add3A_462 = arith.addi %add3A_460, %add3A_461 : i32
    %get3A_463 = arith.index_cast %add3A_462 : i32 to index
    %get3A_464 = tpu.vector_load %arg9[%get3A_463] {strides = array<i32>} : memref<125024xf32, #tpu.memory_space<vmem>>, vector<16xf32>,
    %get3A_465 = arith.constant 352 : index
    %get3A_466 = tpu.vector_load %arg12[%get3A_465] {strides = array<i32>} : memref<512xf32, #tpu.memory_space<vmem>>, vector<16xf32>,
    %add3A_467 = arith.constant 384 : i32
    %add3A_468 = vector.broadcast %add3A_467 : i32 to vector<16xi32>
    %add3A_469 = arith.addi %mul3A_33, %add3A_468 : vector<16xi32>
    %max3A_470 = arith.maximumf %get3A_464, %get3A_466 : vector<16xf32>
    tpu.vector_store_idx %arg11[%add3A_469], %max3A_470 : memref<1024xf32, #tpu.memory_space<vmem>>[vector<16xi32>], vector<16xf32>,
    %add3A_471 = arith.constant 61440 : i32
    %add3A_472 = arith.addi %mul3A_150, %add3A_471 : i32
    %add3A_473 = arith.constant 368 : i32
    %add3A_474 = arith.addi %add3A_472, %add3A_473 : i32
    %get3A_475 = arith.index_cast %add3A_474 : i32 to index
    %get3A_476 = tpu.vector_load %arg9[%get3A_475] {strides = array<i32>} : memref<125024xf32, #tpu.memory_space<vmem>>, vector<16xf32>,
    %get3A_477 = arith.constant 368 : index
    %get3A_478 = tpu.vector_load %arg12[%get3A_477] {strides = array<i32>} : memref<512xf32, #tpu.memory_space<vmem>>, vector<16xf32>,
    %add3A_479 = arith.constant 448 : i32
    %add3A_480 = vector.broadcast %add3A_479 : i32 to vector<16xi32>
    %add3A_481 = arith.addi %mul3A_33, %add3A_480 : vector<16xi32>
    %max3A_482 = arith.maximumf %get3A_476, %get3A_478 : vector<16xf32>
    tpu.vector_store_idx %arg11[%add3A_481], %max3A_482 : memref<1024xf32, #tpu.memory_space<vmem>>[vector<16xi32>], vector<16xf32>,
    %add3A_483 = arith.constant 61440 : i32
    %add3A_484 = arith.addi %mul3A_150, %add3A_483 : i32
    %add3A_485 = arith.constant 384 : i32
    %add3A_486 = arith.addi %add3A_484, %add3A_485 : i32
    %get3A_487 = arith.index_cast %add3A_486 : i32 to index
    %get3A_488 = tpu.vector_load %arg9[%get3A_487] {strides = array<i32>} : memref<125024xf32, #tpu.memory_space<vmem>>, vector<16xf32>,
    %get3A_489 = arith.constant 384 : index
    %get3A_490 = tpu.vector_load %arg12[%get3A_489] {strides = array<i32>} : memref<512xf32, #tpu.memory_space<vmem>>, vector<16xf32>,
    %add3A_491 = arith.constant 512 : i32
    %add3A_492 = vector.broadcast %add3A_491 : i32 to vector<16xi32>
    %add3A_493 = arith.addi %mul3A_33, %add3A_492 : vector<16xi32>
    %max3A_494 = arith.maximumf %get3A_488, %get3A_490 : vector<16xf32>
    tpu.vector_store_idx %arg11[%add3A_493], %max3A_494 : memref<1024xf32, #tpu.memory_space<vmem>>[vector<16xi32>], vector<16xf32>,
    %add3A_495 = arith.constant 61440 : i32
    %add3A_496 = arith.addi %mul3A_150, %add3A_495 : i32
    %add3A_497 = arith.constant 400 : i32
    %add3A_498 = arith.addi %add3A_496, %add3A_497 : i32
    %get3A_499 = arith.index_cast %add3A_498 : i32 to index
    %get3A_500 = tpu.vector_load %arg9[%get3A_499] {strides = array<i32>} : memref<125024xf32, #tpu.memory_space<vmem>>, vector<16xf32>,
    %get3A_501 = arith.constant 400 : index
    %get3A_502 = tpu.vector_load %arg12[%get3A_501] {strides = array<i32>} : memref<512xf32, #tpu.memory_space<vmem>>, vector<16xf32>,
    %add3A_503 = arith.constant 576 : i32
    %add3A_504 = vector.broadcast %add3A_503 : i32 to vector<16xi32>
    %add3A_505 = arith.addi %mul3A_33, %add3A_504 : vector<16xi32>
    %max3A_506 = arith.maximumf %get3A_500, %get3A_502 : vector<16xf32>
    tpu.vector_store_idx %arg11[%add3A_505], %max3A_506 : memref<1024xf32, #tpu.memory_space<vmem>>[vector<16xi32>], vector<16xf32>,
    %add3A_507 = arith.constant 61440 : i32
    %add3A_508 = arith.addi %mul3A_150, %add3A_507 : i32
    %add3A_509 = arith.constant 416 : i32
    %add3A_510 = arith.addi %add3A_508, %add3A_509 : i32
    %get3A_511 = arith.index_cast %add3A_510 : i32 to index
    %get3A_512 = tpu.vector_load %arg9[%get3A_511] {strides = array<i32>} : memref<125024xf32, #tpu.memory_space<vmem>>, vector<16xf32>,
    %get3A_513 = arith.constant 416 : index
    %get3A_514 = tpu.vector_load %arg12[%get3A_513] {strides = array<i32>} : memref<512xf32, #tpu.memory_space<vmem>>, vector<16xf32>,
    %add3A_515 = arith.constant 640 : i32
    %add3A_516 = vector.broadcast %add3A_515 : i32 to vector<16xi32>
    %add3A_517 = arith.addi %mul3A_33, %add3A_516 : vector<16xi32>
    %max3A_518 = arith.maximumf %get3A_512, %get3A_514 : vector<16xf32>
    tpu.vector_store_idx %arg11[%add3A_517], %max3A_518 : memref<1024xf32, #tpu.memory_space<vmem>>[vector<16xi32>], vector<16xf32>,
    %add3A_519 = arith.constant 61440 : i32
    %add3A_520 = arith.addi %mul3A_150, %add3A_519 : i32
    %add3A_521 = arith.constant 432 : i32
    %add3A_522 = arith.addi %add3A_520, %add3A_521 : i32
    %get3A_523 = arith.index_cast %add3A_522 : i32 to index
    %get3A_524 = tpu.vector_load %arg9[%get3A_523] {strides = array<i32>} : memref<125024xf32, #tpu.memory_space<vmem>>, vector<16xf32>,
    %get3A_525 = arith.constant 432 : index
    %get3A_526 = tpu.vector_load %arg12[%get3A_525] {strides = array<i32>} : memref<512xf32, #tpu.memory_space<vmem>>, vector<16xf32>,
    %add3A_527 = arith.constant 704 : i32
    %add3A_528 = vector.broadcast %add3A_527 : i32 to vector<16xi32>
    %add3A_529 = arith.addi %mul3A_33, %add3A_528 : vector<16xi32>
    %max3A_530 = arith.maximumf %get3A_524, %get3A_526 : vector<16xf32>
    tpu.vector_store_idx %arg11[%add3A_529], %max3A_530 : memref<1024xf32, #tpu.memory_space<vmem>>[vector<16xi32>], vector<16xf32>,
    %add3A_531 = arith.constant 61440 : i32
    %add3A_532 = arith.addi %mul3A_150, %add3A_531 : i32
    %add3A_533 = arith.constant 448 : i32
    %add3A_534 = arith.addi %add3A_532, %add3A_533 : i32
    %get3A_535 = arith.index_cast %add3A_534 : i32 to index
    %get3A_536 = tpu.vector_load %arg9[%get3A_535] {strides = array<i32>} : memref<125024xf32, #tpu.memory_space<vmem>>, vector<16xf32>,
    %get3A_537 = arith.constant 448 : index
    %get3A_538 = tpu.vector_load %arg12[%get3A_537] {strides = array<i32>} : memref<512xf32, #tpu.memory_space<vmem>>, vector<16xf32>,
    %add3A_539 = arith.constant 768 : i32
    %add3A_540 = vector.broadcast %add3A_539 : i32 to vector<16xi32>
    %add3A_541 = arith.addi %mul3A_33, %add3A_540 : vector<16xi32>
    %max3A_542 = arith.maximumf %get3A_536, %get3A_538 : vector<16xf32>
    tpu.vector_store_idx %arg11[%add3A_541], %max3A_542 : memref<1024xf32, #tpu.memory_space<vmem>>[vector<16xi32>], vector<16xf32>,
    %add3A_543 = arith.constant 61440 : i32
    %add3A_544 = arith.addi %mul3A_150, %add3A_543 : i32
    %add3A_545 = arith.constant 464 : i32
    %add3A_546 = arith.addi %add3A_544, %add3A_545 : i32
    %get3A_547 = arith.index_cast %add3A_546 : i32 to index
    %get3A_548 = tpu.vector_load %arg9[%get3A_547] {strides = array<i32>} : memref<125024xf32, #tpu.memory_space<vmem>>, vector<16xf32>,
    %get3A_549 = arith.constant 464 : index
    %get3A_550 = tpu.vector_load %arg12[%get3A_549] {strides = array<i32>} : memref<512xf32, #tpu.memory_space<vmem>>, vector<16xf32>,
    %add3A_551 = arith.constant 832 : i32
    %add3A_552 = vector.broadcast %add3A_551 : i32 to vector<16xi32>
    %add3A_553 = arith.addi %mul3A_33, %add3A_552 : vector<16xi32>
    %max3A_554 = arith.maximumf %get3A_548, %get3A_550 : vector<16xf32>
    tpu.vector_store_idx %arg11[%add3A_553], %max3A_554 : memref<1024xf32, #tpu.memory_space<vmem>>[vector<16xi32>], vector<16xf32>,
    %add3A_555 = arith.constant 61440 : i32
    %add3A_556 = arith.addi %mul3A_150, %add3A_555 : i32
    %add3A_557 = arith.constant 480 : i32
    %add3A_558 = arith.addi %add3A_556, %add3A_557 : i32
    %get3A_559 = arith.index_cast %add3A_558 : i32 to index
    %get3A_560 = tpu.vector_load %arg9[%get3A_559] {strides = array<i32>} : memref<125024xf32, #tpu.memory_space<vmem>>, vector<16xf32>,
    %get3A_561 = arith.constant 480 : index
    %get3A_562 = tpu.vector_load %arg12[%get3A_561] {strides = array<i32>} : memref<512xf32, #tpu.memory_space<vmem>>, vector<16xf32>,
    %add3A_563 = arith.constant 896 : i32
    %add3A_564 = vector.broadcast %add3A_563 : i32 to vector<16xi32>
    %add3A_565 = arith.addi %mul3A_33, %add3A_564 : vector<16xi32>
    %max3A_566 = arith.maximumf %get3A_560, %get3A_562 : vector<16xf32>
    tpu.vector_store_idx %arg11[%add3A_565], %max3A_566 : memref<1024xf32, #tpu.memory_space<vmem>>[vector<16xi32>], vector<16xf32>,
    %add3A_567 = arith.constant 61440 : i32
    %add3A_568 = arith.addi %mul3A_150, %add3A_567 : i32
    %add3A_569 = arith.constant 496 : i32
    %add3A_570 = arith.addi %add3A_568, %add3A_569 : i32
    %get3A_571 = arith.index_cast %add3A_570 : i32 to index
    %get3A_572 = tpu.vector_load %arg9[%get3A_571] {strides = array<i32>} : memref<125024xf32, #tpu.memory_space<vmem>>, vector<16xf32>,
    %get3A_573 = arith.constant 496 : index
    %get3A_574 = tpu.vector_load %arg12[%get3A_573] {strides = array<i32>} : memref<512xf32, #tpu.memory_space<vmem>>, vector<16xf32>,
    %add3A_575 = arith.constant 960 : i32
    %add3A_576 = vector.broadcast %add3A_575 : i32 to vector<16xi32>
    %add3A_577 = arith.addi %mul3A_33, %add3A_576 : vector<16xi32>
    %max3A_578 = arith.maximumf %get3A_572, %get3A_574 : vector<16xf32>
    tpu.vector_store_idx %arg11[%add3A_577], %max3A_578 : memref<1024xf32, #tpu.memory_space<vmem>>[vector<16xi32>], vector<16xf32>,
    %add3A_579 = arith.constant 246784 : i32
    %add3A_580 = arith.addi %add3A_155, %add3A_579 : i32
    %dma_start3A_581 = tpu.memref_slice %arg4[%add3A_580] : memref<8000000xf32, #tpu.memory_space<hbm>> -> memref<1024xf32, #tpu.memory_space<hbm>>
    %dma_start3A_582 = tpu.memref_slice %arg4[%add3A_580] : memref<8000000xf32, #tpu.memory_space<hbm>> -> memref<1024xf32, #tpu.memory_space<hbm>>
    tpu.enqueue_dma source(%arg11 : memref<1024xf32, #tpu.memory_space<vmem>>) target(%dma_start3A_582 : memref<1024xf32, #tpu.memory_space<hbm>>) target_semaphore(%arg24 : memref<!tpu.dma_semaphore, #tpu.memory_space<semaphore_mem>>)
    %dma_wait3A_583 = arith.constant 0 : i32
    %dma_wait3A_584 = tpu.memref_slice %arg16[%dma_wait3A_583] : memref<2000384xf32, #tpu.memory_space<hbm>> -> memref<512xf32, #tpu.memory_space<hbm>>
    %dma_wait3A_585 = arith.constant 0 : i32
    %dma_wait3A_586 = tpu.memref_slice %arg16[%dma_wait3A_585] : memref<2000384xf32, #tpu.memory_space<hbm>> -> memref<512xf32, #tpu.memory_space<hbm>>
    tpu.wait_dma2 semaphore(%arg20 : memref<!tpu.dma_semaphore, #tpu.memory_space<semaphore_mem>>) src(%dma_wait3A_586 : memref<512xf32, #tpu.memory_space<hbm>>) dst(%arg13 : memref<512xf32, #tpu.memory_space<vmem>>)
    %dma_wait3A_587 = arith.constant 0 : i32
    %dma_wait3A_588 = tpu.memref_slice %arg4[%dma_wait3A_587] : memref<8000000xf32, #tpu.memory_space<hbm>> -> memref<1024xf32, #tpu.memory_space<hbm>>
    %dma_wait3A_589 = arith.constant 0 : i32
    %dma_wait3A_590 = tpu.memref_slice %arg4[%dma_wait3A_589] : memref<8000000xf32, #tpu.memory_space<hbm>> -> memref<1024xf32, #tpu.memory_space<hbm>>
    tpu.wait_dma2 semaphore(%arg23 : memref<!tpu.dma_semaphore, #tpu.memory_space<semaphore_mem>>) src(%arg10 : memref<1024xf32, #tpu.memory_space<vmem>>) dst(%dma_wait3A_590 : memref<1024xf32, #tpu.memory_space<hbm>>)
    %add3A_591 = arith.constant 61952 : i32
    %add3A_592 = arith.addi %mul3A_150, %add3A_591 : i32
    %add3A_593 = arith.constant 0 : i32
    %add3A_594 = arith.addi %add3A_592, %add3A_593 : i32
    %get3A_595 = arith.index_cast %add3A_594 : i32 to index
    %get3A_596 = tpu.vector_load %arg9[%get3A_595] {strides = array<i32>} : memref<125024xf32, #tpu.memory_space<vmem>>, vector<16xf32>,
    %get3A_597 = arith.constant 0 : index
    %get3A_598 = tpu.vector_load %arg13[%get3A_597] {strides = array<i32>} : memref<512xf32, #tpu.memory_space<vmem>>, vector<16xf32>,
    %add3A_599 = arith.constant 0 : i32
    %add3A_600 = vector.broadcast %add3A_599 : i32 to vector<16xi32>
    %add3A_601 = arith.addi %mul3A_33, %add3A_600 : vector<16xi32>
    %max3A_602 = arith.maximumf %get3A_596, %get3A_598 : vector<16xf32>
    tpu.vector_store_idx %arg10[%add3A_601], %max3A_602 : memref<1024xf32, #tpu.memory_space<vmem>>[vector<16xi32>], vector<16xf32>,
    %add3A_603 = arith.constant 61952 : i32
    %add3A_604 = arith.addi %mul3A_150, %add3A_603 : i32
    %add3A_605 = arith.constant 16 : i32
    %add3A_606 = arith.addi %add3A_604, %add3A_605 : i32
    %get3A_607 = arith.index_cast %add3A_606 : i32 to index
    %get3A_608 = tpu.vector_load %arg9[%get3A_607] {strides = array<i32>} : memref<125024xf32, #tpu.memory_space<vmem>>, vector<16xf32>,
    %get3A_609 = arith.constant 16 : index
    %get3A_610 = tpu.vector_load %arg13[%get3A_609] {strides = array<i32>} : memref<512xf32, #tpu.memory_space<vmem>>, vector<16xf32>,
    %add3A_611 = arith.constant 64 : i32
    %add3A_612 = vector.broadcast %add3A_611 : i32 to vector<16xi32>
    %add3A_613 = arith.addi %mul3A_33, %add3A_612 : vector<16xi32>
    %max3A_614 = arith.maximumf %get3A_608, %get3A_610 : vector<16xf32>
    tpu.vector_store_idx %arg10[%add3A_613], %max3A_614 : memref<1024xf32, #tpu.memory_space<vmem>>[vector<16xi32>], vector<16xf32>,
    %add3A_615 = arith.constant 61952 : i32
    %add3A_616 = arith.addi %mul3A_150, %add3A_615 : i32
    %add3A_617 = arith.constant 32 : i32
    %add3A_618 = arith.addi %add3A_616, %add3A_617 : i32
    %get3A_619 = arith.index_cast %add3A_618 : i32 to index
    %get3A_620 = tpu.vector_load %arg9[%get3A_619] {strides = array<i32>} : memref<125024xf32, #tpu.memory_space<vmem>>, vector<16xf32>,
    %get3A_621 = arith.constant 32 : index
    %get3A_622 = tpu.vector_load %arg13[%get3A_621] {strides = array<i32>} : memref<512xf32, #tpu.memory_space<vmem>>, vector<16xf32>,
    %add3A_623 = arith.constant 128 : i32
    %add3A_624 = vector.broadcast %add3A_623 : i32 to vector<16xi32>
    %add3A_625 = arith.addi %mul3A_33, %add3A_624 : vector<16xi32>
    %max3A_626 = arith.maximumf %get3A_620, %get3A_622 : vector<16xf32>
    tpu.vector_store_idx %arg10[%add3A_625], %max3A_626 : memref<1024xf32, #tpu.memory_space<vmem>>[vector<16xi32>], vector<16xf32>,
    %add3A_627 = arith.constant 61952 : i32
    %add3A_628 = arith.addi %mul3A_150, %add3A_627 : i32
    %add3A_629 = arith.constant 48 : i32
    %add3A_630 = arith.addi %add3A_628, %add3A_629 : i32
    %get3A_631 = arith.index_cast %add3A_630 : i32 to index
    %get3A_632 = tpu.vector_load %arg9[%get3A_631] {strides = array<i32>} : memref<125024xf32, #tpu.memory_space<vmem>>, vector<16xf32>,
    %get3A_633 = arith.constant 48 : index
    %get3A_634 = tpu.vector_load %arg13[%get3A_633] {strides = array<i32>} : memref<512xf32, #tpu.memory_space<vmem>>, vector<16xf32>,
    %add3A_635 = arith.constant 192 : i32
    %add3A_636 = vector.broadcast %add3A_635 : i32 to vector<16xi32>
    %add3A_637 = arith.addi %mul3A_33, %add3A_636 : vector<16xi32>
    %max3A_638 = arith.maximumf %get3A_632, %get3A_634 : vector<16xf32>
    tpu.vector_store_idx %arg10[%add3A_637], %max3A_638 : memref<1024xf32, #tpu.memory_space<vmem>>[vector<16xi32>], vector<16xf32>,
    %add3A_639 = arith.constant 61952 : i32
    %add3A_640 = arith.addi %mul3A_150, %add3A_639 : i32
    %add3A_641 = arith.constant 64 : i32
    %add3A_642 = arith.addi %add3A_640, %add3A_641 : i32
    %get3A_643 = arith.index_cast %add3A_642 : i32 to index
    %get3A_644 = tpu.vector_load %arg9[%get3A_643] {strides = array<i32>} : memref<125024xf32, #tpu.memory_space<vmem>>, vector<16xf32>,
    %get3A_645 = arith.constant 64 : index
    %get3A_646 = tpu.vector_load %arg13[%get3A_645] {strides = array<i32>} : memref<512xf32, #tpu.memory_space<vmem>>, vector<16xf32>,
    %add3A_647 = arith.constant 256 : i32
    %add3A_648 = vector.broadcast %add3A_647 : i32 to vector<16xi32>
    %add3A_649 = arith.addi %mul3A_33, %add3A_648 : vector<16xi32>
    %max3A_650 = arith.maximumf %get3A_644, %get3A_646 : vector<16xf32>
    tpu.vector_store_idx %arg10[%add3A_649], %max3A_650 : memref<1024xf32, #tpu.memory_space<vmem>>[vector<16xi32>], vector<16xf32>,
    %add3A_651 = arith.constant 61952 : i32
    %add3A_652 = arith.addi %mul3A_150, %add3A_651 : i32
    %add3A_653 = arith.constant 80 : i32
    %add3A_654 = arith.addi %add3A_652, %add3A_653 : i32
    %get3A_655 = arith.index_cast %add3A_654 : i32 to index
    %get3A_656 = tpu.vector_load %arg9[%get3A_655] {strides = array<i32>} : memref<125024xf32, #tpu.memory_space<vmem>>, vector<16xf32>,
    %get3A_657 = arith.constant 80 : index
    %get3A_658 = tpu.vector_load %arg13[%get3A_657] {strides = array<i32>} : memref<512xf32, #tpu.memory_space<vmem>>, vector<16xf32>,
    %add3A_659 = arith.constant 320 : i32
    %add3A_660 = vector.broadcast %add3A_659 : i32 to vector<16xi32>
    %add3A_661 = arith.addi %mul3A_33, %add3A_660 : vector<16xi32>
    %max3A_662 = arith.maximumf %get3A_656, %get3A_658 : vector<16xf32>
    tpu.vector_store_idx %arg10[%add3A_661], %max3A_662 : memref<1024xf32, #tpu.memory_space<vmem>>[vector<16xi32>], vector<16xf32>,
    %add3A_663 = arith.constant 61952 : i32
    %add3A_664 = arith.addi %mul3A_150, %add3A_663 : i32
    %add3A_665 = arith.constant 96 : i32
    %add3A_666 = arith.addi %add3A_664, %add3A_665 : i32
    %get3A_667 = arith.index_cast %add3A_666 : i32 to index
    %get3A_668 = tpu.vector_load %arg9[%get3A_667] {strides = array<i32>} : memref<125024xf32, #tpu.memory_space<vmem>>, vector<16xf32>,
    %get3A_669 = arith.constant 96 : index
    %get3A_670 = tpu.vector_load %arg13[%get3A_669] {strides = array<i32>} : memref<512xf32, #tpu.memory_space<vmem>>, vector<16xf32>,
    %add3A_671 = arith.constant 384 : i32
    %add3A_672 = vector.broadcast %add3A_671 : i32 to vector<16xi32>
    %add3A_673 = arith.addi %mul3A_33, %add3A_672 : vector<16xi32>
    %max3A_674 = arith.maximumf %get3A_668, %get3A_670 : vector<16xf32>
    tpu.vector_store_idx %arg10[%add3A_673], %max3A_674 : memref<1024xf32, #tpu.memory_space<vmem>>[vector<16xi32>], vector<16xf32>,
    %add3A_675 = arith.constant 61952 : i32
    %add3A_676 = arith.addi %mul3A_150, %add3A_675 : i32
    %add3A_677 = arith.constant 112 : i32
    %add3A_678 = arith.addi %add3A_676, %add3A_677 : i32
    %get3A_679 = arith.index_cast %add3A_678 : i32 to index
    %get3A_680 = tpu.vector_load %arg9[%get3A_679] {strides = array<i32>} : memref<125024xf32, #tpu.memory_space<vmem>>, vector<16xf32>,
    %get3A_681 = arith.constant 112 : index
    %get3A_682 = tpu.vector_load %arg13[%get3A_681] {strides = array<i32>} : memref<512xf32, #tpu.memory_space<vmem>>, vector<16xf32>,
    %add3A_683 = arith.constant 448 : i32
    %add3A_684 = vector.broadcast %add3A_683 : i32 to vector<16xi32>
    %add3A_685 = arith.addi %mul3A_33, %add3A_684 : vector<16xi32>
    %max3A_686 = arith.maximumf %get3A_680, %get3A_682 : vector<16xf32>
    tpu.vector_store_idx %arg10[%add3A_685], %max3A_686 : memref<1024xf32, #tpu.memory_space<vmem>>[vector<16xi32>], vector<16xf32>,
    %add3A_687 = arith.constant 61952 : i32
    %add3A_688 = arith.addi %mul3A_150, %add3A_687 : i32
    %add3A_689 = arith.constant 128 : i32
    %add3A_690 = arith.addi %add3A_688, %add3A_689 : i32
    %get3A_691 = arith.index_cast %add3A_690 : i32 to index
    %get3A_692 = tpu.vector_load %arg9[%get3A_691] {strides = array<i32>} : memref<125024xf32, #tpu.memory_space<vmem>>, vector<16xf32>,
    %get3A_693 = arith.constant 128 : index
    %get3A_694 = tpu.vector_load %arg13[%get3A_693] {strides = array<i32>} : memref<512xf32, #tpu.memory_space<vmem>>, vector<16xf32>,
    %add3A_695 = arith.constant 512 : i32
    %add3A_696 = vector.broadcast %add3A_695 : i32 to vector<16xi32>
    %add3A_697 = arith.addi %mul3A_33, %add3A_696 : vector<16xi32>
    %max3A_698 = arith.maximumf %get3A_692, %get3A_694 : vector<16xf32>
    tpu.vector_store_idx %arg10[%add3A_697], %max3A_698 : memref<1024xf32, #tpu.memory_space<vmem>>[vector<16xi32>], vector<16xf32>,
    %add3A_699 = arith.constant 61952 : i32
    %add3A_700 = arith.addi %mul3A_150, %add3A_699 : i32
    %add3A_701 = arith.constant 144 : i32
    %add3A_702 = arith.addi %add3A_700, %add3A_701 : i32
    %get3A_703 = arith.index_cast %add3A_702 : i32 to index
    %get3A_704 = tpu.vector_load %arg9[%get3A_703] {strides = array<i32>} : memref<125024xf32, #tpu.memory_space<vmem>>, vector<16xf32>,
    %get3A_705 = arith.constant 144 : index
    %get3A_706 = tpu.vector_load %arg13[%get3A_705] {strides = array<i32>} : memref<512xf32, #tpu.memory_space<vmem>>, vector<16xf32>,
    %add3A_707 = arith.constant 576 : i32
    %add3A_708 = vector.broadcast %add3A_707 : i32 to vector<16xi32>
    %add3A_709 = arith.addi %mul3A_33, %add3A_708 : vector<16xi32>
    %max3A_710 = arith.maximumf %get3A_704, %get3A_706 : vector<16xf32>
    tpu.vector_store_idx %arg10[%add3A_709], %max3A_710 : memref<1024xf32, #tpu.memory_space<vmem>>[vector<16xi32>], vector<16xf32>,
    %add3A_711 = arith.constant 61952 : i32
    %add3A_712 = arith.addi %mul3A_150, %add3A_711 : i32
    %add3A_713 = arith.constant 160 : i32
    %add3A_714 = arith.addi %add3A_712, %add3A_713 : i32
    %get3A_715 = arith.index_cast %add3A_714 : i32 to index
    %get3A_716 = tpu.vector_load %arg9[%get3A_715] {strides = array<i32>} : memref<125024xf32, #tpu.memory_space<vmem>>, vector<16xf32>,
    %get3A_717 = arith.constant 160 : index
    %get3A_718 = tpu.vector_load %arg13[%get3A_717] {strides = array<i32>} : memref<512xf32, #tpu.memory_space<vmem>>, vector<16xf32>,
    %add3A_719 = arith.constant 640 : i32
    %add3A_720 = vector.broadcast %add3A_719 : i32 to vector<16xi32>
    %add3A_721 = arith.addi %mul3A_33, %add3A_720 : vector<16xi32>
    %max3A_722 = arith.maximumf %get3A_716, %get3A_718 : vector<16xf32>
    tpu.vector_store_idx %arg10[%add3A_721], %max3A_722 : memref<1024xf32, #tpu.memory_space<vmem>>[vector<16xi32>], vector<16xf32>,
    %add3A_723 = arith.constant 61952 : i32
    %add3A_724 = arith.addi %mul3A_150, %add3A_723 : i32
    %add3A_725 = arith.constant 176 : i32
    %add3A_726 = arith.addi %add3A_724, %add3A_725 : i32
    %get3A_727 = arith.index_cast %add3A_726 : i32 to index
    %get3A_728 = tpu.vector_load %arg9[%get3A_727] {strides = array<i32>} : memref<125024xf32, #tpu.memory_space<vmem>>, vector<16xf32>,
    %get3A_729 = arith.constant 176 : index
    %get3A_730 = tpu.vector_load %arg13[%get3A_729] {strides = array<i32>} : memref<512xf32, #tpu.memory_space<vmem>>, vector<16xf32>,
    %add3A_731 = arith.constant 704 : i32
    %add3A_732 = vector.broadcast %add3A_731 : i32 to vector<16xi32>
    %add3A_733 = arith.addi %mul3A_33, %add3A_732 : vector<16xi32>
    %max3A_734 = arith.maximumf %get3A_728, %get3A_730 : vector<16xf32>
    tpu.vector_store_idx %arg10[%add3A_733], %max3A_734 : memref<1024xf32, #tpu.memory_space<vmem>>[vector<16xi32>], vector<16xf32>,
    %add3A_735 = arith.constant 61952 : i32
    %add3A_736 = arith.addi %mul3A_150, %add3A_735 : i32
    %add3A_737 = arith.constant 192 : i32
    %add3A_738 = arith.addi %add3A_736, %add3A_737 : i32
    %get3A_739 = arith.index_cast %add3A_738 : i32 to index
    %get3A_740 = tpu.vector_load %arg9[%get3A_739] {strides = array<i32>} : memref<125024xf32, #tpu.memory_space<vmem>>, vector<16xf32>,
    %get3A_741 = arith.constant 192 : index
    %get3A_742 = tpu.vector_load %arg13[%get3A_741] {strides = array<i32>} : memref<512xf32, #tpu.memory_space<vmem>>, vector<16xf32>,
    %add3A_743 = arith.constant 768 : i32
    %add3A_744 = vector.broadcast %add3A_743 : i32 to vector<16xi32>
    %add3A_745 = arith.addi %mul3A_33, %add3A_744 : vector<16xi32>
    %max3A_746 = arith.maximumf %get3A_740, %get3A_742 : vector<16xf32>
    tpu.vector_store_idx %arg10[%add3A_745], %max3A_746 : memref<1024xf32, #tpu.memory_space<vmem>>[vector<16xi32>], vector<16xf32>,
    %add3A_747 = arith.constant 61952 : i32
    %add3A_748 = arith.addi %mul3A_150, %add3A_747 : i32
    %add3A_749 = arith.constant 208 : i32
    %add3A_750 = arith.addi %add3A_748, %add3A_749 : i32
    %get3A_751 = arith.index_cast %add3A_750 : i32 to index
    %get3A_752 = tpu.vector_load %arg9[%get3A_751] {strides = array<i32>} : memref<125024xf32, #tpu.memory_space<vmem>>, vector<16xf32>,
    %get3A_753 = arith.constant 208 : index
    %get3A_754 = tpu.vector_load %arg13[%get3A_753] {strides = array<i32>} : memref<512xf32, #tpu.memory_space<vmem>>, vector<16xf32>,
    %add3A_755 = arith.constant 832 : i32
    %add3A_756 = vector.broadcast %add3A_755 : i32 to vector<16xi32>
    %add3A_757 = arith.addi %mul3A_33, %add3A_756 : vector<16xi32>
    %max3A_758 = arith.maximumf %get3A_752, %get3A_754 : vector<16xf32>
    tpu.vector_store_idx %arg10[%add3A_757], %max3A_758 : memref<1024xf32, #tpu.memory_space<vmem>>[vector<16xi32>], vector<16xf32>,
    %add3A_759 = arith.constant 61952 : i32
    %add3A_760 = arith.addi %mul3A_150, %add3A_759 : i32
    %add3A_761 = arith.constant 224 : i32
    %add3A_762 = arith.addi %add3A_760, %add3A_761 : i32
    %get3A_763 = arith.index_cast %add3A_762 : i32 to index
    %get3A_764 = tpu.vector_load %arg9[%get3A_763] {strides = array<i32>} : memref<125024xf32, #tpu.memory_space<vmem>>, vector<16xf32>,
    %get3A_765 = arith.constant 224 : index
    %get3A_766 = tpu.vector_load %arg13[%get3A_765] {strides = array<i32>} : memref<512xf32, #tpu.memory_space<vmem>>, vector<16xf32>,
    %add3A_767 = arith.constant 896 : i32
    %add3A_768 = vector.broadcast %add3A_767 : i32 to vector<16xi32>
    %add3A_769 = arith.addi %mul3A_33, %add3A_768 : vector<16xi32>
    %max3A_770 = arith.maximumf %get3A_764, %get3A_766 : vector<16xf32>
    tpu.vector_store_idx %arg10[%add3A_769], %max3A_770 : memref<1024xf32, #tpu.memory_space<vmem>>[vector<16xi32>], vector<16xf32>,
    %add3A_771 = arith.constant 61952 : i32
    %add3A_772 = arith.addi %mul3A_150, %add3A_771 : i32
    %add3A_773 = arith.constant 240 : i32
    %add3A_774 = arith.addi %add3A_772, %add3A_773 : i32
    %get3A_775 = arith.index_cast %add3A_774 : i32 to index
    %get3A_776 = tpu.vector_load %arg9[%get3A_775] {strides = array<i32>} : memref<125024xf32, #tpu.memory_space<vmem>>, vector<16xf32>,
    %get3A_777 = arith.constant 240 : index
    %get3A_778 = tpu.vector_load %arg13[%get3A_777] {strides = array<i32>} : memref<512xf32, #tpu.memory_space<vmem>>, vector<16xf32>,
    %add3A_779 = arith.constant 960 : i32
    %add3A_780 = vector.broadcast %add3A_779 : i32 to vector<16xi32>
    %add3A_781 = arith.addi %mul3A_33, %add3A_780 : vector<16xi32>
    %max3A_782 = arith.maximumf %get3A_776, %get3A_778 : vector<16xf32>
    tpu.vector_store_idx %arg10[%add3A_781], %max3A_782 : memref<1024xf32, #tpu.memory_space<vmem>>[vector<16xi32>], vector<16xf32>,
    %add3A_783 = arith.constant 247808 : i32
    %add3A_784 = arith.addi %add3A_155, %add3A_783 : i32
    %dma_start3A_785 = tpu.memref_slice %arg4[%add3A_784] : memref<8000000xf32, #tpu.memory_space<hbm>> -> memref<1024xf32, #tpu.memory_space<hbm>>
    %dma_start3A_786 = tpu.memref_slice %arg4[%add3A_784] : memref<8000000xf32, #tpu.memory_space<hbm>> -> memref<1024xf32, #tpu.memory_space<hbm>>
    tpu.enqueue_dma source(%arg10 : memref<1024xf32, #tpu.memory_space<vmem>>) target(%dma_start3A_786 : memref<1024xf32, #tpu.memory_space<hbm>>) target_semaphore(%arg23 : memref<!tpu.dma_semaphore, #tpu.memory_space<semaphore_mem>>)
    %dma_wait3A_787 = arith.constant 0 : i32
    %dma_wait3A_788 = tpu.memref_slice %arg4[%dma_wait3A_787] : memref<8000000xf32, #tpu.memory_space<hbm>> -> memref<1024xf32, #tpu.memory_space<hbm>>
    %dma_wait3A_789 = arith.constant 0 : i32
    %dma_wait3A_790 = tpu.memref_slice %arg4[%dma_wait3A_789] : memref<8000000xf32, #tpu.memory_space<hbm>> -> memref<1024xf32, #tpu.memory_space<hbm>>
    tpu.wait_dma2 semaphore(%arg24 : memref<!tpu.dma_semaphore, #tpu.memory_space<semaphore_mem>>) src(%arg11 : memref<1024xf32, #tpu.memory_space<vmem>>) dst(%dma_wait3A_790 : memref<1024xf32, #tpu.memory_space<hbm>>)
    %add3A_791 = arith.constant 61952 : i32
    %add3A_792 = arith.addi %mul3A_150, %add3A_791 : i32
    %add3A_793 = arith.constant 256 : i32
    %add3A_794 = arith.addi %add3A_792, %add3A_793 : i32
    %get3A_795 = arith.index_cast %add3A_794 : i32 to index
    %get3A_796 = tpu.vector_load %arg9[%get3A_795] {strides = array<i32>} : memref<125024xf32, #tpu.memory_space<vmem>>, vector<16xf32>,
    %get3A_797 = arith.constant 256 : index
    %get3A_798 = tpu.vector_load %arg13[%get3A_797] {strides = array<i32>} : memref<512xf32, #tpu.memory_space<vmem>>, vector<16xf32>,
    %add3A_799 = arith.constant 0 : i32
    %add3A_800 = vector.broadcast %add3A_799 : i32 to vector<16xi32>
    %add3A_801 = arith.addi %mul3A_33, %add3A_800 : vector<16xi32>
    %max3A_802 = arith.maximumf %get3A_796, %get3A_798 : vector<16xf32>
    tpu.vector_store_idx %arg11[%add3A_801], %max3A_802 : memref<1024xf32, #tpu.memory_space<vmem>>[vector<16xi32>], vector<16xf32>,
    %add3A_803 = arith.constant 61952 : i32
    %add3A_804 = arith.addi %mul3A_150, %add3A_803 : i32
    %add3A_805 = arith.constant 272 : i32
    %add3A_806 = arith.addi %add3A_804, %add3A_805 : i32
    %get3A_807 = arith.index_cast %add3A_806 : i32 to index
    %get3A_808 = tpu.vector_load %arg9[%get3A_807] {strides = array<i32>} : memref<125024xf32, #tpu.memory_space<vmem>>, vector<16xf32>,
    %get3A_809 = arith.constant 272 : index
    %get3A_810 = tpu.vector_load %arg13[%get3A_809] {strides = array<i32>} : memref<512xf32, #tpu.memory_space<vmem>>, vector<16xf32>,
    %add3A_811 = arith.constant 64 : i32
    %add3A_812 = vector.broadcast %add3A_811 : i32 to vector<16xi32>
    %add3A_813 = arith.addi %mul3A_33, %add3A_812 : vector<16xi32>
    %max3A_814 = arith.maximumf %get3A_808, %get3A_810 : vector<16xf32>
    tpu.vector_store_idx %arg11[%add3A_813], %max3A_814 : memref<1024xf32, #tpu.memory_space<vmem>>[vector<16xi32>], vector<16xf32>,
    %add3A_815 = arith.constant 61952 : i32
    %add3A_816 = arith.addi %mul3A_150, %add3A_815 : i32
    %add3A_817 = arith.constant 288 : i32
    %add3A_818 = arith.addi %add3A_816, %add3A_817 : i32
    %get3A_819 = arith.index_cast %add3A_818 : i32 to index
    %get3A_820 = tpu.vector_load %arg9[%get3A_819] {strides = array<i32>} : memref<125024xf32, #tpu.memory_space<vmem>>, vector<16xf32>,
    %get3A_821 = arith.constant 288 : index
    %get3A_822 = tpu.vector_load %arg13[%get3A_821] {strides = array<i32>} : memref<512xf32, #tpu.memory_space<vmem>>, vector<16xf32>,
    %add3A_823 = arith.constant 128 : i32
    %add3A_824 = vector.broadcast %add3A_823 : i32 to vector<16xi32>
    %add3A_825 = arith.addi %mul3A_33, %add3A_824 : vector<16xi32>
    %max3A_826 = arith.maximumf %get3A_820, %get3A_822 : vector<16xf32>
    tpu.vector_store_idx %arg11[%add3A_825], %max3A_826 : memref<1024xf32, #tpu.memory_space<vmem>>[vector<16xi32>], vector<16xf32>,
    %add3A_827 = arith.constant 61952 : i32
    %add3A_828 = arith.addi %mul3A_150, %add3A_827 : i32
    %add3A_829 = arith.constant 304 : i32
    %add3A_830 = arith.addi %add3A_828, %add3A_829 : i32
    %get3A_831 = arith.index_cast %add3A_830 : i32 to index
    %get3A_832 = tpu.vector_load %arg9[%get3A_831] {strides = array<i32>} : memref<125024xf32, #tpu.memory_space<vmem>>, vector<16xf32>,
    %get3A_833 = arith.constant 304 : index
    %get3A_834 = tpu.vector_load %arg13[%get3A_833] {strides = array<i32>} : memref<512xf32, #tpu.memory_space<vmem>>, vector<16xf32>,
    %add3A_835 = arith.constant 192 : i32
    %add3A_836 = vector.broadcast %add3A_835 : i32 to vector<16xi32>
    %add3A_837 = arith.addi %mul3A_33, %add3A_836 : vector<16xi32>
    %max3A_838 = arith.maximumf %get3A_832, %get3A_834 : vector<16xf32>
    tpu.vector_store_idx %arg11[%add3A_837], %max3A_838 : memref<1024xf32, #tpu.memory_space<vmem>>[vector<16xi32>], vector<16xf32>,
    %add3A_839 = arith.constant 61952 : i32
    %add3A_840 = arith.addi %mul3A_150, %add3A_839 : i32
    %add3A_841 = arith.constant 320 : i32
    %add3A_842 = arith.addi %add3A_840, %add3A_841 : i32
    %get3A_843 = arith.index_cast %add3A_842 : i32 to index
    %get3A_844 = tpu.vector_load %arg9[%get3A_843] {strides = array<i32>} : memref<125024xf32, #tpu.memory_space<vmem>>, vector<16xf32>,
    %get3A_845 = arith.constant 320 : index
    %get3A_846 = tpu.vector_load %arg13[%get3A_845] {strides = array<i32>} : memref<512xf32, #tpu.memory_space<vmem>>, vector<16xf32>,
    %add3A_847 = arith.constant 256 : i32
    %add3A_848 = vector.broadcast %add3A_847 : i32 to vector<16xi32>
    %add3A_849 = arith.addi %mul3A_33, %add3A_848 : vector<16xi32>
    %max3A_850 = arith.maximumf %get3A_844, %get3A_846 : vector<16xf32>
    tpu.vector_store_idx %arg11[%add3A_849], %max3A_850 : memref<1024xf32, #tpu.memory_space<vmem>>[vector<16xi32>], vector<16xf32>,
    %add3A_851 = arith.constant 61952 : i32
    %add3A_852 = arith.addi %mul3A_150, %add3A_851 : i32
    %add3A_853 = arith.constant 336 : i32
    %add3A_854 = arith.addi %add3A_852, %add3A_853 : i32
    %get3A_855 = arith.index_cast %add3A_854 : i32 to index
    %get3A_856 = tpu.vector_load %arg9[%get3A_855] {strides = array<i32>} : memref<125024xf32, #tpu.memory_space<vmem>>, vector<16xf32>,
    %get3A_857 = arith.constant 336 : index
    %get3A_858 = tpu.vector_load %arg13[%get3A_857] {strides = array<i32>} : memref<512xf32, #tpu.memory_space<vmem>>, vector<16xf32>,
    %add3A_859 = arith.constant 320 : i32
    %add3A_860 = vector.broadcast %add3A_859 : i32 to vector<16xi32>
    %add3A_861 = arith.addi %mul3A_33, %add3A_860 : vector<16xi32>
    %max3A_862 = arith.maximumf %get3A_856, %get3A_858 : vector<16xf32>
    tpu.vector_store_idx %arg11[%add3A_861], %max3A_862 : memref<1024xf32, #tpu.memory_space<vmem>>[vector<16xi32>], vector<16xf32>,
    %add3A_863 = arith.constant 61952 : i32
    %add3A_864 = arith.addi %mul3A_150, %add3A_863 : i32
    %add3A_865 = arith.constant 352 : i32
    %add3A_866 = arith.addi %add3A_864, %add3A_865 : i32
    %get3A_867 = arith.index_cast %add3A_866 : i32 to index
    %get3A_868 = tpu.vector_load %arg9[%get3A_867] {strides = array<i32>} : memref<125024xf32, #tpu.memory_space<vmem>>, vector<16xf32>,
    %get3A_869 = arith.constant 352 : index
    %get3A_870 = tpu.vector_load %arg13[%get3A_869] {strides = array<i32>} : memref<512xf32, #tpu.memory_space<vmem>>, vector<16xf32>,
    %add3A_871 = arith.constant 384 : i32
    %add3A_872 = vector.broadcast %add3A_871 : i32 to vector<16xi32>
    %add3A_873 = arith.addi %mul3A_33, %add3A_872 : vector<16xi32>
    %max3A_874 = arith.maximumf %get3A_868, %get3A_870 : vector<16xf32>
    tpu.vector_store_idx %arg11[%add3A_873], %max3A_874 : memref<1024xf32, #tpu.memory_space<vmem>>[vector<16xi32>], vector<16xf32>,
    %add3A_875 = arith.constant 61952 : i32
    %add3A_876 = arith.addi %mul3A_150, %add3A_875 : i32
    %add3A_877 = arith.constant 368 : i32
    %add3A_878 = arith.addi %add3A_876, %add3A_877 : i32
    %get3A_879 = arith.index_cast %add3A_878 : i32 to index
    %get3A_880 = tpu.vector_load %arg9[%get3A_879] {strides = array<i32>} : memref<125024xf32, #tpu.memory_space<vmem>>, vector<16xf32>,
    %get3A_881 = arith.constant 368 : index
    %get3A_882 = tpu.vector_load %arg13[%get3A_881] {strides = array<i32>} : memref<512xf32, #tpu.memory_space<vmem>>, vector<16xf32>,
    %add3A_883 = arith.constant 448 : i32
    %add3A_884 = vector.broadcast %add3A_883 : i32 to vector<16xi32>
    %add3A_885 = arith.addi %mul3A_33, %add3A_884 : vector<16xi32>
    %max3A_886 = arith.maximumf %get3A_880, %get3A_882 : vector<16xf32>
    tpu.vector_store_idx %arg11[%add3A_885], %max3A_886 : memref<1024xf32, #tpu.memory_space<vmem>>[vector<16xi32>], vector<16xf32>,
    %add3A_887 = arith.constant 61952 : i32
    %add3A_888 = arith.addi %mul3A_150, %add3A_887 : i32
    %add3A_889 = arith.constant 384 : i32
    %add3A_890 = arith.addi %add3A_888, %add3A_889 : i32
    %get3A_891 = arith.index_cast %add3A_890 : i32 to index
    %get3A_892 = tpu.vector_load %arg9[%get3A_891] {strides = array<i32>} : memref<125024xf32, #tpu.memory_space<vmem>>, vector<16xf32>,
    %get3A_893 = arith.constant 384 : index
    %get3A_894 = tpu.vector_load %arg13[%get3A_893] {strides = array<i32>} : memref<512xf32, #tpu.memory_space<vmem>>, vector<16xf32>,
    %add3A_895 = arith.constant 512 : i32
    %add3A_896 = vector.broadcast %add3A_895 : i32 to vector<16xi32>
    %add3A_897 = arith.addi %mul3A_33, %add3A_896 : vector<16xi32>
    %max3A_898 = arith.maximumf %get3A_892, %get3A_894 : vector<16xf32>
    tpu.vector_store_idx %arg11[%add3A_897], %max3A_898 : memref<1024xf32, #tpu.memory_space<vmem>>[vector<16xi32>], vector<16xf32>,
    %add3A_899 = arith.constant 61952 : i32
    %add3A_900 = arith.addi %mul3A_150, %add3A_899 : i32
    %add3A_901 = arith.constant 400 : i32
    %add3A_902 = arith.addi %add3A_900, %add3A_901 : i32
    %get3A_903 = arith.index_cast %add3A_902 : i32 to index
    %get3A_904 = tpu.vector_load %arg9[%get3A_903] {strides = array<i32>} : memref<125024xf32, #tpu.memory_space<vmem>>, vector<16xf32>,
    %get3A_905 = arith.constant 400 : index
    %get3A_906 = tpu.vector_load %arg13[%get3A_905] {strides = array<i32>} : memref<512xf32, #tpu.memory_space<vmem>>, vector<16xf32>,
    %add3A_907 = arith.constant 576 : i32
    %add3A_908 = vector.broadcast %add3A_907 : i32 to vector<16xi32>
    %add3A_909 = arith.addi %mul3A_33, %add3A_908 : vector<16xi32>
    %max3A_910 = arith.maximumf %get3A_904, %get3A_906 : vector<16xf32>
    tpu.vector_store_idx %arg11[%add3A_909], %max3A_910 : memref<1024xf32, #tpu.memory_space<vmem>>[vector<16xi32>], vector<16xf32>,
    %add3A_911 = arith.constant 61952 : i32
    %add3A_912 = arith.addi %mul3A_150, %add3A_911 : i32
    %add3A_913 = arith.constant 416 : i32
    %add3A_914 = arith.addi %add3A_912, %add3A_913 : i32
    %get3A_915 = arith.index_cast %add3A_914 : i32 to index
    %get3A_916 = tpu.vector_load %arg9[%get3A_915] {strides = array<i32>} : memref<125024xf32, #tpu.memory_space<vmem>>, vector<16xf32>,
    %get3A_917 = arith.constant 416 : index
    %get3A_918 = tpu.vector_load %arg13[%get3A_917] {strides = array<i32>} : memref<512xf32, #tpu.memory_space<vmem>>, vector<16xf32>,
    %add3A_919 = arith.constant 640 : i32
    %add3A_920 = vector.broadcast %add3A_919 : i32 to vector<16xi32>
    %add3A_921 = arith.addi %mul3A_33, %add3A_920 : vector<16xi32>
    %max3A_922 = arith.maximumf %get3A_916, %get3A_918 : vector<16xf32>
    tpu.vector_store_idx %arg11[%add3A_921], %max3A_922 : memref<1024xf32, #tpu.memory_space<vmem>>[vector<16xi32>], vector<16xf32>,
    %add3A_923 = arith.constant 61952 : i32
    %add3A_924 = arith.addi %mul3A_150, %add3A_923 : i32
    %add3A_925 = arith.constant 432 : i32
    %add3A_926 = arith.addi %add3A_924, %add3A_925 : i32
    %get3A_927 = arith.index_cast %add3A_926 : i32 to index
    %get3A_928 = tpu.vector_load %arg9[%get3A_927] {strides = array<i32>} : memref<125024xf32, #tpu.memory_space<vmem>>, vector<16xf32>,
    %get3A_929 = arith.constant 432 : index
    %get3A_930 = tpu.vector_load %arg13[%get3A_929] {strides = array<i32>} : memref<512xf32, #tpu.memory_space<vmem>>, vector<16xf32>,
    %add3A_931 = arith.constant 704 : i32
    %add3A_932 = vector.broadcast %add3A_931 : i32 to vector<16xi32>
    %add3A_933 = arith.addi %mul3A_33, %add3A_932 : vector<16xi32>
    %max3A_934 = arith.maximumf %get3A_928, %get3A_930 : vector<16xf32>
    tpu.vector_store_idx %arg11[%add3A_933], %max3A_934 : memref<1024xf32, #tpu.memory_space<vmem>>[vector<16xi32>], vector<16xf32>,
    %add3A_935 = arith.constant 61952 : i32
    %add3A_936 = arith.addi %mul3A_150, %add3A_935 : i32
    %add3A_937 = arith.constant 448 : i32
    %add3A_938 = arith.addi %add3A_936, %add3A_937 : i32
    %get3A_939 = arith.index_cast %add3A_938 : i32 to index
    %get3A_940 = tpu.vector_load %arg9[%get3A_939] {strides = array<i32>} : memref<125024xf32, #tpu.memory_space<vmem>>, vector<16xf32>,
    %get3A_941 = arith.constant 448 : index
    %get3A_942 = tpu.vector_load %arg13[%get3A_941] {strides = array<i32>} : memref<512xf32, #tpu.memory_space<vmem>>, vector<16xf32>,
    %add3A_943 = arith.constant 768 : i32
    %add3A_944 = vector.broadcast %add3A_943 : i32 to vector<16xi32>
    %add3A_945 = arith.addi %mul3A_33, %add3A_944 : vector<16xi32>
    %max3A_946 = arith.maximumf %get3A_940, %get3A_942 : vector<16xf32>
    tpu.vector_store_idx %arg11[%add3A_945], %max3A_946 : memref<1024xf32, #tpu.memory_space<vmem>>[vector<16xi32>], vector<16xf32>,
    %add3A_947 = arith.constant 61952 : i32
    %add3A_948 = arith.addi %mul3A_150, %add3A_947 : i32
    %add3A_949 = arith.constant 464 : i32
    %add3A_950 = arith.addi %add3A_948, %add3A_949 : i32
    %get3A_951 = arith.index_cast %add3A_950 : i32 to index
    %get3A_952 = tpu.vector_load %arg9[%get3A_951] {strides = array<i32>} : memref<125024xf32, #tpu.memory_space<vmem>>, vector<16xf32>,
    %get3A_953 = arith.constant 464 : index
    %get3A_954 = tpu.vector_load %arg13[%get3A_953] {strides = array<i32>} : memref<512xf32, #tpu.memory_space<vmem>>, vector<16xf32>,
    %add3A_955 = arith.constant 832 : i32
    %add3A_956 = vector.broadcast %add3A_955 : i32 to vector<16xi32>
    %add3A_957 = arith.addi %mul3A_33, %add3A_956 : vector<16xi32>
    %max3A_958 = arith.maximumf %get3A_952, %get3A_954 : vector<16xf32>
    tpu.vector_store_idx %arg11[%add3A_957], %max3A_958 : memref<1024xf32, #tpu.memory_space<vmem>>[vector<16xi32>], vector<16xf32>,
    %add3A_959 = arith.constant 61952 : i32
    %add3A_960 = arith.addi %mul3A_150, %add3A_959 : i32
    %add3A_961 = arith.constant 480 : i32
    %add3A_962 = arith.addi %add3A_960, %add3A_961 : i32
    %get3A_963 = arith.index_cast %add3A_962 : i32 to index
    %get3A_964 = tpu.vector_load %arg9[%get3A_963] {strides = array<i32>} : memref<125024xf32, #tpu.memory_space<vmem>>, vector<16xf32>,
    %get3A_965 = arith.constant 480 : index
    %get3A_966 = tpu.vector_load %arg13[%get3A_965] {strides = array<i32>} : memref<512xf32, #tpu.memory_space<vmem>>, vector<16xf32>,
    %add3A_967 = arith.constant 896 : i32
    %add3A_968 = vector.broadcast %add3A_967 : i32 to vector<16xi32>
    %add3A_969 = arith.addi %mul3A_33, %add3A_968 : vector<16xi32>
    %max3A_970 = arith.maximumf %get3A_964, %get3A_966 : vector<16xf32>
    tpu.vector_store_idx %arg11[%add3A_969], %max3A_970 : memref<1024xf32, #tpu.memory_space<vmem>>[vector<16xi32>], vector<16xf32>,
    %add3A_971 = arith.constant 61952 : i32
    %add3A_972 = arith.addi %mul3A_150, %add3A_971 : i32
    %add3A_973 = arith.constant 496 : i32
    %add3A_974 = arith.addi %add3A_972, %add3A_973 : i32
    %get3A_975 = arith.index_cast %add3A_974 : i32 to index
    %get3A_976 = tpu.vector_load %arg9[%get3A_975] {strides = array<i32>} : memref<125024xf32, #tpu.memory_space<vmem>>, vector<16xf32>,
    %get3A_977 = arith.constant 496 : index
    %get3A_978 = tpu.vector_load %arg13[%get3A_977] {strides = array<i32>} : memref<512xf32, #tpu.memory_space<vmem>>, vector<16xf32>,
    %add3A_979 = arith.constant 960 : i32
    %add3A_980 = vector.broadcast %add3A_979 : i32 to vector<16xi32>
    %add3A_981 = arith.addi %mul3A_33, %add3A_980 : vector<16xi32>
    %max3A_982 = arith.maximumf %get3A_976, %get3A_978 : vector<16xf32>
    tpu.vector_store_idx %arg11[%add3A_981], %max3A_982 : memref<1024xf32, #tpu.memory_space<vmem>>[vector<16xi32>], vector<16xf32>,
    %add3A_983 = arith.constant 248832 : i32
    %add3A_984 = arith.addi %add3A_155, %add3A_983 : i32
    %dma_start3A_985 = tpu.memref_slice %arg4[%add3A_984] : memref<8000000xf32, #tpu.memory_space<hbm>> -> memref<1024xf32, #tpu.memory_space<hbm>>
    %dma_start3A_986 = tpu.memref_slice %arg4[%add3A_984] : memref<8000000xf32, #tpu.memory_space<hbm>> -> memref<1024xf32, #tpu.memory_space<hbm>>
    tpu.enqueue_dma source(%arg11 : memref<1024xf32, #tpu.memory_space<vmem>>) target(%dma_start3A_986 : memref<1024xf32, #tpu.memory_space<hbm>>) target_semaphore(%arg24 : memref<!tpu.dma_semaphore, #tpu.memory_space<semaphore_mem>>)
    %dma_wait3A_987 = arith.constant 0 : i32
    %dma_wait3A_988 = tpu.memref_slice %arg4[%dma_wait3A_987] : memref<8000000xf32, #tpu.memory_space<hbm>> -> memref<1024xf32, #tpu.memory_space<hbm>>
    %dma_wait3A_989 = arith.constant 0 : i32
    %dma_wait3A_990 = tpu.memref_slice %arg4[%dma_wait3A_989] : memref<8000000xf32, #tpu.memory_space<hbm>> -> memref<1024xf32, #tpu.memory_space<hbm>>
    tpu.wait_dma2 semaphore(%arg23 : memref<!tpu.dma_semaphore, #tpu.memory_space<semaphore_mem>>) src(%arg10 : memref<1024xf32, #tpu.memory_space<vmem>>) dst(%dma_wait3A_990 : memref<1024xf32, #tpu.memory_space<hbm>>)
    %dma_wait3A_991 = arith.constant 0 : i32
    %dma_wait3A_992 = tpu.memref_slice %arg4[%dma_wait3A_991] : memref<8000000xf32, #tpu.memory_space<hbm>> -> memref<1024xf32, #tpu.memory_space<hbm>>
    %dma_wait3A_993 = arith.constant 0 : i32
    %dma_wait3A_994 = tpu.memref_slice %arg4[%dma_wait3A_993] : memref<8000000xf32, #tpu.memory_space<hbm>> -> memref<1024xf32, #tpu.memory_space<hbm>>
    tpu.wait_dma2 semaphore(%arg24 : memref<!tpu.dma_semaphore, #tpu.memory_space<semaphore_mem>>) src(%arg11 : memref<1024xf32, #tpu.memory_space<vmem>>) dst(%dma_wait3A_994 : memref<1024xf32, #tpu.memory_space<hbm>>)
    %eq3A_995 = arith.constant 0 : i32
    %eq3A_996 = arith.cmpi eq, %select_n3A_28, %eq3A_995 : i32
    %jit3A_997 = arith.constant 3 : i32
    %jit3A_998 = arith.constant 2 : i32
    %select_n3A_999 = arith.select %eq3A_996, %jit3A_997, %jit3A_998 : i32
    %add3A_1000 = arith.constant 62464 : i32
    %add3A_1001 = arith.addi %mul3A_51, %add3A_1000 : i32
    "tpu.region"() ({
      %run_scoped3A = tpu.sem_alloc : memref<!tpu.dma_semaphore, #tpu.memory_space<semaphore_mem>>
      %dma_start3A_1030 = arith.constant 0 : i32
      %dma_start3A_1031 = tpu.memref_slice %arg12[%dma_start3A_1030] : memref<512xf32, #tpu.memory_space<vmem>> -> memref<48xf32, #tpu.memory_space<vmem>>
      %dma_start3A_1032 = tpu.memref_slice %arg16[%add3A_1001] : memref<2000384xf32, #tpu.memory_space<hbm>> -> memref<48xf32, #tpu.memory_space<hbm>>
      %dma_start3A_1033 = arith.constant 0 : i32
      %dma_start3A_1034 = tpu.memref_slice %arg12[%dma_start3A_1033] : memref<512xf32, #tpu.memory_space<vmem>> -> memref<48xf32, #tpu.memory_space<vmem>>
      %dma_start3A_1035 = tpu.memref_slice %arg16[%add3A_1001] : memref<2000384xf32, #tpu.memory_space<hbm>> -> memref<48xf32, #tpu.memory_space<hbm>>
      tpu.enqueue_dma source(%dma_start3A_1035 : memref<48xf32, #tpu.memory_space<hbm>>) target(%dma_start3A_1034 : memref<48xf32, #tpu.memory_space<vmem>>) target_semaphore(%run_scoped3A : memref<!tpu.dma_semaphore, #tpu.memory_space<semaphore_mem>>)
      %dma_wait3A_1036 = arith.constant 0 : i32
      %dma_wait3A_1037 = tpu.memref_slice %arg12[%dma_wait3A_1036] : memref<512xf32, #tpu.memory_space<vmem>> -> memref<48xf32, #tpu.memory_space<vmem>>
      %dma_wait3A_1038 = tpu.memref_slice %arg16[%add3A_1001] : memref<2000384xf32, #tpu.memory_space<hbm>> -> memref<48xf32, #tpu.memory_space<hbm>>
      %dma_wait3A_1039 = arith.constant 0 : i32
      %dma_wait3A_1040 = tpu.memref_slice %arg12[%dma_wait3A_1039] : memref<512xf32, #tpu.memory_space<vmem>> -> memref<48xf32, #tpu.memory_space<vmem>>
      %dma_wait3A_1041 = tpu.memref_slice %arg16[%add3A_1001] : memref<2000384xf32, #tpu.memory_space<hbm>> -> memref<48xf32, #tpu.memory_space<hbm>>
      tpu.wait_dma2 semaphore(%run_scoped3A : memref<!tpu.dma_semaphore, #tpu.memory_space<semaphore_mem>>) src(%dma_wait3A_1041 : memref<48xf32, #tpu.memory_space<hbm>>) dst(%dma_wait3A_1040 : memref<48xf32, #tpu.memory_space<vmem>>)
      tpu.yield
    }) : () -> ()
    %sub3A_1002 = arith.constant 0 : i32
    %sub3A_1003 = arith.subi %select_n3A_999, %sub3A_1002 : i32
    %sub3A_1004 = arith.constant 1 : i32
    %sub3A_1005 = arith.constant 1 : i32
    %sub3A_1006 = arith.subi %sub3A_1004, %sub3A_1005 : i32
    %add3A_1007 = arith.addi %sub3A_1003, %sub3A_1006 : i32
    %div3A_1008 = arith.constant 1 : i32
    %div3A_1009 = arith.divsi %add3A_1007, %div3A_1008 : i32
    %while3A = arith.constant 1 : i32
    %while3A_1010 = arith.constant 0 : i32
    %while3A_1011 = arith.constant 0 : i32
    %while3A_1012 = arith.subi %div3A_1009, %while3A_1011 : i32
    %while3A_1013 = arith.addi %while3A_1011, %while3A_1012 : i32
    %while3A_1014 = arith.constant 1 : i32
    %while3A_1015 = arith.divsi %while3A_1012, %while3A_1014 : i32
    %while3A_1016 = arith.muli %while3A_1015, %while3A_1014 : i32
    %while3A_1017 = arith.addi %while3A_1011, %while3A_1016 : i32
    %while3A_1018 = arith.constant 1 : i32
    scf.for %while3A_1030 = %while3A_1011 to %while3A_1017 step %while3A_1018  : i32 {
      %mul3A_1031 = arith.muli %while3A_1030, %while3A : i32
      %add3A_1032 = arith.addi %while3A_1010, %mul3A_1031 : i32
      %add3A_1033 = arith.constant 62464 : i32
      %add3A_1034 = arith.addi %mul3A_150, %add3A_1033 : i32
      %mul3A_1035 = arith.constant 16 : i32
      %mul3A_1036 = arith.muli %add3A_1032, %mul3A_1035 : i32
      %add3A_1037 = arith.addi %add3A_1034, %mul3A_1036 : i32
      %get3A_1038 = arith.index_cast %add3A_1037 : i32 to index
      %get3A_1039 = tpu.vector_load %arg9[%get3A_1038] {strides = array<i32>} : memref<125024xf32, #tpu.memory_space<vmem>>, vector<16xf32>,
      %mul3A_1040 = arith.constant 16 : i32
      %mul3A_1041 = arith.muli %add3A_1032, %mul3A_1040 : i32
      %get3A_1042 = arith.index_cast %mul3A_1041 : i32 to index
      %get3A_1043 = tpu.vector_load %arg12[%get3A_1042] {strides = array<i32>} : memref<512xf32, #tpu.memory_space<vmem>>, vector<16xf32>,
      %mul3A_1044 = arith.constant 64 : i32
      %mul3A_1045 = arith.muli %add3A_1032, %mul3A_1044 : i32
      %add3A_1046 = vector.broadcast %mul3A_1045 : i32 to vector<16xi32>
      %add3A_1047 = arith.addi %mul3A_33, %add3A_1046 : vector<16xi32>
      %max3A_1048 = arith.maximumf %get3A_1039, %get3A_1043 : vector<16xf32>
      tpu.vector_store_idx %arg10[%add3A_1047], %max3A_1048 : memref<1024xf32, #tpu.memory_space<vmem>>[vector<16xi32>], vector<16xf32>,
    }
    %while3A_1019 = arith.constant 1 : i32
    scf.for %while3A_1030 = %while3A_1017 to %while3A_1013 step %while3A_1019  : i32 {
      %mul3A_1031 = arith.muli %while3A_1030, %while3A : i32
      %add3A_1032 = arith.addi %while3A_1010, %mul3A_1031 : i32
      %add3A_1033 = arith.constant 62464 : i32
      %add3A_1034 = arith.addi %mul3A_150, %add3A_1033 : i32
      %mul3A_1035 = arith.constant 16 : i32
      %mul3A_1036 = arith.muli %add3A_1032, %mul3A_1035 : i32
      %add3A_1037 = arith.addi %add3A_1034, %mul3A_1036 : i32
      %get3A_1038 = arith.index_cast %add3A_1037 : i32 to index
      %get3A_1039 = tpu.vector_load %arg9[%get3A_1038] {strides = array<i32>} : memref<125024xf32, #tpu.memory_space<vmem>>, vector<16xf32>,
      %mul3A_1040 = arith.constant 16 : i32
      %mul3A_1041 = arith.muli %add3A_1032, %mul3A_1040 : i32
      %get3A_1042 = arith.index_cast %mul3A_1041 : i32 to index
      %get3A_1043 = tpu.vector_load %arg12[%get3A_1042] {strides = array<i32>} : memref<512xf32, #tpu.memory_space<vmem>>, vector<16xf32>,
      %mul3A_1044 = arith.constant 64 : i32
      %mul3A_1045 = arith.muli %add3A_1032, %mul3A_1044 : i32
      %add3A_1046 = vector.broadcast %mul3A_1045 : i32 to vector<16xi32>
      %add3A_1047 = arith.addi %mul3A_33, %add3A_1046 : vector<16xi32>
      %max3A_1048 = arith.maximumf %get3A_1039, %get3A_1043 : vector<16xf32>
      tpu.vector_store_idx %arg10[%add3A_1047], %max3A_1048 : memref<1024xf32, #tpu.memory_space<vmem>>[vector<16xi32>], vector<16xf32>,
    }
    %add3A_1020 = arith.constant 249856 : i32
    %add3A_1021 = arith.addi %add3A_155, %add3A_1020 : i32
    %eq3A_1022 = arith.constant 0 : i32
    %eq3A_1023 = arith.cmpi eq, %select_n3A_28, %eq3A_1022 : i32
    %convert_element_type3A = arith.extui %eq3A_1023 : i1 to i32
    %cond3A = arith.constant 0 : i32
    %cond3A_1024 = arith.cmpi ne, %convert_element_type3A, %cond3A : i32
    scf.if %cond3A_1024 {
      "tpu.region"() ({
        %run_scoped3A = tpu.sem_alloc : memref<!tpu.dma_semaphore, #tpu.memory_space<semaphore_mem>>
        %dma_start3A_1030 = arith.constant 0 : i32
        %dma_start3A_1031 = tpu.memref_slice %arg10[%dma_start3A_1030] : memref<1024xf32, #tpu.memory_space<vmem>> -> memref<192xf32, #tpu.memory_space<vmem>>
        %dma_start3A_1032 = tpu.memref_slice %arg4[%add3A_1021] : memref<8000000xf32, #tpu.memory_space<hbm>> -> memref<192xf32, #tpu.memory_space<hbm>>
        %dma_start3A_1033 = tpu.memref_slice %arg4[%add3A_1021] : memref<8000000xf32, #tpu.memory_space<hbm>> -> memref<192xf32, #tpu.memory_space<hbm>>
        %dma_start3A_1034 = arith.constant 0 : i32
        %dma_start3A_1035 = tpu.memref_slice %arg10[%dma_start3A_1034] : memref<1024xf32, #tpu.memory_space<vmem>> -> memref<192xf32, #tpu.memory_space<vmem>>
        tpu.enqueue_dma source(%dma_start3A_1035 : memref<192xf32, #tpu.memory_space<vmem>>) target(%dma_start3A_1033 : memref<192xf32, #tpu.memory_space<hbm>>) target_semaphore(%run_scoped3A : memref<!tpu.dma_semaphore, #tpu.memory_space<semaphore_mem>>)
        %dma_wait3A_1036 = arith.constant 0 : i32
        %dma_wait3A_1037 = tpu.memref_slice %arg10[%dma_wait3A_1036] : memref<1024xf32, #tpu.memory_space<vmem>> -> memref<192xf32, #tpu.memory_space<vmem>>
        %dma_wait3A_1038 = tpu.memref_slice %arg4[%add3A_1021] : memref<8000000xf32, #tpu.memory_space<hbm>> -> memref<192xf32, #tpu.memory_space<hbm>>
        %dma_wait3A_1039 = tpu.memref_slice %arg4[%add3A_1021] : memref<8000000xf32, #tpu.memory_space<hbm>> -> memref<192xf32, #tpu.memory_space<hbm>>
        %dma_wait3A_1040 = arith.constant 0 : i32
        %dma_wait3A_1041 = tpu.memref_slice %arg10[%dma_wait3A_1040] : memref<1024xf32, #tpu.memory_space<vmem>> -> memref<192xf32, #tpu.memory_space<vmem>>
        tpu.wait_dma2 semaphore(%run_scoped3A : memref<!tpu.dma_semaphore, #tpu.memory_space<semaphore_mem>>) src(%dma_wait3A_1041 : memref<192xf32, #tpu.memory_space<vmem>>) dst(%dma_wait3A_1039 : memref<192xf32, #tpu.memory_space<hbm>>)
        tpu.yield
      }) : () -> ()
    } else {
    }
    %eq3A_1025 = arith.constant 1 : i32
    %eq3A_1026 = arith.cmpi eq, %select_n3A_28, %eq3A_1025 : i32
    %convert_element_type3A_1027 = arith.extui %eq3A_1026 : i1 to i32
    %cond3A_1028 = arith.constant 0 : i32
    %cond3A_1029 = arith.cmpi ne, %convert_element_type3A_1027, %cond3A_1028 : i32
    scf.if %cond3A_1029 {
      "tpu.region"() ({
        %run_scoped3A = tpu.sem_alloc : memref<!tpu.dma_semaphore, #tpu.memory_space<semaphore_mem>>
        %dma_start3A_1030 = arith.constant 0 : i32
        %dma_start3A_1031 = tpu.memref_slice %arg10[%dma_start3A_1030] : memref<1024xf32, #tpu.memory_space<vmem>> -> memref<96xf32, #tpu.memory_space<vmem>>
        %dma_start3A_1032 = tpu.memref_slice %arg4[%add3A_1021] : memref<8000000xf32, #tpu.memory_space<hbm>> -> memref<96xf32, #tpu.memory_space<hbm>>
        %dma_start3A_1033 = tpu.memref_slice %arg4[%add3A_1021] : memref<8000000xf32, #tpu.memory_space<hbm>> -> memref<96xf32, #tpu.memory_space<hbm>>
        %dma_start3A_1034 = arith.constant 0 : i32
        %dma_start3A_1035 = tpu.memref_slice %arg10[%dma_start3A_1034] : memref<1024xf32, #tpu.memory_space<vmem>> -> memref<96xf32, #tpu.memory_space<vmem>>
        tpu.enqueue_dma source(%dma_start3A_1035 : memref<96xf32, #tpu.memory_space<vmem>>) target(%dma_start3A_1033 : memref<96xf32, #tpu.memory_space<hbm>>) target_semaphore(%run_scoped3A : memref<!tpu.dma_semaphore, #tpu.memory_space<semaphore_mem>>)
        %dma_wait3A_1036 = arith.constant 0 : i32
        %dma_wait3A_1037 = tpu.memref_slice %arg10[%dma_wait3A_1036] : memref<1024xf32, #tpu.memory_space<vmem>> -> memref<96xf32, #tpu.memory_space<vmem>>
        %dma_wait3A_1038 = tpu.memref_slice %arg4[%add3A_1021] : memref<8000000xf32, #tpu.memory_space<hbm>> -> memref<96xf32, #tpu.memory_space<hbm>>
        %dma_wait3A_1039 = tpu.memref_slice %arg4[%add3A_1021] : memref<8000000xf32, #tpu.memory_space<hbm>> -> memref<96xf32, #tpu.memory_space<hbm>>
        %dma_wait3A_1040 = arith.constant 0 : i32
        %dma_wait3A_1041 = tpu.memref_slice %arg10[%dma_wait3A_1040] : memref<1024xf32, #tpu.memory_space<vmem>> -> memref<96xf32, #tpu.memory_space<vmem>>
        tpu.wait_dma2 semaphore(%run_scoped3A : memref<!tpu.dma_semaphore, #tpu.memory_space<semaphore_mem>>) src(%dma_wait3A_1041 : memref<96xf32, #tpu.memory_space<vmem>>) dst(%dma_wait3A_1039 : memref<96xf32, #tpu.memory_space<hbm>>)
        tpu.yield
      }) : () -> ()
    } else {
    }
    return
  }
}

</mosaic_0001>

<sc_bundles>
// kernel: _voxelize.3.cloned.1.call-start
scs
__scs_entry_jumppad:
0x0: {  	(pc) =	sbr.rel $0x88, $3  }
0x1: {  	(tag) =	ssettag $0x0;
	lr =	simm.s32 $0x1  }
0x2: {  	[smem:$0x3F9F] =	sst lr;
	_ =	strace $0xD0000000  }
0x3: {  	_ = 	snop  }
0x4: {  	_ = 	snop  }
0x5: {  	_ = 	snop  }
0x6: {  	_ = 	snop  }
0x7: {  	_ = 	snop  }
__scs_overlays_trampoline_lowered:
0x8: {  	[smem:$0x3FAE] =	sst s0  }
0x9: {  	[smem:$0x3FAF] =	sst s1  }
0xa: {  	[smem:$0x3FB0] =	sst s2  }
0xb: {  	[smem:$0x3FB1] =	sst s3  }
0xc: {  	[smem:$0x3FB2] =	sst s4  }
0xd: {  	[smem:$0x3FB3] =	sst s5  }
0xe: {  	[smem:$0x3FB4] =	sst s6  }
0xf: {  	[smem:$0x3FB5] =	sst s7  }
0x10: {  	[smem:$0x3FB6] =	sst s8  }
0x11: {  	[smem:$0x3FB7] =	sst s9;
	s0 =	simm.s32 @!p0 $0x0  }
0x12: {  	s1 =	sld [smem:$0x3F9D];
	s0 =	simm.s32 @p0 $0x1  }
0x13: {  	[smem:$0x3FB8] =	sst s0;
	s0 =	simm.s32 @!p1 $0x0  }
0x14: {  	s2 =	sld [smem:$0x3F9C];
	s0 =	simm.s32 @p1 $0x1  }
0x15: {  	[smem:$0x3FB9] =	sst s0;
	s0 =	simm.s32 @!p2 $0x0  }
0x16: {  	s3 =	sld [smem:$0x3FDB];
	s0 =	simm.s32 @p2 $0x1  }
0x17: {  	s4 =	simm.s32 $0x1BF5;
	[smem:$0x3FBB] =	sst s0  }
0x18: {  	s0 =	sld [smem:$0x3F9E];
	_ =	swait.ge [sflag:s4], $0x0  }
0x19: {  	s7 =	sld [smem:$0x3F9F]  }
0x1a: {  	s8 =	sadd.s32 $0xFFFFE003, lr  }
0x1b: {  	s9 =	sadd.s32 $0xFFFFFEF7, lr;
	s5 =	simm.s32 $0xFFFFFFFF;
	p2 =	slt.u32 s8, $0xFFFFF086  }
0x1c: {  	p1 =	slt.u32 s9, $0xF7A;
	s5 =	simm.s32 @!p2 $0x0  }
0x1d: {  	s5 =	simm.s32 @p1 $0x1;
	p0 =	seq.s32 s7, s2  }
0x1e: {  	s7 =	smul.u32 @!p0 $0xF7A, s2;
	p2 =	seq.s32 @!p0 s5, $0x0  }
0x1f: {  	s9 =	smul.u32 $0xF7A, s1;
	s8 =	simm.s32 @!p0 $0x1BF5;
	p2 =	por !p2, p0  }
0x20: {  	[sflag:s8] =	ssyncset.s32 @!p0 $0xFFFFF086;
	s6 =	sadd.s32 @!p0 s3, s7;
	s7 =	simm.s32 @!p0 $0x108  }
0x21: {  	s3 =	sadd.s32 s3, s9;
	s6 =	sadd.s32 @!p0 $0x88, s6;
	s7 =	simm.s32 @p2 $0x1082  }
0x22: {  	[simem:s7], [sflag:s8] =	dma.local @!p0 [hbm:s6], $0xF7A  }
0x23: {  	s9 =	sor.u32 $0xD0000000, s2;
	s6 =	simm.s32 $0x108;
	_ =	swait.ge @!p0 [sflag:s8], $0x0  }
0x24: {  	s3 =	sadd.s32 $0x88, s3;
	s6 =	simm.s32 @!p1 $0x1082;
	[sflag:s4] =	ssyncset.s32 $0xFFFFF086  }
0x25: {  	[simem:s6], [sflag:s4] =	dma.local [hbm:s3], $0xF7A  }
0x26: {  	[smem:$0x3F9F] =	sst s1;
	(tag) =	ssettag s2;
	_ =	strace s9  }
0x27: {  	s1 =	sld [smem:$0x3FAF]  }
0x28: {  	s2 =	sld [smem:$0x3FB0]  }
0x29: {  	s4 =	sld [smem:$0x3FB2]  }
0x2a: {  	p0 =	seq.s32 s5, $0x0;
	s5 =	sld [smem:$0x3FB3]  }
0x2b: {  	s6 =	sld [smem:$0x3FB4]  }
0x2c: {  	s7 =	sld [smem:$0x3FB5]  }
0x2d: {  	s3 =	simm.s32 $0x108;
	s8 =	sld [smem:$0x3FB6]  }
0x2e: {  	s3 =	simm.s32 @!p0 $0x1082;
	s9 =	sld [smem:$0x3FB7]  }
0x2f: {  	lr =	sadd.s32 s0, s3;
	s0 =	sld [smem:$0x3FAE]  }
0x30: {  	s3 =	sld [smem:$0x3FB1]  }
0x31: {  	[smem:$0x3FBA] =	sst s10  }
0x32: {  	s10 =	sld [smem:$0x3FB8];
	_ =	sdelay $0x3  }
0x33: {  	p0 =	seq.s32 s10, $0x1;
	s10 =	sld [smem:$0x3FBA];
	_ =	sdelay $0x3  }
0x34: {  	[smem:$0x3FBA] =	sst s10  }
0x35: {  	s10 =	sld [smem:$0x3FB9];
	_ =	sdelay $0x3  }
0x36: {  	p1 =	seq.s32 s10, $0x1;
	s10 =	sld [smem:$0x3FBA];
	_ =	sdelay $0x3  }
0x37: {  	[smem:$0x3FBA] =	sst s10  }
0x38: {  	s10 =	sld [smem:$0x3FBB]  }
0x39: {  	_ = 	snop;
	(pc) =	sbr.ind lr, $3  }
0x3a: {  	_ = 	snop  }
0x3b: {  	_ = 	snop  }
0x3c: {  	p2 =	seq.s32 s10, $0x1;
	s10 =	sld [smem:$0x3FBA]  }
0x3d: {  	_ =	shalt  }
0x3e: {  	_ =	shalt  }
0x3f: {  	_ =	shalt  }
0x40: {  	_ =	shalt  }
0x41: {  	_ =	shalt  }
0x42: {  	_ =	shalt  }
0x43: {  	_ =	shalt  }
0x44: {  	_ =	shalt  }
0x45: {  	_ =	shalt  }
0x46: {  	_ =	shalt  }
0x47: {  	_ =	shalt  }
0x48: {  	_ =	shalt  }
0x49: {  	_ =	shalt  }
0x4a: {  	_ =	shalt  }
0x4b: {  	_ =	shalt  }
0x4c: {  	_ =	shalt  }
0x4d: {  	_ =	shalt  }
0x4e: {  	_ =	shalt  }
0x4f: {  	_ =	shalt  }
0x50: {  	_ =	shalt  }
0x51: {  	_ =	shalt  }
0x52: {  	_ =	shalt  }
0x53: {  	_ =	shalt  }
0x54: {  	_ =	shalt  }
0x55: {  	_ =	shalt  }
0x56: {  	_ =	shalt  }
0x57: {  	_ =	shalt  }
0x58: {  	_ =	shalt  }
0x59: {  	_ =	shalt  }
0x5a: {  	_ =	shalt  }
0x5b: {  	_ =	shalt  }
0x5c: {  	_ =	shalt  }
0x5d: {  	_ =	shalt  }
0x5e: {  	_ =	shalt  }
0x5f: {  	_ =	shalt  }
0x60: {  	_ =	shalt  }
0x61: {  	_ =	shalt  }
0x62: {  	_ =	shalt  }
0x63: {  	_ =	shalt  }
0x64: {  	_ =	shalt  }
0x65: {  	_ =	shalt  }
0x66: {  	_ =	shalt  }
0x67: {  	_ =	shalt  }
0x68: {  	_ =	shalt  }
0x69: {  	_ =	shalt  }
0x6a: {  	_ =	shalt  }
0x6b: {  	_ =	shalt  }
0x6c: {  	_ =	shalt  }
0x6d: {  	_ =	shalt  }
0x6e: {  	_ =	shalt  }
0x6f: {  	_ =	shalt  }
0x70: {  	_ =	shalt  }
0x71: {  	_ =	shalt  }
0x72: {  	_ =	shalt  }
0x73: {  	_ =	shalt  }
0x74: {  	_ =	shalt  }
0x75: {  	_ =	shalt  }
0x76: {  	_ =	shalt  }
0x77: {  	_ =	shalt  }
0x78: {  	_ =	shalt  }
0x79: {  	_ =	shalt  }
0x7a: {  	_ =	shalt  }
0x7b: {  	_ =	shalt  }
0x7c: {  	_ =	shalt  }
0x7d: {  	_ =	shalt  }
0x7e: {  	_ =	shalt  }
0x7f: {  	_ =	shalt  }
0x80: {  	_ =	shalt  }
0x81: {  	_ =	shalt  }
0x82: {  	_ =	shalt  }
0x83: {  	_ =	shalt  }
0x84: {  	_ =	shalt  }
0x85: {  	_ =	shalt  }
0x86: {  	_ =	shalt  }
0x87: {  	_ =	shalt  }
.Lfunc_end0:
.L_simem_size_0:
called_computation_lowered:
.L_overlay_start_0:
0x88: {  	s2 =	sld [smem:$0x3FD9]  }
0x89: {  	s3 =	sld [smem:$0x3FFE];
	_ =	sdelay $0x1  }
0x8a: {  	s1 =	srdreg.scid  }
0x8b: {  	s0 =	sand.u32 $0x1, s1  }
0x8c: {  	s19 =	sshll.u32 s0, $0xA;
	s2 =	sadd.s32 s3, s2  }
0x8d: {  	s3 =	sadd.s32 s2, s19  }
0x8e: {  	[smem:$0x3FC6] =	sst s3  }
0x8f: {  	_ = 	snop  }
0x90: {  	s3 =	sld [smem:$0x3FC9]  }
0x91: {  	s4 =	sld [smem:$0x3FC8]  }
0x92: {  	s5 =	sld [smem:$0x3FD0];
	(tm) =	ssettm $0x1  }
0x93: {  	s6 =	sld [smem:$0x3FFB];
	_ =	sdelay $0x3  }
0x94: {  	_ =	strace s6  }
0x95: {  	s6 =	sld [smem:$0x3FFC];
	_ =	sdelay $0x3  }
0x96: {  	_ =	strace s6  }
0x97: {  	s6 =	sld [smem:$0x3FFD];
	_ =	sdelay $0x3  }
0x98: {  	_ =	strace s6  }
0x99: {  	_ =	strace $0x8FFFFFFF  }
0x9a: {  	s20 =	sld [smem:$0x3FDB];
	_ =	sdelay $0x1  }
0x9b: {  	s7 =	simm.s32 $_scs_section_size  }
0x9c: {  	s8 =	simm.s32 $_size__tile_overlayer_lowered;
	s9 =	simm.s32 $_tile_overlayer_lowered  }
0x9d: {  	s23 =	simm.s32 $0x1BFF;
	s22 =	sshll.u32 s9, $0x1;
	s6 =	sadd.s32 s7, s20  }
0x9e: {  	s10 =	simm.s32 $0x0;
	s21 =	sshll.u32 s8, $0x1;
	s8 =	sadd.s32 s22, s6  }
0x9f: {  	[timem:s10], [sflag:s23] =	dma.local [hbm:s8], s21  }
0xa0: {  	_ =	swait.ge [sflag:s23], s21  }
0xa1: {  	s7 =	ssub.s32 $0x0, s21;
	[sflag:s23] =	ssyncset.done $0x0  }
0xa2: {  	[sflag:s23] =	ssyncadd.s32 s7;
	_ =	sdelay $0x1  }
0xa3: {  	s24 =	simm.s32 $0x1B8B  }
0xa4: {  	_ =	swait.ge [sflag:s24], $0x1  }
0xa5: {  	[sflag:s24] =	ssyncset.done $0x0  }
0xa6: {  	s25 =	simm.s32 $0x1B8E;
	[sflag:s24] =	ssyncadd.s32 $0xFFFFFFFF  }
0xa7: {  	s26 =	simm.s32 $execute0_lowered;
	[smem:$0x3FD2] =	sst s25  }
0xa8: {  	s7 =	sshll.u32 s26, $0x1;
	_ =	strace $0x80000046;
	[dreg:$0x1] =	wrdreg $0xFFFFFFFF  }
0xa9: {  	s28 =	simm.s32 $_size_execute0_lowered;
	s6 =	sadd.s32 s6, s7;
	[dreg:$0x0] =	wrdreg $0x0  }
0xaa: {  	s7 =	sshll.u32 s28, $0x1;
	[dreg:$0x2] =	wrdreg s6  }
0xab: {  	[dreg:$0x3] =	wrdreg s7  }
0xac: {  	[dreg:$0x4] =	wrdreg $0xC0  }
0xad: {  	_ =	task [dreg:s10], $0x5FFFF  }
0xae: {  	[dreg:$0x1] =	wrdreg $0xFFFFFFFF  }
0xaf: {  	[dreg:$0x0] =	wrdreg $0x60  }
0xb0: {  	[dreg:$0x2] =	wrdreg s3  }
0xb1: {  	[dreg:$0x3] =	wrdreg s4  }
0xb2: {  	s2 =	sadd.s32 $0x800, s2;
	[dreg:$0x4] =	wrdreg s5  }
0xb3: {  	[dreg:$0x5] =	wrdreg s2  }
0xb4: {  	[dreg:$0x6] =	wrdreg $0x9  }
0xb5: {  	_ =	task.clear_ibuf [dreg:s10], $0x7FFFF;
	_ =	strace $0x90000046  }
0xb6: {  	s29 =	simm.s32 $0x9;
	_ =	strace $0x80000048  }
0xb7: {  	_ =	swait.ge [sflag:s29], $0x1  }
0xb8: {  	[sflag:s29] =	ssyncadd.s32 $0xFFFFFFFF  }
0xb9: {  	_ =	strace $0x90000048  }
0xba: {  	_ =	sfence  }
0xbb: {  	s30 =	sld [smem:$0x0];
	_ =	sdelay $0x2  }
0xbc: {  	s31 =	sshll.u32 s1, $0xD;
	s1 =	sshrl.u32 s1, $0x2  }
0xbd: {  	s3 =	sand.u32 $0x4000, s31;
	s1 =	sadd.s32 s1, s30  }
0xbe: {  	s0 =	sor.u32 s3, s0;
	s1 =	sshll.u32 s1, $0x11  }
0xbf: {  	s0 =	sor.u32 s1, s0  }
0xc0: {  	s0 =	sadd.s32 $0x8F2B, s0  }
0xc1: {  	[sflag:s0] =	ssyncadd.remote.s32 $0x1  }
0xc2: {  	_ =	sfence.sel $0xFFFF  }
0xc3: {  	[dreg:$0x0] =	wrdreg $0xFFFFFFFF;
	(pc) =	sbr.abs _section_cstart, $3  }
0xc4: {  	[dreg:$0x1] =	wrdreg $0xFFFFFFFF  }
0xc5: {  	_ =	task.clear_ibuf [dreg:s10], $0x2FFFF;
	_ =	strace $0x9FFFFFFF  }
0xc6: {  	(tm) =	ssettm $0x7FFFFFFF  }
0xc7: {  	_ =	shalt  }
tec
execute0_lowered:
.L_overlay_start_1:
0x0: {  	(tag) =	ssettag $0x1  }
0x1: {  	s4 =	rddreg [dreg:$0x0]  }
0x2: {  	s9 =	rddreg [dreg:$0x1]  }
0x3: {  	s0 =	srdreg.scid;
	s1 =	rddreg [dreg:$0x2]  }
0x4: {  	s17 =	stileid.u32;
	s28 =	rddreg [dreg:$0x3];
	s30 =	simm.s32 $0x300  }
0x5: {  	s29 =	simm.s32 $0x7;
	s5 =	sand.u32 $0x1, s0;
	s18 =	sand.u32 $0x1, s17  }
0x6: {  	s7 =	sshrl.u32 s17, $0x1;
	s0 =	sshll.u32 s5, $0x3;
	s10 =	smul.u32 $0x60000, s18  }
0x7: {  	s15 =	ssub.s32 $0x2, s5;
	s2 =	smul.u32 $0xF430, s18;
	s3 =	sor.u32 s7, s0  }
0x8: {  	s31 =	simm.s32 $0x6;
	s6 =	sshrl.u32 s15, $0x1;
	s8 =	smul.u32 $0xC0000, s3  }
0x9: {  	s0 =	ssub.s32 s15, s6;
	s6 =	sshll.u32 s5, $0x4;
	s11 =	sshll.u32 s3, $0x11  }
0xa: {  	s12 =	sadd.s32 $0xF000, s2;
	s13 =	sadd.s32 $0xF080, s2;
	s14 =	sand.u32 $0x70, s2  }
0xb: {  	s15 =	sshll.u32 s18, $0x10;
	s19 =	sadd.s32 $0xF100, s2;
	s20 =	sadd.s32 $0xF180, s2  }
0xc: {  	s23 =	sadd.s32 $0xF280, s2;
	s24 =	sadd.s32 $0xF300, s2;
	s25 =	sadd.s32 $0xF380, s2  }
0xd: {  	s12 =	sand.u32 $0x1FF80, s12;
	s13 =	sand.u32 $0x1FF80, s13;
	s11 =	sor.u32 s15, s11  }
0xe: {  	s6 =	sor.u32 s17, s6;
	s0 =	smax.u32 s0, $0x1;
	s8 =	sadd.s32 s10, s8  }
0xf: {  	s12 =	sor.u32 s14, s12;
	s16 =	sor.u32 s14, s13;
	s13 =	sand.u32 $0x1FF80, s20  }
0x10: {  	s20 =	smul.u32 $0xC0000, s7;
	s11 =	sshrl.u32 s11, $0x3;
	[dreg:$0x6] =	wrdreg s12  }
0x11: {  	[dreg:$0x7] =	wrdreg s16;
	s16 =	sadd.s32 $0xF200, s2;
	s12 =	sand.u32 $0x1FF80, s19  }
0x12: {  	s21 =	sor.u32 s14, s13;
	s13 =	sand.u32 $0x1FF80, s24;
	s19 =	smul.u32 $0x600000, s5  }
0x13: {  	s8 =	sshrl.u32 s8, $0x3;
	s16 =	sand.u32 $0x1FF80, s16;
	s12 =	sor.u32 s14, s12  }
0x14: {  	[dreg:$0x9] =	wrdreg s21;
	s26 =	sor.u32 s14, s13;
	s21 =	smul.u32 $0x7A120, s3  }
0x15: {  	s3 =	smul.u32 $0x3D0C0, s18;
	[dreg:$0x8] =	wrdreg s12;
	s22 =	sor.u32 s14, s16  }
0x16: {  	s12 =	sand.u32 $0x1FF80, s23;
	s16 =	sand.u32 $0x1FF80, s25;
	[dreg:$0xc] =	wrdreg s26  }
0x17: {  	s26 =	sadd.s32 s9, s11;
	s25 =	smul.u32 $0x3D0900, s5;
	[dreg:$0xa] =	wrdreg s22  }
0x18: {  	s12 =	sor.u32 s14, s12;
	s13 =	sor.u32 s14, s16;
	s14 =	sshll.u32 s5, $0x14  }
0x19: {  	s16 =	sshll.u32 s7, $0x11;
	s7 =	smul.u32 $0x7A120, s7;
	[dreg:$0xb] =	wrdreg s12  }
0x1a: {  	s23 =	sadd.s32 s3, s21;
	s5 =	smul.u32 $0xF4300, s5;
	[dreg:$0xd] =	wrdreg s13  }
0x1b: {  	s12 =	sor.u32 s16, s14;
	s13 =	sadd.s32 s20, s19;
	s20 =	smul.u32 $0xF430, s17  }
0x1c: {  	s19 =	sshrl.u32 s23, $0x3;
	s23 =	smul.u32 $0x1E860, s18;
	s15 =	sor.u32 s15, s12  }
0x1d: {  	s10 =	sadd.s32 s10, s13;
	s7 =	sadd.s32 s7, s25;
	s12 =	sor.u32 $0x100, s15  }
0x1e: {  	s24 =	sor.u32 $0x180, s15;
	s16 =	sor.u32 $0x600, s10;
	s15 =	sadd.s32 s4, s8  }
0x1f: {  	s10 =	sor.u32 $0x900, s10;
	s7 =	sadd.s32 s3, s7;
	s22 =	sshrl.u32 s12, $0x3  }
0x20: {  	s12 =	smov.u32 s18;
	s10 =	sshrl.u32 s10, $0x3;
	s21 =	sadd.s32 $0x400, s7  }
0x21: {  	s25 =	sadd.s32 $0x800, s7;
	s14 =	sadd.s32 $0x1000, s7;
	s17 =	sadd.s32 $0x1400, s7  }
0x22: {  	s11 =	sadd.s32 s22, s9;
	s22 =	sadd.s32 s20, s5;
	s5 =	sadd.s32 s1, s19  }
0x23: {  	[dreg:$0xf] =	wrdreg s11;
	s11 =	sshrl.u32 s24, $0x3;
	s24 =	sshrl.u32 s7, $0x3  }
0x24: {  	p0 =	sne.s32 s12, $0x0;
	s9 =	sadd.s32 s11, s9;
	s18 =	sadd.s32 s24, s1  }
0x25: {  	s11 =	sadd.s32 $0xC00, s7;
	[dreg:$0x10] =	wrdreg s9;
	s9 =	sshrl.u32 s16, $0x3  }
0x26: {  	s13 =	sshrl.u32 s11, $0x3;
	s16 =	sshrl.u32 s14, $0x3;
	s11 =	sxor.u32 $0x1, s12  }
0x27: {  	s14 =	smul.u32 $0xC0, s12;
	s9 =	sadd.s32 s9, s4;
	s4 =	sadd.s32 s10, s4  }
0x28: {  	s10 =	sshrl.u32 s25, $0x3;
	s20 =	sadd.s32 s13, s1;
	[dreg:$0x12] =	wrdreg s9  }
0x29: {  	s25 =	sshll.u32 s12, $0x1;
	s8 =	smul.u32 $0x3D0C0, s11;
	[dreg:$0x13] =	wrdreg s4  }
0x2a: {  	s4 =	sshrl.u32 s21, $0x3;
	s19 =	sadd.s32 s10, s1;
	s21 =	sadd.s32 s16, s1  }
0x2b: {  	s9 =	ssub.s32 s6, s25;
	s25 =	simm.s32 $0x0;
	s10 =	sshll.u32 s2, $0x2  }
0x2c: {  	s4 =	sadd.s32 s4, s1;
	[smem:$0x7FF] =	sst s25;
	s13 =	sadd.s32 $0x800, s10  }
0x2d: {  	s16 =	sadd.s32 $0x1000, s10;
	[dreg:$0x14] =	wrdreg s4;
	s4 =	ssub.s32 s22, s23  }
0x2e: {  	s22 =	sshrl.u32 s17, $0x3;
	s23 =	sadd.s32 $0x1800, s7;
	s7 =	sadd.s32 $0x1C00, s7  }
0x2f: {  	s11 =	sand.u32 $0x7FE00, s16;
	s17 =	sand.u32 $0x3FE00, s3;
	s22 =	sadd.s32 s22, s1  }
0x30: {  	s24 =	sshrl.u32 s23, $0x3;
	_ =	strace $0x80000047;
	[dreg:$0x1b] =	wrdreg s0  }
0x31: {  	s7 =	sshrl.u32 s7, $0x3;
	s11 =	sor.u32 s14, s11;
	[dreg:$0x11] =	wrdreg s15  }
0x32: {  	s4 =	sadd.s32 $0x10230, s4;
	[dreg:$0xe] =	wrdreg s26;
	s26 =	sadd.s32 $0x10, s26  }
0x33: {  	s0 =	simm.s32 $0x700;
	[dreg:$0x5] =	wrdreg s12;
	s23 =	sadd.s32 s24, s1  }
0x34: {  	s24 =	sadd.s32 s7, s1;
	s1 =	smul.u32 $0xF430, s9;
	s9 =	sand.u32 $0x7FE00, s13  }
0x35: {  	s7 =	sadd.s32 $0x1800, s10;
	s10 =	sor.u32 s14, s17;
	[dreg:$0x1c] =	wrdreg s4  }
0x36: {  	s13 =	smul.u32 $0x1E86, s6;
	[smem:$0x7FD] =	sst s26;
	s26 =	simm.s32 $0x1  }
0x37: {  	s4 =	simm.s32 $0x2;
	s9 =	sor.u32 s14, s9;
	s7 =	sand.u32 $0x7FE00, s7  }
0x38: {  	s7 =	sor.u32 s14, s7;
	s14 =	sshrl.u32 s8, $0x2;
	s16 =	sadd.s32 $0xF430, s1  }
0x39: {  	v27 =	vlaneseq.u32;
	s17 =	sadd.s32 $0xF630, s1;
	s6 =	sadd.s32 $0x700, s14;
	s8 =	sshrl.u32 s16, $0x3  }
0x3a: {  	v0 =	vmul.u32 $0x6, v27;
	s14 =	sshrl.u32 s17, $0x3;
	s16 =	sadd.s32 $0x600, s9;
	s17 =	sadd.s32 $0x600, s11  }
0x3b: {  	v5 =	vimm.f32 $0.0e+00;
	v8 =	vimm.f32 $1.000000000e+00;
	v27 =	vmul.u32 $0x4, v27;
	s7 =	sadd.s32 $0x600, s7;
	s11 =	sadd.s32 $0xFA30, s1;
	[dreg:$0x15] =	wrdreg s6  }
0x3c: {  	v6 =	vor.u32 $0x1, v0;
	v7 =	vadd.s32 $0x2, v0;
	v9 =	vadd.s32 $0x60, v0;
	s6 =	sshrl.u32 s16, $0x2;
	s9 =	sshrl.u32 s17, $0x2;
	s17 =	sadd.s32 $0x7800, s5  }
0x3d: {  	v10 =	vadd.s32 $0x61, v0;
	v11 =	vadd.s32 $0x62, v0;
	v12 =	vadd.s32 $0xC0, v0;
	s16 =	sadd.s32 $0xFB00, s2;
	s8 =	sadd.s32 s8, s28;
	[dreg:$0x16] =	wrdreg s17  }
0x3e: {  	v13 =	vadd.s32 $0xC1, v0;
	v14 =	vadd.s32 $0xC2, v0;
	s7 =	sshrl.u32 s7, $0x2;
	v4 =	vmov s16;
	s16 =	sadd.s32 $0x7900, s5;
	[dreg:$0x1e] =	wrdreg s8  }
0x3f: {  	v15 =	vadd.s32 $0x120, v0;
	v16 =	vadd.s32 $0x121, v0;
	v3 =	vmov s7;
	s7 =	sadd.s32 $0xF830, s1;
	s17 =	sadd.s32 $0x7980, s5;
	[dreg:$0x18] =	wrdreg s16  }
0x40: {  	v17 =	vadd.s32 $0x122, v0;
	v18 =	vor.u32 $0x180, v0;
	v2 =	vmov s9;
	s9 =	sshrl.u32 s7, $0x3;
	s7 =	sadd.s32 $0x7880, s5;
	[dreg:$0x19] =	wrdreg s17  }
0x41: {  	v19 =	vor.u32 $0x181, v0;
	v20 =	vadd.s32 $0x182, v0;
	v21 =	vadd.s32 $0x1E0, v0;
	s11 =	sshrl.u32 s11, $0x3;
	s5 =	sadd.s32 $0x7A00, s5;
	[dreg:$0x17] =	wrdreg s7  }
0x42: {  	v22 =	vadd.s32 $0x1E1, v0;
	v23 =	vadd.s32 $0x1E2, v0;
	v24 =	vadd.s32 $0x240, v0;
	s1 =	sadd.s32 $0x1E830, s1;
	s17 =	sadd.s32 $0x60, s15;
	[dreg:$0x1a] =	wrdreg s5  }
0x43: {  	v25 =	vadd.s32 $0x241, v0;
	v26 =	vadd.s32 $0x242, v0;
	v1 =	vmov s6;
	s6 =	sadd.s32 $0x1FC0, s3;
	s5 =	sadd.s32 s13, s28;
	[smem:$0x7FC] =	sst s17  }
0x44: {  	v28 =	vadd.s32 $0x2A0, v0;
	v29 =	vadd.s32 $0x2A1, v0;
	v30 =	vadd.s32 $0x2A2, v0;
	s7 =	sadd.s32 $0x600, s10;
	s10 =	sadd.s32 s14, s28;
	[dreg:$0x1d] =	wrdreg s5  }
0x45: {  	v31 =	vor.u32 $0x40, v27;
	v32 =	vor.u32 $0x80, v27;
	v33 =	vor.u32 $0xC0, v27;
	s3 =	simm.s32 $0x8;
	s13 =	sadd.s32 s9, s28;
	[dreg:$0x1f] =	wrdreg s10  }
0x46: {  	v34 =	vor.u32 $0x100, v27;
	v35 =	vor.u32 $0x140, v27;
	v36 =	vor.u32 $0x180, v27;
	s1 =	sshrl.u32 s1, $0x3;
	s14 =	sadd.s32 s11, s28;
	[smem:$0x7F9] =	sst s13  }
0x47: {  	v37 =	vor.u32 $0x1C0, v27;
	v38 =	vor.u32 $0x200, v27;
	v39 =	vor.u32 $0x240, v27;
	s8 =	simm.s32 $0x5;
	s16 =	sadd.s32 s1, s28;
	[smem:$0x7FA] =	sst s14  }
0x48: {  	v40 =	vor.u32 $0x280, v27;
	v41 =	vor.u32 $0x2C0, v27;
	v42 =	vor.u32 $0x300, v27;
	s11 =	simm.s32 $0x1F380;
	[smem:$0x7FB] =	sst s16;
	s16 =	simm.s32 $0x3  }
0x49: {  	v43 =	vor.u32 $0x340, v27;
	v44 =	vor.u32 $0x380, v27;
	v45 =	vor.u32 $0x3C0, v27;
	s5 =	simm.s32 $0x1EF80;
	s14 =	simm.s32 $0x4;
	s10 =	simm.s32 $0x0  }
.LBB2_1:
0x4a: {  	s1 =	rddreg [dreg:$0x11]  }
0x4b: {  	s12 =	rddreg [dreg:$0xe]  }
0x4c: {  	[tilespmem:s25], [sflag:$0x1] =	stream.linear.gather [hbm4b:s1+s25], $0x300, $0x38;
	[tilespmem:$0x1FF80] =	vst v63  }
0x4d: {  	s9 =	simm.s32 $0x600;
	s13 =	sld [smem:$0x7FC]  }
0x4e: {  	[tilespmem:s9], [sflag:$0x1] =	stream.linear.gather [hbm4b:s12+s25], $0x80, $0x38;
	[tilespmem:$0x1FF80] =	vst v63  }
0x4f: {  	s15 =	sld [smem:$0x7FD]  }
0x50: {  	[tilespmem:s30], [sflag:$0x2] =	stream.linear.gather [hbm4b:s13+s25], $0x300, $0x38;
	[tilespmem:$0x1FF80] =	vst v63  }
0x51: {  	s17 =	simm.s32 $0x680;
	s1 =	simm.s32 $0x740  }
0x52: {  	[tilespmem:s17], [sflag:$0x2] =	stream.linear.gather [hbm4b:s15+s25], $0x80, $0x38;
	[tilespmem:$0x1FF80] =	vst v63  }
0x53: {  	[tilespmem:s1+$0xFFFFFFC0] =	vst v5  }
0x54: {  	[tilespmem:s1+$0x30] =	vst v5  }
0x55: {  	[tilespmem:s1+$0x20] =	vst v5  }
0x56: {  	[tilespmem:s1+$0x10] =	vst v5  }
0x57: {  	[tilespmem:s1+$0x0] =	vst v5  }
0x58: {  	[tilespmem:s1+$0xFFFFFFF0] =	vst v5  }
0x59: {  	[smem:$0x7F8] =	sst s10;
	s9 =	simm.s32 $0x0;
	[tilespmem:s1+$0xFFFFFFE0] =	vst v5  }
.LBB2_2:
0x5a: {  	s9 =	sadd.s32 $0x8, s9;
	[tilespmem:s1+$0xFFFFFFD0] =	vst v5;
	s1 =	sadd.s32 $0x80, s1  }
0x5b: {  	[tilespmem:s1+$0xFFFFFFC0] =	vst v5;
	p1 =	slt.u32 s9, $0x1E78  }
0x5c: {  	[tilespmem:s1+$0x30] =	vst v5  }
.Ltmp0:
0x5d: {  	[tilespmem:s1+$0x20] =	vst v5;
	(pc) =	sbr.rel @p1 .LBB2_2-.Ltmp0, $4  }
0x5e: {  	[tilespmem:s1+$0x10] =	vst v5  }
0x5f: {  	[tilespmem:s1+$0x0] =	vst v5  }
0x60: {  	[tilespmem:s1+$0xFFFFFFF0] =	vst v5  }
0x61: {  	[tilespmem:s1+$0xFFFFFFE0] =	vst v5  }
0x62: {  	[tilespmem:s1+$0xFFFFFFD0] =	vst v5  }
0x63: {  	[tilespmem:$0x1EF00] =	vst v5  }
0x64: {  	[tilespmem:$0x1EF10] =	vst v5  }
0x65: {  	[tilespmem:$0x1EF20] =	vst v5  }
0x66: {  	s10 =	rddreg [dreg:$0x13];
	[tilespmem:$0x1EF30] =	vst v5  }
0x67: {  	s13 =	rddreg [dreg:$0x12];
	[tilespmem:$0x1EF40] =	vst v5  }
0x68: {  	s9 =	simm.s32 $0x0;
	s17 =	rddreg [dreg:$0xf];
	[tilespmem:$0x1EF50] =	vst v5  }
.LBB2_4:
0x69: {  	_ =	swait.ge [sflag:s26], $0x300  }
0x6a: {  	[sflag:s26] =	ssyncset.done $0x0  }
0x6b: {  	[sflag:s26] =	ssyncadd.s32 $0xFFFFFD00  }
0x6c: {  	_ =	swait.ge [sflag:s26], $0x80  }
0x6d: {  	[sflag:s26] =	ssyncset.done $0x0  }
0x6e: {  	[sflag:s26] =	ssyncadd.s32 $0xFFFFFF80  }
0x6f: {  	v46 =	vld.idx.msk [tilespmem:v0+s25+$0x0], $0xffff;
	_ =	sdelay $0x1  }
0x70: {  	v47 =	vld.idx.msk [tilespmem:v6+s25+$0x0], $0xffff;
	_ =	sdelay $0x2  }
0x71: {  	v48 =	vld.idx.msk [tilespmem:v7+s25+$0x0], $0xffff;
	v46 =	vadd.f32 $2.000000000e+00, v46;
	_ =	sdelay $0x1  }
0x72: {  	v47 =	vadd.f32 $2.000000000e+00, v47;
	v46 =	vmul.f32 $1.225000000e+01, v46;
	_ =	sdelay $0x1  }
0x73: {  	v47 =	vmul.f32 $1.225000000e+01, v47;
	v46 =	vmax.f32 v46, $0.0e+00  }
0x74: {  	v48 =	vadd.f32 $2.000000000e+00, v48;
	v46 =	vmin.f32 v46, $4.900000000e+01  }
0x75: {  	v47 =	vmax.f32 v47, $0.0e+00;
	v46 =	vtrunc.f32 v46  }
0x76: {  	v48 =	vmul.f32 $1.225000000e+01, v48;
	v47 =	vmin.f32 v47, $4.900000000e+01;
	v46 =	vcvt.f32.s32 v46  }
0x77: {  	v49 =	vld [tilespmem:$0x600];
	v47 =	vtrunc.f32 v47  }
0x78: {  	v48 =	vmax.f32 v48, $0.0e+00;
	v47 =	vcvt.f32.s32 v47;
	v46 =	vmul.u32 $0x32, v46  }
0x79: {  	v48 =	vmin.f32 v48, $4.900000000e+01  }
0x7a: {  	v52 =	vtrunc.f32 v48;
	v46 =	vadd.s32 v47, v46  }
0x7b: {  	v47 =	vcvt.f32.s32 v52;
	v46 =	vmul.u32 $0x32, v46  }
0x7c: {  	vm0 =	vgt.f32 v49, $0.0e+00  }
0x7d: {  	v46 =	vadd.s32 v47, v46;
	_ =	sdelay $0x4  }
0x7e: {  	[tilespmem:v46+s0+$0x0] =	vst.idx.msk vm0, v8  }
0x7f: {  	v46 =	vld.idx.msk [tilespmem:v9+s25+$0x0], $0xffff;
	_ =	sdelay $0x1  }
0x80: {  	v53 =	vld.idx.msk [tilespmem:v10+s25+$0x0], $0xffff;
	_ =	sdelay $0x2  }
0x81: {  	v54 =	vld.idx.msk [tilespmem:v11+s25+$0x0], $0xffff;
	v46 =	vadd.f32 $2.000000000e+00, v46;
	_ =	sdelay $0x1  }
0x82: {  	v47 =	vadd.f32 $2.000000000e+00, v53;
	v46 =	vmul.f32 $1.225000000e+01, v46;
	_ =	sdelay $0x1  }
0x83: {  	v47 =	vmul.f32 $1.225000000e+01, v47;
	v46 =	vmax.f32 v46, $0.0e+00  }
0x84: {  	v48 =	vadd.f32 $2.000000000e+00, v54;
	v46 =	vmin.f32 v46, $4.900000000e+01  }
0x85: {  	v47 =	vmax.f32 v47, $0.0e+00;
	v46 =	vtrunc.f32 v46  }
0x86: {  	v48 =	vmul.f32 $1.225000000e+01, v48;
	v47 =	vmin.f32 v47, $4.900000000e+01;
	v46 =	vcvt.f32.s32 v46  }
0x87: {  	v55 =	vld [tilespmem:$0x610];
	v47 =	vtrunc.f32 v47  }
0x88: {  	v48 =	vmax.f32 v48, $0.0e+00;
	v47 =	vcvt.f32.s32 v47;
	v46 =	vmul.u32 $0x32, v46  }
0x89: {  	v48 =	vmin.f32 v48, $4.900000000e+01  }
0x8a: {  	v56 =	vtrunc.f32 v48;
	v46 =	vadd.s32 v47, v46  }
0x8b: {  	v47 =	vcvt.f32.s32 v56;
	v46 =	vmul.u32 $0x32, v46  }
0x8c: {  	vm13 =	vgt.f32 v55, $0.0e+00  }
0x8d: {  	v46 =	vadd.s32 v47, v46;
	_ =	sdelay $0x4  }
0x8e: {  	[tilespmem:v46+s0+$0x0] =	vst.idx.msk vm13, v8  }
0x8f: {  	v46 =	vld.idx.msk [tilespmem:v12+s25+$0x0], $0xffff;
	_ =	sdelay $0x1  }
0x90: {  	v57 =	vld.idx.msk [tilespmem:v13+s25+$0x0], $0xffff;
	_ =	sdelay $0x2  }
0x91: {  	v58 =	vld.idx.msk [tilespmem:v14+s25+$0x0], $0xffff;
	v46 =	vadd.f32 $2.000000000e+00, v46;
	_ =	sdelay $0x1  }
0x92: {  	v47 =	vadd.f32 $2.000000000e+00, v57;
	v46 =	vmul.f32 $1.225000000e+01, v46;
	_ =	sdelay $0x1  }
0x93: {  	v47 =	vmul.f32 $1.225000000e+01, v47;
	v46 =	vmax.f32 v46, $0.0e+00  }
0x94: {  	v48 =	vadd.f32 $2.000000000e+00, v58;
	v46 =	vmin.f32 v46, $4.900000000e+01  }
0x95: {  	v47 =	vmax.f32 v47, $0.0e+00;
	v46 =	vtrunc.f32 v46  }
0x96: {  	v48 =	vmul.f32 $1.225000000e+01, v48;
	v47 =	vmin.f32 v47, $4.900000000e+01;
	v46 =	vcvt.f32.s32 v46  }
0x97: {  	v59 =	vld [tilespmem:$0x620];
	v47 =	vtrunc.f32 v47  }
0x98: {  	v48 =	vmax.f32 v48, $0.0e+00;
	v47 =	vcvt.f32.s32 v47;
	v46 =	vmul.u32 $0x32, v46  }
0x99: {  	v48 =	vmin.f32 v48, $4.900000000e+01  }
0x9a: {  	v60 =	vtrunc.f32 v48;
	v46 =	vadd.s32 v47, v46  }
0x9b: {  	v47 =	vcvt.f32.s32 v60;
	v46 =	vmul.u32 $0x32, v46  }
0x9c: {  	vm14 =	vgt.f32 v59, $0.0e+00  }
0x9d: {  	v46 =	vadd.s32 v47, v46;
	_ =	sdelay $0x4  }
0x9e: {  	[tilespmem:v46+s0+$0x0] =	vst.idx.msk vm14, v8  }
0x9f: {  	v46 =	vld.idx.msk [tilespmem:v15+s25+$0x0], $0xffff;
	_ =	sdelay $0x1  }
0xa0: {  	v61 =	vld.idx.msk [tilespmem:v16+s25+$0x0], $0xffff;
	_ =	sdelay $0x2  }
0xa1: {  	v62 =	vld.idx.msk [tilespmem:v17+s25+$0x0], $0xffff;
	v46 =	vadd.f32 $2.000000000e+00, v46;
	_ =	sdelay $0x1  }
0xa2: {  	v47 =	vadd.f32 $2.000000000e+00, v61;
	v46 =	vmul.f32 $1.225000000e+01, v46;
	_ =	sdelay $0x1  }
0xa3: {  	v47 =	vmul.f32 $1.225000000e+01, v47;
	v46 =	vmax.f32 v46, $0.0e+00  }
0xa4: {  	v48 =	vadd.f32 $2.000000000e+00, v62;
	v46 =	vmin.f32 v46, $4.900000000e+01  }
0xa5: {  	v47 =	vmax.f32 v47, $0.0e+00;
	v46 =	vtrunc.f32 v46  }
0xa6: {  	v48 =	vmul.f32 $1.225000000e+01, v48;
	v47 =	vmin.f32 v47, $4.900000000e+01;
	v46 =	vcvt.f32.s32 v46  }
0xa7: {  	v63 =	vld [tilespmem:$0x630];
	v47 =	vtrunc.f32 v47  }
0xa8: {  	v48 =	vmax.f32 v48, $0.0e+00;
	v47 =	vcvt.f32.s32 v47;
	v46 =	vmul.u32 $0x32, v46  }
0xa9: {  	v48 =	vmin.f32 v48, $4.900000000e+01  }
0xaa: {  	v52 =	vtrunc.f32 v48;
	v46 =	vadd.s32 v47, v46  }
0xab: {  	v47 =	vcvt.f32.s32 v52;
	v46 =	vmul.u32 $0x32, v46  }
0xac: {  	vm15 =	vgt.f32 v63, $0.0e+00  }
0xad: {  	v46 =	vadd.s32 v47, v46;
	_ =	sdelay $0x4  }
0xae: {  	[tilespmem:v46+s0+$0x0] =	vst.idx.msk vm15, v8  }
0xaf: {  	v46 =	vld.idx.msk [tilespmem:v18+s25+$0x0], $0xffff;
	_ =	sdelay $0x1  }
0xb0: {  	v53 =	vld.idx.msk [tilespmem:v19+s25+$0x0], $0xffff;
	_ =	sdelay $0x2  }
0xb1: {  	v54 =	vld.idx.msk [tilespmem:v20+s25+$0x0], $0xffff;
	v46 =	vadd.f32 $2.000000000e+00, v46;
	_ =	sdelay $0x1  }
0xb2: {  	v47 =	vadd.f32 $2.000000000e+00, v53;
	v46 =	vmul.f32 $1.225000000e+01, v46;
	_ =	sdelay $0x1  }
0xb3: {  	v47 =	vmul.f32 $1.225000000e+01, v47;
	v46 =	vmax.f32 v46, $0.0e+00  }
0xb4: {  	v48 =	vadd.f32 $2.000000000e+00, v54;
	v46 =	vmin.f32 v46, $4.900000000e+01  }
0xb5: {  	v47 =	vmax.f32 v47, $0.0e+00;
	v46 =	vtrunc.f32 v46  }
0xb6: {  	v48 =	vmul.f32 $1.225000000e+01, v48;
	v47 =	vmin.f32 v47, $4.900000000e+01;
	v46 =	vcvt.f32.s32 v46  }
0xb7: {  	v55 =	vld [tilespmem:$0x640];
	v47 =	vtrunc.f32 v47  }
0xb8: {  	v48 =	vmax.f32 v48, $0.0e+00;
	v47 =	vcvt.f32.s32 v47;
	v46 =	vmul.u32 $0x32, v46  }
0xb9: {  	v48 =	vmin.f32 v48, $4.900000000e+01  }
0xba: {  	v56 =	vtrunc.f32 v48;
	v46 =	vadd.s32 v47, v46  }
0xbb: {  	v47 =	vcvt.f32.s32 v56;
	v46 =	vmul.u32 $0x32, v46  }
0xbc: {  	vm4 =	vgt.f32 v55, $0.0e+00  }
0xbd: {  	v46 =	vadd.s32 v47, v46;
	_ =	sdelay $0x4  }
0xbe: {  	[tilespmem:v46+s0+$0x0] =	vst.idx.msk vm4, v8  }
0xbf: {  	v46 =	vld.idx.msk [tilespmem:v21+s25+$0x0], $0xffff;
	_ =	sdelay $0x1  }
0xc0: {  	v57 =	vld.idx.msk [tilespmem:v22+s25+$0x0], $0xffff;
	_ =	sdelay $0x2  }
0xc1: {  	v58 =	vld.idx.msk [tilespmem:v23+s25+$0x0], $0xffff;
	v46 =	vadd.f32 $2.000000000e+00, v46;
	_ =	sdelay $0x1  }
0xc2: {  	v47 =	vadd.f32 $2.000000000e+00, v57;
	v46 =	vmul.f32 $1.225000000e+01, v46;
	_ =	sdelay $0x1  }
0xc3: {  	v47 =	vmul.f32 $1.225000000e+01, v47;
	v46 =	vmax.f32 v46, $0.0e+00  }
0xc4: {  	v48 =	vadd.f32 $2.000000000e+00, v58;
	v46 =	vmin.f32 v46, $4.900000000e+01  }
0xc5: {  	v47 =	vmax.f32 v47, $0.0e+00;
	v46 =	vtrunc.f32 v46  }
0xc6: {  	v48 =	vmul.f32 $1.225000000e+01, v48;
	v47 =	vmin.f32 v47, $4.900000000e+01;
	v46 =	vcvt.f32.s32 v46  }
0xc7: {  	v59 =	vld [tilespmem:$0x650];
	v47 =	vtrunc.f32 v47  }
0xc8: {  	v48 =	vmax.f32 v48, $0.0e+00;
	v47 =	vcvt.f32.s32 v47;
	v46 =	vmul.u32 $0x32, v46  }
0xc9: {  	v48 =	vmin.f32 v48, $4.900000000e+01  }
0xca: {  	v60 =	vtrunc.f32 v48;
	v46 =	vadd.s32 v47, v46  }
0xcb: {  	v47 =	vcvt.f32.s32 v60;
	v46 =	vmul.u32 $0x32, v46  }
0xcc: {  	vm5 =	vgt.f32 v59, $0.0e+00  }
0xcd: {  	v46 =	vadd.s32 v47, v46;
	_ =	sdelay $0x4  }
0xce: {  	[tilespmem:v46+s0+$0x0] =	vst.idx.msk vm5, v8  }
0xcf: {  	v46 =	vld.idx.msk [tilespmem:v24+s25+$0x0], $0xffff;
	_ =	sdelay $0x1  }
0xd0: {  	v61 =	vld.idx.msk [tilespmem:v25+s25+$0x0], $0xffff;
	_ =	sdelay $0x2  }
0xd1: {  	v62 =	vld.idx.msk [tilespmem:v26+s25+$0x0], $0xffff;
	v46 =	vadd.f32 $2.000000000e+00, v46;
	_ =	sdelay $0x1  }
0xd2: {  	v47 =	vadd.f32 $2.000000000e+00, v61;
	v46 =	vmul.f32 $1.225000000e+01, v46;
	_ =	sdelay $0x1  }
0xd3: {  	v47 =	vmul.f32 $1.225000000e+01, v47;
	v46 =	vmax.f32 v46, $0.0e+00  }
0xd4: {  	v48 =	vadd.f32 $2.000000000e+00, v62;
	v46 =	vmin.f32 v46, $4.900000000e+01  }
0xd5: {  	v47 =	vmax.f32 v47, $0.0e+00;
	v46 =	vtrunc.f32 v46  }
0xd6: {  	v48 =	vmul.f32 $1.225000000e+01, v48;
	v47 =	vmin.f32 v47, $4.900000000e+01;
	v46 =	vcvt.f32.s32 v46  }
0xd7: {  	v63 =	vld [tilespmem:$0x660];
	v47 =	vtrunc.f32 v47  }
0xd8: {  	v48 =	vmax.f32 v48, $0.0e+00;
	v47 =	vcvt.f32.s32 v47;
	v46 =	vmul.u32 $0x32, v46  }
0xd9: {  	v48 =	vmin.f32 v48, $4.900000000e+01  }
0xda: {  	v51 =	vtrunc.f32 v48;
	v46 =	vadd.s32 v47, v46  }
0xdb: {  	v47 =	vcvt.f32.s32 v51;
	v46 =	vmul.u32 $0x32, v46  }
0xdc: {  	vm6 =	vgt.f32 v63, $0.0e+00  }
0xdd: {  	v46 =	vadd.s32 v47, v46;
	_ =	sdelay $0x4  }
0xde: {  	[tilespmem:v46+s0+$0x0] =	vst.idx.msk vm6, v8  }
0xdf: {  	v46 =	vld.idx.msk [tilespmem:v28+s25+$0x0], $0xffff;
	_ =	sdelay $0x1  }
0xe0: {  	v52 =	vld.idx.msk [tilespmem:v29+s25+$0x0], $0xffff;
	_ =	sdelay $0x2  }
0xe1: {  	v53 =	vld.idx.msk [tilespmem:v30+s25+$0x0], $0xffff;
	v46 =	vadd.f32 $2.000000000e+00, v46;
	_ =	sdelay $0x1  }
0xe2: {  	v47 =	vadd.f32 $2.000000000e+00, v52;
	v46 =	vmul.f32 $1.225000000e+01, v46;
	_ =	sdelay $0x1  }
0xe3: {  	v47 =	vmul.f32 $1.225000000e+01, v47;
	v46 =	vmax.f32 v46, $0.0e+00  }
0xe4: {  	v48 =	vadd.f32 $2.000000000e+00, v53;
	v46 =	vmin.f32 v46, $4.900000000e+01  }
0xe5: {  	v47 =	vmax.f32 v47, $0.0e+00;
	v46 =	vtrunc.f32 v46  }
0xe6: {  	v48 =	vmul.f32 $1.225000000e+01, v48;
	v47 =	vmin.f32 v47, $4.900000000e+01;
	v46 =	vcvt.f32.s32 v46  }
0xe7: {  	v54 =	vld [tilespmem:$0x670];
	v47 =	vtrunc.f32 v47  }
0xe8: {  	v48 =	vmax.f32 v48, $0.0e+00;
	v47 =	vcvt.f32.s32 v47;
	v46 =	vmul.u32 $0x32, v46  }
0xe9: {  	v48 =	vmin.f32 v48, $4.900000000e+01  }
0xea: {  	v55 =	vtrunc.f32 v48;
	v46 =	vadd.s32 v47, v46  }
0xeb: {  	v47 =	vcvt.f32.s32 v55;
	v46 =	vmul.u32 $0x32, v46  }
0xec: {  	vm7 =	vgt.f32 v54, $0.0e+00  }
0xed: {  	v46 =	vadd.s32 v47, v46;
	_ =	sdelay $0x3  }
0xee: {  	p1 =	seq.s32 s9, $0x1FE0  }
0xef: {  	s1 =	simm.s32 @!p1 $0x0;
	[tilespmem:v46+s0+$0x0] =	vst.idx.msk vm7, v8  }
0xf0: {  	[tilespmem:s1], [sflag:$0x1] =	stream.linear.gather @!p1 [hbm4b:s13+s1], $0x300, $0x38;
	[tilespmem:$0x1FF80] =	vst v63  }
0xf1: {  	s15 =	sadd.s32 @!p1 s9, s17;
	s12 =	simm.s32 @!p1 $0x600  }
0xf2: {  	[tilespmem:s12], [sflag:$0x1] =	stream.linear.gather @!p1 [hbm4b:s15+s1], $0x80, $0x38;
	[tilespmem:$0x1FF80] =	vst v63  }
0xf3: {  	_ =	swait.ge [sflag:s4], $0x300  }
0xf4: {  	[sflag:s4] =	ssyncset.done $0x0  }
0xf5: {  	[sflag:s4] =	ssyncadd.s32 $0xFFFFFD00  }
0xf6: {  	_ =	swait.ge [sflag:s4], $0x80  }
0xf7: {  	[sflag:s4] =	ssyncset.done $0x0  }
0xf8: {  	[sflag:s4] =	ssyncadd.s32 $0xFFFFFF80  }
0xf9: {  	v56 =	vld.idx.msk [tilespmem:v0+s30+$0x0], $0xffff;
	_ =	sdelay $0x1  }
0xfa: {  	v57 =	vld.idx.msk [tilespmem:v6+s30+$0x0], $0xffff;
	_ =	sdelay $0x2  }
0xfb: {  	v58 =	vld.idx.msk [tilespmem:v7+s30+$0x0], $0xffff;
	v46 =	vadd.f32 $2.000000000e+00, v56;
	_ =	sdelay $0x1  }
0xfc: {  	v47 =	vadd.f32 $2.000000000e+00, v57;
	v46 =	vmul.f32 $1.225000000e+01, v46;
	_ =	sdelay $0x1  }
0xfd: {  	v47 =	vmul.f32 $1.225000000e+01, v47;
	v46 =	vmax.f32 v46, $0.0e+00  }
0xfe: {  	v48 =	vadd.f32 $2.000000000e+00, v58;
	v46 =	vmin.f32 v46, $4.900000000e+01  }
0xff: {  	v47 =	vmax.f32 v47, $0.0e+00;
	v46 =	vtrunc.f32 v46  }
0x100: {  	v48 =	vmul.f32 $1.225000000e+01, v48;
	v47 =	vmin.f32 v47, $4.900000000e+01;
	v46 =	vcvt.f32.s32 v46  }
0x101: {  	v59 =	vld [tilespmem:$0x680];
	v47 =	vtrunc.f32 v47  }
0x102: {  	v48 =	vmax.f32 v48, $0.0e+00;
	v47 =	vcvt.f32.s32 v47;
	v46 =	vmul.u32 $0x32, v46  }
0x103: {  	v48 =	vmin.f32 v48, $4.900000000e+01  }
0x104: {  	v60 =	vtrunc.f32 v48;
	v46 =	vadd.s32 v47, v46  }
0x105: {  	v47 =	vcvt.f32.s32 v60;
	v46 =	vmul.u32 $0x32, v46  }
0x106: {  	vm8 =	vgt.f32 v59, $0.0e+00  }
0x107: {  	v46 =	vadd.s32 v47, v46;
	_ =	sdelay $0x4  }
0x108: {  	[tilespmem:v46+s0+$0x0] =	vst.idx.msk vm8, v8  }
0x109: {  	v46 =	vld.idx.msk [tilespmem:v9+s30+$0x0], $0xffff;
	_ =	sdelay $0x1  }
0x10a: {  	v61 =	vld.idx.msk [tilespmem:v10+s30+$0x0], $0xffff;
	_ =	sdelay $0x2  }
0x10b: {  	v62 =	vld.idx.msk [tilespmem:v11+s30+$0x0], $0xffff;
	v46 =	vadd.f32 $2.000000000e+00, v46;
	_ =	sdelay $0x1  }
0x10c: {  	v47 =	vadd.f32 $2.000000000e+00, v61;
	v46 =	vmul.f32 $1.225000000e+01, v46;
	_ =	sdelay $0x1  }
0x10d: {  	v47 =	vmul.f32 $1.225000000e+01, v47;
	v46 =	vmax.f32 v46, $0.0e+00  }
0x10e: {  	v48 =	vadd.f32 $2.000000000e+00, v62;
	v46 =	vmin.f32 v46, $4.900000000e+01  }
0x10f: {  	v47 =	vmax.f32 v47, $0.0e+00;
	v46 =	vtrunc.f32 v46  }
0x110: {  	v48 =	vmul.f32 $1.225000000e+01, v48;
	v47 =	vmin.f32 v47, $4.900000000e+01;
	v46 =	vcvt.f32.s32 v46  }
0x111: {  	v63 =	vld [tilespmem:$0x690];
	v47 =	vtrunc.f32 v47  }
0x112: {  	v48 =	vmax.f32 v48, $0.0e+00;
	v47 =	vcvt.f32.s32 v47;
	v46 =	vmul.u32 $0x32, v46  }
0x113: {  	v48 =	vmin.f32 v48, $4.900000000e+01  }
0x114: {  	v52 =	vtrunc.f32 v48;
	v46 =	vadd.s32 v47, v46  }
0x115: {  	v47 =	vcvt.f32.s32 v52;
	v46 =	vmul.u32 $0x32, v46  }
0x116: {  	vm9 =	vgt.f32 v63, $0.0e+00  }
0x117: {  	v46 =	vadd.s32 v47, v46;
	_ =	sdelay $0x4  }
0x118: {  	[tilespmem:v46+s0+$0x0] =	vst.idx.msk vm9, v8  }
0x119: {  	v46 =	vld.idx.msk [tilespmem:v12+s30+$0x0], $0xffff;
	_ =	sdelay $0x1  }
0x11a: {  	v53 =	vld.idx.msk [tilespmem:v13+s30+$0x0], $0xffff;
	_ =	sdelay $0x2  }
0x11b: {  	v54 =	vld.idx.msk [tilespmem:v14+s30+$0x0], $0xffff;
	v46 =	vadd.f32 $2.000000000e+00, v46;
	_ =	sdelay $0x1  }
0x11c: {  	v47 =	vadd.f32 $2.000000000e+00, v53;
	v46 =	vmul.f32 $1.225000000e+01, v46;
	_ =	sdelay $0x1  }
0x11d: {  	v47 =	vmul.f32 $1.225000000e+01, v47;
	v46 =	vmax.f32 v46, $0.0e+00  }
0x11e: {  	v48 =	vadd.f32 $2.000000000e+00, v54;
	v46 =	vmin.f32 v46, $4.900000000e+01  }
0x11f: {  	v47 =	vmax.f32 v47, $0.0e+00;
	v46 =	vtrunc.f32 v46  }
0x120: {  	v48 =	vmul.f32 $1.225000000e+01, v48;
	v47 =	vmin.f32 v47, $4.900000000e+01;
	v46 =	vcvt.f32.s32 v46  }
0x121: {  	v55 =	vld [tilespmem:$0x6A0];
	v47 =	vtrunc.f32 v47  }
0x122: {  	v48 =	vmax.f32 v48, $0.0e+00;
	v47 =	vcvt.f32.s32 v47;
	v46 =	vmul.u32 $0x32, v46  }
0x123: {  	v48 =	vmin.f32 v48, $4.900000000e+01  }
0x124: {  	v56 =	vtrunc.f32 v48;
	v46 =	vadd.s32 v47, v46  }
0x125: {  	v47 =	vcvt.f32.s32 v56;
	v46 =	vmul.u32 $0x32, v46  }
0x126: {  	vm10 =	vgt.f32 v55, $0.0e+00  }
0x127: {  	v46 =	vadd.s32 v47, v46;
	_ =	sdelay $0x4  }
0x128: {  	[tilespmem:v46+s0+$0x0] =	vst.idx.msk vm10, v8  }
0x129: {  	v46 =	vld.idx.msk [tilespmem:v15+s30+$0x0], $0xffff;
	_ =	sdelay $0x1  }
0x12a: {  	v57 =	vld.idx.msk [tilespmem:v16+s30+$0x0], $0xffff;
	_ =	sdelay $0x2  }
0x12b: {  	v58 =	vld.idx.msk [tilespmem:v17+s30+$0x0], $0xffff;
	v46 =	vadd.f32 $2.000000000e+00, v46;
	_ =	sdelay $0x1  }
0x12c: {  	v47 =	vadd.f32 $2.000000000e+00, v57;
	v46 =	vmul.f32 $1.225000000e+01, v46;
	_ =	sdelay $0x1  }
0x12d: {  	v47 =	vmul.f32 $1.225000000e+01, v47;
	v46 =	vmax.f32 v46, $0.0e+00  }
0x12e: {  	v48 =	vadd.f32 $2.000000000e+00, v58;
	v46 =	vmin.f32 v46, $4.900000000e+01  }
0x12f: {  	v47 =	vmax.f32 v47, $0.0e+00;
	v46 =	vtrunc.f32 v46  }
0x130: {  	v48 =	vmul.f32 $1.225000000e+01, v48;
	v47 =	vmin.f32 v47, $4.900000000e+01;
	v46 =	vcvt.f32.s32 v46  }
0x131: {  	v59 =	vld [tilespmem:$0x6B0];
	v47 =	vtrunc.f32 v47  }
0x132: {  	v48 =	vmax.f32 v48, $0.0e+00;
	v47 =	vcvt.f32.s32 v47;
	v46 =	vmul.u32 $0x32, v46  }
0x133: {  	v48 =	vmin.f32 v48, $4.900000000e+01  }
0x134: {  	v60 =	vtrunc.f32 v48;
	v46 =	vadd.s32 v47, v46  }
0x135: {  	v47 =	vcvt.f32.s32 v60;
	v46 =	vmul.u32 $0x32, v46  }
0x136: {  	vm11 =	vgt.f32 v59, $0.0e+00  }
0x137: {  	v46 =	vadd.s32 v47, v46;
	_ =	sdelay $0x4  }
0x138: {  	[tilespmem:v46+s0+$0x0] =	vst.idx.msk vm11, v8  }
0x139: {  	v46 =	vld.idx.msk [tilespmem:v18+s30+$0x0], $0xffff;
	_ =	sdelay $0x1  }
0x13a: {  	v61 =	vld.idx.msk [tilespmem:v19+s30+$0x0], $0xffff;
	_ =	sdelay $0x2  }
0x13b: {  	v62 =	vld.idx.msk [tilespmem:v20+s30+$0x0], $0xffff;
	v46 =	vadd.f32 $2.000000000e+00, v46;
	_ =	sdelay $0x1  }
0x13c: {  	v47 =	vadd.f32 $2.000000000e+00, v61;
	v46 =	vmul.f32 $1.225000000e+01, v46;
	_ =	sdelay $0x1  }
0x13d: {  	v47 =	vmul.f32 $1.225000000e+01, v47;
	v46 =	vmax.f32 v46, $0.0e+00  }
0x13e: {  	v48 =	vadd.f32 $2.000000000e+00, v62;
	v46 =	vmin.f32 v46, $4.900000000e+01  }
0x13f: {  	v47 =	vmax.f32 v47, $0.0e+00;
	v46 =	vtrunc.f32 v46  }
0x140: {  	v48 =	vmul.f32 $1.225000000e+01, v48;
	v47 =	vmin.f32 v47, $4.900000000e+01;
	v46 =	vcvt.f32.s32 v46  }
0x141: {  	v63 =	vld [tilespmem:$0x6C0];
	v47 =	vtrunc.f32 v47  }
0x142: {  	v48 =	vmax.f32 v48, $0.0e+00;
	v47 =	vcvt.f32.s32 v47;
	v46 =	vmul.u32 $0x32, v46  }
0x143: {  	v48 =	vmin.f32 v48, $4.900000000e+01  }
0x144: {  	v51 =	vtrunc.f32 v48;
	v46 =	vadd.s32 v47, v46  }
0x145: {  	v47 =	vcvt.f32.s32 v51;
	v46 =	vmul.u32 $0x32, v46  }
0x146: {  	vm12 =	vgt.f32 v63, $0.0e+00  }
0x147: {  	v46 =	vadd.s32 v47, v46;
	_ =	sdelay $0x4  }
0x148: {  	[tilespmem:v46+s0+$0x0] =	vst.idx.msk vm12, v8  }
0x149: {  	v46 =	vld.idx.msk [tilespmem:v21+s30+$0x0], $0xffff;
	_ =	sdelay $0x1  }
0x14a: {  	v52 =	vld.idx.msk [tilespmem:v22+s30+$0x0], $0xffff;
	_ =	sdelay $0x2  }
0x14b: {  	v53 =	vld.idx.msk [tilespmem:v23+s30+$0x0], $0xffff;
	v46 =	vadd.f32 $2.000000000e+00, v46;
	_ =	sdelay $0x1  }
0x14c: {  	v47 =	vadd.f32 $2.000000000e+00, v52;
	v46 =	vmul.f32 $1.225000000e+01, v46;
	_ =	sdelay $0x1  }
0x14d: {  	v47 =	vmul.f32 $1.225000000e+01, v47;
	v46 =	vmax.f32 v46, $0.0e+00  }
0x14e: {  	v48 =	vadd.f32 $2.000000000e+00, v53;
	v46 =	vmin.f32 v46, $4.900000000e+01  }
0x14f: {  	v47 =	vmax.f32 v47, $0.0e+00;
	v46 =	vtrunc.f32 v46  }
0x150: {  	v48 =	vmul.f32 $1.225000000e+01, v48;
	v47 =	vmin.f32 v47, $4.900000000e+01;
	v46 =	vcvt.f32.s32 v46  }
0x151: {  	v54 =	vld [tilespmem:$0x6D0];
	v47 =	vtrunc.f32 v47  }
0x152: {  	v48 =	vmax.f32 v48, $0.0e+00;
	v47 =	vcvt.f32.s32 v47;
	v46 =	vmul.u32 $0x32, v46  }
0x153: {  	v48 =	vmin.f32 v48, $4.900000000e+01  }
0x154: {  	v55 =	vtrunc.f32 v48;
	v46 =	vadd.s32 v47, v46  }
0x155: {  	v47 =	vcvt.f32.s32 v55;
	v46 =	vmul.u32 $0x32, v46  }
0x156: {  	vm13 =	vgt.f32 v54, $0.0e+00  }
0x157: {  	v46 =	vadd.s32 v47, v46;
	_ =	sdelay $0x4  }
0x158: {  	[tilespmem:v46+s0+$0x0] =	vst.idx.msk vm13, v8  }
0x159: {  	v46 =	vld.idx.msk [tilespmem:v24+s30+$0x0], $0xffff;
	_ =	sdelay $0x1  }
0x15a: {  	v56 =	vld.idx.msk [tilespmem:v25+s30+$0x0], $0xffff;
	_ =	sdelay $0x2  }
0x15b: {  	v57 =	vld.idx.msk [tilespmem:v26+s30+$0x0], $0xffff;
	v46 =	vadd.f32 $2.000000000e+00, v46;
	_ =	sdelay $0x1  }
0x15c: {  	v47 =	vadd.f32 $2.000000000e+00, v56;
	v46 =	vmul.f32 $1.225000000e+01, v46;
	_ =	sdelay $0x1  }
0x15d: {  	v47 =	vmul.f32 $1.225000000e+01, v47;
	v46 =	vmax.f32 v46, $0.0e+00  }
0x15e: {  	v48 =	vadd.f32 $2.000000000e+00, v57;
	v46 =	vmin.f32 v46, $4.900000000e+01  }
0x15f: {  	v47 =	vmax.f32 v47, $0.0e+00;
	v46 =	vtrunc.f32 v46  }
0x160: {  	v48 =	vmul.f32 $1.225000000e+01, v48;
	v47 =	vmin.f32 v47, $4.900000000e+01;
	v46 =	vcvt.f32.s32 v46  }
0x161: {  	v58 =	vld [tilespmem:$0x6E0];
	v47 =	vtrunc.f32 v47  }
0x162: {  	v48 =	vmax.f32 v48, $0.0e+00;
	v47 =	vcvt.f32.s32 v47;
	v46 =	vmul.u32 $0x32, v46  }
0x163: {  	v48 =	vmin.f32 v48, $4.900000000e+01  }
0x164: {  	v59 =	vtrunc.f32 v48;
	v46 =	vadd.s32 v47, v46  }
0x165: {  	v47 =	vcvt.f32.s32 v59;
	v46 =	vmul.u32 $0x32, v46  }
0x166: {  	vm14 =	vgt.f32 v58, $0.0e+00  }
0x167: {  	v46 =	vadd.s32 v47, v46;
	_ =	sdelay $0x4  }
0x168: {  	[tilespmem:v46+s0+$0x0] =	vst.idx.msk vm14, v8  }
0x169: {  	v46 =	vld.idx.msk [tilespmem:v28+s30+$0x0], $0xffff;
	_ =	sdelay $0x1  }
0x16a: {  	v60 =	vld.idx.msk [tilespmem:v29+s30+$0x0], $0xffff;
	_ =	sdelay $0x2  }
0x16b: {  	v61 =	vld.idx.msk [tilespmem:v30+s30+$0x0], $0xffff;
	v46 =	vadd.f32 $2.000000000e+00, v46;
	_ =	sdelay $0x1  }
0x16c: {  	v47 =	vadd.f32 $2.000000000e+00, v60;
	v46 =	vmul.f32 $1.225000000e+01, v46;
	_ =	sdelay $0x1  }
0x16d: {  	v47 =	vmul.f32 $1.225000000e+01, v47;
	v46 =	vmax.f32 v46, $0.0e+00  }
0x16e: {  	v48 =	vadd.f32 $2.000000000e+00, v61;
	v46 =	vmin.f32 v46, $4.900000000e+01  }
0x16f: {  	v47 =	vmax.f32 v47, $0.0e+00;
	v46 =	vtrunc.f32 v46  }
0x170: {  	v48 =	vmul.f32 $1.225000000e+01, v48;
	v47 =	vmin.f32 v47, $4.900000000e+01;
	v46 =	vcvt.f32.s32 v46  }
0x171: {  	v62 =	vld [tilespmem:$0x6F0];
	v47 =	vtrunc.f32 v47  }
0x172: {  	v48 =	vmax.f32 v48, $0.0e+00;
	v47 =	vcvt.f32.s32 v47;
	v46 =	vmul.u32 $0x32, v46  }
0x173: {  	v48 =	vmin.f32 v48, $4.900000000e+01  }
0x174: {  	v63 =	vtrunc.f32 v48;
	v46 =	vadd.s32 v47, v46  }
0x175: {  	v47 =	vcvt.f32.s32 v63;
	v46 =	vmul.u32 $0x32, v46  }
0x176: {  	vm15 =	vgt.f32 v62, $0.0e+00  }
0x177: {  	v46 =	vadd.s32 v47, v46  }
.Ltmp1:
0x178: {  	_ = 	snop;
	(pc) =	sbr.rel @p1 .LBB2_6-.Ltmp1, $2  }
0x179: {  	_ =	sdelay $0x2  }
0x17a: {  	[tilespmem:v46+s0+$0x0] =	vst.idx.msk vm15, v8  }
.Ltmp2:
0x17b: {  	(pc) =	sbr.rel .LBB2_4-.Ltmp2, $4  }
0x17c: {  	[tilespmem:s30], [sflag:$0x2] =	stream.linear.gather [hbm4b:s10+s25], $0x300, $0x38;
	[tilespmem:$0x1FF80] =	vst v63  }
0x17d: {  	s1 =	rddreg [dreg:$0x10];
	s12 =	simm.s32 $0x680;
	s13 =	sadd.s32 $0xC0, s13  }
0x17e: {  	s10 =	sadd.s32 $0xC0, s10;
	s1 =	sadd.s32 s9, s1;
	s9 =	sadd.s32 $0x20, s9  }
0x17f: {  	[tilespmem:s12], [sflag:$0x2] =	stream.linear.gather [hbm4b:s1+s25], $0x80, $0x38;
	[tilespmem:$0x1FF80] =	vst v63  }
.LBB2_6:
0x180: {  	s1 =	rddreg [dreg:$0x15]  }
0x181: {  	s15 =	simm.s32 $0x0;
	s9 =	rddreg [dreg:$0x1d]  }
0x182: {  	[hbm4b:s9+s15] =	stream.linear.scatter [tilespmem:s1], [sflag:$0x9], $0xF430, $0x38;
	[tilespmem:$0x1FF80] =	vst v63  }
0x183: {  	s9 =	simm.s32 $0x9  }
0x184: {  	_ =	swait.ge [sflag:s9], $0xF430  }
0x185: {  	[sflag:s9] =	ssyncset.done $0x0  }
0x186: {  	[sflag:s9] =	ssyncadd.s32 $0xFFFF0BD0  }
0x187: {  	[bflag:$0x0] =	sbarrier.arrive $0xFFFF  }
0x188: {  	[tilespmem:$0x1EF80] =	vst v5  }
0x189: {  	[tilespmem:$0x1F380] =	vst v5  }
0x18a: {  	[tilespmem:$0x1EF90] =	vst v5  }
0x18b: {  	[tilespmem:$0x1F390] =	vst v5  }
0x18c: {  	[tilespmem:$0x1EFA0] =	vst v5  }
0x18d: {  	[tilespmem:$0x1F3A0] =	vst v5  }
0x18e: {  	[tilespmem:$0x1EFB0] =	vst v5  }
0x18f: {  	[tilespmem:$0x1F3B0] =	vst v5  }
0x190: {  	[tilespmem:$0x1EFC0] =	vst v5  }
0x191: {  	[tilespmem:$0x1F3C0] =	vst v5  }
0x192: {  	[tilespmem:$0x1EFD0] =	vst v5  }
0x193: {  	[tilespmem:$0x1F3D0] =	vst v5  }
0x194: {  	[tilespmem:$0x1EFE0] =	vst v5  }
0x195: {  	[tilespmem:$0x1F3E0] =	vst v5  }
0x196: {  	[tilespmem:$0x1EFF0] =	vst v5  }
0x197: {  	[tilespmem:$0x1F3F0] =	vst v5  }
0x198: {  	[tilespmem:$0x1F000] =	vst v5  }
0x199: {  	[tilespmem:$0x1F400] =	vst v5  }
0x19a: {  	[tilespmem:$0x1F010] =	vst v5  }
0x19b: {  	[tilespmem:$0x1F410] =	vst v5  }
0x19c: {  	[tilespmem:$0x1F020] =	vst v5  }
0x19d: {  	[tilespmem:$0x1F420] =	vst v5  }
0x19e: {  	[tilespmem:$0x1F030] =	vst v5  }
0x19f: {  	[tilespmem:$0x1F430] =	vst v5  }
0x1a0: {  	[tilespmem:$0x1F040] =	vst v5  }
0x1a1: {  	[tilespmem:$0x1F440] =	vst v5  }
0x1a2: {  	[tilespmem:$0x1F050] =	vst v5  }
0x1a3: {  	[tilespmem:$0x1F450] =	vst v5  }
0x1a4: {  	[tilespmem:$0x1F060] =	vst v5  }
0x1a5: {  	[tilespmem:$0x1F460] =	vst v5  }
0x1a6: {  	[tilespmem:$0x1F070] =	vst v5  }
0x1a7: {  	[tilespmem:$0x1F470] =	vst v5  }
0x1a8: {  	[tilespmem:$0x1F080] =	vst v5  }
0x1a9: {  	[tilespmem:$0x1F480] =	vst v5  }
0x1aa: {  	[tilespmem:$0x1F090] =	vst v5  }
0x1ab: {  	[tilespmem:$0x1F490] =	vst v5  }
0x1ac: {  	[tilespmem:$0x1F0A0] =	vst v5  }
0x1ad: {  	[tilespmem:$0x1F4A0] =	vst v5  }
0x1ae: {  	[tilespmem:$0x1F0B0] =	vst v5  }
0x1af: {  	[tilespmem:$0x1F4B0] =	vst v5  }
0x1b0: {  	[tilespmem:$0x1F0C0] =	vst v5  }
0x1b1: {  	[tilespmem:$0x1F4C0] =	vst v5  }
0x1b2: {  	[tilespmem:$0x1F0D0] =	vst v5  }
0x1b3: {  	[tilespmem:$0x1F4D0] =	vst v5  }
0x1b4: {  	[tilespmem:$0x1F0E0] =	vst v5  }
0x1b5: {  	[tilespmem:$0x1F4E0] =	vst v5  }
0x1b6: {  	[tilespmem:$0x1F0F0] =	vst v5  }
0x1b7: {  	[tilespmem:$0x1F4F0] =	vst v5  }
0x1b8: {  	[tilespmem:$0x1F100] =	vst v5  }
0x1b9: {  	[tilespmem:$0x1F500] =	vst v5  }
0x1ba: {  	[tilespmem:$0x1F110] =	vst v5  }
0x1bb: {  	[tilespmem:$0x1F510] =	vst v5  }
0x1bc: {  	[tilespmem:$0x1F120] =	vst v5  }
0x1bd: {  	[tilespmem:$0x1F520] =	vst v5  }
0x1be: {  	[tilespmem:$0x1F130] =	vst v5  }
0x1bf: {  	[tilespmem:$0x1F530] =	vst v5  }
0x1c0: {  	[tilespmem:$0x1F140] =	vst v5  }
0x1c1: {  	[tilespmem:$0x1F540] =	vst v5  }
0x1c2: {  	[tilespmem:$0x1F150] =	vst v5  }
0x1c3: {  	[tilespmem:$0x1F550] =	vst v5  }
0x1c4: {  	[tilespmem:$0x1F160] =	vst v5  }
0x1c5: {  	[tilespmem:$0x1F560] =	vst v5  }
0x1c6: {  	[tilespmem:$0x1F170] =	vst v5  }
0x1c7: {  	[tilespmem:$0x1F570] =	vst v5  }
0x1c8: {  	[tilespmem:$0x1F180] =	vst v5  }
0x1c9: {  	[tilespmem:$0x1F580] =	vst v5  }
0x1ca: {  	[tilespmem:$0x1F190] =	vst v5  }
0x1cb: {  	[tilespmem:$0x1F590] =	vst v5  }
0x1cc: {  	[tilespmem:$0x1F1A0] =	vst v5  }
0x1cd: {  	[tilespmem:$0x1F5A0] =	vst v5  }
0x1ce: {  	[tilespmem:$0x1F1B0] =	vst v5  }
0x1cf: {  	[tilespmem:$0x1F5B0] =	vst v5  }
0x1d0: {  	[tilespmem:$0x1F1C0] =	vst v5  }
0x1d1: {  	[tilespmem:$0x1F5C0] =	vst v5  }
0x1d2: {  	[tilespmem:$0x1F1D0] =	vst v5  }
0x1d3: {  	[tilespmem:$0x1F5D0] =	vst v5  }
0x1d4: {  	[tilespmem:$0x1F1E0] =	vst v5  }
0x1d5: {  	[tilespmem:$0x1F5E0] =	vst v5  }
0x1d6: {  	[tilespmem:$0x1F1F0] =	vst v5  }
0x1d7: {  	[tilespmem:$0x1F5F0] =	vst v5  }
0x1d8: {  	[tilespmem:$0x1F200] =	vst v5  }
0x1d9: {  	[tilespmem:$0x1F600] =	vst v5  }
0x1da: {  	[tilespmem:$0x1F210] =	vst v5  }
0x1db: {  	[tilespmem:$0x1F610] =	vst v5  }
0x1dc: {  	[tilespmem:$0x1F220] =	vst v5  }
0x1dd: {  	[tilespmem:$0x1F620] =	vst v5  }
0x1de: {  	[tilespmem:$0x1F230] =	vst v5  }
0x1df: {  	[tilespmem:$0x1F630] =	vst v5  }
0x1e0: {  	[tilespmem:$0x1F240] =	vst v5  }
0x1e1: {  	[tilespmem:$0x1F640] =	vst v5  }
0x1e2: {  	[tilespmem:$0x1F250] =	vst v5  }
0x1e3: {  	[tilespmem:$0x1F650] =	vst v5  }
0x1e4: {  	[tilespmem:$0x1F260] =	vst v5  }
0x1e5: {  	[tilespmem:$0x1F660] =	vst v5  }
0x1e6: {  	[tilespmem:$0x1F270] =	vst v5  }
0x1e7: {  	[tilespmem:$0x1F670] =	vst v5  }
0x1e8: {  	[tilespmem:$0x1F280] =	vst v5  }
0x1e9: {  	[tilespmem:$0x1F680] =	vst v5  }
0x1ea: {  	[tilespmem:$0x1F290] =	vst v5  }
0x1eb: {  	[tilespmem:$0x1F690] =	vst v5  }
0x1ec: {  	[tilespmem:$0x1F2A0] =	vst v5  }
0x1ed: {  	[tilespmem:$0x1F6A0] =	vst v5  }
0x1ee: {  	[tilespmem:$0x1F2B0] =	vst v5  }
0x1ef: {  	[tilespmem:$0x1F6B0] =	vst v5  }
0x1f0: {  	[tilespmem:$0x1F2C0] =	vst v5  }
0x1f1: {  	[tilespmem:$0x1F6C0] =	vst v5  }
0x1f2: {  	[tilespmem:$0x1F2D0] =	vst v5  }
0x1f3: {  	[tilespmem:$0x1F6D0] =	vst v5  }
0x1f4: {  	[tilespmem:$0x1F2E0] =	vst v5  }
0x1f5: {  	[tilespmem:$0x1F6E0] =	vst v5  }
0x1f6: {  	[tilespmem:$0x1F2F0] =	vst v5  }
0x1f7: {  	[tilespmem:$0x1F6F0] =	vst v5  }
0x1f8: {  	[tilespmem:$0x1F300] =	vst v5  }
0x1f9: {  	[tilespmem:$0x1F700] =	vst v5  }
0x1fa: {  	[tilespmem:$0x1F310] =	vst v5  }
0x1fb: {  	[tilespmem:$0x1F710] =	vst v5  }
0x1fc: {  	[tilespmem:$0x1F320] =	vst v5  }
0x1fd: {  	[tilespmem:$0x1F720] =	vst v5  }
0x1fe: {  	[tilespmem:$0x1F330] =	vst v5  }
0x1ff: {  	[tilespmem:$0x1F730] =	vst v5  }
0x200: {  	[tilespmem:$0x1F340] =	vst v5  }
0x201: {  	[tilespmem:$0x1F740] =	vst v5  }
0x202: {  	[tilespmem:$0x1F350] =	vst v5  }
0x203: {  	[tilespmem:$0x1F750] =	vst v5  }
0x204: {  	[tilespmem:$0x1F360] =	vst v5  }
0x205: {  	[tilespmem:$0x1F760] =	vst v5  }
0x206: {  	[tilespmem:$0x1F370] =	vst v5;
	s10 =	rddreg [dreg:$0x1e]  }
0x207: {  	s12 =	simm.s32 $0x1F780;
	[tilespmem:$0x1F770] =	vst v5;
	s13 =	rddreg [dreg:$0x1f]  }
0x208: {  	[tilespmem:s12], [sflag:$0x3] =	stream.linear.gather [hbm4b:s10+s15], $0x200, $0x38;
	[tilespmem:$0x1FF80] =	vst v63  }
0x209: {  	s17 =	simm.s32 $0x1F980;
	s10 =	sld [smem:$0x7F9]  }
0x20a: {  	[tilespmem:s17], [sflag:$0x4] =	stream.linear.gather [hbm4b:s13+s15], $0x200, $0x38;
	[tilespmem:$0x1FF80] =	vst v63  }
0x20b: {  	s12 =	simm.s32 $0x1FB80;
	s13 =	sld [smem:$0x7FA]  }
0x20c: {  	[tilespmem:s12], [sflag:$0x5] =	stream.linear.gather [hbm4b:s10+s15], $0x200, $0x38;
	[tilespmem:$0x1FF80] =	vst v63  }
0x20d: {  	s9 =	rddreg [dreg:$0x1c];
	s17 =	simm.s32 $0x1FD80;
	s10 =	simm.s32 $0x700  }
0x20e: {  	[tilespmem:s17], [sflag:$0x6] =	stream.linear.gather [hbm4b:s13+s15], $0x200, $0x38;
	[tilespmem:$0x1FF80] =	vst v63  }
.LBB2_7:
0x20f: {  	_ =	swait.ge [sflag:s16], $0x200  }
0x210: {  	p1 =	seq.s32 s15, $0x0;
	[sflag:s16] =	ssyncset.done $0x0  }
0x211: {  	s1 =	simm.s32 @!p1 $0x7;
	[sflag:s16] =	ssyncadd.s32 $0xFFFFFE00  }
0x212: {  	_ =	swait.ge @!p1 [sflag:s1], $0x400  }
0x213: {  	s12 =	sshrl.u32 s7, $0x2;
	[sflag:s1] =	ssyncset.done @!p1 $0x0  }
0x214: {  	[sflag:s1] =	ssyncadd.s32 @!p1 $0xFFFFFC00;
	s1 =	sadd.s32 s12, s10  }
0x215: {  	v46 =	vld [tilespmem:s1+$0xFFFFFE80]  }
0x216: {  	v47 =	vld [tilespmem:$0x1F780];
	_ =	sdelay $0x4  }
0x217: {  	s13 =	sshrl.u32 s6, $0x2;
	v46 =	vmax.f32 v46, v47  }
0x218: {  	s13 =	sadd.s32 s13, s10;
	[tilespmem:v27+s5+$0x0] =	vst.idx.msk $0xffff, v46  }
0x219: {  	v46 =	vld [tilespmem:s13+$0xFFFFF820]  }
0x21a: {  	v58 =	vld [tilespmem:$0x1F790];
	_ =	sdelay $0x4  }
0x21b: {  	v46 =	vmax.f32 v46, v58  }
0x21c: {  	[tilespmem:v31+s5+$0x0] =	vst.idx.msk $0xffff, v46  }
0x21d: {  	v46 =	vld [tilespmem:s13+$0xFFFFF830]  }
0x21e: {  	v59 =	vld [tilespmem:$0x1F7A0];
	_ =	sdelay $0x4  }
0x21f: {  	v46 =	vmax.f32 v46, v59  }
0x220: {  	[tilespmem:v32+s5+$0x0] =	vst.idx.msk $0xffff, v46  }
0x221: {  	v46 =	vld [tilespmem:s13+$0xFFFFF840]  }
0x222: {  	v60 =	vld [tilespmem:$0x1F7B0];
	_ =	sdelay $0x4  }
0x223: {  	v46 =	vmax.f32 v46, v60  }
0x224: {  	[tilespmem:v33+s5+$0x0] =	vst.idx.msk $0xffff, v46  }
0x225: {  	v46 =	vld [tilespmem:s13+$0xFFFFF850]  }
0x226: {  	v61 =	vld [tilespmem:$0x1F7C0];
	_ =	sdelay $0x4  }
0x227: {  	v46 =	vmax.f32 v46, v61  }
0x228: {  	[tilespmem:v34+s5+$0x0] =	vst.idx.msk $0xffff, v46  }
0x229: {  	v46 =	vld [tilespmem:s13+$0xFFFFF860]  }
0x22a: {  	v62 =	vld [tilespmem:$0x1F7D0];
	_ =	sdelay $0x4  }
0x22b: {  	v46 =	vmax.f32 v46, v62  }
0x22c: {  	[tilespmem:v35+s5+$0x0] =	vst.idx.msk $0xffff, v46  }
0x22d: {  	v46 =	vld [tilespmem:s13+$0xFFFFF870]  }
0x22e: {  	v63 =	vld [tilespmem:$0x1F7E0];
	_ =	sdelay $0x4  }
0x22f: {  	v46 =	vmax.f32 v46, v63  }
0x230: {  	[tilespmem:v36+s5+$0x0] =	vst.idx.msk $0xffff, v46  }
0x231: {  	v46 =	vld [tilespmem:s13+$0xFFFFF880]  }
0x232: {  	v48 =	vld [tilespmem:$0x1F7F0];
	_ =	sdelay $0x4  }
0x233: {  	v46 =	vmax.f32 v46, v48  }
0x234: {  	[tilespmem:v37+s5+$0x0] =	vst.idx.msk $0xffff, v46  }
0x235: {  	v46 =	vld [tilespmem:s1+$0xFFFFFF00]  }
0x236: {  	v49 =	vld [tilespmem:$0x1F800];
	_ =	sdelay $0x4  }
0x237: {  	v46 =	vmax.f32 v46, v49  }
0x238: {  	[tilespmem:v38+s5+$0x0] =	vst.idx.msk $0xffff, v46  }
0x239: {  	v46 =	vld [tilespmem:s13+$0xFFFFF8A0]  }
0x23a: {  	v50 =	vld [tilespmem:$0x1F810];
	_ =	sdelay $0x4  }
0x23b: {  	v46 =	vmax.f32 v46, v50  }
0x23c: {  	[tilespmem:v39+s5+$0x0] =	vst.idx.msk $0xffff, v46  }
0x23d: {  	v46 =	vld [tilespmem:s13+$0xFFFFF8B0]  }
0x23e: {  	v51 =	vld [tilespmem:$0x1F820];
	_ =	sdelay $0x4  }
0x23f: {  	v46 =	vmax.f32 v46, v51  }
0x240: {  	[tilespmem:v40+s5+$0x0] =	vst.idx.msk $0xffff, v46  }
0x241: {  	v46 =	vld [tilespmem:s13+$0xFFFFF8C0]  }
0x242: {  	v52 =	vld [tilespmem:$0x1F830];
	_ =	sdelay $0x4  }
0x243: {  	v46 =	vmax.f32 v46, v52  }
0x244: {  	[tilespmem:v41+s5+$0x0] =	vst.idx.msk $0xffff, v46  }
0x245: {  	v46 =	vld [tilespmem:s13+$0xFFFFF8D0]  }
0x246: {  	v53 =	vld [tilespmem:$0x1F840];
	_ =	sdelay $0x4  }
0x247: {  	v46 =	vmax.f32 v46, v53  }
0x248: {  	[tilespmem:v42+s5+$0x0] =	vst.idx.msk $0xffff, v46  }
0x249: {  	v46 =	vld [tilespmem:s13+$0xFFFFF8E0]  }
0x24a: {  	v54 =	vld [tilespmem:$0x1F850];
	_ =	sdelay $0x4  }
0x24b: {  	v46 =	vmax.f32 v46, v54  }
0x24c: {  	[tilespmem:v43+s5+$0x0] =	vst.idx.msk $0xffff, v46  }
0x24d: {  	v46 =	vld [tilespmem:s13+$0xFFFFF8F0]  }
0x24e: {  	v55 =	vld [tilespmem:$0x1F860];
	_ =	sdelay $0x4  }
0x24f: {  	v46 =	vmax.f32 v46, v55  }
0x250: {  	[tilespmem:v44+s5+$0x0] =	vst.idx.msk $0xffff, v46  }
0x251: {  	v46 =	vld [tilespmem:s13+$0xFFFFF900]  }
0x252: {  	v56 =	vld [tilespmem:$0x1F870];
	_ =	sdelay $0x4  }
0x253: {  	v46 =	vmax.f32 v46, v56  }
0x254: {  	s17 =	sadd.s32 s15, s18;
	s12 =	simm.s32 @!p1 $0x8;
	[tilespmem:v45+s5+$0x0] =	vst.idx.msk $0xffff, v46  }
0x255: {  	[hbm4b:s17+s25] =	stream.linear.scatter [tilespmem:s5], [sflag:$0x7], $0x400, $0x38;
	[tilespmem:$0x1FF80] =	vst v63  }
0x256: {  	_ =	swait.ge @!p1 [sflag:s12], $0x400  }
0x257: {  	[sflag:s12] =	ssyncset.done @!p1 $0x0  }
0x258: {  	[sflag:s12] =	ssyncadd.s32 @!p1 $0xFFFFFC00  }
0x259: {  	v57 =	vld [tilespmem:s1+$0xFFFFFF80]  }
0x25a: {  	v58 =	vld [tilespmem:$0x1F880];
	_ =	sdelay $0x4  }
0x25b: {  	v46 =	vmax.f32 v57, v58  }
0x25c: {  	[tilespmem:v27+s11+$0x0] =	vst.idx.msk $0xffff, v46  }
0x25d: {  	v46 =	vld [tilespmem:s13+$0xFFFFF920]  }
0x25e: {  	v59 =	vld [tilespmem:$0x1F890];
	_ =	sdelay $0x4  }
0x25f: {  	v46 =	vmax.f32 v46, v59  }
0x260: {  	[tilespmem:v31+s11+$0x0] =	vst.idx.msk $0xffff, v46  }
0x261: {  	v46 =	vld [tilespmem:s13+$0xFFFFF930]  }
0x262: {  	v60 =	vld [tilespmem:$0x1F8A0];
	_ =	sdelay $0x4  }
0x263: {  	v46 =	vmax.f32 v46, v60  }
0x264: {  	[tilespmem:v32+s11+$0x0] =	vst.idx.msk $0xffff, v46  }
0x265: {  	v46 =	vld [tilespmem:s13+$0xFFFFF940]  }
0x266: {  	v61 =	vld [tilespmem:$0x1F8B0];
	_ =	sdelay $0x4  }
0x267: {  	v46 =	vmax.f32 v46, v61  }
0x268: {  	[tilespmem:v33+s11+$0x0] =	vst.idx.msk $0xffff, v46  }
0x269: {  	v46 =	vld [tilespmem:s13+$0xFFFFF950]  }
0x26a: {  	v62 =	vld [tilespmem:$0x1F8C0];
	_ =	sdelay $0x4  }
0x26b: {  	v46 =	vmax.f32 v46, v62  }
0x26c: {  	[tilespmem:v34+s11+$0x0] =	vst.idx.msk $0xffff, v46  }
0x26d: {  	v46 =	vld [tilespmem:s13+$0xFFFFF960]  }
0x26e: {  	v63 =	vld [tilespmem:$0x1F8D0];
	_ =	sdelay $0x4  }
0x26f: {  	v46 =	vmax.f32 v46, v63  }
0x270: {  	[tilespmem:v35+s11+$0x0] =	vst.idx.msk $0xffff, v46  }
0x271: {  	v46 =	vld [tilespmem:s13+$0xFFFFF970]  }
0x272: {  	v48 =	vld [tilespmem:$0x1F8E0];
	_ =	sdelay $0x4  }
0x273: {  	v46 =	vmax.f32 v46, v48  }
0x274: {  	[tilespmem:v36+s11+$0x0] =	vst.idx.msk $0xffff, v46  }
0x275: {  	v46 =	vld [tilespmem:s13+$0xFFFFF980]  }
0x276: {  	v49 =	vld [tilespmem:$0x1F8F0];
	_ =	sdelay $0x4  }
0x277: {  	v46 =	vmax.f32 v46, v49  }
0x278: {  	[tilespmem:v37+s11+$0x0] =	vst.idx.msk $0xffff, v46  }
0x279: {  	v46 =	vld [tilespmem:s1+$0x0]  }
0x27a: {  	v50 =	vld [tilespmem:$0x1F900];
	_ =	sdelay $0x4  }
0x27b: {  	v46 =	vmax.f32 v46, v50  }
0x27c: {  	[tilespmem:v38+s11+$0x0] =	vst.idx.msk $0xffff, v46  }
0x27d: {  	v46 =	vld [tilespmem:s13+$0xFFFFF9A0]  }
0x27e: {  	v51 =	vld [tilespmem:$0x1F910];
	_ =	sdelay $0x4  }
0x27f: {  	v46 =	vmax.f32 v46, v51  }
0x280: {  	[tilespmem:v39+s11+$0x0] =	vst.idx.msk $0xffff, v46  }
0x281: {  	v46 =	vld [tilespmem:s13+$0xFFFFF9B0]  }
0x282: {  	v52 =	vld [tilespmem:$0x1F920];
	_ =	sdelay $0x4  }
0x283: {  	v46 =	vmax.f32 v46, v52  }
0x284: {  	[tilespmem:v40+s11+$0x0] =	vst.idx.msk $0xffff, v46  }
0x285: {  	v46 =	vld [tilespmem:s13+$0xFFFFF9C0]  }
0x286: {  	v53 =	vld [tilespmem:$0x1F930];
	_ =	sdelay $0x4  }
0x287: {  	v46 =	vmax.f32 v46, v53  }
0x288: {  	[tilespmem:v41+s11+$0x0] =	vst.idx.msk $0xffff, v46  }
0x289: {  	v46 =	vld [tilespmem:s13+$0xFFFFF9D0]  }
0x28a: {  	v54 =	vld [tilespmem:$0x1F940];
	_ =	sdelay $0x4  }
0x28b: {  	v46 =	vmax.f32 v46, v54  }
0x28c: {  	[tilespmem:v42+s11+$0x0] =	vst.idx.msk $0xffff, v46  }
0x28d: {  	v46 =	vld [tilespmem:s13+$0xFFFFF9E0]  }
0x28e: {  	v55 =	vld [tilespmem:$0x1F950];
	_ =	sdelay $0x4  }
0x28f: {  	v46 =	vmax.f32 v46, v55  }
0x290: {  	[tilespmem:v43+s11+$0x0] =	vst.idx.msk $0xffff, v46  }
0x291: {  	v46 =	vld [tilespmem:s13+$0xFFFFF9F0]  }
0x292: {  	v56 =	vld [tilespmem:$0x1F960];
	_ =	sdelay $0x4  }
0x293: {  	v46 =	vmax.f32 v46, v56  }
0x294: {  	[tilespmem:v44+s11+$0x0] =	vst.idx.msk $0xffff, v46  }
0x295: {  	v46 =	vld [tilespmem:s13+$0xFFFFFA00]  }
0x296: {  	v57 =	vld [tilespmem:$0x1F970];
	_ =	sdelay $0x4  }
0x297: {  	s17 =	rddreg [dreg:$0x14];
	v46 =	vmax.f32 v46, v57  }
0x298: {  	s12 =	sadd.s32 $0xFFFFFA00, s9;
	s1 =	sadd.s32 s15, s17;
	[tilespmem:v45+s11+$0x0] =	vst.idx.msk $0xffff, v46  }
0x299: {  	[hbm4b:s1+s25] =	stream.linear.scatter [tilespmem:s11], [sflag:$0x8], $0x400, $0x38;
	[tilespmem:$0x1FF80] =	vst v63  }
0x29a: {  	s1 =	sshrl.u32 s12, $0x3  }
0x29b: {  	s17 =	simm.s32 $0x1F780;
	s1 =	sadd.s32 s28, s1  }
0x29c: {  	[tilespmem:s17], [sflag:$0x3] =	stream.linear.gather [hbm4b:s1+s25], $0x200, $0x38;
	[tilespmem:$0x1FF80] =	vst v63  }
0x29d: {  	_ =	swait.ge [sflag:s14], $0x200  }
0x29e: {  	[sflag:s14] =	ssyncset.done $0x0  }
0x29f: {  	[sflag:s14] =	ssyncadd.s32 $0xFFFFFE00  }
0x2a0: {  	_ =	swait.ge [sflag:s29], $0x400  }
0x2a1: {  	[sflag:s29] =	ssyncset.done $0x0  }
0x2a2: {  	[sflag:s29] =	ssyncadd.s32 $0xFFFFFC00  }
0x2a3: {  	v58 =	vld.idx.msk [tilespmem:v1+s10+$0xFFFFFE80 ss:$0x1], $0xffff  }
0x2a4: {  	v59 =	vld [tilespmem:$0x1F980];
	_ =	sdelay $0x4  }
0x2a5: {  	v46 =	vmax.f32 v58, v59  }
0x2a6: {  	[tilespmem:v27+s5+$0x0] =	vst.idx.msk $0xffff, v46  }
0x2a7: {  	v46 =	vld [tilespmem:s13+$0xFFFFFA20]  }
0x2a8: {  	v60 =	vld [tilespmem:$0x1F990];
	_ =	sdelay $0x4  }
0x2a9: {  	v46 =	vmax.f32 v46, v60  }
0x2aa: {  	[tilespmem:v31+s5+$0x0] =	vst.idx.msk $0xffff, v46  }
0x2ab: {  	v46 =	vld [tilespmem:s13+$0xFFFFFA30]  }
0x2ac: {  	v61 =	vld [tilespmem:$0x1F9A0];
	_ =	sdelay $0x4  }
0x2ad: {  	v46 =	vmax.f32 v46, v61  }
0x2ae: {  	[tilespmem:v32+s5+$0x0] =	vst.idx.msk $0xffff, v46  }
0x2af: {  	v46 =	vld [tilespmem:s13+$0xFFFFFA40]  }
0x2b0: {  	v62 =	vld [tilespmem:$0x1F9B0];
	_ =	sdelay $0x4  }
0x2b1: {  	v46 =	vmax.f32 v46, v62  }
0x2b2: {  	[tilespmem:v33+s5+$0x0] =	vst.idx.msk $0xffff, v46  }
0x2b3: {  	v46 =	vld [tilespmem:s13+$0xFFFFFA50]  }
0x2b4: {  	v63 =	vld [tilespmem:$0x1F9C0];
	_ =	sdelay $0x4  }
0x2b5: {  	v46 =	vmax.f32 v46, v63  }
0x2b6: {  	[tilespmem:v34+s5+$0x0] =	vst.idx.msk $0xffff, v46  }
0x2b7: {  	v46 =	vld [tilespmem:s13+$0xFFFFFA60]  }
0x2b8: {  	v48 =	vld [tilespmem:$0x1F9D0];
	_ =	sdelay $0x4  }
0x2b9: {  	v46 =	vmax.f32 v46, v48  }
0x2ba: {  	[tilespmem:v35+s5+$0x0] =	vst.idx.msk $0xffff, v46  }
0x2bb: {  	v46 =	vld [tilespmem:s13+$0xFFFFFA70]  }
0x2bc: {  	v49 =	vld [tilespmem:$0x1F9E0];
	_ =	sdelay $0x4  }
0x2bd: {  	v46 =	vmax.f32 v46, v49  }
0x2be: {  	[tilespmem:v36+s5+$0x0] =	vst.idx.msk $0xffff, v46  }
0x2bf: {  	v46 =	vld [tilespmem:s13+$0xFFFFFA80]  }
0x2c0: {  	v50 =	vld [tilespmem:$0x1F9F0];
	_ =	sdelay $0x4  }
0x2c1: {  	v46 =	vmax.f32 v46, v50  }
0x2c2: {  	[tilespmem:v37+s5+$0x0] =	vst.idx.msk $0xffff, v46  }
0x2c3: {  	v46 =	vld.idx.msk [tilespmem:v1+s10+$0xFFFFFF00 ss:$0x1], $0xffff  }
0x2c4: {  	v51 =	vld [tilespmem:$0x1FA00];
	_ =	sdelay $0x4  }
0x2c5: {  	v46 =	vmax.f32 v46, v51  }
0x2c6: {  	[tilespmem:v38+s5+$0x0] =	vst.idx.msk $0xffff, v46  }
0x2c7: {  	v46 =	vld [tilespmem:s13+$0xFFFFFAA0]  }
0x2c8: {  	v52 =	vld [tilespmem:$0x1FA10];
	_ =	sdelay $0x4  }
0x2c9: {  	v46 =	vmax.f32 v46, v52  }
0x2ca: {  	[tilespmem:v39+s5+$0x0] =	vst.idx.msk $0xffff, v46  }
0x2cb: {  	v46 =	vld [tilespmem:s13+$0xFFFFFAB0]  }
0x2cc: {  	v53 =	vld [tilespmem:$0x1FA20];
	_ =	sdelay $0x4  }
0x2cd: {  	v46 =	vmax.f32 v46, v53  }
0x2ce: {  	[tilespmem:v40+s5+$0x0] =	vst.idx.msk $0xffff, v46  }
0x2cf: {  	v46 =	vld [tilespmem:s13+$0xFFFFFAC0]  }
0x2d0: {  	v54 =	vld [tilespmem:$0x1FA30];
	_ =	sdelay $0x4  }
0x2d1: {  	v46 =	vmax.f32 v46, v54  }
0x2d2: {  	[tilespmem:v41+s5+$0x0] =	vst.idx.msk $0xffff, v46  }
0x2d3: {  	v46 =	vld [tilespmem:s13+$0xFFFFFAD0]  }
0x2d4: {  	v55 =	vld [tilespmem:$0x1FA40];
	_ =	sdelay $0x4  }
0x2d5: {  	v46 =	vmax.f32 v46, v55  }
0x2d6: {  	[tilespmem:v42+s5+$0x0] =	vst.idx.msk $0xffff, v46  }
0x2d7: {  	v46 =	vld [tilespmem:s13+$0xFFFFFAE0]  }
0x2d8: {  	v56 =	vld [tilespmem:$0x1FA50];
	_ =	sdelay $0x4  }
0x2d9: {  	v46 =	vmax.f32 v46, v56  }
0x2da: {  	[tilespmem:v43+s5+$0x0] =	vst.idx.msk $0xffff, v46  }
0x2db: {  	v46 =	vld [tilespmem:s13+$0xFFFFFAF0]  }
0x2dc: {  	v57 =	vld [tilespmem:$0x1FA60];
	_ =	sdelay $0x4  }
0x2dd: {  	v46 =	vmax.f32 v46, v57  }
0x2de: {  	[tilespmem:v44+s5+$0x0] =	vst.idx.msk $0xffff, v46  }
0x2df: {  	v46 =	vld [tilespmem:s13+$0xFFFFFB00]  }
0x2e0: {  	v58 =	vld [tilespmem:$0x1FA70];
	_ =	sdelay $0x4  }
0x2e1: {  	v46 =	vmax.f32 v46, v58  }
0x2e2: {  	s12 =	sadd.s32 s15, s19;
	[tilespmem:v45+s5+$0x0] =	vst.idx.msk $0xffff, v46  }
0x2e3: {  	[hbm4b:s12+s25] =	stream.linear.scatter [tilespmem:s5], [sflag:$0x7], $0x400, $0x38;
	[tilespmem:$0x1FF80] =	vst v63  }
0x2e4: {  	_ =	swait.ge [sflag:s3], $0x400  }
0x2e5: {  	[sflag:s3] =	ssyncset.done $0x0  }
0x2e6: {  	[sflag:s3] =	ssyncadd.s32 $0xFFFFFC00  }
0x2e7: {  	v59 =	vld.idx.msk [tilespmem:v1+s10+$0xFFFFFF80 ss:$0x1], $0xffff  }
0x2e8: {  	v60 =	vld [tilespmem:$0x1FA80];
	_ =	sdelay $0x4  }
0x2e9: {  	v46 =	vmax.f32 v59, v60  }
0x2ea: {  	[tilespmem:v27+s11+$0x0] =	vst.idx.msk $0xffff, v46  }
0x2eb: {  	v46 =	vld [tilespmem:s13+$0xFFFFFB20]  }
0x2ec: {  	v61 =	vld [tilespmem:$0x1FA90];
	_ =	sdelay $0x4  }
0x2ed: {  	v46 =	vmax.f32 v46, v61  }
0x2ee: {  	[tilespmem:v31+s11+$0x0] =	vst.idx.msk $0xffff, v46  }
0x2ef: {  	v46 =	vld [tilespmem:s13+$0xFFFFFB30]  }
0x2f0: {  	v62 =	vld [tilespmem:$0x1FAA0];
	_ =	sdelay $0x4  }
0x2f1: {  	v46 =	vmax.f32 v46, v62  }
0x2f2: {  	[tilespmem:v32+s11+$0x0] =	vst.idx.msk $0xffff, v46  }
0x2f3: {  	v46 =	vld [tilespmem:s13+$0xFFFFFB40]  }
0x2f4: {  	v63 =	vld [tilespmem:$0x1FAB0];
	_ =	sdelay $0x4  }
0x2f5: {  	v46 =	vmax.f32 v46, v63  }
0x2f6: {  	[tilespmem:v33+s11+$0x0] =	vst.idx.msk $0xffff, v46  }
0x2f7: {  	v46 =	vld [tilespmem:s13+$0xFFFFFB50]  }
0x2f8: {  	v48 =	vld [tilespmem:$0x1FAC0];
	_ =	sdelay $0x4  }
0x2f9: {  	v46 =	vmax.f32 v46, v48  }
0x2fa: {  	[tilespmem:v34+s11+$0x0] =	vst.idx.msk $0xffff, v46  }
0x2fb: {  	v46 =	vld [tilespmem:s13+$0xFFFFFB60]  }
0x2fc: {  	v49 =	vld [tilespmem:$0x1FAD0];
	_ =	sdelay $0x4  }
0x2fd: {  	v46 =	vmax.f32 v46, v49  }
0x2fe: {  	[tilespmem:v35+s11+$0x0] =	vst.idx.msk $0xffff, v46  }
0x2ff: {  	v46 =	vld [tilespmem:s13+$0xFFFFFB70]  }
0x300: {  	v50 =	vld [tilespmem:$0x1FAE0];
	_ =	sdelay $0x4  }
0x301: {  	v46 =	vmax.f32 v46, v50  }
0x302: {  	[tilespmem:v36+s11+$0x0] =	vst.idx.msk $0xffff, v46  }
0x303: {  	v46 =	vld [tilespmem:s13+$0xFFFFFB80]  }
0x304: {  	v51 =	vld [tilespmem:$0x1FAF0];
	_ =	sdelay $0x4  }
0x305: {  	v46 =	vmax.f32 v46, v51  }
0x306: {  	[tilespmem:v37+s11+$0x0] =	vst.idx.msk $0xffff, v46  }
0x307: {  	v46 =	vld.idx.msk [tilespmem:v1+s10+$0x0 ss:$0x1], $0xffff  }
0x308: {  	v52 =	vld [tilespmem:$0x1FB00];
	_ =	sdelay $0x4  }
0x309: {  	v46 =	vmax.f32 v46, v52  }
0x30a: {  	[tilespmem:v38+s11+$0x0] =	vst.idx.msk $0xffff, v46  }
0x30b: {  	v46 =	vld [tilespmem:s13+$0xFFFFFBA0]  }
0x30c: {  	v53 =	vld [tilespmem:$0x1FB10];
	_ =	sdelay $0x4  }
0x30d: {  	v46 =	vmax.f32 v46, v53  }
0x30e: {  	[tilespmem:v39+s11+$0x0] =	vst.idx.msk $0xffff, v46  }
0x30f: {  	v46 =	vld [tilespmem:s13+$0xFFFFFBB0]  }
0x310: {  	v54 =	vld [tilespmem:$0x1FB20];
	_ =	sdelay $0x4  }
0x311: {  	v46 =	vmax.f32 v46, v54  }
0x312: {  	[tilespmem:v40+s11+$0x0] =	vst.idx.msk $0xffff, v46  }
0x313: {  	v46 =	vld [tilespmem:s13+$0xFFFFFBC0]  }
0x314: {  	v55 =	vld [tilespmem:$0x1FB30];
	_ =	sdelay $0x4  }
0x315: {  	v46 =	vmax.f32 v46, v55  }
0x316: {  	[tilespmem:v41+s11+$0x0] =	vst.idx.msk $0xffff, v46  }
0x317: {  	v46 =	vld [tilespmem:s13+$0xFFFFFBD0]  }
0x318: {  	v56 =	vld [tilespmem:$0x1FB40];
	_ =	sdelay $0x4  }
0x319: {  	v46 =	vmax.f32 v46, v56  }
0x31a: {  	[tilespmem:v42+s11+$0x0] =	vst.idx.msk $0xffff, v46  }
0x31b: {  	v46 =	vld [tilespmem:s13+$0xFFFFFBE0]  }
0x31c: {  	v57 =	vld [tilespmem:$0x1FB50];
	_ =	sdelay $0x4  }
0x31d: {  	v46 =	vmax.f32 v46, v57  }
0x31e: {  	[tilespmem:v43+s11+$0x0] =	vst.idx.msk $0xffff, v46  }
0x31f: {  	v46 =	vld [tilespmem:s13+$0xFFFFFBF0]  }
0x320: {  	v58 =	vld [tilespmem:$0x1FB60];
	_ =	sdelay $0x4  }
0x321: {  	v46 =	vmax.f32 v46, v58  }
0x322: {  	[tilespmem:v44+s11+$0x0] =	vst.idx.msk $0xffff, v46  }
0x323: {  	v46 =	vld [tilespmem:s13+$0xFFFFFC00]  }
0x324: {  	v59 =	vld [tilespmem:$0x1FB70];
	_ =	sdelay $0x4  }
0x325: {  	s12 =	sadd.s32 $0xFFFFFC00, s9;
	v46 =	vmax.f32 v46, v59  }
0x326: {  	s17 =	sadd.s32 s15, s20;
	s1 =	sshrl.u32 s12, $0x3;
	[tilespmem:v45+s11+$0x0] =	vst.idx.msk $0xffff, v46  }
0x327: {  	[hbm4b:s17+s25] =	stream.linear.scatter [tilespmem:s11], [sflag:$0x8], $0x400, $0x38;
	[tilespmem:$0x1FF80] =	vst v63  }
0x328: {  	s1 =	sadd.s32 s28, s1;
	s17 =	simm.s32 $0x1F980  }
0x329: {  	[tilespmem:s17], [sflag:$0x4] =	stream.linear.gather [hbm4b:s1+s25], $0x200, $0x38;
	[tilespmem:$0x1FF80] =	vst v63  }
0x32a: {  	_ =	swait.ge [sflag:s8], $0x200  }
0x32b: {  	[sflag:s8] =	ssyncset.done $0x0  }
0x32c: {  	[sflag:s8] =	ssyncadd.s32 $0xFFFFFE00  }
0x32d: {  	_ =	swait.ge [sflag:s29], $0x400  }
0x32e: {  	[sflag:s29] =	ssyncset.done $0x0  }
0x32f: {  	[sflag:s29] =	ssyncadd.s32 $0xFFFFFC00  }
0x330: {  	v60 =	vld.idx.msk [tilespmem:v2+s10+$0xFFFFFE80 ss:$0x1], $0xffff  }
0x331: {  	v61 =	vld [tilespmem:$0x1FB80];
	_ =	sdelay $0x4  }
0x332: {  	v46 =	vmax.f32 v60, v61  }
0x333: {  	[tilespmem:v27+s5+$0x0] =	vst.idx.msk $0xffff, v46  }
0x334: {  	v46 =	vld [tilespmem:s13+$0xFFFFFC20]  }
0x335: {  	v62 =	vld [tilespmem:$0x1FB90];
	_ =	sdelay $0x4  }
0x336: {  	v46 =	vmax.f32 v46, v62  }
0x337: {  	[tilespmem:v31+s5+$0x0] =	vst.idx.msk $0xffff, v46  }
0x338: {  	v46 =	vld [tilespmem:s13+$0xFFFFFC30]  }
0x339: {  	v63 =	vld [tilespmem:$0x1FBA0];
	_ =	sdelay $0x4  }
0x33a: {  	v46 =	vmax.f32 v46, v63  }
0x33b: {  	[tilespmem:v32+s5+$0x0] =	vst.idx.msk $0xffff, v46  }
0x33c: {  	v46 =	vld [tilespmem:s13+$0xFFFFFC40]  }
0x33d: {  	v48 =	vld [tilespmem:$0x1FBB0];
	_ =	sdelay $0x4  }
0x33e: {  	v46 =	vmax.f32 v46, v48  }
0x33f: {  	[tilespmem:v33+s5+$0x0] =	vst.idx.msk $0xffff, v46  }
0x340: {  	v46 =	vld [tilespmem:s13+$0xFFFFFC50]  }
0x341: {  	v49 =	vld [tilespmem:$0x1FBC0];
	_ =	sdelay $0x4  }
0x342: {  	v46 =	vmax.f32 v46, v49  }
0x343: {  	[tilespmem:v34+s5+$0x0] =	vst.idx.msk $0xffff, v46  }
0x344: {  	v46 =	vld [tilespmem:s13+$0xFFFFFC60]  }
0x345: {  	v50 =	vld [tilespmem:$0x1FBD0];
	_ =	sdelay $0x4  }
0x346: {  	v46 =	vmax.f32 v46, v50  }
0x347: {  	[tilespmem:v35+s5+$0x0] =	vst.idx.msk $0xffff, v46  }
0x348: {  	v46 =	vld [tilespmem:s13+$0xFFFFFC70]  }
0x349: {  	v51 =	vld [tilespmem:$0x1FBE0];
	_ =	sdelay $0x4  }
0x34a: {  	v46 =	vmax.f32 v46, v51  }
0x34b: {  	[tilespmem:v36+s5+$0x0] =	vst.idx.msk $0xffff, v46  }
0x34c: {  	v46 =	vld [tilespmem:s13+$0xFFFFFC80]  }
0x34d: {  	v52 =	vld [tilespmem:$0x1FBF0];
	_ =	sdelay $0x4  }
0x34e: {  	v46 =	vmax.f32 v46, v52  }
0x34f: {  	[tilespmem:v37+s5+$0x0] =	vst.idx.msk $0xffff, v46  }
0x350: {  	v46 =	vld.idx.msk [tilespmem:v2+s10+$0xFFFFFF00 ss:$0x1], $0xffff  }
0x351: {  	v53 =	vld [tilespmem:$0x1FC00];
	_ =	sdelay $0x4  }
0x352: {  	v46 =	vmax.f32 v46, v53  }
0x353: {  	[tilespmem:v38+s5+$0x0] =	vst.idx.msk $0xffff, v46  }
0x354: {  	v46 =	vld [tilespmem:s13+$0xFFFFFCA0]  }
0x355: {  	v54 =	vld [tilespmem:$0x1FC10];
	_ =	sdelay $0x4  }
0x356: {  	v46 =	vmax.f32 v46, v54  }
0x357: {  	[tilespmem:v39+s5+$0x0] =	vst.idx.msk $0xffff, v46  }
0x358: {  	v46 =	vld [tilespmem:s13+$0xFFFFFCB0]  }
0x359: {  	v55 =	vld [tilespmem:$0x1FC20];
	_ =	sdelay $0x4  }
0x35a: {  	v46 =	vmax.f32 v46, v55  }
0x35b: {  	[tilespmem:v40+s5+$0x0] =	vst.idx.msk $0xffff, v46  }
0x35c: {  	v46 =	vld [tilespmem:s13+$0xFFFFFCC0]  }
0x35d: {  	v56 =	vld [tilespmem:$0x1FC30];
	_ =	sdelay $0x4  }
0x35e: {  	v46 =	vmax.f32 v46, v56  }
0x35f: {  	[tilespmem:v41+s5+$0x0] =	vst.idx.msk $0xffff, v46  }
0x360: {  	v46 =	vld [tilespmem:s13+$0xFFFFFCD0]  }
0x361: {  	v57 =	vld [tilespmem:$0x1FC40];
	_ =	sdelay $0x4  }
0x362: {  	v46 =	vmax.f32 v46, v57  }
0x363: {  	[tilespmem:v42+s5+$0x0] =	vst.idx.msk $0xffff, v46  }
0x364: {  	v46 =	vld [tilespmem:s13+$0xFFFFFCE0]  }
0x365: {  	v58 =	vld [tilespmem:$0x1FC50];
	_ =	sdelay $0x4  }
0x366: {  	v46 =	vmax.f32 v46, v58  }
0x367: {  	[tilespmem:v43+s5+$0x0] =	vst.idx.msk $0xffff, v46  }
0x368: {  	v46 =	vld [tilespmem:s13+$0xFFFFFCF0]  }
0x369: {  	v59 =	vld [tilespmem:$0x1FC60];
	_ =	sdelay $0x4  }
0x36a: {  	v46 =	vmax.f32 v46, v59  }
0x36b: {  	[tilespmem:v44+s5+$0x0] =	vst.idx.msk $0xffff, v46  }
0x36c: {  	v46 =	vld [tilespmem:s13+$0xFFFFFD00]  }
0x36d: {  	v60 =	vld [tilespmem:$0x1FC70];
	_ =	sdelay $0x4  }
0x36e: {  	v46 =	vmax.f32 v46, v60  }
0x36f: {  	s12 =	sadd.s32 s15, s21;
	[tilespmem:v45+s5+$0x0] =	vst.idx.msk $0xffff, v46  }
0x370: {  	[hbm4b:s12+s25] =	stream.linear.scatter [tilespmem:s5], [sflag:$0x7], $0x400, $0x38;
	[tilespmem:$0x1FF80] =	vst v63  }
0x371: {  	_ =	swait.ge [sflag:s3], $0x400  }
0x372: {  	[sflag:s3] =	ssyncset.done $0x0  }
0x373: {  	[sflag:s3] =	ssyncadd.s32 $0xFFFFFC00  }
0x374: {  	v61 =	vld.idx.msk [tilespmem:v2+s10+$0xFFFFFF80 ss:$0x1], $0xffff  }
0x375: {  	v62 =	vld [tilespmem:$0x1FC80];
	_ =	sdelay $0x4  }
0x376: {  	v46 =	vmax.f32 v61, v62  }
0x377: {  	[tilespmem:v27+s11+$0x0] =	vst.idx.msk $0xffff, v46  }
0x378: {  	v46 =	vld [tilespmem:s13+$0xFFFFFD20]  }
0x379: {  	v63 =	vld [tilespmem:$0x1FC90];
	_ =	sdelay $0x4  }
0x37a: {  	v46 =	vmax.f32 v46, v63  }
0x37b: {  	[tilespmem:v31+s11+$0x0] =	vst.idx.msk $0xffff, v46  }
0x37c: {  	v46 =	vld [tilespmem:s13+$0xFFFFFD30]  }
0x37d: {  	v48 =	vld [tilespmem:$0x1FCA0];
	_ =	sdelay $0x4  }
0x37e: {  	v46 =	vmax.f32 v46, v48  }
0x37f: {  	[tilespmem:v32+s11+$0x0] =	vst.idx.msk $0xffff, v46  }
0x380: {  	v46 =	vld [tilespmem:s13+$0xFFFFFD40]  }
0x381: {  	v49 =	vld [tilespmem:$0x1FCB0];
	_ =	sdelay $0x4  }
0x382: {  	v46 =	vmax.f32 v46, v49  }
0x383: {  	[tilespmem:v33+s11+$0x0] =	vst.idx.msk $0xffff, v46  }
0x384: {  	v46 =	vld [tilespmem:s13+$0xFFFFFD50]  }
0x385: {  	v50 =	vld [tilespmem:$0x1FCC0];
	_ =	sdelay $0x4  }
0x386: {  	v46 =	vmax.f32 v46, v50  }
0x387: {  	[tilespmem:v34+s11+$0x0] =	vst.idx.msk $0xffff, v46  }
0x388: {  	v46 =	vld [tilespmem:s13+$0xFFFFFD60]  }
0x389: {  	v51 =	vld [tilespmem:$0x1FCD0];
	_ =	sdelay $0x4  }
0x38a: {  	v46 =	vmax.f32 v46, v51  }
0x38b: {  	[tilespmem:v35+s11+$0x0] =	vst.idx.msk $0xffff, v46  }
0x38c: {  	v46 =	vld [tilespmem:s13+$0xFFFFFD70]  }
0x38d: {  	v52 =	vld [tilespmem:$0x1FCE0];
	_ =	sdelay $0x4  }
0x38e: {  	v46 =	vmax.f32 v46, v52  }
0x38f: {  	[tilespmem:v36+s11+$0x0] =	vst.idx.msk $0xffff, v46  }
0x390: {  	v46 =	vld [tilespmem:s13+$0xFFFFFD80]  }
0x391: {  	v53 =	vld [tilespmem:$0x1FCF0];
	_ =	sdelay $0x4  }
0x392: {  	v46 =	vmax.f32 v46, v53  }
0x393: {  	[tilespmem:v37+s11+$0x0] =	vst.idx.msk $0xffff, v46  }
0x394: {  	v46 =	vld.idx.msk [tilespmem:v2+s10+$0x0 ss:$0x1], $0xffff  }
0x395: {  	v54 =	vld [tilespmem:$0x1FD00];
	_ =	sdelay $0x4  }
0x396: {  	v46 =	vmax.f32 v46, v54  }
0x397: {  	[tilespmem:v38+s11+$0x0] =	vst.idx.msk $0xffff, v46  }
0x398: {  	v46 =	vld [tilespmem:s13+$0xFFFFFDA0]  }
0x399: {  	v55 =	vld [tilespmem:$0x1FD10];
	_ =	sdelay $0x4  }
0x39a: {  	v46 =	vmax.f32 v46, v55  }
0x39b: {  	[tilespmem:v39+s11+$0x0] =	vst.idx.msk $0xffff, v46  }
0x39c: {  	v46 =	vld [tilespmem:s13+$0xFFFFFDB0]  }
0x39d: {  	v56 =	vld [tilespmem:$0x1FD20];
	_ =	sdelay $0x4  }
0x39e: {  	v46 =	vmax.f32 v46, v56  }
0x39f: {  	[tilespmem:v40+s11+$0x0] =	vst.idx.msk $0xffff, v46  }
0x3a0: {  	v46 =	vld [tilespmem:s13+$0xFFFFFDC0]  }
0x3a1: {  	v57 =	vld [tilespmem:$0x1FD30];
	_ =	sdelay $0x4  }
0x3a2: {  	v46 =	vmax.f32 v46, v57  }
0x3a3: {  	[tilespmem:v41+s11+$0x0] =	vst.idx.msk $0xffff, v46  }
0x3a4: {  	v46 =	vld [tilespmem:s13+$0xFFFFFDD0]  }
0x3a5: {  	v58 =	vld [tilespmem:$0x1FD40];
	_ =	sdelay $0x4  }
0x3a6: {  	v46 =	vmax.f32 v46, v58  }
0x3a7: {  	[tilespmem:v42+s11+$0x0] =	vst.idx.msk $0xffff, v46  }
0x3a8: {  	v46 =	vld [tilespmem:s13+$0xFFFFFDE0]  }
0x3a9: {  	v59 =	vld [tilespmem:$0x1FD50];
	_ =	sdelay $0x4  }
0x3aa: {  	v46 =	vmax.f32 v46, v59  }
0x3ab: {  	[tilespmem:v43+s11+$0x0] =	vst.idx.msk $0xffff, v46  }
0x3ac: {  	v46 =	vld [tilespmem:s13+$0xFFFFFDF0]  }
0x3ad: {  	v60 =	vld [tilespmem:$0x1FD60];
	_ =	sdelay $0x4  }
0x3ae: {  	v46 =	vmax.f32 v46, v60  }
0x3af: {  	[tilespmem:v44+s11+$0x0] =	vst.idx.msk $0xffff, v46  }
0x3b0: {  	v46 =	vld [tilespmem:s13+$0xFFFFFE00]  }
0x3b1: {  	v61 =	vld [tilespmem:$0x1FD70];
	_ =	sdelay $0x3  }
0x3b2: {  	p1 =	seq.s32 s15, $0x7400  }
0x3b3: {  	s1 =	sadd.s32 @!p1 $0xFFFFFE00, s9;
	v46 =	vmax.f32 v46, v61  }
0x3b4: {  	s17 =	sadd.s32 s15, s22;
	s1 =	sshrl.u32 @!p1 s1, $0x3;
	[tilespmem:v45+s11+$0x0] =	vst.idx.msk $0xffff, v46  }
0x3b5: {  	[hbm4b:s17+s25] =	stream.linear.scatter [tilespmem:s11], [sflag:$0x8], $0x400, $0x38;
	[tilespmem:$0x1FF80] =	vst v63  }
0x3b6: {  	s1 =	sadd.s32 @!p1 s28, s1;
	s12 =	simm.s32 @!p1 $0x0;
	s17 =	simm.s32 @!p1 $0x1FB80  }
0x3b7: {  	[tilespmem:s17], [sflag:$0x5] =	stream.linear.gather @!p1 [hbm4b:s1+s12], $0x200, $0x38;
	[tilespmem:$0x1FF80] =	vst v63  }
0x3b8: {  	_ =	swait.ge [sflag:s31], $0x200  }
0x3b9: {  	[sflag:s31] =	ssyncset.done $0x0  }
0x3ba: {  	[sflag:s31] =	ssyncadd.s32 $0xFFFFFE00  }
0x3bb: {  	_ =	swait.ge [sflag:s29], $0x400  }
0x3bc: {  	[sflag:s29] =	ssyncset.done $0x0  }
0x3bd: {  	[sflag:s29] =	ssyncadd.s32 $0xFFFFFC00  }
0x3be: {  	v62 =	vld.idx.msk [tilespmem:v3+s10+$0xFFFFFE80 ss:$0x1], $0xffff  }
0x3bf: {  	v63 =	vld [tilespmem:$0x1FD80];
	_ =	sdelay $0x4  }
0x3c0: {  	v46 =	vmax.f32 v62, v63  }
0x3c1: {  	[tilespmem:v27+s5+$0x0] =	vst.idx.msk $0xffff, v46  }
0x3c2: {  	v46 =	vld [tilespmem:s13+$0xFFFFFE20]  }
0x3c3: {  	v48 =	vld [tilespmem:$0x1FD90];
	_ =	sdelay $0x4  }
0x3c4: {  	v46 =	vmax.f32 v46, v48  }
0x3c5: {  	[tilespmem:v31+s5+$0x0] =	vst.idx.msk $0xffff, v46  }
0x3c6: {  	v46 =	vld [tilespmem:s13+$0xFFFFFE30]  }
0x3c7: {  	v49 =	vld [tilespmem:$0x1FDA0];
	_ =	sdelay $0x4  }
0x3c8: {  	v46 =	vmax.f32 v46, v49  }
0x3c9: {  	[tilespmem:v32+s5+$0x0] =	vst.idx.msk $0xffff, v46  }
0x3ca: {  	v46 =	vld [tilespmem:s13+$0xFFFFFE40]  }
0x3cb: {  	v50 =	vld [tilespmem:$0x1FDB0];
	_ =	sdelay $0x4  }
0x3cc: {  	v46 =	vmax.f32 v46, v50  }
0x3cd: {  	[tilespmem:v33+s5+$0x0] =	vst.idx.msk $0xffff, v46  }
0x3ce: {  	v46 =	vld [tilespmem:s13+$0xFFFFFE50]  }
0x3cf: {  	v51 =	vld [tilespmem:$0x1FDC0];
	_ =	sdelay $0x4  }
0x3d0: {  	v46 =	vmax.f32 v46, v51  }
0x3d1: {  	[tilespmem:v34+s5+$0x0] =	vst.idx.msk $0xffff, v46  }
0x3d2: {  	v46 =	vld [tilespmem:s13+$0xFFFFFE60]  }
0x3d3: {  	v52 =	vld [tilespmem:$0x1FDD0];
	_ =	sdelay $0x4  }
0x3d4: {  	v46 =	vmax.f32 v46, v52  }
0x3d5: {  	[tilespmem:v35+s5+$0x0] =	vst.idx.msk $0xffff, v46  }
0x3d6: {  	v46 =	vld [tilespmem:s13+$0xFFFFFE70]  }
0x3d7: {  	v53 =	vld [tilespmem:$0x1FDE0];
	_ =	sdelay $0x4  }
0x3d8: {  	v46 =	vmax.f32 v46, v53  }
0x3d9: {  	[tilespmem:v36+s5+$0x0] =	vst.idx.msk $0xffff, v46  }
0x3da: {  	v46 =	vld [tilespmem:s13+$0xFFFFFE80]  }
0x3db: {  	v54 =	vld [tilespmem:$0x1FDF0];
	_ =	sdelay $0x4  }
0x3dc: {  	v46 =	vmax.f32 v46, v54  }
0x3dd: {  	[tilespmem:v37+s5+$0x0] =	vst.idx.msk $0xffff, v46  }
0x3de: {  	v46 =	vld.idx.msk [tilespmem:v3+s10+$0xFFFFFF00 ss:$0x1], $0xffff  }
0x3df: {  	v55 =	vld [tilespmem:$0x1FE00];
	_ =	sdelay $0x4  }
0x3e0: {  	v46 =	vmax.f32 v46, v55  }
0x3e1: {  	[tilespmem:v38+s5+$0x0] =	vst.idx.msk $0xffff, v46  }
0x3e2: {  	v46 =	vld [tilespmem:s13+$0xFFFFFEA0]  }
0x3e3: {  	v56 =	vld [tilespmem:$0x1FE10];
	_ =	sdelay $0x4  }
0x3e4: {  	v46 =	vmax.f32 v46, v56  }
0x3e5: {  	[tilespmem:v39+s5+$0x0] =	vst.idx.msk $0xffff, v46  }
0x3e6: {  	v46 =	vld [tilespmem:s13+$0xFFFFFEB0]  }
0x3e7: {  	v57 =	vld [tilespmem:$0x1FE20];
	_ =	sdelay $0x4  }
0x3e8: {  	v46 =	vmax.f32 v46, v57  }
0x3e9: {  	[tilespmem:v40+s5+$0x0] =	vst.idx.msk $0xffff, v46  }
0x3ea: {  	v46 =	vld [tilespmem:s13+$0xFFFFFEC0]  }
0x3eb: {  	v58 =	vld [tilespmem:$0x1FE30];
	_ =	sdelay $0x4  }
0x3ec: {  	v46 =	vmax.f32 v46, v58  }
0x3ed: {  	[tilespmem:v41+s5+$0x0] =	vst.idx.msk $0xffff, v46  }
0x3ee: {  	v46 =	vld [tilespmem:s13+$0xFFFFFED0]  }
0x3ef: {  	v59 =	vld [tilespmem:$0x1FE40];
	_ =	sdelay $0x4  }
0x3f0: {  	v46 =	vmax.f32 v46, v59  }
0x3f1: {  	[tilespmem:v42+s5+$0x0] =	vst.idx.msk $0xffff, v46  }
0x3f2: {  	v46 =	vld [tilespmem:s13+$0xFFFFFEE0]  }
0x3f3: {  	v60 =	vld [tilespmem:$0x1FE50];
	_ =	sdelay $0x4  }
0x3f4: {  	v46 =	vmax.f32 v46, v60  }
0x3f5: {  	[tilespmem:v43+s5+$0x0] =	vst.idx.msk $0xffff, v46  }
0x3f6: {  	v46 =	vld [tilespmem:s13+$0xFFFFFEF0]  }
0x3f7: {  	v61 =	vld [tilespmem:$0x1FE60];
	_ =	sdelay $0x4  }
0x3f8: {  	v46 =	vmax.f32 v46, v61  }
0x3f9: {  	[tilespmem:v44+s5+$0x0] =	vst.idx.msk $0xffff, v46  }
0x3fa: {  	v46 =	vld [tilespmem:s13+$0xFFFFFF00]  }
0x3fb: {  	v62 =	vld [tilespmem:$0x1FE70];
	_ =	sdelay $0x4  }
0x3fc: {  	v46 =	vmax.f32 v46, v62  }
0x3fd: {  	s12 =	sadd.s32 s15, s23;
	[tilespmem:v45+s5+$0x0] =	vst.idx.msk $0xffff, v46  }
0x3fe: {  	[hbm4b:s12+s25] =	stream.linear.scatter [tilespmem:s5], [sflag:$0x7], $0x400, $0x38;
	[tilespmem:$0x1FF80] =	vst v63  }
0x3ff: {  	_ =	swait.ge [sflag:s3], $0x400  }
0x400: {  	[sflag:s3] =	ssyncset.done $0x0  }
0x401: {  	[sflag:s3] =	ssyncadd.s32 $0xFFFFFC00  }
0x402: {  	v63 =	vld.idx.msk [tilespmem:v3+s10+$0xFFFFFF80 ss:$0x1], $0xffff  }
0x403: {  	v48 =	vld [tilespmem:$0x1FE80];
	_ =	sdelay $0x4  }
0x404: {  	v46 =	vmax.f32 v63, v48  }
0x405: {  	[tilespmem:v27+s11+$0x0] =	vst.idx.msk $0xffff, v46  }
0x406: {  	v46 =	vld [tilespmem:s13+$0xFFFFFF20]  }
0x407: {  	v49 =	vld [tilespmem:$0x1FE90];
	_ =	sdelay $0x4  }
0x408: {  	v46 =	vmax.f32 v46, v49  }
0x409: {  	[tilespmem:v31+s11+$0x0] =	vst.idx.msk $0xffff, v46  }
0x40a: {  	v46 =	vld [tilespmem:s13+$0xFFFFFF30]  }
0x40b: {  	v50 =	vld [tilespmem:$0x1FEA0];
	_ =	sdelay $0x4  }
0x40c: {  	v46 =	vmax.f32 v46, v50  }
0x40d: {  	[tilespmem:v32+s11+$0x0] =	vst.idx.msk $0xffff, v46  }
0x40e: {  	v46 =	vld [tilespmem:s13+$0xFFFFFF40]  }
0x40f: {  	v51 =	vld [tilespmem:$0x1FEB0];
	_ =	sdelay $0x4  }
0x410: {  	v46 =	vmax.f32 v46, v51  }
0x411: {  	[tilespmem:v33+s11+$0x0] =	vst.idx.msk $0xffff, v46  }
0x412: {  	v46 =	vld [tilespmem:s13+$0xFFFFFF50]  }
0x413: {  	v52 =	vld [tilespmem:$0x1FEC0];
	_ =	sdelay $0x4  }
0x414: {  	v46 =	vmax.f32 v46, v52  }
0x415: {  	[tilespmem:v34+s11+$0x0] =	vst.idx.msk $0xffff, v46  }
0x416: {  	v46 =	vld [tilespmem:s13+$0xFFFFFF60]  }
0x417: {  	v53 =	vld [tilespmem:$0x1FED0];
	_ =	sdelay $0x4  }
0x418: {  	v46 =	vmax.f32 v46, v53  }
0x419: {  	[tilespmem:v35+s11+$0x0] =	vst.idx.msk $0xffff, v46  }
0x41a: {  	v46 =	vld [tilespmem:s13+$0xFFFFFF70]  }
0x41b: {  	v54 =	vld [tilespmem:$0x1FEE0];
	_ =	sdelay $0x4  }
0x41c: {  	v46 =	vmax.f32 v46, v54  }
0x41d: {  	[tilespmem:v36+s11+$0x0] =	vst.idx.msk $0xffff, v46  }
0x41e: {  	v46 =	vld [tilespmem:s13+$0xFFFFFF80]  }
0x41f: {  	v55 =	vld [tilespmem:$0x1FEF0];
	_ =	sdelay $0x4  }
0x420: {  	v46 =	vmax.f32 v46, v55  }
0x421: {  	[tilespmem:v37+s11+$0x0] =	vst.idx.msk $0xffff, v46  }
0x422: {  	v46 =	vld.idx.msk [tilespmem:v3+s10+$0x0 ss:$0x1], $0xffff  }
0x423: {  	v56 =	vld [tilespmem:$0x1FF00];
	_ =	sdelay $0x4  }
0x424: {  	v46 =	vmax.f32 v46, v56  }
0x425: {  	[tilespmem:v38+s11+$0x0] =	vst.idx.msk $0xffff, v46  }
0x426: {  	v46 =	vld [tilespmem:s13+$0xFFFFFFA0]  }
0x427: {  	v57 =	vld [tilespmem:$0x1FF10];
	_ =	sdelay $0x4  }
0x428: {  	v46 =	vmax.f32 v46, v57  }
0x429: {  	[tilespmem:v39+s11+$0x0] =	vst.idx.msk $0xffff, v46  }
0x42a: {  	v46 =	vld [tilespmem:s13+$0xFFFFFFB0]  }
0x42b: {  	v58 =	vld [tilespmem:$0x1FF20];
	_ =	sdelay $0x4  }
0x42c: {  	v46 =	vmax.f32 v46, v58  }
0x42d: {  	[tilespmem:v40+s11+$0x0] =	vst.idx.msk $0xffff, v46  }
0x42e: {  	v46 =	vld [tilespmem:s13+$0xFFFFFFC0]  }
0x42f: {  	v59 =	vld [tilespmem:$0x1FF30];
	_ =	sdelay $0x4  }
0x430: {  	v46 =	vmax.f32 v46, v59  }
0x431: {  	[tilespmem:v41+s11+$0x0] =	vst.idx.msk $0xffff, v46  }
0x432: {  	v46 =	vld [tilespmem:s13+$0xFFFFFFD0]  }
0x433: {  	v60 =	vld [tilespmem:$0x1FF40];
	_ =	sdelay $0x4  }
0x434: {  	v46 =	vmax.f32 v46, v60  }
0x435: {  	[tilespmem:v42+s11+$0x0] =	vst.idx.msk $0xffff, v46  }
0x436: {  	v46 =	vld [tilespmem:s13+$0xFFFFFFE0]  }
0x437: {  	v61 =	vld [tilespmem:$0x1FF50];
	_ =	sdelay $0x4  }
0x438: {  	v46 =	vmax.f32 v46, v61  }
0x439: {  	[tilespmem:v43+s11+$0x0] =	vst.idx.msk $0xffff, v46  }
0x43a: {  	v46 =	vld [tilespmem:s13+$0xFFFFFFF0]  }
0x43b: {  	v62 =	vld [tilespmem:$0x1FF60];
	_ =	sdelay $0x4  }
0x43c: {  	v46 =	vmax.f32 v46, v62  }
0x43d: {  	[tilespmem:v44+s11+$0x0] =	vst.idx.msk $0xffff, v46  }
0x43e: {  	v46 =	vld [tilespmem:s13+$0x0]  }
0x43f: {  	v63 =	vld [tilespmem:$0x1FF70];
	_ =	sdelay $0x2  }
.Ltmp3:
0x440: {  	_ = 	snop;
	(pc) =	sbr.rel @p1 .LBB2_9-.Ltmp3, $4  }
0x441: {  	_ = 	snop  }
0x442: {  	v46 =	vmax.f32 v46, v63  }
0x443: {  	s17 =	sadd.s32 s15, s24;
	[tilespmem:v45+s11+$0x0] =	vst.idx.msk $0xffff, v46  }
0x444: {  	[hbm4b:s17+s25] =	stream.linear.scatter [tilespmem:s11], [sflag:$0x8], $0x400, $0x38;
	[tilespmem:$0x1FF80] =	vst v63  }
.Ltmp4:
0x445: {  	(pc) =	sbr.rel .LBB2_7-.Ltmp4, $4  }
0x446: {  	_ = 	snop  }
0x447: {  	s1 =	sshrl.u32 s9, $0x3;
	s12 =	simm.s32 $0x1FD80;
	s15 =	sadd.s32 $0x400, s15  }
0x448: {  	s9 =	sadd.s32 $0x800, s9;
	s10 =	sadd.s32 $0x800, s10;
	s1 =	sadd.s32 s28, s1  }
0x449: {  	[tilespmem:s12], [sflag:$0x6] =	stream.linear.gather [hbm4b:s1+s25], $0x200, $0x38;
	[tilespmem:$0x1FF80] =	vst v63  }
.LBB2_9:
0x44a: {  	_ =	swait.ge [sflag:s16], $0x200  }
0x44b: {  	[sflag:s16] =	ssyncset.done $0x0  }
0x44c: {  	[sflag:s16] =	ssyncadd.s32 $0xFFFFFE00  }
0x44d: {  	_ =	swait.ge [sflag:s29], $0x400  }
0x44e: {  	[sflag:s29] =	ssyncset.done $0x0  }
0x44f: {  	s1 =	rddreg [dreg:$0x6];
	[sflag:s29] =	ssyncadd.s32 $0xFFFFFC00  }
0x450: {  	v46 =	vld [tilespmem:s1+$0x700]  }
0x451: {  	v47 =	vld [tilespmem:$0x1F780];
	_ =	sdelay $0x4  }
0x452: {  	v46 =	vmax.f32 v46, v47  }
0x453: {  	[tilespmem:v27+s5+$0x0] =	vst.idx.msk $0xffff, v46  }
0x454: {  	v46 =	vld [tilespmem:s2+$0xF710]  }
0x455: {  	v62 =	vld [tilespmem:$0x1F790];
	_ =	sdelay $0x4  }
0x456: {  	v46 =	vmax.f32 v46, v62  }
0x457: {  	[tilespmem:v31+s5+$0x0] =	vst.idx.msk $0xffff, v46  }
0x458: {  	v46 =	vld [tilespmem:s2+$0xF720]  }
0x459: {  	v63 =	vld [tilespmem:$0x1F7A0];
	_ =	sdelay $0x4  }
0x45a: {  	v46 =	vmax.f32 v46, v63  }
0x45b: {  	[tilespmem:v32+s5+$0x0] =	vst.idx.msk $0xffff, v46  }
0x45c: {  	v46 =	vld [tilespmem:s2+$0xF730]  }
0x45d: {  	v48 =	vld [tilespmem:$0x1F7B0];
	_ =	sdelay $0x4  }
0x45e: {  	v46 =	vmax.f32 v46, v48  }
0x45f: {  	[tilespmem:v33+s5+$0x0] =	vst.idx.msk $0xffff, v46  }
0x460: {  	v46 =	vld [tilespmem:s2+$0xF740]  }
0x461: {  	v49 =	vld [tilespmem:$0x1F7C0];
	_ =	sdelay $0x4  }
0x462: {  	v46 =	vmax.f32 v46, v49  }
0x463: {  	[tilespmem:v34+s5+$0x0] =	vst.idx.msk $0xffff, v46  }
0x464: {  	v46 =	vld [tilespmem:s2+$0xF750]  }
0x465: {  	v50 =	vld [tilespmem:$0x1F7D0];
	_ =	sdelay $0x4  }
0x466: {  	v46 =	vmax.f32 v46, v50  }
0x467: {  	[tilespmem:v35+s5+$0x0] =	vst.idx.msk $0xffff, v46  }
0x468: {  	v46 =	vld [tilespmem:s2+$0xF760]  }
0x469: {  	v51 =	vld [tilespmem:$0x1F7E0];
	_ =	sdelay $0x4  }
0x46a: {  	v46 =	vmax.f32 v46, v51  }
0x46b: {  	[tilespmem:v36+s5+$0x0] =	vst.idx.msk $0xffff, v46  }
0x46c: {  	v46 =	vld [tilespmem:s2+$0xF770]  }
0x46d: {  	v52 =	vld [tilespmem:$0x1F7F0];
	_ =	sdelay $0x4  }
0x46e: {  	v46 =	vmax.f32 v46, v52  }
0x46f: {  	s13 =	rddreg [dreg:$0x7];
	[tilespmem:v37+s5+$0x0] =	vst.idx.msk $0xffff, v46  }
0x470: {  	v46 =	vld [tilespmem:s13+$0x700]  }
0x471: {  	v53 =	vld [tilespmem:$0x1F800];
	_ =	sdelay $0x4  }
0x472: {  	v46 =	vmax.f32 v46, v53  }
0x473: {  	[tilespmem:v38+s5+$0x0] =	vst.idx.msk $0xffff, v46  }
0x474: {  	v46 =	vld [tilespmem:s2+$0xF790]  }
0x475: {  	v54 =	vld [tilespmem:$0x1F810];
	_ =	sdelay $0x4  }
0x476: {  	v46 =	vmax.f32 v46, v54  }
0x477: {  	[tilespmem:v39+s5+$0x0] =	vst.idx.msk $0xffff, v46  }
0x478: {  	v46 =	vld [tilespmem:s2+$0xF7A0]  }
0x479: {  	v55 =	vld [tilespmem:$0x1F820];
	_ =	sdelay $0x4  }
0x47a: {  	v46 =	vmax.f32 v46, v55  }
0x47b: {  	[tilespmem:v40+s5+$0x0] =	vst.idx.msk $0xffff, v46  }
0x47c: {  	v46 =	vld [tilespmem:s2+$0xF7B0]  }
0x47d: {  	v56 =	vld [tilespmem:$0x1F830];
	_ =	sdelay $0x4  }
0x47e: {  	v46 =	vmax.f32 v46, v56  }
0x47f: {  	[tilespmem:v41+s5+$0x0] =	vst.idx.msk $0xffff, v46  }
0x480: {  	v46 =	vld [tilespmem:s2+$0xF7C0]  }
0x481: {  	v57 =	vld [tilespmem:$0x1F840];
	_ =	sdelay $0x4  }
0x482: {  	v46 =	vmax.f32 v46, v57  }
0x483: {  	[tilespmem:v42+s5+$0x0] =	vst.idx.msk $0xffff, v46  }
0x484: {  	v46 =	vld [tilespmem:s2+$0xF7D0]  }
0x485: {  	v58 =	vld [tilespmem:$0x1F850];
	_ =	sdelay $0x4  }
0x486: {  	v46 =	vmax.f32 v46, v58  }
0x487: {  	[tilespmem:v43+s5+$0x0] =	vst.idx.msk $0xffff, v46  }
0x488: {  	v46 =	vld [tilespmem:s2+$0xF7E0]  }
0x489: {  	v59 =	vld [tilespmem:$0x1F860];
	_ =	sdelay $0x4  }
0x48a: {  	v46 =	vmax.f32 v46, v59  }
0x48b: {  	[tilespmem:v44+s5+$0x0] =	vst.idx.msk $0xffff, v46  }
0x48c: {  	v46 =	vld [tilespmem:s2+$0xF7F0]  }
0x48d: {  	v60 =	vld [tilespmem:$0x1F870];
	_ =	sdelay $0x4  }
0x48e: {  	v46 =	vmax.f32 v46, v60  }
0x48f: {  	s9 =	simm.s32 $0x0;
	s15 =	rddreg [dreg:$0x16];
	[tilespmem:v45+s5+$0x0] =	vst.idx.msk $0xffff, v46  }
0x490: {  	[hbm4b:s15+s9] =	stream.linear.scatter [tilespmem:s5], [sflag:$0x7], $0x400, $0x38;
	[tilespmem:$0x1FF80] =	vst v63  }
0x491: {  	_ =	swait.ge [sflag:s3], $0x400  }
0x492: {  	[sflag:s3] =	ssyncset.done $0x0  }
0x493: {  	s17 =	rddreg [dreg:$0x8];
	[sflag:s3] =	ssyncadd.s32 $0xFFFFFC00  }
0x494: {  	v61 =	vld [tilespmem:s17+$0x700]  }
0x495: {  	v62 =	vld [tilespmem:$0x1F880];
	_ =	sdelay $0x4  }
0x496: {  	v46 =	vmax.f32 v61, v62  }
0x497: {  	[tilespmem:v27+s11+$0x0] =	vst.idx.msk $0xffff, v46  }
0x498: {  	v46 =	vld [tilespmem:s2+$0xF810]  }
0x499: {  	v63 =	vld [tilespmem:$0x1F890];
	_ =	sdelay $0x4  }
0x49a: {  	v46 =	vmax.f32 v46, v63  }
0x49b: {  	[tilespmem:v31+s11+$0x0] =	vst.idx.msk $0xffff, v46  }
0x49c: {  	v46 =	vld [tilespmem:s2+$0xF820]  }
0x49d: {  	v48 =	vld [tilespmem:$0x1F8A0];
	_ =	sdelay $0x4  }
0x49e: {  	v46 =	vmax.f32 v46, v48  }
0x49f: {  	[tilespmem:v32+s11+$0x0] =	vst.idx.msk $0xffff, v46  }
0x4a0: {  	v46 =	vld [tilespmem:s2+$0xF830]  }
0x4a1: {  	v49 =	vld [tilespmem:$0x1F8B0];
	_ =	sdelay $0x4  }
0x4a2: {  	v46 =	vmax.f32 v46, v49  }
0x4a3: {  	[tilespmem:v33+s11+$0x0] =	vst.idx.msk $0xffff, v46  }
0x4a4: {  	v46 =	vld [tilespmem:s2+$0xF840]  }
0x4a5: {  	v50 =	vld [tilespmem:$0x1F8C0];
	_ =	sdelay $0x4  }
0x4a6: {  	v46 =	vmax.f32 v46, v50  }
0x4a7: {  	[tilespmem:v34+s11+$0x0] =	vst.idx.msk $0xffff, v46  }
0x4a8: {  	v46 =	vld [tilespmem:s2+$0xF850]  }
0x4a9: {  	v51 =	vld [tilespmem:$0x1F8D0];
	_ =	sdelay $0x4  }
0x4aa: {  	v46 =	vmax.f32 v46, v51  }
0x4ab: {  	[tilespmem:v35+s11+$0x0] =	vst.idx.msk $0xffff, v46  }
0x4ac: {  	v46 =	vld [tilespmem:s2+$0xF860]  }
0x4ad: {  	v52 =	vld [tilespmem:$0x1F8E0];
	_ =	sdelay $0x4  }
0x4ae: {  	v46 =	vmax.f32 v46, v52  }
0x4af: {  	[tilespmem:v36+s11+$0x0] =	vst.idx.msk $0xffff, v46  }
0x4b0: {  	v46 =	vld [tilespmem:s2+$0xF870]  }
0x4b1: {  	v53 =	vld [tilespmem:$0x1F8F0];
	_ =	sdelay $0x4  }
0x4b2: {  	v46 =	vmax.f32 v46, v53  }
0x4b3: {  	s10 =	rddreg [dreg:$0x9];
	[tilespmem:v37+s11+$0x0] =	vst.idx.msk $0xffff, v46  }
0x4b4: {  	v46 =	vld [tilespmem:s10+$0x700]  }
0x4b5: {  	v54 =	vld [tilespmem:$0x1F900];
	_ =	sdelay $0x4  }
0x4b6: {  	v46 =	vmax.f32 v46, v54  }
0x4b7: {  	[tilespmem:v38+s11+$0x0] =	vst.idx.msk $0xffff, v46  }
0x4b8: {  	v46 =	vld [tilespmem:s2+$0xF890]  }
0x4b9: {  	v55 =	vld [tilespmem:$0x1F910];
	_ =	sdelay $0x4  }
0x4ba: {  	v46 =	vmax.f32 v46, v55  }
0x4bb: {  	[tilespmem:v39+s11+$0x0] =	vst.idx.msk $0xffff, v46  }
0x4bc: {  	v46 =	vld [tilespmem:s2+$0xF8A0]  }
0x4bd: {  	v56 =	vld [tilespmem:$0x1F920];
	_ =	sdelay $0x4  }
0x4be: {  	v46 =	vmax.f32 v46, v56  }
0x4bf: {  	[tilespmem:v40+s11+$0x0] =	vst.idx.msk $0xffff, v46  }
0x4c0: {  	v46 =	vld [tilespmem:s2+$0xF8B0]  }
0x4c1: {  	v57 =	vld [tilespmem:$0x1F930];
	_ =	sdelay $0x4  }
0x4c2: {  	v46 =	vmax.f32 v46, v57  }
0x4c3: {  	[tilespmem:v41+s11+$0x0] =	vst.idx.msk $0xffff, v46  }
0x4c4: {  	v46 =	vld [tilespmem:s2+$0xF8C0]  }
0x4c5: {  	v58 =	vld [tilespmem:$0x1F940];
	_ =	sdelay $0x4  }
0x4c6: {  	v46 =	vmax.f32 v46, v58  }
0x4c7: {  	[tilespmem:v42+s11+$0x0] =	vst.idx.msk $0xffff, v46  }
0x4c8: {  	v46 =	vld [tilespmem:s2+$0xF8D0]  }
0x4c9: {  	v59 =	vld [tilespmem:$0x1F950];
	_ =	sdelay $0x4  }
0x4ca: {  	v46 =	vmax.f32 v46, v59  }
0x4cb: {  	[tilespmem:v43+s11+$0x0] =	vst.idx.msk $0xffff, v46  }
0x4cc: {  	v46 =	vld [tilespmem:s2+$0xF8E0]  }
0x4cd: {  	v60 =	vld [tilespmem:$0x1F960];
	_ =	sdelay $0x4  }
0x4ce: {  	v46 =	vmax.f32 v46, v60  }
0x4cf: {  	[tilespmem:v44+s11+$0x0] =	vst.idx.msk $0xffff, v46  }
0x4d0: {  	v46 =	vld [tilespmem:s2+$0xF8F0]  }
0x4d1: {  	v61 =	vld [tilespmem:$0x1F970];
	_ =	sdelay $0x4  }
0x4d2: {  	v46 =	vmax.f32 v46, v61  }
0x4d3: {  	s12 =	rddreg [dreg:$0x17];
	[tilespmem:v45+s11+$0x0] =	vst.idx.msk $0xffff, v46  }
0x4d4: {  	[hbm4b:s12+s9] =	stream.linear.scatter [tilespmem:s11], [sflag:$0x8], $0x400, $0x38;
	[tilespmem:$0x1FF80] =	vst v63  }
0x4d5: {  	_ =	swait.ge [sflag:s14], $0x200  }
0x4d6: {  	[sflag:s14] =	ssyncset.done $0x0  }
0x4d7: {  	[sflag:s14] =	ssyncadd.s32 $0xFFFFFE00  }
0x4d8: {  	_ =	swait.ge [sflag:s29], $0x400  }
0x4d9: {  	[sflag:s29] =	ssyncset.done $0x0  }
0x4da: {  	s13 =	rddreg [dreg:$0xa];
	[sflag:s29] =	ssyncadd.s32 $0xFFFFFC00  }
0x4db: {  	v62 =	vld [tilespmem:s13+$0x700]  }
0x4dc: {  	v63 =	vld [tilespmem:$0x1F980];
	_ =	sdelay $0x4  }
0x4dd: {  	v46 =	vmax.f32 v62, v63  }
0x4de: {  	[tilespmem:v27+s5+$0x0] =	vst.idx.msk $0xffff, v46  }
0x4df: {  	v46 =	vld [tilespmem:s2+$0xF910]  }
0x4e0: {  	v48 =	vld [tilespmem:$0x1F990];
	_ =	sdelay $0x4  }
0x4e1: {  	v46 =	vmax.f32 v46, v48  }
0x4e2: {  	[tilespmem:v31+s5+$0x0] =	vst.idx.msk $0xffff, v46  }
0x4e3: {  	v46 =	vld [tilespmem:s2+$0xF920]  }
0x4e4: {  	v49 =	vld [tilespmem:$0x1F9A0];
	_ =	sdelay $0x4  }
0x4e5: {  	v46 =	vmax.f32 v46, v49  }
0x4e6: {  	[tilespmem:v32+s5+$0x0] =	vst.idx.msk $0xffff, v46  }
0x4e7: {  	v46 =	vld [tilespmem:s2+$0xF930]  }
0x4e8: {  	v50 =	vld [tilespmem:$0x1F9B0];
	_ =	sdelay $0x4  }
0x4e9: {  	v46 =	vmax.f32 v46, v50  }
0x4ea: {  	[tilespmem:v33+s5+$0x0] =	vst.idx.msk $0xffff, v46  }
0x4eb: {  	v46 =	vld [tilespmem:s2+$0xF940]  }
0x4ec: {  	v51 =	vld [tilespmem:$0x1F9C0];
	_ =	sdelay $0x4  }
0x4ed: {  	v46 =	vmax.f32 v46, v51  }
0x4ee: {  	[tilespmem:v34+s5+$0x0] =	vst.idx.msk $0xffff, v46  }
0x4ef: {  	v46 =	vld [tilespmem:s2+$0xF950]  }
0x4f0: {  	v52 =	vld [tilespmem:$0x1F9D0];
	_ =	sdelay $0x4  }
0x4f1: {  	v46 =	vmax.f32 v46, v52  }
0x4f2: {  	[tilespmem:v35+s5+$0x0] =	vst.idx.msk $0xffff, v46  }
0x4f3: {  	v46 =	vld [tilespmem:s2+$0xF960]  }
0x4f4: {  	v53 =	vld [tilespmem:$0x1F9E0];
	_ =	sdelay $0x4  }
0x4f5: {  	v46 =	vmax.f32 v46, v53  }
0x4f6: {  	[tilespmem:v36+s5+$0x0] =	vst.idx.msk $0xffff, v46  }
0x4f7: {  	v46 =	vld [tilespmem:s2+$0xF970]  }
0x4f8: {  	v54 =	vld [tilespmem:$0x1F9F0];
	_ =	sdelay $0x4  }
0x4f9: {  	v46 =	vmax.f32 v46, v54  }
0x4fa: {  	s15 =	rddreg [dreg:$0xb];
	[tilespmem:v37+s5+$0x0] =	vst.idx.msk $0xffff, v46  }
0x4fb: {  	v46 =	vld [tilespmem:s15+$0x700]  }
0x4fc: {  	v55 =	vld [tilespmem:$0x1FA00];
	_ =	sdelay $0x4  }
0x4fd: {  	v46 =	vmax.f32 v46, v55  }
0x4fe: {  	[tilespmem:v38+s5+$0x0] =	vst.idx.msk $0xffff, v46  }
0x4ff: {  	v46 =	vld [tilespmem:s2+$0xF990]  }
0x500: {  	v56 =	vld [tilespmem:$0x1FA10];
	_ =	sdelay $0x4  }
0x501: {  	v46 =	vmax.f32 v46, v56  }
0x502: {  	[tilespmem:v39+s5+$0x0] =	vst.idx.msk $0xffff, v46  }
0x503: {  	v46 =	vld [tilespmem:s2+$0xF9A0]  }
0x504: {  	v57 =	vld [tilespmem:$0x1FA20];
	_ =	sdelay $0x4  }
0x505: {  	v46 =	vmax.f32 v46, v57  }
0x506: {  	[tilespmem:v40+s5+$0x0] =	vst.idx.msk $0xffff, v46  }
0x507: {  	v46 =	vld [tilespmem:s2+$0xF9B0]  }
0x508: {  	v58 =	vld [tilespmem:$0x1FA30];
	_ =	sdelay $0x4  }
0x509: {  	v46 =	vmax.f32 v46, v58  }
0x50a: {  	[tilespmem:v41+s5+$0x0] =	vst.idx.msk $0xffff, v46  }
0x50b: {  	v46 =	vld [tilespmem:s2+$0xF9C0]  }
0x50c: {  	v59 =	vld [tilespmem:$0x1FA40];
	_ =	sdelay $0x4  }
0x50d: {  	v46 =	vmax.f32 v46, v59  }
0x50e: {  	[tilespmem:v42+s5+$0x0] =	vst.idx.msk $0xffff, v46  }
0x50f: {  	v46 =	vld [tilespmem:s2+$0xF9D0]  }
0x510: {  	v60 =	vld [tilespmem:$0x1FA50];
	_ =	sdelay $0x4  }
0x511: {  	v46 =	vmax.f32 v46, v60  }
0x512: {  	[tilespmem:v43+s5+$0x0] =	vst.idx.msk $0xffff, v46  }
0x513: {  	v46 =	vld [tilespmem:s2+$0xF9E0]  }
0x514: {  	v61 =	vld [tilespmem:$0x1FA60];
	_ =	sdelay $0x4  }
0x515: {  	v46 =	vmax.f32 v46, v61  }
0x516: {  	[tilespmem:v44+s5+$0x0] =	vst.idx.msk $0xffff, v46  }
0x517: {  	v46 =	vld [tilespmem:s2+$0xF9F0]  }
0x518: {  	v62 =	vld [tilespmem:$0x1FA70];
	_ =	sdelay $0x4  }
0x519: {  	v46 =	vmax.f32 v46, v62  }
0x51a: {  	s17 =	rddreg [dreg:$0x18];
	[tilespmem:v45+s5+$0x0] =	vst.idx.msk $0xffff, v46  }
0x51b: {  	[hbm4b:s17+s9] =	stream.linear.scatter [tilespmem:s5], [sflag:$0x7], $0x400, $0x38;
	[tilespmem:$0x1FF80] =	vst v63  }
0x51c: {  	_ =	swait.ge [sflag:s3], $0x400  }
0x51d: {  	[sflag:s3] =	ssyncset.done $0x0  }
0x51e: {  	s10 =	rddreg [dreg:$0xc];
	[sflag:s3] =	ssyncadd.s32 $0xFFFFFC00  }
0x51f: {  	v63 =	vld [tilespmem:s10+$0x700]  }
0x520: {  	v48 =	vld [tilespmem:$0x1FA80];
	_ =	sdelay $0x4  }
0x521: {  	v46 =	vmax.f32 v63, v48  }
0x522: {  	[tilespmem:v27+s11+$0x0] =	vst.idx.msk $0xffff, v46  }
0x523: {  	v46 =	vld [tilespmem:s2+$0xFA10]  }
0x524: {  	v49 =	vld [tilespmem:$0x1FA90];
	_ =	sdelay $0x4  }
0x525: {  	v46 =	vmax.f32 v46, v49  }
0x526: {  	[tilespmem:v31+s11+$0x0] =	vst.idx.msk $0xffff, v46  }
0x527: {  	v46 =	vld [tilespmem:s2+$0xFA20]  }
0x528: {  	v50 =	vld [tilespmem:$0x1FAA0];
	_ =	sdelay $0x4  }
0x529: {  	v46 =	vmax.f32 v46, v50  }
0x52a: {  	[tilespmem:v32+s11+$0x0] =	vst.idx.msk $0xffff, v46  }
0x52b: {  	v46 =	vld [tilespmem:s2+$0xFA30]  }
0x52c: {  	v51 =	vld [tilespmem:$0x1FAB0];
	_ =	sdelay $0x4  }
0x52d: {  	v46 =	vmax.f32 v46, v51  }
0x52e: {  	[tilespmem:v33+s11+$0x0] =	vst.idx.msk $0xffff, v46  }
0x52f: {  	v46 =	vld [tilespmem:s2+$0xFA40]  }
0x530: {  	v52 =	vld [tilespmem:$0x1FAC0];
	_ =	sdelay $0x4  }
0x531: {  	v46 =	vmax.f32 v46, v52  }
0x532: {  	[tilespmem:v34+s11+$0x0] =	vst.idx.msk $0xffff, v46  }
0x533: {  	v46 =	vld [tilespmem:s2+$0xFA50]  }
0x534: {  	v53 =	vld [tilespmem:$0x1FAD0];
	_ =	sdelay $0x4  }
0x535: {  	v46 =	vmax.f32 v46, v53  }
0x536: {  	[tilespmem:v35+s11+$0x0] =	vst.idx.msk $0xffff, v46  }
0x537: {  	v46 =	vld [tilespmem:s2+$0xFA60]  }
0x538: {  	v54 =	vld [tilespmem:$0x1FAE0];
	_ =	sdelay $0x4  }
0x539: {  	v46 =	vmax.f32 v46, v54  }
0x53a: {  	[tilespmem:v36+s11+$0x0] =	vst.idx.msk $0xffff, v46  }
0x53b: {  	v46 =	vld [tilespmem:s2+$0xFA70]  }
0x53c: {  	v55 =	vld [tilespmem:$0x1FAF0];
	_ =	sdelay $0x4  }
0x53d: {  	v46 =	vmax.f32 v46, v55  }
0x53e: {  	s12 =	rddreg [dreg:$0xd];
	[tilespmem:v37+s11+$0x0] =	vst.idx.msk $0xffff, v46  }
0x53f: {  	v46 =	vld [tilespmem:s12+$0x700]  }
0x540: {  	v56 =	vld [tilespmem:$0x1FB00];
	_ =	sdelay $0x4  }
0x541: {  	v46 =	vmax.f32 v46, v56  }
0x542: {  	[tilespmem:v38+s11+$0x0] =	vst.idx.msk $0xffff, v46  }
0x543: {  	v46 =	vld [tilespmem:s2+$0xFA90]  }
0x544: {  	v57 =	vld [tilespmem:$0x1FB10];
	_ =	sdelay $0x4  }
0x545: {  	v46 =	vmax.f32 v46, v57  }
0x546: {  	[tilespmem:v39+s11+$0x0] =	vst.idx.msk $0xffff, v46  }
0x547: {  	v46 =	vld [tilespmem:s2+$0xFAA0]  }
0x548: {  	v58 =	vld [tilespmem:$0x1FB20];
	_ =	sdelay $0x4  }
0x549: {  	v46 =	vmax.f32 v46, v58  }
0x54a: {  	[tilespmem:v40+s11+$0x0] =	vst.idx.msk $0xffff, v46  }
0x54b: {  	v46 =	vld [tilespmem:s2+$0xFAB0]  }
0x54c: {  	v59 =	vld [tilespmem:$0x1FB30];
	_ =	sdelay $0x4  }
0x54d: {  	v46 =	vmax.f32 v46, v59  }
0x54e: {  	[tilespmem:v41+s11+$0x0] =	vst.idx.msk $0xffff, v46  }
0x54f: {  	v46 =	vld [tilespmem:s2+$0xFAC0]  }
0x550: {  	v60 =	vld [tilespmem:$0x1FB40];
	_ =	sdelay $0x4  }
0x551: {  	v46 =	vmax.f32 v46, v60  }
0x552: {  	[tilespmem:v42+s11+$0x0] =	vst.idx.msk $0xffff, v46  }
0x553: {  	v46 =	vld [tilespmem:s2+$0xFAD0]  }
0x554: {  	v61 =	vld [tilespmem:$0x1FB50];
	_ =	sdelay $0x4  }
0x555: {  	v46 =	vmax.f32 v46, v61  }
0x556: {  	[tilespmem:v43+s11+$0x0] =	vst.idx.msk $0xffff, v46  }
0x557: {  	v46 =	vld [tilespmem:s2+$0xFAE0]  }
0x558: {  	v62 =	vld [tilespmem:$0x1FB60];
	_ =	sdelay $0x4  }
0x559: {  	v46 =	vmax.f32 v46, v62  }
0x55a: {  	[tilespmem:v44+s11+$0x0] =	vst.idx.msk $0xffff, v46  }
0x55b: {  	v46 =	vld [tilespmem:s2+$0xFAF0]  }
0x55c: {  	v63 =	vld [tilespmem:$0x1FB70];
	_ =	sdelay $0x4  }
0x55d: {  	v46 =	vmax.f32 v46, v63  }
0x55e: {  	s13 =	rddreg [dreg:$0x19];
	[tilespmem:v45+s11+$0x0] =	vst.idx.msk $0xffff, v46  }
0x55f: {  	[hbm4b:s13+s9] =	stream.linear.scatter [tilespmem:s11], [sflag:$0x8], $0x400, $0x38;
	[tilespmem:$0x1FF80] =	vst v63  }
0x560: {  	_ =	swait.ge [sflag:s29], $0x400  }
0x561: {  	[sflag:s29] =	ssyncset.done $0x0  }
0x562: {  	[sflag:s29] =	ssyncadd.s32 $0xFFFFFC00  }
0x563: {  	_ =	swait.ge [sflag:s3], $0x400  }
0x564: {  	s15 =	sld [smem:$0x7FB]  }
0x565: {  	[sflag:s3] =	ssyncset.done $0x0  }
0x566: {  	s17 =	simm.s32 $0x9;
	s10 =	simm.s32 $0x1F780;
	[sflag:s3] =	ssyncadd.s32 $0xFFFFFC00  }
0x567: {  	[tilespmem:s10], [sflag:$0x9] =	stream.linear.gather [hbm4b:s15+s9], $0x30, $0x38;
	[tilespmem:$0x1FF80] =	vst v63  }
0x568: {  	_ =	swait.ge [sflag:s17], $0x30  }
0x569: {  	[sflag:s17] =	ssyncset.done $0x0  }
0x56a: {  	s1 =	simm.s32 $0x1;
	s12 =	rddreg [dreg:$0x5];
	[sflag:s17] =	ssyncadd.s32 $0xFFFFFFD0  }
.LBB2_10:
0x56b: {  	s10 =	sshra.s32 s9, $0x2  }
0x56c: {  	v46 =	vld.idx.msk [tilespmem:v4+s10+$0x0 ss:$0x1], $0xffff  }
0x56d: {  	s17 =	sxor.u32 s1, s12;
	v47 =	vld [tilespmem:s10+$0x1F780]  }
0x56e: {  	v48 =	vor.u32 s9, v27;
	p1 =	sne.s32 s17, $0x3  }
.Ltmp5:
0x56f: {  	_ = 	snop;
	(pc) =	sbr.rel @p1 .LBB2_10-.Ltmp5, $3  }
0x570: {  	_ =	sdelay $0x1  }
0x571: {  	v46 =	vmax.f32 v46, v47  }
0x572: {  	s1 =	sadd.s32 $0x1, s1;
	s9 =	sadd.s32 $0x40, s9;
	[tilespmem:v48+s5+$0x0] =	vst.idx.msk $0xffff, v46  }
0x573: {  	s1 =	simm.s32 @p0 $0x0;
	s9 =	simm.s32 @p0 $0x1EF80;
	s10 =	rddreg [dreg:$0x1a]  }
0x574: {  	[hbm4b:s10+s1] =	stream.linear.scatter @p0 [tilespmem:s9], [sflag:$0x9], $0x60, $0x38;
	[tilespmem:$0x1FF80] =	vst v63  }
0x575: {  	s1 =	simm.s32 @p0 $0x9  }
0x576: {  	_ =	swait.ge @p0 [sflag:s1], $0x60  }
0x577: {  	[sflag:s1] =	ssyncset.done @p0 $0x0  }
0x578: {  	s9 =	simm.s32 @!p0 $0x1EF80;
	[sflag:s1] =	ssyncadd.s32 @p0 $0xFFFFFFA0;
	s1 =	simm.s32 @!p0 $0x0  }
0x579: {  	[hbm4b:s10+s1] =	stream.linear.scatter @!p0 [tilespmem:s9], [sflag:$0x9], $0xC0, $0x38;
	[tilespmem:$0x1FF80] =	vst v63  }
0x57a: {  	s1 =	simm.s32 @!p0 $0x9  }
0x57b: {  	_ =	swait.ge @!p0 [sflag:s1], $0xC0  }
0x57c: {  	s15 =	sld [smem:$0x7F8];
	_ =	sdelay $0x2  }
0x57d: {  	s17 =	rddreg [dreg:$0x1b];
	s10 =	sadd.s32 $0x1, s15  }
0x57e: {  	p1 =	sne.s32 s10, s17  }
.Ltmp6:
0x57f: {  	_ = 	snop;
	(pc) =	sbr.rel @p1 .LBB2_1-.Ltmp6, $3  }
0x580: {  	_ =	sdelay $0x1  }
0x581: {  	[sflag:s1] =	ssyncset.done @!p0 $0x0  }
0x582: {  	[sflag:s1] =	ssyncadd.s32 @!p0 $0xFFFFFF40  }
0x583: {  	_ =	sfence.sel $0x180000  }
0x584: {  	[bflag:$0x0] =	sbarrier.arrive $0xFFFF  }
0x585: {  	_ =	strace $0x90000047  }
0x586: {  	s0 =	stileid.u32;
	[bflag:$0x2] =	sbarrier.arrive $0xFFFF  }
0x587: {  	p0 =	sne.s32 s0, $0x0;
	s0 =	rddreg [dreg:$0x4]  }
0x588: {  	s0 =	sadd.s32 @!p0 $0x100000, s0  }
0x589: {  	[sflag:s0] =	ssyncadd.tile.s32 @!p0 $0x1;
	_ =	shalt  }
.Lfunc_end2:
_tile_overlayer_lowered:
.L_overlay_start_2:
0x58a: {  	(tag) =	ssettag $0x2  }
0x58b: {  	s0 =	rddreg [dreg:$0x0];
	s2 =	stileid.u32  }
0x58c: {  	s1 =	rddreg [dreg:$0x1];
	p0 =	sne.s32 s2, $0x0  }
0x58d: {  	s3 =	rddreg [dreg:$0x2];
	[bflag:$0x3] =	sbarrier.arrive $0xFFFF;
	s2 =	simm.s32 @!p0 $0x1C09  }
0x58e: {  	[timem:s3], [sflag:s2] =	dma.local @!p0 [hbm:s0], s1  }
0x58f: {  	s0 =	simm.s32 @!p0 $0x9  }
0x590: {  	_ =	swait.ge @!p0 [sflag:s0], s1  }
0x591: {  	s1 =	ssub.s32 @!p0 $0x0, s1;
	[sflag:s0] =	ssyncset.done @!p0 $0x0  }
0x592: {  	[sflag:s0] =	ssyncadd.s32 @!p0 s1  }
0x593: {  	[bflag:$0x3] =	sbarrier.arrive $0xFFFF  }
0x594: {  	_ =	shalt  }

</sc_bundles>
